<compile_context>
chip_gen: v7x
topology: tpu7x:2x2x1
jax: 0.10.2.dev20260603
libtpu: 0.0.44.dev20260713+nightly
codegen_flags: <defaults>
</compile_context>

<pallas_src>
import functools

import jax
import jax.numpy as jnp
from jax import lax
from jax.experimental import pallas as pl
from jax.experimental.pallas import tpu as pltpu
from jax.experimental.pallas import tpu_sc as plsc

N = 5000
NP = 5120
NH = NP // 2
K = 20
CP = 128



def _knn_body(xb_ref, xa_ref, idx_ref):
    xb = xb_ref[...]
    xa = xa_ref[...]
    inner = lax.dot_general(xb.astype(jnp.bfloat16), xa.astype(jnp.bfloat16),
                            (((1,), (1,)), ((), ())),
                            preferred_element_type=jnp.float32)
    xnb = jnp.sum(xb * xb, axis=1)
    xna = jnp.sum(xa * xa, axis=1)
    s = 2.0 * inner - (xnb[:, None] + xna[None, :])
    colf = lax.broadcasted_iota(jnp.int32, s.shape, 1).astype(jnp.float32)
    s = jnp.where(colf < N, s, -jnp.inf)
    outs = []
    for it in range(K):
        m = jnp.max(s, axis=1, keepdims=True)
        amf = jnp.min(jnp.where(s == m, colf, jnp.float32(3e38)),
                      axis=1, keepdims=True)
        outs.append(amf)
        if it + 1 < K:
            s = jnp.where(colf == amf, -jnp.inf, s)
    idx_ref[...] = jnp.concatenate(outs, axis=1).astype(jnp.int32)


def _topk(x_t, row0, nrows, bn=256):
    off = row0 // bn
    return pl.pallas_call(
        _knn_body,
        grid=(nrows // bn,),
        in_specs=[pl.BlockSpec((bn, CP), lambda i: (i + off, 0)),
                  pl.BlockSpec((NP, CP), lambda i: (0, 0))],
        out_specs=pl.BlockSpec((bn, K), lambda i: (i, 0)),
        out_shape=jax.ShapeDtypeStruct((nrows, K), jnp.int32),
    )(x_t, x_t)



def _gather(x_t, idx_flat, nrows):
    d = x_t.shape[1]
    info = plsc.get_sparse_core_info()
    nc, ns = info.num_cores, info.num_subcores
    nw = nc * ns
    ppw = nrows // nw
    p = 16
    steps = ppw // p
    mesh = plsc.VectorSubcoreMesh(core_axis_name="c", subcore_axis_name="s")

    @functools.partial(
        pl.kernel, mesh=mesh,
        out_type=jax.ShapeDtypeStruct((nrows * K, d), jnp.float32),
        scratch_types=[
            pltpu.VMEM((p * K,), jnp.int32),
            pltpu.VMEM((p * K, d), jnp.float32),
            pltpu.SemaphoreType.DMA,
        ],
    )
    def body(x_hbm, idx_hbm, out_hbm, idx_v, rows_v, sem):
        wid = lax.axis_index("s") * nc + lax.axis_index("c")

        def step(si, carry):
            base = (wid * ppw + si * p) * K
            pltpu.sync_copy(idx_hbm.at[pl.ds(base, p * K)], idx_v)
            pltpu.async_copy(x_hbm.at[idx_v], rows_v, sem).wait()
            pltpu.sync_copy(rows_v, out_hbm.at[pl.ds(base, p * K)])
            return carry

        lax.fori_loop(0, steps, step, 0)

    return body(x_t, idx_flat)



def _conv_body(nb_ref, ctr_ref, wcat_ref, g_ref, b_ref, y_ref):
    nb = nb_ref[...]
    ctr = ctr_ref[...]
    bn = ctr.shape[0]
    nb3 = nb.reshape(bn, K, CP)
    diff = nb3 - ctr[:, None, :]
    ctr_rep = jnp.broadcast_to(ctr[:, None, :], (bn, K, CP))
    ef = jnp.concatenate([diff, ctr_rep], axis=2).reshape(bn * K, 2 * CP)
    y = jnp.dot(ef.astype(jnp.bfloat16), wcat_ref[...].astype(jnp.bfloat16),
                preferred_element_type=jnp.float32)
    y = y * g_ref[...] + b_ref[...]
    y = jnp.where(y > 0, y, 0.2 * y)
    y_ref[...] = jnp.max(y.reshape(bn, K, y.shape[-1]), axis=1)


def _conv(nb, x_t, wcat, gp, bp, row0, nrows, bn=256):
    op = wcat.shape[1]
    off = row0 // bn
    return pl.pallas_call(
        _conv_body,
        grid=(nrows // bn,),
        in_specs=[pl.BlockSpec((bn * K, CP), lambda i: (i, 0)),
                  pl.BlockSpec((bn, CP), lambda i: (i + off, 0)),
                  pl.BlockSpec((2 * CP, op), lambda i: (0, 0)),
                  pl.BlockSpec((1, op), lambda i: (0, 0)),
                  pl.BlockSpec((1, op), lambda i: (0, 0))],
        out_specs=pl.BlockSpec((bn, op), lambda i: (i, 0)),
        out_shape=jax.ShapeDtypeStruct((nrows, op), jnp.float32),
    )(nb, x_t, wcat, gp, bp)



def _head_body(xc_ref, w5t_ref, g5_ref, b5_ref, wft_ref, gbn_ref, bbn_ref,
               wh_ref, bh_ref, out_ref):
    xc = xc_ref[...].astype(jnp.bfloat16)
    x5 = jnp.dot(xc, w5t_ref[...].astype(jnp.bfloat16),
                 preferred_element_type=jnp.float32)
    x5 = x5 * g5_ref[...] + b5_ref[...]
    x5 = jnp.where(x5 > 0, x5, 0.2 * x5)
    feat = jnp.dot(x5.astype(jnp.bfloat16), wft_ref[...].astype(jnp.bfloat16),
                   preferred_element_type=jnp.float32)
    feat = feat * gbn_ref[...] + bbn_ref[...]
    out_ref[...] = (jnp.dot(feat.astype(jnp.bfloat16),
                            wh_ref[...].astype(jnp.bfloat16),
                            preferred_element_type=jnp.float32) + bh_ref[...])


def _head(xc, W5, g5, b5, Wf, gbn, bbn, Wh, bh, bh_rows=1024):
    nh = Wh.shape[1]
    return pl.pallas_call(
        _head_body,
        grid=(NP // bh_rows,),
        in_specs=[
            pl.BlockSpec((bh_rows, 512), lambda i: (i, 0)),
            pl.BlockSpec((512, 1024), lambda i: (0, 0)),
            pl.BlockSpec((1, 1024), lambda i: (0, 0)),
            pl.BlockSpec((1, 1024), lambda i: (0, 0)),
            pl.BlockSpec((1024, 512), lambda i: (0, 0)),
            pl.BlockSpec((1, 512), lambda i: (0, 0)),
            pl.BlockSpec((1, 512), lambda i: (0, 0)),
            pl.BlockSpec((512, nh), lambda i: (0, 0)),
            pl.BlockSpec((1, nh), lambda i: (0, 0)),
        ],
        out_specs=pl.BlockSpec((bh_rows, nh), lambda i: (i, 0)),
        out_shape=jax.ShapeDtypeStruct((NP, nh), jnp.float32),
    )(xc, W5.T, g5[None, :], b5[None, :], Wf.T, gbn[None, :], bbn[None, :],
      Wh, bh[None, :])



def _edge_layer(x_t, c, W, g, b):
    o = W.shape[0]
    op = ((o + CP - 1) // CP) * CP
    wcat = jnp.zeros((2 * CP, op), jnp.float32)
    wcat = wcat.at[:c, :o].set(W[:, :c].T)
    wcat = wcat.at[CP:CP + c, :o].set(W[:, c:].T)
    gp = jnp.zeros((1, op), jnp.float32).at[:, :o].set(g[None, :])
    bp = jnp.zeros((1, op), jnp.float32).at[:, :o].set(b[None, :])
    ia = _topk(x_t, 0, NH)
    nba = _gather(x_t, ia.reshape(-1), NH)
    ib = _topk(x_t, NH, NH)
    nbb = _gather(x_t, ib.reshape(-1), NH)
    ya = _conv(nba, x_t, wcat, gp, bp, 0, NH)
    yb = _conv(nbb, x_t, wcat, gp, bp, NH, NH)
    return jnp.concatenate([ya, yb], axis=0)


def kernel(point_coords, point_features, W1, g1, b1, W2, g2, b2, W3, g3, b3,
           W4, g4, b4, W5, g5, b5, Wf, gbn, bbn, Wh, bh):
    intensity = point_features[:, 3:4]
    x0 = jnp.concatenate([point_coords, intensity], axis=1)
    x_t = jnp.zeros((NP, CP), jnp.float32).at[:N, :4].set(x0)
    x1 = _edge_layer(x_t, 4, W1, g1, b1)
    x2 = _edge_layer(x1, 64, W2, g2, b2)
    x3 = _edge_layer(x2, 64, W3, g3, b3)
    x4 = _edge_layer(x3, 128, W4, g4, b4)
    xc = jnp.concatenate([x1[:, :64], x2[:, :64], x3, x4], axis=1)
    logits = _head(xc, W5, g5, b5, Wf, gbn, bbn, Wh, bh)
    return logits[:N]

# --- scband reference (transcript-rebuilt; emitter-appended) ---
"""Pipeline reference for scband-simple-onnxmodel-27436251087120 (READ-ONLY COPY).

The authoritative reference and input builder live on the scoring server;
editing this copy changes nothing except your own understanding.
"""

import jax, jax.numpy as jnp
import numpy as np


def _lrelu(x):
    return jnp.where(x > 0, x, 0.2 * x)


def _knn(x, k):
    # x: [C, N]
    xn = jnp.sum(x * x, axis=0, keepdims=True)  # [1, N]
    inner = x.T @ x  # [N, N]
    pd = xn.T + xn - 2.0 * inner  # pairwise squared distance
    _, idx = jax.lax.top_k(-pd, k)  # [N, k]
    return idx


def _graph_feat(x, k):
    # x: [C, N] -> edge features [2C, N, k]
    idx = _knn(x, k)
    xt = x.T  # [N, C]
    nb = jnp.take(xt, idx, axis=0)  # [N, k, C]
    ctr = jnp.broadcast_to(xt[:, None, :], nb.shape)
    ef = jnp.concatenate([nb - ctr, ctr], axis=-1)  # [N, k, 2C]
    return jnp.transpose(ef, (2, 0, 1))


def _edge_conv(x, W, g, b, k):
    ef = _graph_feat(x, k)  # [2C, N, k]
    y = jnp.einsum('oc,cnk->onk', W, ef)
    y = _lrelu(y * g[:, None, None] + b[:, None, None])  # fused eval-mode BN + LeakyReLU(0.2)
    return jnp.max(y, axis=-1)  # [O, N]


def setup_inputs(seed: int = 0) -> dict:
    key = jax.random.key(seed)
    ks = jax.random.split(key, 16)
    N = 5000
    d = {}
    d['point_coords'] = jax.random.normal(ks[0], (N, 3), dtype=jnp.float32)
    d['point_features'] = jax.random.normal(ks[1], (N, 4), dtype=jnp.float32)
    def w(k_, shape):
        return jax.random.normal(k_, shape, dtype=jnp.float32) * 0.05
    d['W1'] = w(ks[2], (64, 8));    d['g1'] = jnp.ones((64,), jnp.float32);   d['b1'] = jnp.zeros((64,), jnp.float32)
    d['W2'] = w(ks[3], (64, 128));  d['g2'] = jnp.ones((64,), jnp.float32);   d['b2'] = jnp.zeros((64,), jnp.float32)
    d['W3'] = w(ks[4], (128, 128)); d['g3'] = jnp.ones((128,), jnp.float32);  d['b3'] = jnp.zeros((128,), jnp.float32)
    d['W4'] = w(ks[5], (256, 256)); d['g4'] = jnp.ones((256,), jnp.float32);  d['b4'] = jnp.zeros((256,), jnp.float32)
    d['W5'] = w(ks[6], (1024, 512)); d['g5'] = jnp.ones((1024,), jnp.float32); d['b5'] = jnp.zeros((1024,), jnp.float32)
    d['Wf'] = w(ks[7], (512, 1024)); d['gbn'] = jnp.ones((512,), jnp.float32); d['bbn'] = jnp.zeros((512,), jnp.float32)
    d['Wh'] = w(ks[8], (512, 20));   d['bh'] = jnp.zeros((20,), jnp.float32)
    return d


def reference(point_coords, point_features, W1, g1, b1, W2, g2, b2, W3, g3, b3, W4, g4, b4, W5, g5, b5, Wf, gbn, bbn, Wh, bh):
    k = 20
    # N == max_points (5000) so the subsampling branch is a no-op and skipped
    intensity = point_features[:, 3:4]
    x = jnp.concatenate([point_coords, intensity], axis=1).T  # [4, N]
    x1 = _edge_conv(x, W1, g1, b1, k)   # [64, N]
    x2 = _edge_conv(x1, W2, g2, b2, k)  # [64, N]
    x3 = _edge_conv(x2, W3, g3, b3, k)  # [128, N]
    x4 = _edge_conv(x3, W4, g4, b4, k)  # [256, N]
    xc = jnp.concatenate([x1, x2, x3, x4], axis=0)  # [512, N]
    x5 = _lrelu(jnp.einsum('oc,cn->on', W5, xc) * g5[:, None] + b5[:, None])  # conv5 [1024, N]
    feat = jnp.einsum('oc,cn->on', Wf, x5)  # feat_layer [512, N]
    feat = feat * gbn[:, None] + bbn[:, None]  # out_bn (eval)
    feat = feat.T  # [N, 512]
    sem_logits = feat @ Wh + bh  # [N, 20]
    return sem_logits

if __name__ == "__main__":
    import jax
    _d = setup_inputs()
    print(jax.jit(kernel)(*tuple(_d.values())))

</pallas_src>

<mosaic_0001>
#map = affine_map<(d0, d1) -> (0, 0)>
#map1 = affine_map<(d0, d1) -> (0)>
module attributes {stable_mosaic.version = 14 : i64} {
  func.func @body(%arg0: i32, %arg1: i32, %arg2: memref<5120x128xf32, #tpu.memory_space<hbm>>, %arg3: memref<51200xi32, #tpu.memory_space<hbm>>, %arg4: memref<51200x128xf32, #tpu.memory_space<hbm>>, %arg5: memref<320xi32, #tpu.memory_space<vmem>>, %arg6: memref<320x128xf32, #tpu.memory_space<vmem>>, %arg7: memref<!tpu.dma_semaphore, #tpu.memory_space<semaphore_mem>>) attributes {dimension_semantics = [#tpu.dimension_semantics<core_parallel>, #tpu.dimension_semantics<subcore_parallel>], iteration_bounds = array<i64: 2, 16>, scalar_prefetch = 0 : i64, scratch_operands = 3 : i64, tpu.core_type = #tpu.core_type<sc_vector_subcore>, window_params = [{transform_indices = #map}, {transform_indices = #map1}, {transform_indices = #map}]} {
    %mul3A = arith.constant 2 : i32
    %mul3A_0 = arith.muli %arg1, %mul3A : i32
    %add3A = arith.addi %mul3A_0, %arg0 : i32
    %scan3A = arith.constant 0 : i32
    %scan3A_1 = arith.constant 0 : i32
    %scan3A_2 = arith.constant 5 : i32
    %scan3A_3 = arith.addi %scan3A_1, %scan3A_2 : i32
    %scan3A_4 = arith.constant 1 : i32
    scf.for %scan3A_6 = %scan3A_1 to %scan3A_3 step %scan3A_4  : i32 {
      %mul3A_7 = arith.constant 80 : i32
      %mul3A_8 = arith.muli %add3A, %mul3A_7 : i32
      %mul3A_9 = arith.constant 16 : i32
      %mul3A_10 = arith.muli %scan3A_6, %mul3A_9 : i32
      %add3A_11 = arith.addi %mul3A_8, %mul3A_10 : i32
      %mul3A_12 = arith.constant 20 : i32
      %mul3A_13 = arith.muli %add3A_11, %mul3A_12 : i32
      "tpu.region"() ({
        %run_scoped3A = tpu.sem_alloc : memref<!tpu.dma_semaphore, #tpu.memory_space<semaphore_mem>>
        %dma_start3A_18 = tpu.memref_slice %arg3[%mul3A_13] : memref<51200xi32, #tpu.memory_space<hbm>> -> memref<320xi32, #tpu.memory_space<hbm>>
        %dma_start3A_19 = tpu.memref_slice %arg3[%mul3A_13] : memref<51200xi32, #tpu.memory_space<hbm>> -> memref<320xi32, #tpu.memory_space<hbm>>
        tpu.enqueue_dma source(%dma_start3A_19 : memref<320xi32, #tpu.memory_space<hbm>>) target(%arg5 : memref<320xi32, #tpu.memory_space<vmem>>) target_semaphore(%run_scoped3A : memref<!tpu.dma_semaphore, #tpu.memory_space<semaphore_mem>>)
        %dma_wait3A_20 = tpu.memref_slice %arg3[%mul3A_13] : memref<51200xi32, #tpu.memory_space<hbm>> -> memref<320xi32, #tpu.memory_space<hbm>>
        %dma_wait3A_21 = tpu.memref_slice %arg3[%mul3A_13] : memref<51200xi32, #tpu.memory_space<hbm>> -> memref<320xi32, #tpu.memory_space<hbm>>
        tpu.wait_dma2 semaphore(%run_scoped3A : memref<!tpu.dma_semaphore, #tpu.memory_space<semaphore_mem>>) src(%dma_wait3A_21 : memref<320xi32, #tpu.memory_space<hbm>>) dst(%arg5 : memref<320xi32, #tpu.memory_space<vmem>>)
        tpu.yield
      }) : () -> ()
      %dma_start3A = arith.constant 0 : i32
      %dma_start3A_14 = arith.constant 0 : i32
      %dma_start3A_15 = tpu.memref_slice %arg2[%dma_start3A, %dma_start3A_14] : memref<5120x128xf32, #tpu.memory_space<hbm>> -> memref<5120x128xf32, #tpu.memory_space<hbm>>
      tpu.enqueue_indirect_dma source(%dma_start3A_15 : memref<5120x128xf32, #tpu.memory_space<hbm>>) target(%arg6 : memref<320x128xf32, #tpu.memory_space<vmem>>) offsets(%arg5 : memref<320xi32, #tpu.memory_space<vmem>>) semaphore(%arg7 : memref<!tpu.dma_semaphore, #tpu.memory_space<semaphore_mem>>)
      %dma_wait3A = arith.constant 0 : i32
      %dma_wait3A_16 = arith.constant 0 : i32
      %dma_wait3A_17 = tpu.memref_slice %arg2[%dma_wait3A, %dma_wait3A_16] : memref<5120x128xf32, #tpu.memory_space<hbm>> -> memref<5120x128xf32, #tpu.memory_space<hbm>>
      tpu.wait_indirect_dma semaphore(%arg7 : memref<!tpu.dma_semaphore, #tpu.memory_space<semaphore_mem>>) src(%dma_wait3A_17 : memref<5120x128xf32, #tpu.memory_space<hbm>>) dst(%arg6 : memref<320x128xf32, #tpu.memory_space<vmem>>)
      "tpu.region"() ({
        %run_scoped3A = tpu.sem_alloc : memref<!tpu.dma_semaphore, #tpu.memory_space<semaphore_mem>>
        %dma_start3A_18 = arith.constant 0 : i32
        %dma_start3A_19 = tpu.memref_slice %arg4[%mul3A_13, %dma_start3A_18] : memref<51200x128xf32, #tpu.memory_space<hbm>> -> memref<320x128xf32, #tpu.memory_space<hbm>>
        %dma_start3A_20 = arith.constant 0 : i32
        %dma_start3A_21 = tpu.memref_slice %arg4[%mul3A_13, %dma_start3A_20] : memref<51200x128xf32, #tpu.memory_space<hbm>> -> memref<320x128xf32, #tpu.memory_space<hbm>>
        tpu.enqueue_dma source(%arg6 : memref<320x128xf32, #tpu.memory_space<vmem>>) target(%dma_start3A_21 : memref<320x128xf32, #tpu.memory_space<hbm>>) target_semaphore(%run_scoped3A : memref<!tpu.dma_semaphore, #tpu.memory_space<semaphore_mem>>)
        %dma_wait3A_22 = arith.constant 0 : i32
        %dma_wait3A_23 = tpu.memref_slice %arg4[%mul3A_13, %dma_wait3A_22] : memref<51200x128xf32, #tpu.memory_space<hbm>> -> memref<320x128xf32, #tpu.memory_space<hbm>>
        %dma_wait3A_24 = arith.constant 0 : i32
        %dma_wait3A_25 = tpu.memref_slice %arg4[%mul3A_13, %dma_wait3A_24] : memref<51200x128xf32, #tpu.memory_space<hbm>> -> memref<320x128xf32, #tpu.memory_space<hbm>>
        tpu.wait_dma2 semaphore(%run_scoped3A : memref<!tpu.dma_semaphore, #tpu.memory_space<semaphore_mem>>) src(%arg6 : memref<320x128xf32, #tpu.memory_space<vmem>>) dst(%dma_wait3A_25 : memref<320x128xf32, #tpu.memory_space<hbm>>)
        tpu.yield
      }) : () -> ()
    }
    %scan3A_5 = arith.constant 5 : i32
    return
  }
}

#map = affine_map<(d0, d1) -> (0, 0)>
#map1 = affine_map<(d0, d1) -> (0)>
module attributes {stable_mosaic.version = 14 : i64} {
  func.func @body(%arg0: i32, %arg1: i32, %arg2: memref<5120x128xf32, #tpu.memory_space<hbm>>, %arg3: memref<51200xi32, #tpu.memory_space<hbm>>, %arg4: memref<51200x128xf32, #tpu.memory_space<hbm>>, %arg5: memref<320xi32, #tpu.memory_space<vmem>>, %arg6: memref<320x128xf32, #tpu.memory_space<vmem>>, %arg7: memref<!tpu.dma_semaphore, #tpu.memory_space<semaphore_mem>>) attributes {dimension_semantics = [#tpu.dimension_semantics<core_parallel>, #tpu.dimension_semantics<subcore_parallel>], iteration_bounds = array<i64: 2, 16>, scalar_prefetch = 0 : i64, scratch_operands = 3 : i64, tpu.core_type = #tpu.core_type<sc_vector_subcore>, window_params = [{transform_indices = #map}, {transform_indices = #map1}, {transform_indices = #map}]} {
    %mul3A = arith.constant 2 : i32
    %mul3A_0 = arith.muli %arg1, %mul3A : i32
    %add3A = arith.addi %mul3A_0, %arg0 : i32
    %scan3A = arith.constant 0 : i32
    %scan3A_1 = arith.constant 0 : i32
    %scan3A_2 = arith.constant 5 : i32
    %scan3A_3 = arith.addi %scan3A_1, %scan3A_2 : i32
    %scan3A_4 = arith.constant 1 : i32
    scf.for %scan3A_6 = %scan3A_1 to %scan3A_3 step %scan3A_4  : i32 {
      %mul3A_7 = arith.constant 80 : i32
      %mul3A_8 = arith.muli %add3A, %mul3A_7 : i32
      %mul3A_9 = arith.constant 16 : i32
      %mul3A_10 = arith.muli %scan3A_6, %mul3A_9 : i32
      %add3A_11 = arith.addi %mul3A_8, %mul3A_10 : i32
      %mul3A_12 = arith.constant 20 : i32
      %mul3A_13 = arith.muli %add3A_11, %mul3A_12 : i32
      "tpu.region"() ({
        %run_scoped3A = tpu.sem_alloc : memref<!tpu.dma_semaphore, #tpu.memory_space<semaphore_mem>>
        %dma_start3A_18 = tpu.memref_slice %arg3[%mul3A_13] : memref<51200xi32, #tpu.memory_space<hbm>> -> memref<320xi32, #tpu.memory_space<hbm>>
        %dma_start3A_19 = tpu.memref_slice %arg3[%mul3A_13] : memref<51200xi32, #tpu.memory_space<hbm>> -> memref<320xi32, #tpu.memory_space<hbm>>
        tpu.enqueue_dma source(%dma_start3A_19 : memref<320xi32, #tpu.memory_space<hbm>>) target(%arg5 : memref<320xi32, #tpu.memory_space<vmem>>) target_semaphore(%run_scoped3A : memref<!tpu.dma_semaphore, #tpu.memory_space<semaphore_mem>>)
        %dma_wait3A_20 = tpu.memref_slice %arg3[%mul3A_13] : memref<51200xi32, #tpu.memory_space<hbm>> -> memref<320xi32, #tpu.memory_space<hbm>>
        %dma_wait3A_21 = tpu.memref_slice %arg3[%mul3A_13] : memref<51200xi32, #tpu.memory_space<hbm>> -> memref<320xi32, #tpu.memory_space<hbm>>
        tpu.wait_dma2 semaphore(%run_scoped3A : memref<!tpu.dma_semaphore, #tpu.memory_space<semaphore_mem>>) src(%dma_wait3A_21 : memref<320xi32, #tpu.memory_space<hbm>>) dst(%arg5 : memref<320xi32, #tpu.memory_space<vmem>>)
        tpu.yield
      }) : () -> ()
      %dma_start3A = arith.constant 0 : i32
      %dma_start3A_14 = arith.constant 0 : i32
      %dma_start3A_15 = tpu.memref_slice %arg2[%dma_start3A, %dma_start3A_14] : memref<5120x128xf32, #tpu.memory_space<hbm>> -> memref<5120x128xf32, #tpu.memory_space<hbm>>
      tpu.enqueue_indirect_dma source(%dma_start3A_15 : memref<5120x128xf32, #tpu.memory_space<hbm>>) target(%arg6 : memref<320x128xf32, #tpu.memory_space<vmem>>) offsets(%arg5 : memref<320xi32, #tpu.memory_space<vmem>>) semaphore(%arg7 : memref<!tpu.dma_semaphore, #tpu.memory_space<semaphore_mem>>)
      %dma_wait3A = arith.constant 0 : i32
      %dma_wait3A_16 = arith.constant 0 : i32
      %dma_wait3A_17 = tpu.memref_slice %arg2[%dma_wait3A, %dma_wait3A_16] : memref<5120x128xf32, #tpu.memory_space<hbm>> -> memref<5120x128xf32, #tpu.memory_space<hbm>>
      tpu.wait_indirect_dma semaphore(%arg7 : memref<!tpu.dma_semaphore, #tpu.memory_space<semaphore_mem>>) src(%dma_wait3A_17 : memref<5120x128xf32, #tpu.memory_space<hbm>>) dst(%arg6 : memref<320x128xf32, #tpu.memory_space<vmem>>)
      "tpu.region"() ({
        %run_scoped3A = tpu.sem_alloc : memref<!tpu.dma_semaphore, #tpu.memory_space<semaphore_mem>>
        %dma_start3A_18 = arith.constant 0 : i32
        %dma_start3A_19 = tpu.memref_slice %arg4[%mul3A_13, %dma_start3A_18] : memref<51200x128xf32, #tpu.memory_space<hbm>> -> memref<320x128xf32, #tpu.memory_space<hbm>>
        %dma_start3A_20 = arith.constant 0 : i32
        %dma_start3A_21 = tpu.memref_slice %arg4[%mul3A_13, %dma_start3A_20] : memref<51200x128xf32, #tpu.memory_space<hbm>> -> memref<320x128xf32, #tpu.memory_space<hbm>>
        tpu.enqueue_dma source(%arg6 : memref<320x128xf32, #tpu.memory_space<vmem>>) target(%dma_start3A_21 : memref<320x128xf32, #tpu.memory_space<hbm>>) target_semaphore(%run_scoped3A : memref<!tpu.dma_semaphore, #tpu.memory_space<semaphore_mem>>)
        %dma_wait3A_22 = arith.constant 0 : i32
        %dma_wait3A_23 = tpu.memref_slice %arg4[%mul3A_13, %dma_wait3A_22] : memref<51200x128xf32, #tpu.memory_space<hbm>> -> memref<320x128xf32, #tpu.memory_space<hbm>>
        %dma_wait3A_24 = arith.constant 0 : i32
        %dma_wait3A_25 = tpu.memref_slice %arg4[%mul3A_13, %dma_wait3A_24] : memref<51200x128xf32, #tpu.memory_space<hbm>> -> memref<320x128xf32, #tpu.memory_space<hbm>>
        tpu.wait_dma2 semaphore(%run_scoped3A : memref<!tpu.dma_semaphore, #tpu.memory_space<semaphore_mem>>) src(%arg6 : memref<320x128xf32, #tpu.memory_space<vmem>>) dst(%dma_wait3A_25 : memref<320x128xf32, #tpu.memory_space<hbm>>)
        tpu.yield
      }) : () -> ()
    }
    %scan3A_5 = arith.constant 5 : i32
    return
  }
}

#map = affine_map<(d0, d1) -> (0, 0)>
#map1 = affine_map<(d0, d1) -> (0)>
module attributes {stable_mosaic.version = 14 : i64} {
  func.func @body(%arg0: i32, %arg1: i32, %arg2: memref<5120x128xf32, #tpu.memory_space<hbm>>, %arg3: memref<51200xi32, #tpu.memory_space<hbm>>, %arg4: memref<51200x128xf32, #tpu.memory_space<hbm>>, %arg5: memref<320xi32, #tpu.memory_space<vmem>>, %arg6: memref<320x128xf32, #tpu.memory_space<vmem>>, %arg7: memref<!tpu.dma_semaphore, #tpu.memory_space<semaphore_mem>>) attributes {dimension_semantics = [#tpu.dimension_semantics<core_parallel>, #tpu.dimension_semantics<subcore_parallel>], iteration_bounds = array<i64: 2, 16>, scalar_prefetch = 0 : i64, scratch_operands = 3 : i64, tpu.core_type = #tpu.core_type<sc_vector_subcore>, window_params = [{transform_indices = #map}, {transform_indices = #map1}, {transform_indices = #map}]} {
    %mul3A = arith.constant 2 : i32
    %mul3A_0 = arith.muli %arg1, %mul3A : i32
    %add3A = arith.addi %mul3A_0, %arg0 : i32
    %scan3A = arith.constant 0 : i32
    %scan3A_1 = arith.constant 0 : i32
    %scan3A_2 = arith.constant 5 : i32
    %scan3A_3 = arith.addi %scan3A_1, %scan3A_2 : i32
    %scan3A_4 = arith.constant 1 : i32
    scf.for %scan3A_6 = %scan3A_1 to %scan3A_3 step %scan3A_4  : i32 {
      %mul3A_7 = arith.constant 80 : i32
      %mul3A_8 = arith.muli %add3A, %mul3A_7 : i32
      %mul3A_9 = arith.constant 16 : i32
      %mul3A_10 = arith.muli %scan3A_6, %mul3A_9 : i32
      %add3A_11 = arith.addi %mul3A_8, %mul3A_10 : i32
      %mul3A_12 = arith.constant 20 : i32
      %mul3A_13 = arith.muli %add3A_11, %mul3A_12 : i32
      "tpu.region"() ({
        %run_scoped3A = tpu.sem_alloc : memref<!tpu.dma_semaphore, #tpu.memory_space<semaphore_mem>>
        %dma_start3A_18 = tpu.memref_slice %arg3[%mul3A_13] : memref<51200xi32, #tpu.memory_space<hbm>> -> memref<320xi32, #tpu.memory_space<hbm>>
        %dma_start3A_19 = tpu.memref_slice %arg3[%mul3A_13] : memref<51200xi32, #tpu.memory_space<hbm>> -> memref<320xi32, #tpu.memory_space<hbm>>
        tpu.enqueue_dma source(%dma_start3A_19 : memref<320xi32, #tpu.memory_space<hbm>>) target(%arg5 : memref<320xi32, #tpu.memory_space<vmem>>) target_semaphore(%run_scoped3A : memref<!tpu.dma_semaphore, #tpu.memory_space<semaphore_mem>>)
        %dma_wait3A_20 = tpu.memref_slice %arg3[%mul3A_13] : memref<51200xi32, #tpu.memory_space<hbm>> -> memref<320xi32, #tpu.memory_space<hbm>>
        %dma_wait3A_21 = tpu.memref_slice %arg3[%mul3A_13] : memref<51200xi32, #tpu.memory_space<hbm>> -> memref<320xi32, #tpu.memory_space<hbm>>
        tpu.wait_dma2 semaphore(%run_scoped3A : memref<!tpu.dma_semaphore, #tpu.memory_space<semaphore_mem>>) src(%dma_wait3A_21 : memref<320xi32, #tpu.memory_space<hbm>>) dst(%arg5 : memref<320xi32, #tpu.memory_space<vmem>>)
        tpu.yield
      }) : () -> ()
      %dma_start3A = arith.constant 0 : i32
      %dma_start3A_14 = arith.constant 0 : i32
      %dma_start3A_15 = tpu.memref_slice %arg2[%dma_start3A, %dma_start3A_14] : memref<5120x128xf32, #tpu.memory_space<hbm>> -> memref<5120x128xf32, #tpu.memory_space<hbm>>
      tpu.enqueue_indirect_dma source(%dma_start3A_15 : memref<5120x128xf32, #tpu.memory_space<hbm>>) target(%arg6 : memref<320x128xf32, #tpu.memory_space<vmem>>) offsets(%arg5 : memref<320xi32, #tpu.memory_space<vmem>>) semaphore(%arg7 : memref<!tpu.dma_semaphore, #tpu.memory_space<semaphore_mem>>)
      %dma_wait3A = arith.constant 0 : i32
      %dma_wait3A_16 = arith.constant 0 : i32
      %dma_wait3A_17 = tpu.memref_slice %arg2[%dma_wait3A, %dma_wait3A_16] : memref<5120x128xf32, #tpu.memory_space<hbm>> -> memref<5120x128xf32, #tpu.memory_space<hbm>>
      tpu.wait_indirect_dma semaphore(%arg7 : memref<!tpu.dma_semaphore, #tpu.memory_space<semaphore_mem>>) src(%dma_wait3A_17 : memref<5120x128xf32, #tpu.memory_space<hbm>>) dst(%arg6 : memref<320x128xf32, #tpu.memory_space<vmem>>)
      "tpu.region"() ({
        %run_scoped3A = tpu.sem_alloc : memref<!tpu.dma_semaphore, #tpu.memory_space<semaphore_mem>>
        %dma_start3A_18 = arith.constant 0 : i32
        %dma_start3A_19 = tpu.memref_slice %arg4[%mul3A_13, %dma_start3A_18] : memref<51200x128xf32, #tpu.memory_space<hbm>> -> memref<320x128xf32, #tpu.memory_space<hbm>>
        %dma_start3A_20 = arith.constant 0 : i32
        %dma_start3A_21 = tpu.memref_slice %arg4[%mul3A_13, %dma_start3A_20] : memref<51200x128xf32, #tpu.memory_space<hbm>> -> memref<320x128xf32, #tpu.memory_space<hbm>>
        tpu.enqueue_dma source(%arg6 : memref<320x128xf32, #tpu.memory_space<vmem>>) target(%dma_start3A_21 : memref<320x128xf32, #tpu.memory_space<hbm>>) target_semaphore(%run_scoped3A : memref<!tpu.dma_semaphore, #tpu.memory_space<semaphore_mem>>)
        %dma_wait3A_22 = arith.constant 0 : i32
        %dma_wait3A_23 = tpu.memref_slice %arg4[%mul3A_13, %dma_wait3A_22] : memref<51200x128xf32, #tpu.memory_space<hbm>> -> memref<320x128xf32, #tpu.memory_space<hbm>>
        %dma_wait3A_24 = arith.constant 0 : i32
        %dma_wait3A_25 = tpu.memref_slice %arg4[%mul3A_13, %dma_wait3A_24] : memref<51200x128xf32, #tpu.memory_space<hbm>> -> memref<320x128xf32, #tpu.memory_space<hbm>>
        tpu.wait_dma2 semaphore(%run_scoped3A : memref<!tpu.dma_semaphore, #tpu.memory_space<semaphore_mem>>) src(%arg6 : memref<320x128xf32, #tpu.memory_space<vmem>>) dst(%dma_wait3A_25 : memref<320x128xf32, #tpu.memory_space<hbm>>)
        tpu.yield
      }) : () -> ()
    }
    %scan3A_5 = arith.constant 5 : i32
    return
  }
}

#map = affine_map<(d0, d1) -> (0, 0)>
#map1 = affine_map<(d0, d1) -> (0)>
module attributes {stable_mosaic.version = 14 : i64} {
  func.func @body(%arg0: i32, %arg1: i32, %arg2: memref<5120x128xf32, #tpu.memory_space<hbm>>, %arg3: memref<51200xi32, #tpu.memory_space<hbm>>, %arg4: memref<51200x128xf32, #tpu.memory_space<hbm>>, %arg5: memref<320xi32, #tpu.memory_space<vmem>>, %arg6: memref<320x128xf32, #tpu.memory_space<vmem>>, %arg7: memref<!tpu.dma_semaphore, #tpu.memory_space<semaphore_mem>>) attributes {dimension_semantics = [#tpu.dimension_semantics<core_parallel>, #tpu.dimension_semantics<subcore_parallel>], iteration_bounds = array<i64: 2, 16>, scalar_prefetch = 0 : i64, scratch_operands = 3 : i64, tpu.core_type = #tpu.core_type<sc_vector_subcore>, window_params = [{transform_indices = #map}, {transform_indices = #map1}, {transform_indices = #map}]} {
    %mul3A = arith.constant 2 : i32
    %mul3A_0 = arith.muli %arg1, %mul3A : i32
    %add3A = arith.addi %mul3A_0, %arg0 : i32
    %scan3A = arith.constant 0 : i32
    %scan3A_1 = arith.constant 0 : i32
    %scan3A_2 = arith.constant 5 : i32
    %scan3A_3 = arith.addi %scan3A_1, %scan3A_2 : i32
    %scan3A_4 = arith.constant 1 : i32
    scf.for %scan3A_6 = %scan3A_1 to %scan3A_3 step %scan3A_4  : i32 {
      %mul3A_7 = arith.constant 80 : i32
      %mul3A_8 = arith.muli %add3A, %mul3A_7 : i32
      %mul3A_9 = arith.constant 16 : i32
      %mul3A_10 = arith.muli %scan3A_6, %mul3A_9 : i32
      %add3A_11 = arith.addi %mul3A_8, %mul3A_10 : i32
      %mul3A_12 = arith.constant 20 : i32
      %mul3A_13 = arith.muli %add3A_11, %mul3A_12 : i32
      "tpu.region"() ({
        %run_scoped3A = tpu.sem_alloc : memref<!tpu.dma_semaphore, #tpu.memory_space<semaphore_mem>>
        %dma_start3A_18 = tpu.memref_slice %arg3[%mul3A_13] : memref<51200xi32, #tpu.memory_space<hbm>> -> memref<320xi32, #tpu.memory_space<hbm>>
        %dma_start3A_19 = tpu.memref_slice %arg3[%mul3A_13] : memref<51200xi32, #tpu.memory_space<hbm>> -> memref<320xi32, #tpu.memory_space<hbm>>
        tpu.enqueue_dma source(%dma_start3A_19 : memref<320xi32, #tpu.memory_space<hbm>>) target(%arg5 : memref<320xi32, #tpu.memory_space<vmem>>) target_semaphore(%run_scoped3A : memref<!tpu.dma_semaphore, #tpu.memory_space<semaphore_mem>>)
        %dma_wait3A_20 = tpu.memref_slice %arg3[%mul3A_13] : memref<51200xi32, #tpu.memory_space<hbm>> -> memref<320xi32, #tpu.memory_space<hbm>>
        %dma_wait3A_21 = tpu.memref_slice %arg3[%mul3A_13] : memref<51200xi32, #tpu.memory_space<hbm>> -> memref<320xi32, #tpu.memory_space<hbm>>
        tpu.wait_dma2 semaphore(%run_scoped3A : memref<!tpu.dma_semaphore, #tpu.memory_space<semaphore_mem>>) src(%dma_wait3A_21 : memref<320xi32, #tpu.memory_space<hbm>>) dst(%arg5 : memref<320xi32, #tpu.memory_space<vmem>>)
        tpu.yield
      }) : () -> ()
      %dma_start3A = arith.constant 0 : i32
      %dma_start3A_14 = arith.constant 0 : i32
      %dma_start3A_15 = tpu.memref_slice %arg2[%dma_start3A, %dma_start3A_14] : memref<5120x128xf32, #tpu.memory_space<hbm>> -> memref<5120x128xf32, #tpu.memory_space<hbm>>
      tpu.enqueue_indirect_dma source(%dma_start3A_15 : memref<5120x128xf32, #tpu.memory_space<hbm>>) target(%arg6 : memref<320x128xf32, #tpu.memory_space<vmem>>) offsets(%arg5 : memref<320xi32, #tpu.memory_space<vmem>>) semaphore(%arg7 : memref<!tpu.dma_semaphore, #tpu.memory_space<semaphore_mem>>)
      %dma_wait3A = arith.constant 0 : i32
      %dma_wait3A_16 = arith.constant 0 : i32
      %dma_wait3A_17 = tpu.memref_slice %arg2[%dma_wait3A, %dma_wait3A_16] : memref<5120x128xf32, #tpu.memory_space<hbm>> -> memref<5120x128xf32, #tpu.memory_space<hbm>>
      tpu.wait_indirect_dma semaphore(%arg7 : memref<!tpu.dma_semaphore, #tpu.memory_space<semaphore_mem>>) src(%dma_wait3A_17 : memref<5120x128xf32, #tpu.memory_space<hbm>>) dst(%arg6 : memref<320x128xf32, #tpu.memory_space<vmem>>)
      "tpu.region"() ({
        %run_scoped3A = tpu.sem_alloc : memref<!tpu.dma_semaphore, #tpu.memory_space<semaphore_mem>>
        %dma_start3A_18 = arith.constant 0 : i32
        %dma_start3A_19 = tpu.memref_slice %arg4[%mul3A_13, %dma_start3A_18] : memref<51200x128xf32, #tpu.memory_space<hbm>> -> memref<320x128xf32, #tpu.memory_space<hbm>>
        %dma_start3A_20 = arith.constant 0 : i32
        %dma_start3A_21 = tpu.memref_slice %arg4[%mul3A_13, %dma_start3A_20] : memref<51200x128xf32, #tpu.memory_space<hbm>> -> memref<320x128xf32, #tpu.memory_space<hbm>>
        tpu.enqueue_dma source(%arg6 : memref<320x128xf32, #tpu.memory_space<vmem>>) target(%dma_start3A_21 : memref<320x128xf32, #tpu.memory_space<hbm>>) target_semaphore(%run_scoped3A : memref<!tpu.dma_semaphore, #tpu.memory_space<semaphore_mem>>)
        %dma_wait3A_22 = arith.constant 0 : i32
        %dma_wait3A_23 = tpu.memref_slice %arg4[%mul3A_13, %dma_wait3A_22] : memref<51200x128xf32, #tpu.memory_space<hbm>> -> memref<320x128xf32, #tpu.memory_space<hbm>>
        %dma_wait3A_24 = arith.constant 0 : i32
        %dma_wait3A_25 = tpu.memref_slice %arg4[%mul3A_13, %dma_wait3A_24] : memref<51200x128xf32, #tpu.memory_space<hbm>> -> memref<320x128xf32, #tpu.memory_space<hbm>>
        tpu.wait_dma2 semaphore(%run_scoped3A : memref<!tpu.dma_semaphore, #tpu.memory_space<semaphore_mem>>) src(%arg6 : memref<320x128xf32, #tpu.memory_space<vmem>>) dst(%dma_wait3A_25 : memref<320x128xf32, #tpu.memory_space<hbm>>)
        tpu.yield
      }) : () -> ()
    }
    %scan3A_5 = arith.constant 5 : i32
    return
  }
}

#map = affine_map<(d0, d1) -> (0, 0)>
#map1 = affine_map<(d0, d1) -> (0)>
module attributes {stable_mosaic.version = 14 : i64} {
  func.func @body(%arg0: i32, %arg1: i32, %arg2: memref<5120x128xf32, #tpu.memory_space<hbm>>, %arg3: memref<51200xi32, #tpu.memory_space<hbm>>, %arg4: memref<51200x128xf32, #tpu.memory_space<hbm>>, %arg5: memref<320xi32, #tpu.memory_space<vmem>>, %arg6: memref<320x128xf32, #tpu.memory_space<vmem>>, %arg7: memref<!tpu.dma_semaphore, #tpu.memory_space<semaphore_mem>>) attributes {dimension_semantics = [#tpu.dimension_semantics<core_parallel>, #tpu.dimension_semantics<subcore_parallel>], iteration_bounds = array<i64: 2, 16>, scalar_prefetch = 0 : i64, scratch_operands = 3 : i64, tpu.core_type = #tpu.core_type<sc_vector_subcore>, window_params = [{transform_indices = #map}, {transform_indices = #map1}, {transform_indices = #map}]} {
    %mul3A = arith.constant 2 : i32
    %mul3A_0 = arith.muli %arg1, %mul3A : i32
    %add3A = arith.addi %mul3A_0, %arg0 : i32
    %scan3A = arith.constant 0 : i32
    %scan3A_1 = arith.constant 0 : i32
    %scan3A_2 = arith.constant 5 : i32
    %scan3A_3 = arith.addi %scan3A_1, %scan3A_2 : i32
    %scan3A_4 = arith.constant 1 : i32
    scf.for %scan3A_6 = %scan3A_1 to %scan3A_3 step %scan3A_4  : i32 {
      %mul3A_7 = arith.constant 80 : i32
      %mul3A_8 = arith.muli %add3A, %mul3A_7 : i32
      %mul3A_9 = arith.constant 16 : i32
      %mul3A_10 = arith.muli %scan3A_6, %mul3A_9 : i32
      %add3A_11 = arith.addi %mul3A_8, %mul3A_10 : i32
      %mul3A_12 = arith.constant 20 : i32
      %mul3A_13 = arith.muli %add3A_11, %mul3A_12 : i32
      "tpu.region"() ({
        %run_scoped3A = tpu.sem_alloc : memref<!tpu.dma_semaphore, #tpu.memory_space<semaphore_mem>>
        %dma_start3A_18 = tpu.memref_slice %arg3[%mul3A_13] : memref<51200xi32, #tpu.memory_space<hbm>> -> memref<320xi32, #tpu.memory_space<hbm>>
        %dma_start3A_19 = tpu.memref_slice %arg3[%mul3A_13] : memref<51200xi32, #tpu.memory_space<hbm>> -> memref<320xi32, #tpu.memory_space<hbm>>
        tpu.enqueue_dma source(%dma_start3A_19 : memref<320xi32, #tpu.memory_space<hbm>>) target(%arg5 : memref<320xi32, #tpu.memory_space<vmem>>) target_semaphore(%run_scoped3A : memref<!tpu.dma_semaphore, #tpu.memory_space<semaphore_mem>>)
        %dma_wait3A_20 = tpu.memref_slice %arg3[%mul3A_13] : memref<51200xi32, #tpu.memory_space<hbm>> -> memref<320xi32, #tpu.memory_space<hbm>>
        %dma_wait3A_21 = tpu.memref_slice %arg3[%mul3A_13] : memref<51200xi32, #tpu.memory_space<hbm>> -> memref<320xi32, #tpu.memory_space<hbm>>
        tpu.wait_dma2 semaphore(%run_scoped3A : memref<!tpu.dma_semaphore, #tpu.memory_space<semaphore_mem>>) src(%dma_wait3A_21 : memref<320xi32, #tpu.memory_space<hbm>>) dst(%arg5 : memref<320xi32, #tpu.memory_space<vmem>>)
        tpu.yield
      }) : () -> ()
      %dma_start3A = arith.constant 0 : i32
      %dma_start3A_14 = arith.constant 0 : i32
      %dma_start3A_15 = tpu.memref_slice %arg2[%dma_start3A, %dma_start3A_14] : memref<5120x128xf32, #tpu.memory_space<hbm>> -> memref<5120x128xf32, #tpu.memory_space<hbm>>
      tpu.enqueue_indirect_dma source(%dma_start3A_15 : memref<5120x128xf32, #tpu.memory_space<hbm>>) target(%arg6 : memref<320x128xf32, #tpu.memory_space<vmem>>) offsets(%arg5 : memref<320xi32, #tpu.memory_space<vmem>>) semaphore(%arg7 : memref<!tpu.dma_semaphore, #tpu.memory_space<semaphore_mem>>)
      %dma_wait3A = arith.constant 0 : i32
      %dma_wait3A_16 = arith.constant 0 : i32
      %dma_wait3A_17 = tpu.memref_slice %arg2[%dma_wait3A, %dma_wait3A_16] : memref<5120x128xf32, #tpu.memory_space<hbm>> -> memref<5120x128xf32, #tpu.memory_space<hbm>>
      tpu.wait_indirect_dma semaphore(%arg7 : memref<!tpu.dma_semaphore, #tpu.memory_space<semaphore_mem>>) src(%dma_wait3A_17 : memref<5120x128xf32, #tpu.memory_space<hbm>>) dst(%arg6 : memref<320x128xf32, #tpu.memory_space<vmem>>)
      "tpu.region"() ({
        %run_scoped3A = tpu.sem_alloc : memref<!tpu.dma_semaphore, #tpu.memory_space<semaphore_mem>>
        %dma_start3A_18 = arith.constant 0 : i32
        %dma_start3A_19 = tpu.memref_slice %arg4[%mul3A_13, %dma_start3A_18] : memref<51200x128xf32, #tpu.memory_space<hbm>> -> memref<320x128xf32, #tpu.memory_space<hbm>>
        %dma_start3A_20 = arith.constant 0 : i32
        %dma_start3A_21 = tpu.memref_slice %arg4[%mul3A_13, %dma_start3A_20] : memref<51200x128xf32, #tpu.memory_space<hbm>> -> memref<320x128xf32, #tpu.memory_space<hbm>>
        tpu.enqueue_dma source(%arg6 : memref<320x128xf32, #tpu.memory_space<vmem>>) target(%dma_start3A_21 : memref<320x128xf32, #tpu.memory_space<hbm>>) target_semaphore(%run_scoped3A : memref<!tpu.dma_semaphore, #tpu.memory_space<semaphore_mem>>)
        %dma_wait3A_22 = arith.constant 0 : i32
        %dma_wait3A_23 = tpu.memref_slice %arg4[%mul3A_13, %dma_wait3A_22] : memref<51200x128xf32, #tpu.memory_space<hbm>> -> memref<320x128xf32, #tpu.memory_space<hbm>>
        %dma_wait3A_24 = arith.constant 0 : i32
        %dma_wait3A_25 = tpu.memref_slice %arg4[%mul3A_13, %dma_wait3A_24] : memref<51200x128xf32, #tpu.memory_space<hbm>> -> memref<320x128xf32, #tpu.memory_space<hbm>>
        tpu.wait_dma2 semaphore(%run_scoped3A : memref<!tpu.dma_semaphore, #tpu.memory_space<semaphore_mem>>) src(%arg6 : memref<320x128xf32, #tpu.memory_space<vmem>>) dst(%dma_wait3A_25 : memref<320x128xf32, #tpu.memory_space<hbm>>)
        tpu.yield
      }) : () -> ()
    }
    %scan3A_5 = arith.constant 5 : i32
    return
  }
}

#map = affine_map<(d0, d1) -> (0, 0)>
#map1 = affine_map<(d0, d1) -> (0)>
module attributes {stable_mosaic.version = 14 : i64} {
  func.func @body(%arg0: i32, %arg1: i32, %arg2: memref<5120x128xf32, #tpu.memory_space<hbm>>, %arg3: memref<51200xi32, #tpu.memory_space<hbm>>, %arg4: memref<51200x128xf32, #tpu.memory_space<hbm>>, %arg5: memref<320xi32, #tpu.memory_space<vmem>>, %arg6: memref<320x128xf32, #tpu.memory_space<vmem>>, %arg7: memref<!tpu.dma_semaphore, #tpu.memory_space<semaphore_mem>>) attributes {dimension_semantics = [#tpu.dimension_semantics<core_parallel>, #tpu.dimension_semantics<subcore_parallel>], iteration_bounds = array<i64: 2, 16>, scalar_prefetch = 0 : i64, scratch_operands = 3 : i64, tpu.core_type = #tpu.core_type<sc_vector_subcore>, window_params = [{transform_indices = #map}, {transform_indices = #map1}, {transform_indices = #map}]} {
    %mul3A = arith.constant 2 : i32
    %mul3A_0 = arith.muli %arg1, %mul3A : i32
    %add3A = arith.addi %mul3A_0, %arg0 : i32
    %scan3A = arith.constant 0 : i32
    %scan3A_1 = arith.constant 0 : i32
    %scan3A_2 = arith.constant 5 : i32
    %scan3A_3 = arith.addi %scan3A_1, %scan3A_2 : i32
    %scan3A_4 = arith.constant 1 : i32
    scf.for %scan3A_6 = %scan3A_1 to %scan3A_3 step %scan3A_4  : i32 {
      %mul3A_7 = arith.constant 80 : i32
      %mul3A_8 = arith.muli %add3A, %mul3A_7 : i32
      %mul3A_9 = arith.constant 16 : i32
      %mul3A_10 = arith.muli %scan3A_6, %mul3A_9 : i32
      %add3A_11 = arith.addi %mul3A_8, %mul3A_10 : i32
      %mul3A_12 = arith.constant 20 : i32
      %mul3A_13 = arith.muli %add3A_11, %mul3A_12 : i32
      "tpu.region"() ({
        %run_scoped3A = tpu.sem_alloc : memref<!tpu.dma_semaphore, #tpu.memory_space<semaphore_mem>>
        %dma_start3A_18 = tpu.memref_slice %arg3[%mul3A_13] : memref<51200xi32, #tpu.memory_space<hbm>> -> memref<320xi32, #tpu.memory_space<hbm>>
        %dma_start3A_19 = tpu.memref_slice %arg3[%mul3A_13] : memref<51200xi32, #tpu.memory_space<hbm>> -> memref<320xi32, #tpu.memory_space<hbm>>
        tpu.enqueue_dma source(%dma_start3A_19 : memref<320xi32, #tpu.memory_space<hbm>>) target(%arg5 : memref<320xi32, #tpu.memory_space<vmem>>) target_semaphore(%run_scoped3A : memref<!tpu.dma_semaphore, #tpu.memory_space<semaphore_mem>>)
        %dma_wait3A_20 = tpu.memref_slice %arg3[%mul3A_13] : memref<51200xi32, #tpu.memory_space<hbm>> -> memref<320xi32, #tpu.memory_space<hbm>>
        %dma_wait3A_21 = tpu.memref_slice %arg3[%mul3A_13] : memref<51200xi32, #tpu.memory_space<hbm>> -> memref<320xi32, #tpu.memory_space<hbm>>
        tpu.wait_dma2 semaphore(%run_scoped3A : memref<!tpu.dma_semaphore, #tpu.memory_space<semaphore_mem>>) src(%dma_wait3A_21 : memref<320xi32, #tpu.memory_space<hbm>>) dst(%arg5 : memref<320xi32, #tpu.memory_space<vmem>>)
        tpu.yield
      }) : () -> ()
      %dma_start3A = arith.constant 0 : i32
      %dma_start3A_14 = arith.constant 0 : i32
      %dma_start3A_15 = tpu.memref_slice %arg2[%dma_start3A, %dma_start3A_14] : memref<5120x128xf32, #tpu.memory_space<hbm>> -> memref<5120x128xf32, #tpu.memory_space<hbm>>
      tpu.enqueue_indirect_dma source(%dma_start3A_15 : memref<5120x128xf32, #tpu.memory_space<hbm>>) target(%arg6 : memref<320x128xf32, #tpu.memory_space<vmem>>) offsets(%arg5 : memref<320xi32, #tpu.memory_space<vmem>>) semaphore(%arg7 : memref<!tpu.dma_semaphore, #tpu.memory_space<semaphore_mem>>)
      %dma_wait3A = arith.constant 0 : i32
      %dma_wait3A_16 = arith.constant 0 : i32
      %dma_wait3A_17 = tpu.memref_slice %arg2[%dma_wait3A, %dma_wait3A_16] : memref<5120x128xf32, #tpu.memory_space<hbm>> -> memref<5120x128xf32, #tpu.memory_space<hbm>>
      tpu.wait_indirect_dma semaphore(%arg7 : memref<!tpu.dma_semaphore, #tpu.memory_space<semaphore_mem>>) src(%dma_wait3A_17 : memref<5120x128xf32, #tpu.memory_space<hbm>>) dst(%arg6 : memref<320x128xf32, #tpu.memory_space<vmem>>)
      "tpu.region"() ({
        %run_scoped3A = tpu.sem_alloc : memref<!tpu.dma_semaphore, #tpu.memory_space<semaphore_mem>>
        %dma_start3A_18 = arith.constant 0 : i32
        %dma_start3A_19 = tpu.memref_slice %arg4[%mul3A_13, %dma_start3A_18] : memref<51200x128xf32, #tpu.memory_space<hbm>> -> memref<320x128xf32, #tpu.memory_space<hbm>>
        %dma_start3A_20 = arith.constant 0 : i32
        %dma_start3A_21 = tpu.memref_slice %arg4[%mul3A_13, %dma_start3A_20] : memref<51200x128xf32, #tpu.memory_space<hbm>> -> memref<320x128xf32, #tpu.memory_space<hbm>>
        tpu.enqueue_dma source(%arg6 : memref<320x128xf32, #tpu.memory_space<vmem>>) target(%dma_start3A_21 : memref<320x128xf32, #tpu.memory_space<hbm>>) target_semaphore(%run_scoped3A : memref<!tpu.dma_semaphore, #tpu.memory_space<semaphore_mem>>)
        %dma_wait3A_22 = arith.constant 0 : i32
        %dma_wait3A_23 = tpu.memref_slice %arg4[%mul3A_13, %dma_wait3A_22] : memref<51200x128xf32, #tpu.memory_space<hbm>> -> memref<320x128xf32, #tpu.memory_space<hbm>>
        %dma_wait3A_24 = arith.constant 0 : i32
        %dma_wait3A_25 = tpu.memref_slice %arg4[%mul3A_13, %dma_wait3A_24] : memref<51200x128xf32, #tpu.memory_space<hbm>> -> memref<320x128xf32, #tpu.memory_space<hbm>>
        tpu.wait_dma2 semaphore(%run_scoped3A : memref<!tpu.dma_semaphore, #tpu.memory_space<semaphore_mem>>) src(%arg6 : memref<320x128xf32, #tpu.memory_space<vmem>>) dst(%dma_wait3A_25 : memref<320x128xf32, #tpu.memory_space<hbm>>)
        tpu.yield
      }) : () -> ()
    }
    %scan3A_5 = arith.constant 5 : i32
    return
  }
}

#map = affine_map<(d0, d1) -> (0, 0)>
#map1 = affine_map<(d0, d1) -> (0)>
module attributes {stable_mosaic.version = 14 : i64} {
  func.func @body(%arg0: i32, %arg1: i32, %arg2: memref<5120x128xf32, #tpu.memory_space<hbm>>, %arg3: memref<51200xi32, #tpu.memory_space<hbm>>, %arg4: memref<51200x128xf32, #tpu.memory_space<hbm>>, %arg5: memref<320xi32, #tpu.memory_space<vmem>>, %arg6: memref<320x128xf32, #tpu.memory_space<vmem>>, %arg7: memref<!tpu.dma_semaphore, #tpu.memory_space<semaphore_mem>>) attributes {dimension_semantics = [#tpu.dimension_semantics<core_parallel>, #tpu.dimension_semantics<subcore_parallel>], iteration_bounds = array<i64: 2, 16>, scalar_prefetch = 0 : i64, scratch_operands = 3 : i64, tpu.core_type = #tpu.core_type<sc_vector_subcore>, window_params = [{transform_indices = #map}, {transform_indices = #map1}, {transform_indices = #map}]} {
    %mul3A = arith.constant 2 : i32
    %mul3A_0 = arith.muli %arg1, %mul3A : i32
    %add3A = arith.addi %mul3A_0, %arg0 : i32
    %scan3A = arith.constant 0 : i32
    %scan3A_1 = arith.constant 0 : i32
    %scan3A_2 = arith.constant 5 : i32
    %scan3A_3 = arith.addi %scan3A_1, %scan3A_2 : i32
    %scan3A_4 = arith.constant 1 : i32
    scf.for %scan3A_6 = %scan3A_1 to %scan3A_3 step %scan3A_4  : i32 {
      %mul3A_7 = arith.constant 80 : i32
      %mul3A_8 = arith.muli %add3A, %mul3A_7 : i32
      %mul3A_9 = arith.constant 16 : i32
      %mul3A_10 = arith.muli %scan3A_6, %mul3A_9 : i32
      %add3A_11 = arith.addi %mul3A_8, %mul3A_10 : i32
      %mul3A_12 = arith.constant 20 : i32
      %mul3A_13 = arith.muli %add3A_11, %mul3A_12 : i32
      "tpu.region"() ({
        %run_scoped3A = tpu.sem_alloc : memref<!tpu.dma_semaphore, #tpu.memory_space<semaphore_mem>>
        %dma_start3A_18 = tpu.memref_slice %arg3[%mul3A_13] : memref<51200xi32, #tpu.memory_space<hbm>> -> memref<320xi32, #tpu.memory_space<hbm>>
        %dma_start3A_19 = tpu.memref_slice %arg3[%mul3A_13] : memref<51200xi32, #tpu.memory_space<hbm>> -> memref<320xi32, #tpu.memory_space<hbm>>
        tpu.enqueue_dma source(%dma_start3A_19 : memref<320xi32, #tpu.memory_space<hbm>>) target(%arg5 : memref<320xi32, #tpu.memory_space<vmem>>) target_semaphore(%run_scoped3A : memref<!tpu.dma_semaphore, #tpu.memory_space<semaphore_mem>>)
        %dma_wait3A_20 = tpu.memref_slice %arg3[%mul3A_13] : memref<51200xi32, #tpu.memory_space<hbm>> -> memref<320xi32, #tpu.memory_space<hbm>>
        %dma_wait3A_21 = tpu.memref_slice %arg3[%mul3A_13] : memref<51200xi32, #tpu.memory_space<hbm>> -> memref<320xi32, #tpu.memory_space<hbm>>
        tpu.wait_dma2 semaphore(%run_scoped3A : memref<!tpu.dma_semaphore, #tpu.memory_space<semaphore_mem>>) src(%dma_wait3A_21 : memref<320xi32, #tpu.memory_space<hbm>>) dst(%arg5 : memref<320xi32, #tpu.memory_space<vmem>>)
        tpu.yield
      }) : () -> ()
      %dma_start3A = arith.constant 0 : i32
      %dma_start3A_14 = arith.constant 0 : i32
      %dma_start3A_15 = tpu.memref_slice %arg2[%dma_start3A, %dma_start3A_14] : memref<5120x128xf32, #tpu.memory_space<hbm>> -> memref<5120x128xf32, #tpu.memory_space<hbm>>
      tpu.enqueue_indirect_dma source(%dma_start3A_15 : memref<5120x128xf32, #tpu.memory_space<hbm>>) target(%arg6 : memref<320x128xf32, #tpu.memory_space<vmem>>) offsets(%arg5 : memref<320xi32, #tpu.memory_space<vmem>>) semaphore(%arg7 : memref<!tpu.dma_semaphore, #tpu.memory_space<semaphore_mem>>)
      %dma_wait3A = arith.constant 0 : i32
      %dma_wait3A_16 = arith.constant 0 : i32
      %dma_wait3A_17 = tpu.memref_slice %arg2[%dma_wait3A, %dma_wait3A_16] : memref<5120x128xf32, #tpu.memory_space<hbm>> -> memref<5120x128xf32, #tpu.memory_space<hbm>>
      tpu.wait_indirect_dma semaphore(%arg7 : memref<!tpu.dma_semaphore, #tpu.memory_space<semaphore_mem>>) src(%dma_wait3A_17 : memref<5120x128xf32, #tpu.memory_space<hbm>>) dst(%arg6 : memref<320x128xf32, #tpu.memory_space<vmem>>)
      "tpu.region"() ({
        %run_scoped3A = tpu.sem_alloc : memref<!tpu.dma_semaphore, #tpu.memory_space<semaphore_mem>>
        %dma_start3A_18 = arith.constant 0 : i32
        %dma_start3A_19 = tpu.memref_slice %arg4[%mul3A_13, %dma_start3A_18] : memref<51200x128xf32, #tpu.memory_space<hbm>> -> memref<320x128xf32, #tpu.memory_space<hbm>>
        %dma_start3A_20 = arith.constant 0 : i32
        %dma_start3A_21 = tpu.memref_slice %arg4[%mul3A_13, %dma_start3A_20] : memref<51200x128xf32, #tpu.memory_space<hbm>> -> memref<320x128xf32, #tpu.memory_space<hbm>>
        tpu.enqueue_dma source(%arg6 : memref<320x128xf32, #tpu.memory_space<vmem>>) target(%dma_start3A_21 : memref<320x128xf32, #tpu.memory_space<hbm>>) target_semaphore(%run_scoped3A : memref<!tpu.dma_semaphore, #tpu.memory_space<semaphore_mem>>)
        %dma_wait3A_22 = arith.constant 0 : i32
        %dma_wait3A_23 = tpu.memref_slice %arg4[%mul3A_13, %dma_wait3A_22] : memref<51200x128xf32, #tpu.memory_space<hbm>> -> memref<320x128xf32, #tpu.memory_space<hbm>>
        %dma_wait3A_24 = arith.constant 0 : i32
        %dma_wait3A_25 = tpu.memref_slice %arg4[%mul3A_13, %dma_wait3A_24] : memref<51200x128xf32, #tpu.memory_space<hbm>> -> memref<320x128xf32, #tpu.memory_space<hbm>>
        tpu.wait_dma2 semaphore(%run_scoped3A : memref<!tpu.dma_semaphore, #tpu.memory_space<semaphore_mem>>) src(%arg6 : memref<320x128xf32, #tpu.memory_space<vmem>>) dst(%dma_wait3A_25 : memref<320x128xf32, #tpu.memory_space<hbm>>)
        tpu.yield
      }) : () -> ()
    }
    %scan3A_5 = arith.constant 5 : i32
    return
  }
}

#map = affine_map<(d0, d1) -> (0, 0)>
#map1 = affine_map<(d0, d1) -> (0)>
module attributes {stable_mosaic.version = 14 : i64} {
  func.func @body(%arg0: i32, %arg1: i32, %arg2: memref<5120x128xf32, #tpu.memory_space<hbm>>, %arg3: memref<51200xi32, #tpu.memory_space<hbm>>, %arg4: memref<51200x128xf32, #tpu.memory_space<hbm>>, %arg5: memref<320xi32, #tpu.memory_space<vmem>>, %arg6: memref<320x128xf32, #tpu.memory_space<vmem>>, %arg7: memref<!tpu.dma_semaphore, #tpu.memory_space<semaphore_mem>>) attributes {dimension_semantics = [#tpu.dimension_semantics<core_parallel>, #tpu.dimension_semantics<subcore_parallel>], iteration_bounds = array<i64: 2, 16>, scalar_prefetch = 0 : i64, scratch_operands = 3 : i64, tpu.core_type = #tpu.core_type<sc_vector_subcore>, window_params = [{transform_indices = #map}, {transform_indices = #map1}, {transform_indices = #map}]} {
    %mul3A = arith.constant 2 : i32
    %mul3A_0 = arith.muli %arg1, %mul3A : i32
    %add3A = arith.addi %mul3A_0, %arg0 : i32
    %scan3A = arith.constant 0 : i32
    %scan3A_1 = arith.constant 0 : i32
    %scan3A_2 = arith.constant 5 : i32
    %scan3A_3 = arith.addi %scan3A_1, %scan3A_2 : i32
    %scan3A_4 = arith.constant 1 : i32
    scf.for %scan3A_6 = %scan3A_1 to %scan3A_3 step %scan3A_4  : i32 {
      %mul3A_7 = arith.constant 80 : i32
      %mul3A_8 = arith.muli %add3A, %mul3A_7 : i32
      %mul3A_9 = arith.constant 16 : i32
      %mul3A_10 = arith.muli %scan3A_6, %mul3A_9 : i32
      %add3A_11 = arith.addi %mul3A_8, %mul3A_10 : i32
      %mul3A_12 = arith.constant 20 : i32
      %mul3A_13 = arith.muli %add3A_11, %mul3A_12 : i32
      "tpu.region"() ({
        %run_scoped3A = tpu.sem_alloc : memref<!tpu.dma_semaphore, #tpu.memory_space<semaphore_mem>>
        %dma_start3A_18 = tpu.memref_slice %arg3[%mul3A_13] : memref<51200xi32, #tpu.memory_space<hbm>> -> memref<320xi32, #tpu.memory_space<hbm>>
        %dma_start3A_19 = tpu.memref_slice %arg3[%mul3A_13] : memref<51200xi32, #tpu.memory_space<hbm>> -> memref<320xi32, #tpu.memory_space<hbm>>
        tpu.enqueue_dma source(%dma_start3A_19 : memref<320xi32, #tpu.memory_space<hbm>>) target(%arg5 : memref<320xi32, #tpu.memory_space<vmem>>) target_semaphore(%run_scoped3A : memref<!tpu.dma_semaphore, #tpu.memory_space<semaphore_mem>>)
        %dma_wait3A_20 = tpu.memref_slice %arg3[%mul3A_13] : memref<51200xi32, #tpu.memory_space<hbm>> -> memref<320xi32, #tpu.memory_space<hbm>>
        %dma_wait3A_21 = tpu.memref_slice %arg3[%mul3A_13] : memref<51200xi32, #tpu.memory_space<hbm>> -> memref<320xi32, #tpu.memory_space<hbm>>
        tpu.wait_dma2 semaphore(%run_scoped3A : memref<!tpu.dma_semaphore, #tpu.memory_space<semaphore_mem>>) src(%dma_wait3A_21 : memref<320xi32, #tpu.memory_space<hbm>>) dst(%arg5 : memref<320xi32, #tpu.memory_space<vmem>>)
        tpu.yield
      }) : () -> ()
      %dma_start3A = arith.constant 0 : i32
      %dma_start3A_14 = arith.constant 0 : i32
      %dma_start3A_15 = tpu.memref_slice %arg2[%dma_start3A, %dma_start3A_14] : memref<5120x128xf32, #tpu.memory_space<hbm>> -> memref<5120x128xf32, #tpu.memory_space<hbm>>
      tpu.enqueue_indirect_dma source(%dma_start3A_15 : memref<5120x128xf32, #tpu.memory_space<hbm>>) target(%arg6 : memref<320x128xf32, #tpu.memory_space<vmem>>) offsets(%arg5 : memref<320xi32, #tpu.memory_space<vmem>>) semaphore(%arg7 : memref<!tpu.dma_semaphore, #tpu.memory_space<semaphore_mem>>)
      %dma_wait3A = arith.constant 0 : i32
      %dma_wait3A_16 = arith.constant 0 : i32
      %dma_wait3A_17 = tpu.memref_slice %arg2[%dma_wait3A, %dma_wait3A_16] : memref<5120x128xf32, #tpu.memory_space<hbm>> -> memref<5120x128xf32, #tpu.memory_space<hbm>>
      tpu.wait_indirect_dma semaphore(%arg7 : memref<!tpu.dma_semaphore, #tpu.memory_space<semaphore_mem>>) src(%dma_wait3A_17 : memref<5120x128xf32, #tpu.memory_space<hbm>>) dst(%arg6 : memref<320x128xf32, #tpu.memory_space<vmem>>)
      "tpu.region"() ({
        %run_scoped3A = tpu.sem_alloc : memref<!tpu.dma_semaphore, #tpu.memory_space<semaphore_mem>>
        %dma_start3A_18 = arith.constant 0 : i32
        %dma_start3A_19 = tpu.memref_slice %arg4[%mul3A_13, %dma_start3A_18] : memref<51200x128xf32, #tpu.memory_space<hbm>> -> memref<320x128xf32, #tpu.memory_space<hbm>>
        %dma_start3A_20 = arith.constant 0 : i32
        %dma_start3A_21 = tpu.memref_slice %arg4[%mul3A_13, %dma_start3A_20] : memref<51200x128xf32, #tpu.memory_space<hbm>> -> memref<320x128xf32, #tpu.memory_space<hbm>>
        tpu.enqueue_dma source(%arg6 : memref<320x128xf32, #tpu.memory_space<vmem>>) target(%dma_start3A_21 : memref<320x128xf32, #tpu.memory_space<hbm>>) target_semaphore(%run_scoped3A : memref<!tpu.dma_semaphore, #tpu.memory_space<semaphore_mem>>)
        %dma_wait3A_22 = arith.constant 0 : i32
        %dma_wait3A_23 = tpu.memref_slice %arg4[%mul3A_13, %dma_wait3A_22] : memref<51200x128xf32, #tpu.memory_space<hbm>> -> memref<320x128xf32, #tpu.memory_space<hbm>>
        %dma_wait3A_24 = arith.constant 0 : i32
        %dma_wait3A_25 = tpu.memref_slice %arg4[%mul3A_13, %dma_wait3A_24] : memref<51200x128xf32, #tpu.memory_space<hbm>> -> memref<320x128xf32, #tpu.memory_space<hbm>>
        tpu.wait_dma2 semaphore(%run_scoped3A : memref<!tpu.dma_semaphore, #tpu.memory_space<semaphore_mem>>) src(%arg6 : memref<320x128xf32, #tpu.memory_space<vmem>>) dst(%dma_wait3A_25 : memref<320x128xf32, #tpu.memory_space<hbm>>)
        tpu.yield
      }) : () -> ()
    }
    %scan3A_5 = arith.constant 5 : i32
    return
  }
}

module attributes {stable_mosaic.version = 14 : i64} {
  func.func @_knn_body(%arg0: i32, %arg1: memref<256x128xf32, #tpu.memory_space<vmem>>, %arg2: memref<5120x128xf32, #tpu.memory_space<vmem>>, %arg3: memref<256x20xi32, #tpu.memory_space<vmem>>) attributes {dimension_semantics = [#tpu.dimension_semantics<arbitrary>], iteration_bounds = array<i64: 10>, scalar_prefetch = 0 : i64, scratch_operands = 0 : i64, tpu.core_type = #tpu.core_type<tc>, window_params = [{transform_indices = @transform_0, window_bounds = array<i64: 256, 128>}, {pipeline_mode = #tpu.pipeline_mode<synchronous>, transform_indices = @transform_1, window_bounds = array<i64: 5120, 128>}, {transform_indices = @transform_2, window_bounds = array<i64: 256, 20>}]} {
    %get3A = arith.constant 0 : index
    %get3A_0 = arith.constant 0 : index
    %get3A_1 = vector.load %arg1[%get3A, %get3A_0] : memref<256x128xf32, #tpu.memory_space<vmem>>, vector<256x128xf32>
    %get3A_2 = arith.constant 0 : index
    %get3A_3 = arith.constant 0 : index
    %get3A_4 = vector.load %arg2[%get3A_2, %get3A_3] : memref<5120x128xf32, #tpu.memory_space<vmem>>, vector<5120x128xf32>
    %convert_element_type3A = arith.truncf %get3A_1 : vector<256x128xf32> to vector<256x128xbf16>
    %convert_element_type3A_5 = arith.truncf %get3A_4 : vector<5120x128xf32> to vector<5120x128xbf16>
    %dot_general3A = arith.constant dense<0.000000e+00> : vector<256x5120xf32>
    %dot_general3A_6 = tpu.matmul %convert_element_type3A, %convert_element_type3A_5, %dot_general3A {dimension_numbers = #tpu.dot_dimension_numbers<[1], [1], [0], [0], [0, 0, 1, 0], [], []>, transpose_lhs_hint = false} : vector<256x128xbf16>, vector<5120x128xbf16>, vector<256x5120xf32> -> vector<256x5120xf32>
    %mul3A = arith.mulf %get3A_1, %get3A_1 : vector<256x128xf32>
    %reduce_sum3A = arith.constant dense<0.000000e+00> : vector<256xf32>
    %reduce_sum3A_7 = vector.multi_reduction <add>, %mul3A, %reduce_sum3A [1] : vector<256x128xf32> to vector<256xf32>
    %mul3A_8 = arith.mulf %get3A_4, %get3A_4 : vector<5120x128xf32>
    %reduce_sum3A_9 = arith.constant dense<0.000000e+00> : vector<5120xf32>
    %reduce_sum3A_10 = vector.multi_reduction <add>, %mul3A_8, %reduce_sum3A_9 [1] : vector<5120x128xf32> to vector<5120xf32>
    %mul3A_11 = arith.constant 2.000000e+00 : f32
    %mul3A_12 = vector.broadcast %mul3A_11 : f32 to vector<256x5120xf32>
    %mul3A_13 = arith.mulf %mul3A_12, %dot_general3A_6 : vector<256x5120xf32>
    %broadcast_in_dim3A = vector.shape_cast %reduce_sum3A_7 : vector<256xf32> to vector<256x1xf32>
    %broadcast_in_dim3A_14 = vector.shape_cast %reduce_sum3A_10 : vector<5120xf32> to vector<1x5120xf32>
    %add3A = vector.broadcast %broadcast_in_dim3A : vector<256x1xf32> to vector<256x5120xf32>
    %add3A_15 = vector.broadcast %broadcast_in_dim3A_14 : vector<1x5120xf32> to vector<256x5120xf32>
    %add3A_16 = arith.addf %add3A, %add3A_15 : vector<256x5120xf32>
    %sub3A = arith.subf %mul3A_13, %add3A_16 : vector<256x5120xf32>
    %iota3A = tpu.iota {dimensions = array<i32: 1>} : vector<256x5120xi32>
    %convert_element_type3A_17 = arith.sitofp %iota3A : vector<256x5120xi32> to vector<256x5120xf32>
    %lt3A = arith.constant 5.000000e+03 : f32
    %lt3A_18 = vector.broadcast %lt3A : f32 to vector<256x5120xf32>
    %lt3A_19 = arith.cmpf olt, %convert_element_type3A_17, %lt3A_18 : vector<256x5120xf32>
    %jit3A = arith.constant 0xFF800000 : f32
    %broadcast_in_dim3A_20 = vector.broadcast %jit3A : f32 to vector<256x5120xf32>
    %select_n3A = arith.select %lt3A_19, %sub3A, %broadcast_in_dim3A_20 : vector<256x5120xi1>, vector<256x5120xf32>
    %reduce_max3A = arith.constant dense<0xFF800000> : vector<256xf32>
    %reduce_max3A_21 = vector.multi_reduction <maximumf>, %select_n3A, %reduce_max3A [1] : vector<256x5120xf32> to vector<256xf32>
    %broadcast_in_dim3A_22 = vector.shape_cast %reduce_max3A_21 : vector<256xf32> to vector<256x1xf32>
    %eq3A = vector.broadcast %broadcast_in_dim3A_22 : vector<256x1xf32> to vector<256x5120xf32>
    %eq3A_23 = arith.cmpf oeq, %select_n3A, %eq3A : vector<256x5120xf32>
    %jit3A_24 = arith.constant 3.000000e+38 : f32
    %broadcast_in_dim3A_25 = vector.broadcast %jit3A_24 : f32 to vector<256x5120xf32>
    %select_n3A_26 = arith.select %eq3A_23, %convert_element_type3A_17, %broadcast_in_dim3A_25 : vector<256x5120xi1>, vector<256x5120xf32>
    %reduce_min3A = arith.constant dense<0x7F800000> : vector<256xf32>
    %reduce_min3A_27 = vector.multi_reduction <minimumf>, %select_n3A_26, %reduce_min3A [1] : vector<256x5120xf32> to vector<256xf32>
    %broadcast_in_dim3A_28 = vector.shape_cast %reduce_min3A_27 : vector<256xf32> to vector<256x1xf32>
    %eq3A_29 = vector.broadcast %broadcast_in_dim3A_28 : vector<256x1xf32> to vector<256x5120xf32>
    %eq3A_30 = arith.cmpf oeq, %convert_element_type3A_17, %eq3A_29 : vector<256x5120xf32>
    %jit3A_31 = arith.constant 0xFF800000 : f32
    %broadcast_in_dim3A_32 = vector.broadcast %jit3A_31 : f32 to vector<256x5120xf32>
    %select_n3A_33 = arith.select %eq3A_30, %broadcast_in_dim3A_32, %select_n3A : vector<256x5120xi1>, vector<256x5120xf32>
    %reduce_max3A_34 = arith.constant dense<0xFF800000> : vector<256xf32>
    %reduce_max3A_35 = vector.multi_reduction <maximumf>, %select_n3A_33, %reduce_max3A_34 [1] : vector<256x5120xf32> to vector<256xf32>
    %broadcast_in_dim3A_36 = vector.shape_cast %reduce_max3A_35 : vector<256xf32> to vector<256x1xf32>
    %eq3A_37 = vector.broadcast %broadcast_in_dim3A_36 : vector<256x1xf32> to vector<256x5120xf32>
    %eq3A_38 = arith.cmpf oeq, %select_n3A_33, %eq3A_37 : vector<256x5120xf32>
    %jit3A_39 = arith.constant 3.000000e+38 : f32
    %broadcast_in_dim3A_40 = vector.broadcast %jit3A_39 : f32 to vector<256x5120xf32>
    %select_n3A_41 = arith.select %eq3A_38, %convert_element_type3A_17, %broadcast_in_dim3A_40 : vector<256x5120xi1>, vector<256x5120xf32>
    %reduce_min3A_42 = arith.constant dense<0x7F800000> : vector<256xf32>
    %reduce_min3A_43 = vector.multi_reduction <minimumf>, %select_n3A_41, %reduce_min3A_42 [1] : vector<256x5120xf32> to vector<256xf32>
    %broadcast_in_dim3A_44 = vector.shape_cast %reduce_min3A_43 : vector<256xf32> to vector<256x1xf32>
    %eq3A_45 = vector.broadcast %broadcast_in_dim3A_44 : vector<256x1xf32> to vector<256x5120xf32>
    %eq3A_46 = arith.cmpf oeq, %convert_element_type3A_17, %eq3A_45 : vector<256x5120xf32>
    %jit3A_47 = arith.constant 0xFF800000 : f32
    %broadcast_in_dim3A_48 = vector.broadcast %jit3A_47 : f32 to vector<256x5120xf32>
    %select_n3A_49 = arith.select %eq3A_46, %broadcast_in_dim3A_48, %select_n3A_33 : vector<256x5120xi1>, vector<256x5120xf32>
    %reduce_max3A_50 = arith.constant dense<0xFF800000> : vector<256xf32>
    %reduce_max3A_51 = vector.multi_reduction <maximumf>, %select_n3A_49, %reduce_max3A_50 [1] : vector<256x5120xf32> to vector<256xf32>
    %broadcast_in_dim3A_52 = vector.shape_cast %reduce_max3A_51 : vector<256xf32> to vector<256x1xf32>
    %eq3A_53 = vector.broadcast %broadcast_in_dim3A_52 : vector<256x1xf32> to vector<256x5120xf32>
    %eq3A_54 = arith.cmpf oeq, %select_n3A_49, %eq3A_53 : vector<256x5120xf32>
    %jit3A_55 = arith.constant 3.000000e+38 : f32
    %broadcast_in_dim3A_56 = vector.broadcast %jit3A_55 : f32 to vector<256x5120xf32>
    %select_n3A_57 = arith.select %eq3A_54, %convert_element_type3A_17, %broadcast_in_dim3A_56 : vector<256x5120xi1>, vector<256x5120xf32>
    %reduce_min3A_58 = arith.constant dense<0x7F800000> : vector<256xf32>
    %reduce_min3A_59 = vector.multi_reduction <minimumf>, %select_n3A_57, %reduce_min3A_58 [1] : vector<256x5120xf32> to vector<256xf32>
    %broadcast_in_dim3A_60 = vector.shape_cast %reduce_min3A_59 : vector<256xf32> to vector<256x1xf32>
    %eq3A_61 = vector.broadcast %broadcast_in_dim3A_60 : vector<256x1xf32> to vector<256x5120xf32>
    %eq3A_62 = arith.cmpf oeq, %convert_element_type3A_17, %eq3A_61 : vector<256x5120xf32>
    %jit3A_63 = arith.constant 0xFF800000 : f32
    %broadcast_in_dim3A_64 = vector.broadcast %jit3A_63 : f32 to vector<256x5120xf32>
    %select_n3A_65 = arith.select %eq3A_62, %broadcast_in_dim3A_64, %select_n3A_49 : vector<256x5120xi1>, vector<256x5120xf32>
    %reduce_max3A_66 = arith.constant dense<0xFF800000> : vector<256xf32>
    %reduce_max3A_67 = vector.multi_reduction <maximumf>, %select_n3A_65, %reduce_max3A_66 [1] : vector<256x5120xf32> to vector<256xf32>
    %broadcast_in_dim3A_68 = vector.shape_cast %reduce_max3A_67 : vector<256xf32> to vector<256x1xf32>
    %eq3A_69 = vector.broadcast %broadcast_in_dim3A_68 : vector<256x1xf32> to vector<256x5120xf32>
    %eq3A_70 = arith.cmpf oeq, %select_n3A_65, %eq3A_69 : vector<256x5120xf32>
    %jit3A_71 = arith.constant 3.000000e+38 : f32
    %broadcast_in_dim3A_72 = vector.broadcast %jit3A_71 : f32 to vector<256x5120xf32>
    %select_n3A_73 = arith.select %eq3A_70, %convert_element_type3A_17, %broadcast_in_dim3A_72 : vector<256x5120xi1>, vector<256x5120xf32>
    %reduce_min3A_74 = arith.constant dense<0x7F800000> : vector<256xf32>
    %reduce_min3A_75 = vector.multi_reduction <minimumf>, %select_n3A_73, %reduce_min3A_74 [1] : vector<256x5120xf32> to vector<256xf32>
    %broadcast_in_dim3A_76 = vector.shape_cast %reduce_min3A_75 : vector<256xf32> to vector<256x1xf32>
    %eq3A_77 = vector.broadcast %broadcast_in_dim3A_76 : vector<256x1xf32> to vector<256x5120xf32>
    %eq3A_78 = arith.cmpf oeq, %convert_element_type3A_17, %eq3A_77 : vector<256x5120xf32>
    %jit3A_79 = arith.constant 0xFF800000 : f32
    %broadcast_in_dim3A_80 = vector.broadcast %jit3A_79 : f32 to vector<256x5120xf32>
    %select_n3A_81 = arith.select %eq3A_78, %broadcast_in_dim3A_80, %select_n3A_65 : vector<256x5120xi1>, vector<256x5120xf32>
    %reduce_max3A_82 = arith.constant dense<0xFF800000> : vector<256xf32>
    %reduce_max3A_83 = vector.multi_reduction <maximumf>, %select_n3A_81, %reduce_max3A_82 [1] : vector<256x5120xf32> to vector<256xf32>
    %broadcast_in_dim3A_84 = vector.shape_cast %reduce_max3A_83 : vector<256xf32> to vector<256x1xf32>
    %eq3A_85 = vector.broadcast %broadcast_in_dim3A_84 : vector<256x1xf32> to vector<256x5120xf32>
    %eq3A_86 = arith.cmpf oeq, %select_n3A_81, %eq3A_85 : vector<256x5120xf32>
    %jit3A_87 = arith.constant 3.000000e+38 : f32
    %broadcast_in_dim3A_88 = vector.broadcast %jit3A_87 : f32 to vector<256x5120xf32>
    %select_n3A_89 = arith.select %eq3A_86, %convert_element_type3A_17, %broadcast_in_dim3A_88 : vector<256x5120xi1>, vector<256x5120xf32>
    %reduce_min3A_90 = arith.constant dense<0x7F800000> : vector<256xf32>
    %reduce_min3A_91 = vector.multi_reduction <minimumf>, %select_n3A_89, %reduce_min3A_90 [1] : vector<256x5120xf32> to vector<256xf32>
    %broadcast_in_dim3A_92 = vector.shape_cast %reduce_min3A_91 : vector<256xf32> to vector<256x1xf32>
    %eq3A_93 = vector.broadcast %broadcast_in_dim3A_92 : vector<256x1xf32> to vector<256x5120xf32>
    %eq3A_94 = arith.cmpf oeq, %convert_element_type3A_17, %eq3A_93 : vector<256x5120xf32>
    %jit3A_95 = arith.constant 0xFF800000 : f32
    %broadcast_in_dim3A_96 = vector.broadcast %jit3A_95 : f32 to vector<256x5120xf32>
    %select_n3A_97 = arith.select %eq3A_94, %broadcast_in_dim3A_96, %select_n3A_81 : vector<256x5120xi1>, vector<256x5120xf32>
    %reduce_max3A_98 = arith.constant dense<0xFF800000> : vector<256xf32>
    %reduce_max3A_99 = vector.multi_reduction <maximumf>, %select_n3A_97, %reduce_max3A_98 [1] : vector<256x5120xf32> to vector<256xf32>
    %broadcast_in_dim3A_100 = vector.shape_cast %reduce_max3A_99 : vector<256xf32> to vector<256x1xf32>
    %eq3A_101 = vector.broadcast %broadcast_in_dim3A_100 : vector<256x1xf32> to vector<256x5120xf32>
    %eq3A_102 = arith.cmpf oeq, %select_n3A_97, %eq3A_101 : vector<256x5120xf32>
    %jit3A_103 = arith.constant 3.000000e+38 : f32
    %broadcast_in_dim3A_104 = vector.broadcast %jit3A_103 : f32 to vector<256x5120xf32>
    %select_n3A_105 = arith.select %eq3A_102, %convert_element_type3A_17, %broadcast_in_dim3A_104 : vector<256x5120xi1>, vector<256x5120xf32>
    %reduce_min3A_106 = arith.constant dense<0x7F800000> : vector<256xf32>
    %reduce_min3A_107 = vector.multi_reduction <minimumf>, %select_n3A_105, %reduce_min3A_106 [1] : vector<256x5120xf32> to vector<256xf32>
    %broadcast_in_dim3A_108 = vector.shape_cast %reduce_min3A_107 : vector<256xf32> to vector<256x1xf32>
    %eq3A_109 = vector.broadcast %broadcast_in_dim3A_108 : vector<256x1xf32> to vector<256x5120xf32>
    %eq3A_110 = arith.cmpf oeq, %convert_element_type3A_17, %eq3A_109 : vector<256x5120xf32>
    %jit3A_111 = arith.constant 0xFF800000 : f32
    %broadcast_in_dim3A_112 = vector.broadcast %jit3A_111 : f32 to vector<256x5120xf32>
    %select_n3A_113 = arith.select %eq3A_110, %broadcast_in_dim3A_112, %select_n3A_97 : vector<256x5120xi1>, vector<256x5120xf32>
    %reduce_max3A_114 = arith.constant dense<0xFF800000> : vector<256xf32>
    %reduce_max3A_115 = vector.multi_reduction <maximumf>, %select_n3A_113, %reduce_max3A_114 [1] : vector<256x5120xf32> to vector<256xf32>
    %broadcast_in_dim3A_116 = vector.shape_cast %reduce_max3A_115 : vector<256xf32> to vector<256x1xf32>
    %eq3A_117 = vector.broadcast %broadcast_in_dim3A_116 : vector<256x1xf32> to vector<256x5120xf32>
    %eq3A_118 = arith.cmpf oeq, %select_n3A_113, %eq3A_117 : vector<256x5120xf32>
    %jit3A_119 = arith.constant 3.000000e+38 : f32
    %broadcast_in_dim3A_120 = vector.broadcast %jit3A_119 : f32 to vector<256x5120xf32>
    %select_n3A_121 = arith.select %eq3A_118, %convert_element_type3A_17, %broadcast_in_dim3A_120 : vector<256x5120xi1>, vector<256x5120xf32>
    %reduce_min3A_122 = arith.constant dense<0x7F800000> : vector<256xf32>
    %reduce_min3A_123 = vector.multi_reduction <minimumf>, %select_n3A_121, %reduce_min3A_122 [1] : vector<256x5120xf32> to vector<256xf32>
    %broadcast_in_dim3A_124 = vector.shape_cast %reduce_min3A_123 : vector<256xf32> to vector<256x1xf32>
    %eq3A_125 = vector.broadcast %broadcast_in_dim3A_124 : vector<256x1xf32> to vector<256x5120xf32>
    %eq3A_126 = arith.cmpf oeq, %convert_element_type3A_17, %eq3A_125 : vector<256x5120xf32>
    %jit3A_127 = arith.constant 0xFF800000 : f32
    %broadcast_in_dim3A_128 = vector.broadcast %jit3A_127 : f32 to vector<256x5120xf32>
    %select_n3A_129 = arith.select %eq3A_126, %broadcast_in_dim3A_128, %select_n3A_113 : vector<256x5120xi1>, vector<256x5120xf32>
    %reduce_max3A_130 = arith.constant dense<0xFF800000> : vector<256xf32>
    %reduce_max3A_131 = vector.multi_reduction <maximumf>, %select_n3A_129, %reduce_max3A_130 [1] : vector<256x5120xf32> to vector<256xf32>
    %broadcast_in_dim3A_132 = vector.shape_cast %reduce_max3A_131 : vector<256xf32> to vector<256x1xf32>
    %eq3A_133 = vector.broadcast %broadcast_in_dim3A_132 : vector<256x1xf32> to vector<256x5120xf32>
    %eq3A_134 = arith.cmpf oeq, %select_n3A_129, %eq3A_133 : vector<256x5120xf32>
    %jit3A_135 = arith.constant 3.000000e+38 : f32
    %broadcast_in_dim3A_136 = vector.broadcast %jit3A_135 : f32 to vector<256x5120xf32>
    %select_n3A_137 = arith.select %eq3A_134, %convert_element_type3A_17, %broadcast_in_dim3A_136 : vector<256x5120xi1>, vector<256x5120xf32>
    %reduce_min3A_138 = arith.constant dense<0x7F800000> : vector<256xf32>
    %reduce_min3A_139 = vector.multi_reduction <minimumf>, %select_n3A_137, %reduce_min3A_138 [1] : vector<256x5120xf32> to vector<256xf32>
    %broadcast_in_dim3A_140 = vector.shape_cast %reduce_min3A_139 : vector<256xf32> to vector<256x1xf32>
    %eq3A_141 = vector.broadcast %broadcast_in_dim3A_140 : vector<256x1xf32> to vector<256x5120xf32>
    %eq3A_142 = arith.cmpf oeq, %convert_element_type3A_17, %eq3A_141 : vector<256x5120xf32>
    %jit3A_143 = arith.constant 0xFF800000 : f32
    %broadcast_in_dim3A_144 = vector.broadcast %jit3A_143 : f32 to vector<256x5120xf32>
    %select_n3A_145 = arith.select %eq3A_142, %broadcast_in_dim3A_144, %select_n3A_129 : vector<256x5120xi1>, vector<256x5120xf32>
    %reduce_max3A_146 = arith.constant dense<0xFF800000> : vector<256xf32>
    %reduce_max3A_147 = vector.multi_reduction <maximumf>, %select_n3A_145, %reduce_max3A_146 [1] : vector<256x5120xf32> to vector<256xf32>
    %broadcast_in_dim3A_148 = vector.shape_cast %reduce_max3A_147 : vector<256xf32> to vector<256x1xf32>
    %eq3A_149 = vector.broadcast %broadcast_in_dim3A_148 : vector<256x1xf32> to vector<256x5120xf32>
    %eq3A_150 = arith.cmpf oeq, %select_n3A_145, %eq3A_149 : vector<256x5120xf32>
    %jit3A_151 = arith.constant 3.000000e+38 : f32
    %broadcast_in_dim3A_152 = vector.broadcast %jit3A_151 : f32 to vector<256x5120xf32>
    %select_n3A_153 = arith.select %eq3A_150, %convert_element_type3A_17, %broadcast_in_dim3A_152 : vector<256x5120xi1>, vector<256x5120xf32>
    %reduce_min3A_154 = arith.constant dense<0x7F800000> : vector<256xf32>
    %reduce_min3A_155 = vector.multi_reduction <minimumf>, %select_n3A_153, %reduce_min3A_154 [1] : vector<256x5120xf32> to vector<256xf32>
    %broadcast_in_dim3A_156 = vector.shape_cast %reduce_min3A_155 : vector<256xf32> to vector<256x1xf32>
    %eq3A_157 = vector.broadcast %broadcast_in_dim3A_156 : vector<256x1xf32> to vector<256x5120xf32>
    %eq3A_158 = arith.cmpf oeq, %convert_element_type3A_17, %eq3A_157 : vector<256x5120xf32>
    %jit3A_159 = arith.constant 0xFF800000 : f32
    %broadcast_in_dim3A_160 = vector.broadcast %jit3A_159 : f32 to vector<256x5120xf32>
    %select_n3A_161 = arith.select %eq3A_158, %broadcast_in_dim3A_160, %select_n3A_145 : vector<256x5120xi1>, vector<256x5120xf32>
    %reduce_max3A_162 = arith.constant dense<0xFF800000> : vector<256xf32>
    %reduce_max3A_163 = vector.multi_reduction <maximumf>, %select_n3A_161, %reduce_max3A_162 [1] : vector<256x5120xf32> to vector<256xf32>
    %broadcast_in_dim3A_164 = vector.shape_cast %reduce_max3A_163 : vector<256xf32> to vector<256x1xf32>
    %eq3A_165 = vector.broadcast %broadcast_in_dim3A_164 : vector<256x1xf32> to vector<256x5120xf32>
    %eq3A_166 = arith.cmpf oeq, %select_n3A_161, %eq3A_165 : vector<256x5120xf32>
    %jit3A_167 = arith.constant 3.000000e+38 : f32
    %broadcast_in_dim3A_168 = vector.broadcast %jit3A_167 : f32 to vector<256x5120xf32>
    %select_n3A_169 = arith.select %eq3A_166, %convert_element_type3A_17, %broadcast_in_dim3A_168 : vector<256x5120xi1>, vector<256x5120xf32>
    %reduce_min3A_170 = arith.constant dense<0x7F800000> : vector<256xf32>
    %reduce_min3A_171 = vector.multi_reduction <minimumf>, %select_n3A_169, %reduce_min3A_170 [1] : vector<256x5120xf32> to vector<256xf32>
    %broadcast_in_dim3A_172 = vector.shape_cast %reduce_min3A_171 : vector<256xf32> to vector<256x1xf32>
    %eq3A_173 = vector.broadcast %broadcast_in_dim3A_172 : vector<256x1xf32> to vector<256x5120xf32>
    %eq3A_174 = arith.cmpf oeq, %convert_element_type3A_17, %eq3A_173 : vector<256x5120xf32>
    %jit3A_175 = arith.constant 0xFF800000 : f32
    %broadcast_in_dim3A_176 = vector.broadcast %jit3A_175 : f32 to vector<256x5120xf32>
    %select_n3A_177 = arith.select %eq3A_174, %broadcast_in_dim3A_176, %select_n3A_161 : vector<256x5120xi1>, vector<256x5120xf32>
    %reduce_max3A_178 = arith.constant dense<0xFF800000> : vector<256xf32>
    %reduce_max3A_179 = vector.multi_reduction <maximumf>, %select_n3A_177, %reduce_max3A_178 [1] : vector<256x5120xf32> to vector<256xf32>
    %broadcast_in_dim3A_180 = vector.shape_cast %reduce_max3A_179 : vector<256xf32> to vector<256x1xf32>
    %eq3A_181 = vector.broadcast %broadcast_in_dim3A_180 : vector<256x1xf32> to vector<256x5120xf32>
    %eq3A_182 = arith.cmpf oeq, %select_n3A_177, %eq3A_181 : vector<256x5120xf32>
    %jit3A_183 = arith.constant 3.000000e+38 : f32
    %broadcast_in_dim3A_184 = vector.broadcast %jit3A_183 : f32 to vector<256x5120xf32>
    %select_n3A_185 = arith.select %eq3A_182, %convert_element_type3A_17, %broadcast_in_dim3A_184 : vector<256x5120xi1>, vector<256x5120xf32>
    %reduce_min3A_186 = arith.constant dense<0x7F800000> : vector<256xf32>
    %reduce_min3A_187 = vector.multi_reduction <minimumf>, %select_n3A_185, %reduce_min3A_186 [1] : vector<256x5120xf32> to vector<256xf32>
    %broadcast_in_dim3A_188 = vector.shape_cast %reduce_min3A_187 : vector<256xf32> to vector<256x1xf32>
    %eq3A_189 = vector.broadcast %broadcast_in_dim3A_188 : vector<256x1xf32> to vector<256x5120xf32>
    %eq3A_190 = arith.cmpf oeq, %convert_element_type3A_17, %eq3A_189 : vector<256x5120xf32>
    %jit3A_191 = arith.constant 0xFF800000 : f32
    %broadcast_in_dim3A_192 = vector.broadcast %jit3A_191 : f32 to vector<256x5120xf32>
    %select_n3A_193 = arith.select %eq3A_190, %broadcast_in_dim3A_192, %select_n3A_177 : vector<256x5120xi1>, vector<256x5120xf32>
    %reduce_max3A_194 = arith.constant dense<0xFF800000> : vector<256xf32>
    %reduce_max3A_195 = vector.multi_reduction <maximumf>, %select_n3A_193, %reduce_max3A_194 [1] : vector<256x5120xf32> to vector<256xf32>
    %broadcast_in_dim3A_196 = vector.shape_cast %reduce_max3A_195 : vector<256xf32> to vector<256x1xf32>
    %eq3A_197 = vector.broadcast %broadcast_in_dim3A_196 : vector<256x1xf32> to vector<256x5120xf32>
    %eq3A_198 = arith.cmpf oeq, %select_n3A_193, %eq3A_197 : vector<256x5120xf32>
    %jit3A_199 = arith.constant 3.000000e+38 : f32
    %broadcast_in_dim3A_200 = vector.broadcast %jit3A_199 : f32 to vector<256x5120xf32>
    %select_n3A_201 = arith.select %eq3A_198, %convert_element_type3A_17, %broadcast_in_dim3A_200 : vector<256x5120xi1>, vector<256x5120xf32>
    %reduce_min3A_202 = arith.constant dense<0x7F800000> : vector<256xf32>
    %reduce_min3A_203 = vector.multi_reduction <minimumf>, %select_n3A_201, %reduce_min3A_202 [1] : vector<256x5120xf32> to vector<256xf32>
    %broadcast_in_dim3A_204 = vector.shape_cast %reduce_min3A_203 : vector<256xf32> to vector<256x1xf32>
    %eq3A_205 = vector.broadcast %broadcast_in_dim3A_204 : vector<256x1xf32> to vector<256x5120xf32>
    %eq3A_206 = arith.cmpf oeq, %convert_element_type3A_17, %eq3A_205 : vector<256x5120xf32>
    %jit3A_207 = arith.constant 0xFF800000 : f32
    %broadcast_in_dim3A_208 = vector.broadcast %jit3A_207 : f32 to vector<256x5120xf32>
    %select_n3A_209 = arith.select %eq3A_206, %broadcast_in_dim3A_208, %select_n3A_193 : vector<256x5120xi1>, vector<256x5120xf32>
    %reduce_max3A_210 = arith.constant dense<0xFF800000> : vector<256xf32>
    %reduce_max3A_211 = vector.multi_reduction <maximumf>, %select_n3A_209, %reduce_max3A_210 [1] : vector<256x5120xf32> to vector<256xf32>
    %broadcast_in_dim3A_212 = vector.shape_cast %reduce_max3A_211 : vector<256xf32> to vector<256x1xf32>
    %eq3A_213 = vector.broadcast %broadcast_in_dim3A_212 : vector<256x1xf32> to vector<256x5120xf32>
    %eq3A_214 = arith.cmpf oeq, %select_n3A_209, %eq3A_213 : vector<256x5120xf32>
    %jit3A_215 = arith.constant 3.000000e+38 : f32
    %broadcast_in_dim3A_216 = vector.broadcast %jit3A_215 : f32 to vector<256x5120xf32>
    %select_n3A_217 = arith.select %eq3A_214, %convert_element_type3A_17, %broadcast_in_dim3A_216 : vector<256x5120xi1>, vector<256x5120xf32>
    %reduce_min3A_218 = arith.constant dense<0x7F800000> : vector<256xf32>
    %reduce_min3A_219 = vector.multi_reduction <minimumf>, %select_n3A_217, %reduce_min3A_218 [1] : vector<256x5120xf32> to vector<256xf32>
    %broadcast_in_dim3A_220 = vector.shape_cast %reduce_min3A_219 : vector<256xf32> to vector<256x1xf32>
    %eq3A_221 = vector.broadcast %broadcast_in_dim3A_220 : vector<256x1xf32> to vector<256x5120xf32>
    %eq3A_222 = arith.cmpf oeq, %convert_element_type3A_17, %eq3A_221 : vector<256x5120xf32>
    %jit3A_223 = arith.constant 0xFF800000 : f32
    %broadcast_in_dim3A_224 = vector.broadcast %jit3A_223 : f32 to vector<256x5120xf32>
    %select_n3A_225 = arith.select %eq3A_222, %broadcast_in_dim3A_224, %select_n3A_209 : vector<256x5120xi1>, vector<256x5120xf32>
    %reduce_max3A_226 = arith.constant dense<0xFF800000> : vector<256xf32>
    %reduce_max3A_227 = vector.multi_reduction <maximumf>, %select_n3A_225, %reduce_max3A_226 [1] : vector<256x5120xf32> to vector<256xf32>
    %broadcast_in_dim3A_228 = vector.shape_cast %reduce_max3A_227 : vector<256xf32> to vector<256x1xf32>
    %eq3A_229 = vector.broadcast %broadcast_in_dim3A_228 : vector<256x1xf32> to vector<256x5120xf32>
    %eq3A_230 = arith.cmpf oeq, %select_n3A_225, %eq3A_229 : vector<256x5120xf32>
    %jit3A_231 = arith.constant 3.000000e+38 : f32
    %broadcast_in_dim3A_232 = vector.broadcast %jit3A_231 : f32 to vector<256x5120xf32>
    %select_n3A_233 = arith.select %eq3A_230, %convert_element_type3A_17, %broadcast_in_dim3A_232 : vector<256x5120xi1>, vector<256x5120xf32>
    %reduce_min3A_234 = arith.constant dense<0x7F800000> : vector<256xf32>
    %reduce_min3A_235 = vector.multi_reduction <minimumf>, %select_n3A_233, %reduce_min3A_234 [1] : vector<256x5120xf32> to vector<256xf32>
    %broadcast_in_dim3A_236 = vector.shape_cast %reduce_min3A_235 : vector<256xf32> to vector<256x1xf32>
    %eq3A_237 = vector.broadcast %broadcast_in_dim3A_236 : vector<256x1xf32> to vector<256x5120xf32>
    %eq3A_238 = arith.cmpf oeq, %convert_element_type3A_17, %eq3A_237 : vector<256x5120xf32>
    %jit3A_239 = arith.constant 0xFF800000 : f32
    %broadcast_in_dim3A_240 = vector.broadcast %jit3A_239 : f32 to vector<256x5120xf32>
    %select_n3A_241 = arith.select %eq3A_238, %broadcast_in_dim3A_240, %select_n3A_225 : vector<256x5120xi1>, vector<256x5120xf32>
    %reduce_max3A_242 = arith.constant dense<0xFF800000> : vector<256xf32>
    %reduce_max3A_243 = vector.multi_reduction <maximumf>, %select_n3A_241, %reduce_max3A_242 [1] : vector<256x5120xf32> to vector<256xf32>
    %broadcast_in_dim3A_244 = vector.shape_cast %reduce_max3A_243 : vector<256xf32> to vector<256x1xf32>
    %eq3A_245 = vector.broadcast %broadcast_in_dim3A_244 : vector<256x1xf32> to vector<256x5120xf32>
    %eq3A_246 = arith.cmpf oeq, %select_n3A_241, %eq3A_245 : vector<256x5120xf32>
    %jit3A_247 = arith.constant 3.000000e+38 : f32
    %broadcast_in_dim3A_248 = vector.broadcast %jit3A_247 : f32 to vector<256x5120xf32>
    %select_n3A_249 = arith.select %eq3A_246, %convert_element_type3A_17, %broadcast_in_dim3A_248 : vector<256x5120xi1>, vector<256x5120xf32>
    %reduce_min3A_250 = arith.constant dense<0x7F800000> : vector<256xf32>
    %reduce_min3A_251 = vector.multi_reduction <minimumf>, %select_n3A_249, %reduce_min3A_250 [1] : vector<256x5120xf32> to vector<256xf32>
    %broadcast_in_dim3A_252 = vector.shape_cast %reduce_min3A_251 : vector<256xf32> to vector<256x1xf32>
    %eq3A_253 = vector.broadcast %broadcast_in_dim3A_252 : vector<256x1xf32> to vector<256x5120xf32>
    %eq3A_254 = arith.cmpf oeq, %convert_element_type3A_17, %eq3A_253 : vector<256x5120xf32>
    %jit3A_255 = arith.constant 0xFF800000 : f32
    %broadcast_in_dim3A_256 = vector.broadcast %jit3A_255 : f32 to vector<256x5120xf32>
    %select_n3A_257 = arith.select %eq3A_254, %broadcast_in_dim3A_256, %select_n3A_241 : vector<256x5120xi1>, vector<256x5120xf32>
    %reduce_max3A_258 = arith.constant dense<0xFF800000> : vector<256xf32>
    %reduce_max3A_259 = vector.multi_reduction <maximumf>, %select_n3A_257, %reduce_max3A_258 [1] : vector<256x5120xf32> to vector<256xf32>
    %broadcast_in_dim3A_260 = vector.shape_cast %reduce_max3A_259 : vector<256xf32> to vector<256x1xf32>
    %eq3A_261 = vector.broadcast %broadcast_in_dim3A_260 : vector<256x1xf32> to vector<256x5120xf32>
    %eq3A_262 = arith.cmpf oeq, %select_n3A_257, %eq3A_261 : vector<256x5120xf32>
    %jit3A_263 = arith.constant 3.000000e+38 : f32
    %broadcast_in_dim3A_264 = vector.broadcast %jit3A_263 : f32 to vector<256x5120xf32>
    %select_n3A_265 = arith.select %eq3A_262, %convert_element_type3A_17, %broadcast_in_dim3A_264 : vector<256x5120xi1>, vector<256x5120xf32>
    %reduce_min3A_266 = arith.constant dense<0x7F800000> : vector<256xf32>
    %reduce_min3A_267 = vector.multi_reduction <minimumf>, %select_n3A_265, %reduce_min3A_266 [1] : vector<256x5120xf32> to vector<256xf32>
    %broadcast_in_dim3A_268 = vector.shape_cast %reduce_min3A_267 : vector<256xf32> to vector<256x1xf32>
    %eq3A_269 = vector.broadcast %broadcast_in_dim3A_268 : vector<256x1xf32> to vector<256x5120xf32>
    %eq3A_270 = arith.cmpf oeq, %convert_element_type3A_17, %eq3A_269 : vector<256x5120xf32>
    %jit3A_271 = arith.constant 0xFF800000 : f32
    %broadcast_in_dim3A_272 = vector.broadcast %jit3A_271 : f32 to vector<256x5120xf32>
    %select_n3A_273 = arith.select %eq3A_270, %broadcast_in_dim3A_272, %select_n3A_257 : vector<256x5120xi1>, vector<256x5120xf32>
    %reduce_max3A_274 = arith.constant dense<0xFF800000> : vector<256xf32>
    %reduce_max3A_275 = vector.multi_reduction <maximumf>, %select_n3A_273, %reduce_max3A_274 [1] : vector<256x5120xf32> to vector<256xf32>
    %broadcast_in_dim3A_276 = vector.shape_cast %reduce_max3A_275 : vector<256xf32> to vector<256x1xf32>
    %eq3A_277 = vector.broadcast %broadcast_in_dim3A_276 : vector<256x1xf32> to vector<256x5120xf32>
    %eq3A_278 = arith.cmpf oeq, %select_n3A_273, %eq3A_277 : vector<256x5120xf32>
    %jit3A_279 = arith.constant 3.000000e+38 : f32
    %broadcast_in_dim3A_280 = vector.broadcast %jit3A_279 : f32 to vector<256x5120xf32>
    %select_n3A_281 = arith.select %eq3A_278, %convert_element_type3A_17, %broadcast_in_dim3A_280 : vector<256x5120xi1>, vector<256x5120xf32>
    %reduce_min3A_282 = arith.constant dense<0x7F800000> : vector<256xf32>
    %reduce_min3A_283 = vector.multi_reduction <minimumf>, %select_n3A_281, %reduce_min3A_282 [1] : vector<256x5120xf32> to vector<256xf32>
    %broadcast_in_dim3A_284 = vector.shape_cast %reduce_min3A_283 : vector<256xf32> to vector<256x1xf32>
    %eq3A_285 = vector.broadcast %broadcast_in_dim3A_284 : vector<256x1xf32> to vector<256x5120xf32>
    %eq3A_286 = arith.cmpf oeq, %convert_element_type3A_17, %eq3A_285 : vector<256x5120xf32>
    %jit3A_287 = arith.constant 0xFF800000 : f32
    %broadcast_in_dim3A_288 = vector.broadcast %jit3A_287 : f32 to vector<256x5120xf32>
    %select_n3A_289 = arith.select %eq3A_286, %broadcast_in_dim3A_288, %select_n3A_273 : vector<256x5120xi1>, vector<256x5120xf32>
    %reduce_max3A_290 = arith.constant dense<0xFF800000> : vector<256xf32>
    %reduce_max3A_291 = vector.multi_reduction <maximumf>, %select_n3A_289, %reduce_max3A_290 [1] : vector<256x5120xf32> to vector<256xf32>
    %broadcast_in_dim3A_292 = vector.shape_cast %reduce_max3A_291 : vector<256xf32> to vector<256x1xf32>
    %eq3A_293 = vector.broadcast %broadcast_in_dim3A_292 : vector<256x1xf32> to vector<256x5120xf32>
    %eq3A_294 = arith.cmpf oeq, %select_n3A_289, %eq3A_293 : vector<256x5120xf32>
    %jit3A_295 = arith.constant 3.000000e+38 : f32
    %broadcast_in_dim3A_296 = vector.broadcast %jit3A_295 : f32 to vector<256x5120xf32>
    %select_n3A_297 = arith.select %eq3A_294, %convert_element_type3A_17, %broadcast_in_dim3A_296 : vector<256x5120xi1>, vector<256x5120xf32>
    %reduce_min3A_298 = arith.constant dense<0x7F800000> : vector<256xf32>
    %reduce_min3A_299 = vector.multi_reduction <minimumf>, %select_n3A_297, %reduce_min3A_298 [1] : vector<256x5120xf32> to vector<256xf32>
    %broadcast_in_dim3A_300 = vector.shape_cast %reduce_min3A_299 : vector<256xf32> to vector<256x1xf32>
    %eq3A_301 = vector.broadcast %broadcast_in_dim3A_300 : vector<256x1xf32> to vector<256x5120xf32>
    %eq3A_302 = arith.cmpf oeq, %convert_element_type3A_17, %eq3A_301 : vector<256x5120xf32>
    %jit3A_303 = arith.constant 0xFF800000 : f32
    %broadcast_in_dim3A_304 = vector.broadcast %jit3A_303 : f32 to vector<256x5120xf32>
    %select_n3A_305 = arith.select %eq3A_302, %broadcast_in_dim3A_304, %select_n3A_289 : vector<256x5120xi1>, vector<256x5120xf32>
    %reduce_max3A_306 = arith.constant dense<0xFF800000> : vector<256xf32>
    %reduce_max3A_307 = vector.multi_reduction <maximumf>, %select_n3A_305, %reduce_max3A_306 [1] : vector<256x5120xf32> to vector<256xf32>
    %broadcast_in_dim3A_308 = vector.shape_cast %reduce_max3A_307 : vector<256xf32> to vector<256x1xf32>
    %eq3A_309 = vector.broadcast %broadcast_in_dim3A_308 : vector<256x1xf32> to vector<256x5120xf32>
    %eq3A_310 = arith.cmpf oeq, %select_n3A_305, %eq3A_309 : vector<256x5120xf32>
    %jit3A_311 = arith.constant 3.000000e+38 : f32
    %broadcast_in_dim3A_312 = vector.broadcast %jit3A_311 : f32 to vector<256x5120xf32>
    %select_n3A_313 = arith.select %eq3A_310, %convert_element_type3A_17, %broadcast_in_dim3A_312 : vector<256x5120xi1>, vector<256x5120xf32>
    %reduce_min3A_314 = arith.constant dense<0x7F800000> : vector<256xf32>
    %reduce_min3A_315 = vector.multi_reduction <minimumf>, %select_n3A_313, %reduce_min3A_314 [1] : vector<256x5120xf32> to vector<256xf32>
    %broadcast_in_dim3A_316 = vector.shape_cast %reduce_min3A_315 : vector<256xf32> to vector<256x1xf32>
    %eq3A_317 = vector.broadcast %broadcast_in_dim3A_316 : vector<256x1xf32> to vector<256x5120xf32>
    %eq3A_318 = arith.cmpf oeq, %convert_element_type3A_17, %eq3A_317 : vector<256x5120xf32>
    %jit3A_319 = arith.constant 0xFF800000 : f32
    %broadcast_in_dim3A_320 = vector.broadcast %jit3A_319 : f32 to vector<256x5120xf32>
    %select_n3A_321 = arith.select %eq3A_318, %broadcast_in_dim3A_320, %select_n3A_305 : vector<256x5120xi1>, vector<256x5120xf32>
    %reduce_max3A_322 = arith.constant dense<0xFF800000> : vector<256xf32>
    %reduce_max3A_323 = vector.multi_reduction <maximumf>, %select_n3A_321, %reduce_max3A_322 [1] : vector<256x5120xf32> to vector<256xf32>
    %broadcast_in_dim3A_324 = vector.shape_cast %reduce_max3A_323 : vector<256xf32> to vector<256x1xf32>
    %eq3A_325 = vector.broadcast %broadcast_in_dim3A_324 : vector<256x1xf32> to vector<256x5120xf32>
    %eq3A_326 = arith.cmpf oeq, %select_n3A_321, %eq3A_325 : vector<256x5120xf32>
    %jit3A_327 = arith.constant 3.000000e+38 : f32
    %broadcast_in_dim3A_328 = vector.broadcast %jit3A_327 : f32 to vector<256x5120xf32>
    %select_n3A_329 = arith.select %eq3A_326, %convert_element_type3A_17, %broadcast_in_dim3A_328 : vector<256x5120xi1>, vector<256x5120xf32>
    %reduce_min3A_330 = arith.constant dense<0x7F800000> : vector<256xf32>
    %reduce_min3A_331 = vector.multi_reduction <minimumf>, %select_n3A_329, %reduce_min3A_330 [1] : vector<256x5120xf32> to vector<256xf32>
    %broadcast_in_dim3A_332 = vector.shape_cast %reduce_min3A_331 : vector<256xf32> to vector<256x1xf32>
    %concatenate3A = tpu.concatenate %broadcast_in_dim3A_28, %broadcast_in_dim3A_44, %broadcast_in_dim3A_60, %broadcast_in_dim3A_76, %broadcast_in_dim3A_92, %broadcast_in_dim3A_108, %broadcast_in_dim3A_124, %broadcast_in_dim3A_140, %broadcast_in_dim3A_156, %broadcast_in_dim3A_172, %broadcast_in_dim3A_188, %broadcast_in_dim3A_204, %broadcast_in_dim3A_220, %broadcast_in_dim3A_236, %broadcast_in_dim3A_252, %broadcast_in_dim3A_268, %broadcast_in_dim3A_284, %broadcast_in_dim3A_300, %broadcast_in_dim3A_316, %broadcast_in_dim3A_332 in 1 : vector<256x1xf32>, vector<256x1xf32>, vector<256x1xf32>, vector<256x1xf32>, vector<256x1xf32>, vector<256x1xf32>, vector<256x1xf32>, vector<256x1xf32>, vector<256x1xf32>, vector<256x1xf32>, vector<256x1xf32>, vector<256x1xf32>, vector<256x1xf32>, vector<256x1xf32>, vector<256x1xf32>, vector<256x1xf32>, vector<256x1xf32>, vector<256x1xf32>, vector<256x1xf32>, vector<256x1xf32> -> vector<256x20xf32>
    %convert_element_type3A_333 = arith.fptosi %concatenate3A : vector<256x20xf32> to vector<256x20xi32>
    %swap3A = arith.constant 0 : index
    %swap3A_334 = arith.constant 0 : index
    %swap3A_335 = vector.load %arg3[%swap3A, %swap3A_334] : memref<256x20xi32, #tpu.memory_space<vmem>>, vector<256x20xi32>
    tpu.vector_store %arg3[%swap3A, %swap3A_334], %convert_element_type3A_333 {strides = array<i32>} : memref<256x20xi32, #tpu.memory_space<vmem>>, vector<256x20xi32>,
    return
  }
  func.func @transform_0(%arg0: i32) -> (i32, i32) {
    %add3A = arith.constant 0 : i32
    %add3A_0 = arith.addi %arg0, %add3A : i32
    %c0_i32 = arith.constant 0 : i32
    %c0_i32_1 = arith.constant 0 : i32
    return %add3A_0, %c0_i32 : i32, i32
  }
  func.func @transform_1(%arg0: i32) -> (i32, i32) {
    %c0_i32 = arith.constant 0 : i32
    %c0_i32_0 = arith.constant 0 : i32
    %c0_i32_1 = arith.constant 0 : i32
    return %c0_i32, %c0_i32_0 : i32, i32
  }
  func.func @transform_2(%arg0: i32) -> (i32, i32) {
    %c0_i32 = arith.constant 0 : i32
    %c0_i32_0 = arith.constant 0 : i32
    return %arg0, %c0_i32 : i32, i32
  }
}

module attributes {stable_mosaic.version = 14 : i64} {
  func.func @_knn_body(%arg0: i32, %arg1: memref<256x128xf32, #tpu.memory_space<vmem>>, %arg2: memref<5120x128xf32, #tpu.memory_space<vmem>>, %arg3: memref<256x20xi32, #tpu.memory_space<vmem>>) attributes {dimension_semantics = [#tpu.dimension_semantics<arbitrary>], iteration_bounds = array<i64: 10>, scalar_prefetch = 0 : i64, scratch_operands = 0 : i64, tpu.core_type = #tpu.core_type<tc>, window_params = [{transform_indices = @transform_0, window_bounds = array<i64: 256, 128>}, {pipeline_mode = #tpu.pipeline_mode<synchronous>, transform_indices = @transform_1, window_bounds = array<i64: 5120, 128>}, {transform_indices = @transform_2, window_bounds = array<i64: 256, 20>}]} {
    %get3A = arith.constant 0 : index
    %get3A_0 = arith.constant 0 : index
    %get3A_1 = vector.load %arg1[%get3A, %get3A_0] : memref<256x128xf32, #tpu.memory_space<vmem>>, vector<256x128xf32>
    %get3A_2 = arith.constant 0 : index
    %get3A_3 = arith.constant 0 : index
    %get3A_4 = vector.load %arg2[%get3A_2, %get3A_3] : memref<5120x128xf32, #tpu.memory_space<vmem>>, vector<5120x128xf32>
    %convert_element_type3A = arith.truncf %get3A_1 : vector<256x128xf32> to vector<256x128xbf16>
    %convert_element_type3A_5 = arith.truncf %get3A_4 : vector<5120x128xf32> to vector<5120x128xbf16>
    %dot_general3A = arith.constant dense<0.000000e+00> : vector<256x5120xf32>
    %dot_general3A_6 = tpu.matmul %convert_element_type3A, %convert_element_type3A_5, %dot_general3A {dimension_numbers = #tpu.dot_dimension_numbers<[1], [1], [0], [0], [0, 0, 1, 0], [], []>, transpose_lhs_hint = false} : vector<256x128xbf16>, vector<5120x128xbf16>, vector<256x5120xf32> -> vector<256x5120xf32>
    %mul3A = arith.mulf %get3A_1, %get3A_1 : vector<256x128xf32>
    %reduce_sum3A = arith.constant dense<0.000000e+00> : vector<256xf32>
    %reduce_sum3A_7 = vector.multi_reduction <add>, %mul3A, %reduce_sum3A [1] : vector<256x128xf32> to vector<256xf32>
    %mul3A_8 = arith.mulf %get3A_4, %get3A_4 : vector<5120x128xf32>
    %reduce_sum3A_9 = arith.constant dense<0.000000e+00> : vector<5120xf32>
    %reduce_sum3A_10 = vector.multi_reduction <add>, %mul3A_8, %reduce_sum3A_9 [1] : vector<5120x128xf32> to vector<5120xf32>
    %mul3A_11 = arith.constant 2.000000e+00 : f32
    %mul3A_12 = vector.broadcast %mul3A_11 : f32 to vector<256x5120xf32>
    %mul3A_13 = arith.mulf %mul3A_12, %dot_general3A_6 : vector<256x5120xf32>
    %broadcast_in_dim3A = vector.shape_cast %reduce_sum3A_7 : vector<256xf32> to vector<256x1xf32>
    %broadcast_in_dim3A_14 = vector.shape_cast %reduce_sum3A_10 : vector<5120xf32> to vector<1x5120xf32>
    %add3A = vector.broadcast %broadcast_in_dim3A : vector<256x1xf32> to vector<256x5120xf32>
    %add3A_15 = vector.broadcast %broadcast_in_dim3A_14 : vector<1x5120xf32> to vector<256x5120xf32>
    %add3A_16 = arith.addf %add3A, %add3A_15 : vector<256x5120xf32>
    %sub3A = arith.subf %mul3A_13, %add3A_16 : vector<256x5120xf32>
    %iota3A = tpu.iota {dimensions = array<i32: 1>} : vector<256x5120xi32>
    %convert_element_type3A_17 = arith.sitofp %iota3A : vector<256x5120xi32> to vector<256x5120xf32>
    %lt3A = arith.constant 5.000000e+03 : f32
    %lt3A_18 = vector.broadcast %lt3A : f32 to vector<256x5120xf32>
    %lt3A_19 = arith.cmpf olt, %convert_element_type3A_17, %lt3A_18 : vector<256x5120xf32>
    %jit3A = arith.constant 0xFF800000 : f32
    %broadcast_in_dim3A_20 = vector.broadcast %jit3A : f32 to vector<256x5120xf32>
    %select_n3A = arith.select %lt3A_19, %sub3A, %broadcast_in_dim3A_20 : vector<256x5120xi1>, vector<256x5120xf32>
    %reduce_max3A = arith.constant dense<0xFF800000> : vector<256xf32>
    %reduce_max3A_21 = vector.multi_reduction <maximumf>, %select_n3A, %reduce_max3A [1] : vector<256x5120xf32> to vector<256xf32>
    %broadcast_in_dim3A_22 = vector.shape_cast %reduce_max3A_21 : vector<256xf32> to vector<256x1xf32>
    %eq3A = vector.broadcast %broadcast_in_dim3A_22 : vector<256x1xf32> to vector<256x5120xf32>
    %eq3A_23 = arith.cmpf oeq, %select_n3A, %eq3A : vector<256x5120xf32>
    %jit3A_24 = arith.constant 3.000000e+38 : f32
    %broadcast_in_dim3A_25 = vector.broadcast %jit3A_24 : f32 to vector<256x5120xf32>
    %select_n3A_26 = arith.select %eq3A_23, %convert_element_type3A_17, %broadcast_in_dim3A_25 : vector<256x5120xi1>, vector<256x5120xf32>
    %reduce_min3A = arith.constant dense<0x7F800000> : vector<256xf32>
    %reduce_min3A_27 = vector.multi_reduction <minimumf>, %select_n3A_26, %reduce_min3A [1] : vector<256x5120xf32> to vector<256xf32>
    %broadcast_in_dim3A_28 = vector.shape_cast %reduce_min3A_27 : vector<256xf32> to vector<256x1xf32>
    %eq3A_29 = vector.broadcast %broadcast_in_dim3A_28 : vector<256x1xf32> to vector<256x5120xf32>
    %eq3A_30 = arith.cmpf oeq, %convert_element_type3A_17, %eq3A_29 : vector<256x5120xf32>
    %jit3A_31 = arith.constant 0xFF800000 : f32
    %broadcast_in_dim3A_32 = vector.broadcast %jit3A_31 : f32 to vector<256x5120xf32>
    %select_n3A_33 = arith.select %eq3A_30, %broadcast_in_dim3A_32, %select_n3A : vector<256x5120xi1>, vector<256x5120xf32>
    %reduce_max3A_34 = arith.constant dense<0xFF800000> : vector<256xf32>
    %reduce_max3A_35 = vector.multi_reduction <maximumf>, %select_n3A_33, %reduce_max3A_34 [1] : vector<256x5120xf32> to vector<256xf32>
    %broadcast_in_dim3A_36 = vector.shape_cast %reduce_max3A_35 : vector<256xf32> to vector<256x1xf32>
    %eq3A_37 = vector.broadcast %broadcast_in_dim3A_36 : vector<256x1xf32> to vector<256x5120xf32>
    %eq3A_38 = arith.cmpf oeq, %select_n3A_33, %eq3A_37 : vector<256x5120xf32>
    %jit3A_39 = arith.constant 3.000000e+38 : f32
    %broadcast_in_dim3A_40 = vector.broadcast %jit3A_39 : f32 to vector<256x5120xf32>
    %select_n3A_41 = arith.select %eq3A_38, %convert_element_type3A_17, %broadcast_in_dim3A_40 : vector<256x5120xi1>, vector<256x5120xf32>
    %reduce_min3A_42 = arith.constant dense<0x7F800000> : vector<256xf32>
    %reduce_min3A_43 = vector.multi_reduction <minimumf>, %select_n3A_41, %reduce_min3A_42 [1] : vector<256x5120xf32> to vector<256xf32>
    %broadcast_in_dim3A_44 = vector.shape_cast %reduce_min3A_43 : vector<256xf32> to vector<256x1xf32>
    %eq3A_45 = vector.broadcast %broadcast_in_dim3A_44 : vector<256x1xf32> to vector<256x5120xf32>
    %eq3A_46 = arith.cmpf oeq, %convert_element_type3A_17, %eq3A_45 : vector<256x5120xf32>
    %jit3A_47 = arith.constant 0xFF800000 : f32
    %broadcast_in_dim3A_48 = vector.broadcast %jit3A_47 : f32 to vector<256x5120xf32>
    %select_n3A_49 = arith.select %eq3A_46, %broadcast_in_dim3A_48, %select_n3A_33 : vector<256x5120xi1>, vector<256x5120xf32>
    %reduce_max3A_50 = arith.constant dense<0xFF800000> : vector<256xf32>
    %reduce_max3A_51 = vector.multi_reduction <maximumf>, %select_n3A_49, %reduce_max3A_50 [1] : vector<256x5120xf32> to vector<256xf32>
    %broadcast_in_dim3A_52 = vector.shape_cast %reduce_max3A_51 : vector<256xf32> to vector<256x1xf32>
    %eq3A_53 = vector.broadcast %broadcast_in_dim3A_52 : vector<256x1xf32> to vector<256x5120xf32>
    %eq3A_54 = arith.cmpf oeq, %select_n3A_49, %eq3A_53 : vector<256x5120xf32>
    %jit3A_55 = arith.constant 3.000000e+38 : f32
    %broadcast_in_dim3A_56 = vector.broadcast %jit3A_55 : f32 to vector<256x5120xf32>
    %select_n3A_57 = arith.select %eq3A_54, %convert_element_type3A_17, %broadcast_in_dim3A_56 : vector<256x5120xi1>, vector<256x5120xf32>
    %reduce_min3A_58 = arith.constant dense<0x7F800000> : vector<256xf32>
    %reduce_min3A_59 = vector.multi_reduction <minimumf>, %select_n3A_57, %reduce_min3A_58 [1] : vector<256x5120xf32> to vector<256xf32>
    %broadcast_in_dim3A_60 = vector.shape_cast %reduce_min3A_59 : vector<256xf32> to vector<256x1xf32>
    %eq3A_61 = vector.broadcast %broadcast_in_dim3A_60 : vector<256x1xf32> to vector<256x5120xf32>
    %eq3A_62 = arith.cmpf oeq, %convert_element_type3A_17, %eq3A_61 : vector<256x5120xf32>
    %jit3A_63 = arith.constant 0xFF800000 : f32
    %broadcast_in_dim3A_64 = vector.broadcast %jit3A_63 : f32 to vector<256x5120xf32>
    %select_n3A_65 = arith.select %eq3A_62, %broadcast_in_dim3A_64, %select_n3A_49 : vector<256x5120xi1>, vector<256x5120xf32>
    %reduce_max3A_66 = arith.constant dense<0xFF800000> : vector<256xf32>
    %reduce_max3A_67 = vector.multi_reduction <maximumf>, %select_n3A_65, %reduce_max3A_66 [1] : vector<256x5120xf32> to vector<256xf32>
    %broadcast_in_dim3A_68 = vector.shape_cast %reduce_max3A_67 : vector<256xf32> to vector<256x1xf32>
    %eq3A_69 = vector.broadcast %broadcast_in_dim3A_68 : vector<256x1xf32> to vector<256x5120xf32>
    %eq3A_70 = arith.cmpf oeq, %select_n3A_65, %eq3A_69 : vector<256x5120xf32>
    %jit3A_71 = arith.constant 3.000000e+38 : f32
    %broadcast_in_dim3A_72 = vector.broadcast %jit3A_71 : f32 to vector<256x5120xf32>
    %select_n3A_73 = arith.select %eq3A_70, %convert_element_type3A_17, %broadcast_in_dim3A_72 : vector<256x5120xi1>, vector<256x5120xf32>
    %reduce_min3A_74 = arith.constant dense<0x7F800000> : vector<256xf32>
    %reduce_min3A_75 = vector.multi_reduction <minimumf>, %select_n3A_73, %reduce_min3A_74 [1] : vector<256x5120xf32> to vector<256xf32>
    %broadcast_in_dim3A_76 = vector.shape_cast %reduce_min3A_75 : vector<256xf32> to vector<256x1xf32>
    %eq3A_77 = vector.broadcast %broadcast_in_dim3A_76 : vector<256x1xf32> to vector<256x5120xf32>
    %eq3A_78 = arith.cmpf oeq, %convert_element_type3A_17, %eq3A_77 : vector<256x5120xf32>
    %jit3A_79 = arith.constant 0xFF800000 : f32
    %broadcast_in_dim3A_80 = vector.broadcast %jit3A_79 : f32 to vector<256x5120xf32>
    %select_n3A_81 = arith.select %eq3A_78, %broadcast_in_dim3A_80, %select_n3A_65 : vector<256x5120xi1>, vector<256x5120xf32>
    %reduce_max3A_82 = arith.constant dense<0xFF800000> : vector<256xf32>
    %reduce_max3A_83 = vector.multi_reduction <maximumf>, %select_n3A_81, %reduce_max3A_82 [1] : vector<256x5120xf32> to vector<256xf32>
    %broadcast_in_dim3A_84 = vector.shape_cast %reduce_max3A_83 : vector<256xf32> to vector<256x1xf32>
    %eq3A_85 = vector.broadcast %broadcast_in_dim3A_84 : vector<256x1xf32> to vector<256x5120xf32>
    %eq3A_86 = arith.cmpf oeq, %select_n3A_81, %eq3A_85 : vector<256x5120xf32>
    %jit3A_87 = arith.constant 3.000000e+38 : f32
    %broadcast_in_dim3A_88 = vector.broadcast %jit3A_87 : f32 to vector<256x5120xf32>
    %select_n3A_89 = arith.select %eq3A_86, %convert_element_type3A_17, %broadcast_in_dim3A_88 : vector<256x5120xi1>, vector<256x5120xf32>
    %reduce_min3A_90 = arith.constant dense<0x7F800000> : vector<256xf32>
    %reduce_min3A_91 = vector.multi_reduction <minimumf>, %select_n3A_89, %reduce_min3A_90 [1] : vector<256x5120xf32> to vector<256xf32>
    %broadcast_in_dim3A_92 = vector.shape_cast %reduce_min3A_91 : vector<256xf32> to vector<256x1xf32>
    %eq3A_93 = vector.broadcast %broadcast_in_dim3A_92 : vector<256x1xf32> to vector<256x5120xf32>
    %eq3A_94 = arith.cmpf oeq, %convert_element_type3A_17, %eq3A_93 : vector<256x5120xf32>
    %jit3A_95 = arith.constant 0xFF800000 : f32
    %broadcast_in_dim3A_96 = vector.broadcast %jit3A_95 : f32 to vector<256x5120xf32>
    %select_n3A_97 = arith.select %eq3A_94, %broadcast_in_dim3A_96, %select_n3A_81 : vector<256x5120xi1>, vector<256x5120xf32>
    %reduce_max3A_98 = arith.constant dense<0xFF800000> : vector<256xf32>
    %reduce_max3A_99 = vector.multi_reduction <maximumf>, %select_n3A_97, %reduce_max3A_98 [1] : vector<256x5120xf32> to vector<256xf32>
    %broadcast_in_dim3A_100 = vector.shape_cast %reduce_max3A_99 : vector<256xf32> to vector<256x1xf32>
    %eq3A_101 = vector.broadcast %broadcast_in_dim3A_100 : vector<256x1xf32> to vector<256x5120xf32>
    %eq3A_102 = arith.cmpf oeq, %select_n3A_97, %eq3A_101 : vector<256x5120xf32>
    %jit3A_103 = arith.constant 3.000000e+38 : f32
    %broadcast_in_dim3A_104 = vector.broadcast %jit3A_103 : f32 to vector<256x5120xf32>
    %select_n3A_105 = arith.select %eq3A_102, %convert_element_type3A_17, %broadcast_in_dim3A_104 : vector<256x5120xi1>, vector<256x5120xf32>
    %reduce_min3A_106 = arith.constant dense<0x7F800000> : vector<256xf32>
    %reduce_min3A_107 = vector.multi_reduction <minimumf>, %select_n3A_105, %reduce_min3A_106 [1] : vector<256x5120xf32> to vector<256xf32>
    %broadcast_in_dim3A_108 = vector.shape_cast %reduce_min3A_107 : vector<256xf32> to vector<256x1xf32>
    %eq3A_109 = vector.broadcast %broadcast_in_dim3A_108 : vector<256x1xf32> to vector<256x5120xf32>
    %eq3A_110 = arith.cmpf oeq, %convert_element_type3A_17, %eq3A_109 : vector<256x5120xf32>
    %jit3A_111 = arith.constant 0xFF800000 : f32
    %broadcast_in_dim3A_112 = vector.broadcast %jit3A_111 : f32 to vector<256x5120xf32>
    %select_n3A_113 = arith.select %eq3A_110, %broadcast_in_dim3A_112, %select_n3A_97 : vector<256x5120xi1>, vector<256x5120xf32>
    %reduce_max3A_114 = arith.constant dense<0xFF800000> : vector<256xf32>
    %reduce_max3A_115 = vector.multi_reduction <maximumf>, %select_n3A_113, %reduce_max3A_114 [1] : vector<256x5120xf32> to vector<256xf32>
    %broadcast_in_dim3A_116 = vector.shape_cast %reduce_max3A_115 : vector<256xf32> to vector<256x1xf32>
    %eq3A_117 = vector.broadcast %broadcast_in_dim3A_116 : vector<256x1xf32> to vector<256x5120xf32>
    %eq3A_118 = arith.cmpf oeq, %select_n3A_113, %eq3A_117 : vector<256x5120xf32>
    %jit3A_119 = arith.constant 3.000000e+38 : f32
    %broadcast_in_dim3A_120 = vector.broadcast %jit3A_119 : f32 to vector<256x5120xf32>
    %select_n3A_121 = arith.select %eq3A_118, %convert_element_type3A_17, %broadcast_in_dim3A_120 : vector<256x5120xi1>, vector<256x5120xf32>
    %reduce_min3A_122 = arith.constant dense<0x7F800000> : vector<256xf32>
    %reduce_min3A_123 = vector.multi_reduction <minimumf>, %select_n3A_121, %reduce_min3A_122 [1] : vector<256x5120xf32> to vector<256xf32>
    %broadcast_in_dim3A_124 = vector.shape_cast %reduce_min3A_123 : vector<256xf32> to vector<256x1xf32>
    %eq3A_125 = vector.broadcast %broadcast_in_dim3A_124 : vector<256x1xf32> to vector<256x5120xf32>
    %eq3A_126 = arith.cmpf oeq, %convert_element_type3A_17, %eq3A_125 : vector<256x5120xf32>
    %jit3A_127 = arith.constant 0xFF800000 : f32
    %broadcast_in_dim3A_128 = vector.broadcast %jit3A_127 : f32 to vector<256x5120xf32>
    %select_n3A_129 = arith.select %eq3A_126, %broadcast_in_dim3A_128, %select_n3A_113 : vector<256x5120xi1>, vector<256x5120xf32>
    %reduce_max3A_130 = arith.constant dense<0xFF800000> : vector<256xf32>
    %reduce_max3A_131 = vector.multi_reduction <maximumf>, %select_n3A_129, %reduce_max3A_130 [1] : vector<256x5120xf32> to vector<256xf32>
    %broadcast_in_dim3A_132 = vector.shape_cast %reduce_max3A_131 : vector<256xf32> to vector<256x1xf32>
    %eq3A_133 = vector.broadcast %broadcast_in_dim3A_132 : vector<256x1xf32> to vector<256x5120xf32>
    %eq3A_134 = arith.cmpf oeq, %select_n3A_129, %eq3A_133 : vector<256x5120xf32>
    %jit3A_135 = arith.constant 3.000000e+38 : f32
    %broadcast_in_dim3A_136 = vector.broadcast %jit3A_135 : f32 to vector<256x5120xf32>
    %select_n3A_137 = arith.select %eq3A_134, %convert_element_type3A_17, %broadcast_in_dim3A_136 : vector<256x5120xi1>, vector<256x5120xf32>
    %reduce_min3A_138 = arith.constant dense<0x7F800000> : vector<256xf32>
    %reduce_min3A_139 = vector.multi_reduction <minimumf>, %select_n3A_137, %reduce_min3A_138 [1] : vector<256x5120xf32> to vector<256xf32>
    %broadcast_in_dim3A_140 = vector.shape_cast %reduce_min3A_139 : vector<256xf32> to vector<256x1xf32>
    %eq3A_141 = vector.broadcast %broadcast_in_dim3A_140 : vector<256x1xf32> to vector<256x5120xf32>
    %eq3A_142 = arith.cmpf oeq, %convert_element_type3A_17, %eq3A_141 : vector<256x5120xf32>
    %jit3A_143 = arith.constant 0xFF800000 : f32
    %broadcast_in_dim3A_144 = vector.broadcast %jit3A_143 : f32 to vector<256x5120xf32>
    %select_n3A_145 = arith.select %eq3A_142, %broadcast_in_dim3A_144, %select_n3A_129 : vector<256x5120xi1>, vector<256x5120xf32>
    %reduce_max3A_146 = arith.constant dense<0xFF800000> : vector<256xf32>
    %reduce_max3A_147 = vector.multi_reduction <maximumf>, %select_n3A_145, %reduce_max3A_146 [1] : vector<256x5120xf32> to vector<256xf32>
    %broadcast_in_dim3A_148 = vector.shape_cast %reduce_max3A_147 : vector<256xf32> to vector<256x1xf32>
    %eq3A_149 = vector.broadcast %broadcast_in_dim3A_148 : vector<256x1xf32> to vector<256x5120xf32>
    %eq3A_150 = arith.cmpf oeq, %select_n3A_145, %eq3A_149 : vector<256x5120xf32>
    %jit3A_151 = arith.constant 3.000000e+38 : f32
    %broadcast_in_dim3A_152 = vector.broadcast %jit3A_151 : f32 to vector<256x5120xf32>
    %select_n3A_153 = arith.select %eq3A_150, %convert_element_type3A_17, %broadcast_in_dim3A_152 : vector<256x5120xi1>, vector<256x5120xf32>
    %reduce_min3A_154 = arith.constant dense<0x7F800000> : vector<256xf32>
    %reduce_min3A_155 = vector.multi_reduction <minimumf>, %select_n3A_153, %reduce_min3A_154 [1] : vector<256x5120xf32> to vector<256xf32>
    %broadcast_in_dim3A_156 = vector.shape_cast %reduce_min3A_155 : vector<256xf32> to vector<256x1xf32>
    %eq3A_157 = vector.broadcast %broadcast_in_dim3A_156 : vector<256x1xf32> to vector<256x5120xf32>
    %eq3A_158 = arith.cmpf oeq, %convert_element_type3A_17, %eq3A_157 : vector<256x5120xf32>
    %jit3A_159 = arith.constant 0xFF800000 : f32
    %broadcast_in_dim3A_160 = vector.broadcast %jit3A_159 : f32 to vector<256x5120xf32>
    %select_n3A_161 = arith.select %eq3A_158, %broadcast_in_dim3A_160, %select_n3A_145 : vector<256x5120xi1>, vector<256x5120xf32>
    %reduce_max3A_162 = arith.constant dense<0xFF800000> : vector<256xf32>
    %reduce_max3A_163 = vector.multi_reduction <maximumf>, %select_n3A_161, %reduce_max3A_162 [1] : vector<256x5120xf32> to vector<256xf32>
    %broadcast_in_dim3A_164 = vector.shape_cast %reduce_max3A_163 : vector<256xf32> to vector<256x1xf32>
    %eq3A_165 = vector.broadcast %broadcast_in_dim3A_164 : vector<256x1xf32> to vector<256x5120xf32>
    %eq3A_166 = arith.cmpf oeq, %select_n3A_161, %eq3A_165 : vector<256x5120xf32>
    %jit3A_167 = arith.constant 3.000000e+38 : f32
    %broadcast_in_dim3A_168 = vector.broadcast %jit3A_167 : f32 to vector<256x5120xf32>
    %select_n3A_169 = arith.select %eq3A_166, %convert_element_type3A_17, %broadcast_in_dim3A_168 : vector<256x5120xi1>, vector<256x5120xf32>
    %reduce_min3A_170 = arith.constant dense<0x7F800000> : vector<256xf32>
    %reduce_min3A_171 = vector.multi_reduction <minimumf>, %select_n3A_169, %reduce_min3A_170 [1] : vector<256x5120xf32> to vector<256xf32>
    %broadcast_in_dim3A_172 = vector.shape_cast %reduce_min3A_171 : vector<256xf32> to vector<256x1xf32>
    %eq3A_173 = vector.broadcast %broadcast_in_dim3A_172 : vector<256x1xf32> to vector<256x5120xf32>
    %eq3A_174 = arith.cmpf oeq, %convert_element_type3A_17, %eq3A_173 : vector<256x5120xf32>
    %jit3A_175 = arith.constant 0xFF800000 : f32
    %broadcast_in_dim3A_176 = vector.broadcast %jit3A_175 : f32 to vector<256x5120xf32>
    %select_n3A_177 = arith.select %eq3A_174, %broadcast_in_dim3A_176, %select_n3A_161 : vector<256x5120xi1>, vector<256x5120xf32>
    %reduce_max3A_178 = arith.constant dense<0xFF800000> : vector<256xf32>
    %reduce_max3A_179 = vector.multi_reduction <maximumf>, %select_n3A_177, %reduce_max3A_178 [1] : vector<256x5120xf32> to vector<256xf32>
    %broadcast_in_dim3A_180 = vector.shape_cast %reduce_max3A_179 : vector<256xf32> to vector<256x1xf32>
    %eq3A_181 = vector.broadcast %broadcast_in_dim3A_180 : vector<256x1xf32> to vector<256x5120xf32>
    %eq3A_182 = arith.cmpf oeq, %select_n3A_177, %eq3A_181 : vector<256x5120xf32>
    %jit3A_183 = arith.constant 3.000000e+38 : f32
    %broadcast_in_dim3A_184 = vector.broadcast %jit3A_183 : f32 to vector<256x5120xf32>
    %select_n3A_185 = arith.select %eq3A_182, %convert_element_type3A_17, %broadcast_in_dim3A_184 : vector<256x5120xi1>, vector<256x5120xf32>
    %reduce_min3A_186 = arith.constant dense<0x7F800000> : vector<256xf32>
    %reduce_min3A_187 = vector.multi_reduction <minimumf>, %select_n3A_185, %reduce_min3A_186 [1] : vector<256x5120xf32> to vector<256xf32>
    %broadcast_in_dim3A_188 = vector.shape_cast %reduce_min3A_187 : vector<256xf32> to vector<256x1xf32>
    %eq3A_189 = vector.broadcast %broadcast_in_dim3A_188 : vector<256x1xf32> to vector<256x5120xf32>
    %eq3A_190 = arith.cmpf oeq, %convert_element_type3A_17, %eq3A_189 : vector<256x5120xf32>
    %jit3A_191 = arith.constant 0xFF800000 : f32
    %broadcast_in_dim3A_192 = vector.broadcast %jit3A_191 : f32 to vector<256x5120xf32>
    %select_n3A_193 = arith.select %eq3A_190, %broadcast_in_dim3A_192, %select_n3A_177 : vector<256x5120xi1>, vector<256x5120xf32>
    %reduce_max3A_194 = arith.constant dense<0xFF800000> : vector<256xf32>
    %reduce_max3A_195 = vector.multi_reduction <maximumf>, %select_n3A_193, %reduce_max3A_194 [1] : vector<256x5120xf32> to vector<256xf32>
    %broadcast_in_dim3A_196 = vector.shape_cast %reduce_max3A_195 : vector<256xf32> to vector<256x1xf32>
    %eq3A_197 = vector.broadcast %broadcast_in_dim3A_196 : vector<256x1xf32> to vector<256x5120xf32>
    %eq3A_198 = arith.cmpf oeq, %select_n3A_193, %eq3A_197 : vector<256x5120xf32>
    %jit3A_199 = arith.constant 3.000000e+38 : f32
    %broadcast_in_dim3A_200 = vector.broadcast %jit3A_199 : f32 to vector<256x5120xf32>
    %select_n3A_201 = arith.select %eq3A_198, %convert_element_type3A_17, %broadcast_in_dim3A_200 : vector<256x5120xi1>, vector<256x5120xf32>
    %reduce_min3A_202 = arith.constant dense<0x7F800000> : vector<256xf32>
    %reduce_min3A_203 = vector.multi_reduction <minimumf>, %select_n3A_201, %reduce_min3A_202 [1] : vector<256x5120xf32> to vector<256xf32>
    %broadcast_in_dim3A_204 = vector.shape_cast %reduce_min3A_203 : vector<256xf32> to vector<256x1xf32>
    %eq3A_205 = vector.broadcast %broadcast_in_dim3A_204 : vector<256x1xf32> to vector<256x5120xf32>
    %eq3A_206 = arith.cmpf oeq, %convert_element_type3A_17, %eq3A_205 : vector<256x5120xf32>
    %jit3A_207 = arith.constant 0xFF800000 : f32
    %broadcast_in_dim3A_208 = vector.broadcast %jit3A_207 : f32 to vector<256x5120xf32>
    %select_n3A_209 = arith.select %eq3A_206, %broadcast_in_dim3A_208, %select_n3A_193 : vector<256x5120xi1>, vector<256x5120xf32>
    %reduce_max3A_210 = arith.constant dense<0xFF800000> : vector<256xf32>
    %reduce_max3A_211 = vector.multi_reduction <maximumf>, %select_n3A_209, %reduce_max3A_210 [1] : vector<256x5120xf32> to vector<256xf32>
    %broadcast_in_dim3A_212 = vector.shape_cast %reduce_max3A_211 : vector<256xf32> to vector<256x1xf32>
    %eq3A_213 = vector.broadcast %broadcast_in_dim3A_212 : vector<256x1xf32> to vector<256x5120xf32>
    %eq3A_214 = arith.cmpf oeq, %select_n3A_209, %eq3A_213 : vector<256x5120xf32>
    %jit3A_215 = arith.constant 3.000000e+38 : f32
    %broadcast_in_dim3A_216 = vector.broadcast %jit3A_215 : f32 to vector<256x5120xf32>
    %select_n3A_217 = arith.select %eq3A_214, %convert_element_type3A_17, %broadcast_in_dim3A_216 : vector<256x5120xi1>, vector<256x5120xf32>
    %reduce_min3A_218 = arith.constant dense<0x7F800000> : vector<256xf32>
    %reduce_min3A_219 = vector.multi_reduction <minimumf>, %select_n3A_217, %reduce_min3A_218 [1] : vector<256x5120xf32> to vector<256xf32>
    %broadcast_in_dim3A_220 = vector.shape_cast %reduce_min3A_219 : vector<256xf32> to vector<256x1xf32>
    %eq3A_221 = vector.broadcast %broadcast_in_dim3A_220 : vector<256x1xf32> to vector<256x5120xf32>
    %eq3A_222 = arith.cmpf oeq, %convert_element_type3A_17, %eq3A_221 : vector<256x5120xf32>
    %jit3A_223 = arith.constant 0xFF800000 : f32
    %broadcast_in_dim3A_224 = vector.broadcast %jit3A_223 : f32 to vector<256x5120xf32>
    %select_n3A_225 = arith.select %eq3A_222, %broadcast_in_dim3A_224, %select_n3A_209 : vector<256x5120xi1>, vector<256x5120xf32>
    %reduce_max3A_226 = arith.constant dense<0xFF800000> : vector<256xf32>
    %reduce_max3A_227 = vector.multi_reduction <maximumf>, %select_n3A_225, %reduce_max3A_226 [1] : vector<256x5120xf32> to vector<256xf32>
    %broadcast_in_dim3A_228 = vector.shape_cast %reduce_max3A_227 : vector<256xf32> to vector<256x1xf32>
    %eq3A_229 = vector.broadcast %broadcast_in_dim3A_228 : vector<256x1xf32> to vector<256x5120xf32>
    %eq3A_230 = arith.cmpf oeq, %select_n3A_225, %eq3A_229 : vector<256x5120xf32>
    %jit3A_231 = arith.constant 3.000000e+38 : f32
    %broadcast_in_dim3A_232 = vector.broadcast %jit3A_231 : f32 to vector<256x5120xf32>
    %select_n3A_233 = arith.select %eq3A_230, %convert_element_type3A_17, %broadcast_in_dim3A_232 : vector<256x5120xi1>, vector<256x5120xf32>
    %reduce_min3A_234 = arith.constant dense<0x7F800000> : vector<256xf32>
    %reduce_min3A_235 = vector.multi_reduction <minimumf>, %select_n3A_233, %reduce_min3A_234 [1] : vector<256x5120xf32> to vector<256xf32>
    %broadcast_in_dim3A_236 = vector.shape_cast %reduce_min3A_235 : vector<256xf32> to vector<256x1xf32>
    %eq3A_237 = vector.broadcast %broadcast_in_dim3A_236 : vector<256x1xf32> to vector<256x5120xf32>
    %eq3A_238 = arith.cmpf oeq, %convert_element_type3A_17, %eq3A_237 : vector<256x5120xf32>
    %jit3A_239 = arith.constant 0xFF800000 : f32
    %broadcast_in_dim3A_240 = vector.broadcast %jit3A_239 : f32 to vector<256x5120xf32>
    %select_n3A_241 = arith.select %eq3A_238, %broadcast_in_dim3A_240, %select_n3A_225 : vector<256x5120xi1>, vector<256x5120xf32>
    %reduce_max3A_242 = arith.constant dense<0xFF800000> : vector<256xf32>
    %reduce_max3A_243 = vector.multi_reduction <maximumf>, %select_n3A_241, %reduce_max3A_242 [1] : vector<256x5120xf32> to vector<256xf32>
    %broadcast_in_dim3A_244 = vector.shape_cast %reduce_max3A_243 : vector<256xf32> to vector<256x1xf32>
    %eq3A_245 = vector.broadcast %broadcast_in_dim3A_244 : vector<256x1xf32> to vector<256x5120xf32>
    %eq3A_246 = arith.cmpf oeq, %select_n3A_241, %eq3A_245 : vector<256x5120xf32>
    %jit3A_247 = arith.constant 3.000000e+38 : f32
    %broadcast_in_dim3A_248 = vector.broadcast %jit3A_247 : f32 to vector<256x5120xf32>
    %select_n3A_249 = arith.select %eq3A_246, %convert_element_type3A_17, %broadcast_in_dim3A_248 : vector<256x5120xi1>, vector<256x5120xf32>
    %reduce_min3A_250 = arith.constant dense<0x7F800000> : vector<256xf32>
    %reduce_min3A_251 = vector.multi_reduction <minimumf>, %select_n3A_249, %reduce_min3A_250 [1] : vector<256x5120xf32> to vector<256xf32>
    %broadcast_in_dim3A_252 = vector.shape_cast %reduce_min3A_251 : vector<256xf32> to vector<256x1xf32>
    %eq3A_253 = vector.broadcast %broadcast_in_dim3A_252 : vector<256x1xf32> to vector<256x5120xf32>
    %eq3A_254 = arith.cmpf oeq, %convert_element_type3A_17, %eq3A_253 : vector<256x5120xf32>
    %jit3A_255 = arith.constant 0xFF800000 : f32
    %broadcast_in_dim3A_256 = vector.broadcast %jit3A_255 : f32 to vector<256x5120xf32>
    %select_n3A_257 = arith.select %eq3A_254, %broadcast_in_dim3A_256, %select_n3A_241 : vector<256x5120xi1>, vector<256x5120xf32>
    %reduce_max3A_258 = arith.constant dense<0xFF800000> : vector<256xf32>
    %reduce_max3A_259 = vector.multi_reduction <maximumf>, %select_n3A_257, %reduce_max3A_258 [1] : vector<256x5120xf32> to vector<256xf32>
    %broadcast_in_dim3A_260 = vector.shape_cast %reduce_max3A_259 : vector<256xf32> to vector<256x1xf32>
    %eq3A_261 = vector.broadcast %broadcast_in_dim3A_260 : vector<256x1xf32> to vector<256x5120xf32>
    %eq3A_262 = arith.cmpf oeq, %select_n3A_257, %eq3A_261 : vector<256x5120xf32>
    %jit3A_263 = arith.constant 3.000000e+38 : f32
    %broadcast_in_dim3A_264 = vector.broadcast %jit3A_263 : f32 to vector<256x5120xf32>
    %select_n3A_265 = arith.select %eq3A_262, %convert_element_type3A_17, %broadcast_in_dim3A_264 : vector<256x5120xi1>, vector<256x5120xf32>
    %reduce_min3A_266 = arith.constant dense<0x7F800000> : vector<256xf32>
    %reduce_min3A_267 = vector.multi_reduction <minimumf>, %select_n3A_265, %reduce_min3A_266 [1] : vector<256x5120xf32> to vector<256xf32>
    %broadcast_in_dim3A_268 = vector.shape_cast %reduce_min3A_267 : vector<256xf32> to vector<256x1xf32>
    %eq3A_269 = vector.broadcast %broadcast_in_dim3A_268 : vector<256x1xf32> to vector<256x5120xf32>
    %eq3A_270 = arith.cmpf oeq, %convert_element_type3A_17, %eq3A_269 : vector<256x5120xf32>
    %jit3A_271 = arith.constant 0xFF800000 : f32
    %broadcast_in_dim3A_272 = vector.broadcast %jit3A_271 : f32 to vector<256x5120xf32>
    %select_n3A_273 = arith.select %eq3A_270, %broadcast_in_dim3A_272, %select_n3A_257 : vector<256x5120xi1>, vector<256x5120xf32>
    %reduce_max3A_274 = arith.constant dense<0xFF800000> : vector<256xf32>
    %reduce_max3A_275 = vector.multi_reduction <maximumf>, %select_n3A_273, %reduce_max3A_274 [1] : vector<256x5120xf32> to vector<256xf32>
    %broadcast_in_dim3A_276 = vector.shape_cast %reduce_max3A_275 : vector<256xf32> to vector<256x1xf32>
    %eq3A_277 = vector.broadcast %broadcast_in_dim3A_276 : vector<256x1xf32> to vector<256x5120xf32>
    %eq3A_278 = arith.cmpf oeq, %select_n3A_273, %eq3A_277 : vector<256x5120xf32>
    %jit3A_279 = arith.constant 3.000000e+38 : f32
    %broadcast_in_dim3A_280 = vector.broadcast %jit3A_279 : f32 to vector<256x5120xf32>
    %select_n3A_281 = arith.select %eq3A_278, %convert_element_type3A_17, %broadcast_in_dim3A_280 : vector<256x5120xi1>, vector<256x5120xf32>
    %reduce_min3A_282 = arith.constant dense<0x7F800000> : vector<256xf32>
    %reduce_min3A_283 = vector.multi_reduction <minimumf>, %select_n3A_281, %reduce_min3A_282 [1] : vector<256x5120xf32> to vector<256xf32>
    %broadcast_in_dim3A_284 = vector.shape_cast %reduce_min3A_283 : vector<256xf32> to vector<256x1xf32>
    %eq3A_285 = vector.broadcast %broadcast_in_dim3A_284 : vector<256x1xf32> to vector<256x5120xf32>
    %eq3A_286 = arith.cmpf oeq, %convert_element_type3A_17, %eq3A_285 : vector<256x5120xf32>
    %jit3A_287 = arith.constant 0xFF800000 : f32
    %broadcast_in_dim3A_288 = vector.broadcast %jit3A_287 : f32 to vector<256x5120xf32>
    %select_n3A_289 = arith.select %eq3A_286, %broadcast_in_dim3A_288, %select_n3A_273 : vector<256x5120xi1>, vector<256x5120xf32>
    %reduce_max3A_290 = arith.constant dense<0xFF800000> : vector<256xf32>
    %reduce_max3A_291 = vector.multi_reduction <maximumf>, %select_n3A_289, %reduce_max3A_290 [1] : vector<256x5120xf32> to vector<256xf32>
    %broadcast_in_dim3A_292 = vector.shape_cast %reduce_max3A_291 : vector<256xf32> to vector<256x1xf32>
    %eq3A_293 = vector.broadcast %broadcast_in_dim3A_292 : vector<256x1xf32> to vector<256x5120xf32>
    %eq3A_294 = arith.cmpf oeq, %select_n3A_289, %eq3A_293 : vector<256x5120xf32>
    %jit3A_295 = arith.constant 3.000000e+38 : f32
    %broadcast_in_dim3A_296 = vector.broadcast %jit3A_295 : f32 to vector<256x5120xf32>
    %select_n3A_297 = arith.select %eq3A_294, %convert_element_type3A_17, %broadcast_in_dim3A_296 : vector<256x5120xi1>, vector<256x5120xf32>
    %reduce_min3A_298 = arith.constant dense<0x7F800000> : vector<256xf32>
    %reduce_min3A_299 = vector.multi_reduction <minimumf>, %select_n3A_297, %reduce_min3A_298 [1] : vector<256x5120xf32> to vector<256xf32>
    %broadcast_in_dim3A_300 = vector.shape_cast %reduce_min3A_299 : vector<256xf32> to vector<256x1xf32>
    %eq3A_301 = vector.broadcast %broadcast_in_dim3A_300 : vector<256x1xf32> to vector<256x5120xf32>
    %eq3A_302 = arith.cmpf oeq, %convert_element_type3A_17, %eq3A_301 : vector<256x5120xf32>
    %jit3A_303 = arith.constant 0xFF800000 : f32
    %broadcast_in_dim3A_304 = vector.broadcast %jit3A_303 : f32 to vector<256x5120xf32>
    %select_n3A_305 = arith.select %eq3A_302, %broadcast_in_dim3A_304, %select_n3A_289 : vector<256x5120xi1>, vector<256x5120xf32>
    %reduce_max3A_306 = arith.constant dense<0xFF800000> : vector<256xf32>
    %reduce_max3A_307 = vector.multi_reduction <maximumf>, %select_n3A_305, %reduce_max3A_306 [1] : vector<256x5120xf32> to vector<256xf32>
    %broadcast_in_dim3A_308 = vector.shape_cast %reduce_max3A_307 : vector<256xf32> to vector<256x1xf32>
    %eq3A_309 = vector.broadcast %broadcast_in_dim3A_308 : vector<256x1xf32> to vector<256x5120xf32>
    %eq3A_310 = arith.cmpf oeq, %select_n3A_305, %eq3A_309 : vector<256x5120xf32>
    %jit3A_311 = arith.constant 3.000000e+38 : f32
    %broadcast_in_dim3A_312 = vector.broadcast %jit3A_311 : f32 to vector<256x5120xf32>
    %select_n3A_313 = arith.select %eq3A_310, %convert_element_type3A_17, %broadcast_in_dim3A_312 : vector<256x5120xi1>, vector<256x5120xf32>
    %reduce_min3A_314 = arith.constant dense<0x7F800000> : vector<256xf32>
    %reduce_min3A_315 = vector.multi_reduction <minimumf>, %select_n3A_313, %reduce_min3A_314 [1] : vector<256x5120xf32> to vector<256xf32>
    %broadcast_in_dim3A_316 = vector.shape_cast %reduce_min3A_315 : vector<256xf32> to vector<256x1xf32>
    %eq3A_317 = vector.broadcast %broadcast_in_dim3A_316 : vector<256x1xf32> to vector<256x5120xf32>
    %eq3A_318 = arith.cmpf oeq, %convert_element_type3A_17, %eq3A_317 : vector<256x5120xf32>
    %jit3A_319 = arith.constant 0xFF800000 : f32
    %broadcast_in_dim3A_320 = vector.broadcast %jit3A_319 : f32 to vector<256x5120xf32>
    %select_n3A_321 = arith.select %eq3A_318, %broadcast_in_dim3A_320, %select_n3A_305 : vector<256x5120xi1>, vector<256x5120xf32>
    %reduce_max3A_322 = arith.constant dense<0xFF800000> : vector<256xf32>
    %reduce_max3A_323 = vector.multi_reduction <maximumf>, %select_n3A_321, %reduce_max3A_322 [1] : vector<256x5120xf32> to vector<256xf32>
    %broadcast_in_dim3A_324 = vector.shape_cast %reduce_max3A_323 : vector<256xf32> to vector<256x1xf32>
    %eq3A_325 = vector.broadcast %broadcast_in_dim3A_324 : vector<256x1xf32> to vector<256x5120xf32>
    %eq3A_326 = arith.cmpf oeq, %select_n3A_321, %eq3A_325 : vector<256x5120xf32>
    %jit3A_327 = arith.constant 3.000000e+38 : f32
    %broadcast_in_dim3A_328 = vector.broadcast %jit3A_327 : f32 to vector<256x5120xf32>
    %select_n3A_329 = arith.select %eq3A_326, %convert_element_type3A_17, %broadcast_in_dim3A_328 : vector<256x5120xi1>, vector<256x5120xf32>
    %reduce_min3A_330 = arith.constant dense<0x7F800000> : vector<256xf32>
    %reduce_min3A_331 = vector.multi_reduction <minimumf>, %select_n3A_329, %reduce_min3A_330 [1] : vector<256x5120xf32> to vector<256xf32>
    %broadcast_in_dim3A_332 = vector.shape_cast %reduce_min3A_331 : vector<256xf32> to vector<256x1xf32>
    %concatenate3A = tpu.concatenate %broadcast_in_dim3A_28, %broadcast_in_dim3A_44, %broadcast_in_dim3A_60, %broadcast_in_dim3A_76, %broadcast_in_dim3A_92, %broadcast_in_dim3A_108, %broadcast_in_dim3A_124, %broadcast_in_dim3A_140, %broadcast_in_dim3A_156, %broadcast_in_dim3A_172, %broadcast_in_dim3A_188, %broadcast_in_dim3A_204, %broadcast_in_dim3A_220, %broadcast_in_dim3A_236, %broadcast_in_dim3A_252, %broadcast_in_dim3A_268, %broadcast_in_dim3A_284, %broadcast_in_dim3A_300, %broadcast_in_dim3A_316, %broadcast_in_dim3A_332 in 1 : vector<256x1xf32>, vector<256x1xf32>, vector<256x1xf32>, vector<256x1xf32>, vector<256x1xf32>, vector<256x1xf32>, vector<256x1xf32>, vector<256x1xf32>, vector<256x1xf32>, vector<256x1xf32>, vector<256x1xf32>, vector<256x1xf32>, vector<256x1xf32>, vector<256x1xf32>, vector<256x1xf32>, vector<256x1xf32>, vector<256x1xf32>, vector<256x1xf32>, vector<256x1xf32>, vector<256x1xf32> -> vector<256x20xf32>
    %convert_element_type3A_333 = arith.fptosi %concatenate3A : vector<256x20xf32> to vector<256x20xi32>
    %swap3A = arith.constant 0 : index
    %swap3A_334 = arith.constant 0 : index
    %swap3A_335 = vector.load %arg3[%swap3A, %swap3A_334] : memref<256x20xi32, #tpu.memory_space<vmem>>, vector<256x20xi32>
    tpu.vector_store %arg3[%swap3A, %swap3A_334], %convert_element_type3A_333 {strides = array<i32>} : memref<256x20xi32, #tpu.memory_space<vmem>>, vector<256x20xi32>,
    return
  }
  func.func @transform_0(%arg0: i32) -> (i32, i32) {
    %add3A = arith.constant 10 : i32
    %add3A_0 = arith.addi %arg0, %add3A : i32
    %c0_i32 = arith.constant 0 : i32
    %c0_i32_1 = arith.constant 0 : i32
    return %add3A_0, %c0_i32 : i32, i32
  }
  func.func @transform_1(%arg0: i32) -> (i32, i32) {
    %c0_i32 = arith.constant 0 : i32
    %c0_i32_0 = arith.constant 0 : i32
    %c0_i32_1 = arith.constant 0 : i32
    return %c0_i32, %c0_i32_0 : i32, i32
  }
  func.func @transform_2(%arg0: i32) -> (i32, i32) {
    %c0_i32 = arith.constant 0 : i32
    %c0_i32_0 = arith.constant 0 : i32
    return %arg0, %c0_i32 : i32, i32
  }
}

module attributes {stable_mosaic.version = 14 : i64} {
  func.func @_conv_body(%arg0: i32, %arg1: memref<5120x128xf32, #tpu.memory_space<vmem>>, %arg2: memref<256x128xf32, #tpu.memory_space<vmem>>, %arg3: memref<256x128xf32, #tpu.memory_space<vmem>>, %arg4: memref<1x128xf32, #tpu.memory_space<vmem>>, %arg5: memref<1x128xf32, #tpu.memory_space<vmem>>, %arg6: memref<256x128xf32, #tpu.memory_space<vmem>>) attributes {dimension_semantics = [#tpu.dimension_semantics<arbitrary>], iteration_bounds = array<i64: 10>, scalar_prefetch = 0 : i64, scratch_operands = 0 : i64, tpu.core_type = #tpu.core_type<tc>, window_params = [{transform_indices = @transform_0, window_bounds = array<i64: 5120, 128>}, {transform_indices = @transform_1, window_bounds = array<i64: 256, 128>}, {pipeline_mode = #tpu.pipeline_mode<synchronous>, transform_indices = @transform_2, window_bounds = array<i64: 256, 128>}, {pipeline_mode = #tpu.pipeline_mode<synchronous>, transform_indices = @transform_3, window_bounds = array<i64: 1, 128>}, {pipeline_mode = #tpu.pipeline_mode<synchronous>, transform_indices = @transform_4, window_bounds = array<i64: 1, 128>}, {transform_indices = @transform_5, window_bounds = array<i64: 256, 128>}]} {
    %get3A = arith.constant 0 : index
    %get3A_0 = arith.constant 0 : index
    %get3A_1 = vector.load %arg1[%get3A, %get3A_0] : memref<5120x128xf32, #tpu.memory_space<vmem>>, vector<5120x128xf32>
    %get3A_2 = arith.constant 0 : index
    %get3A_3 = arith.constant 0 : index
    %get3A_4 = vector.load %arg2[%get3A_2, %get3A_3] : memref<256x128xf32, #tpu.memory_space<vmem>>, vector<256x128xf32>
    %reshape3A = vector.shape_cast %get3A_1 : vector<5120x128xf32> to vector<256x20x128xf32>
    %broadcast_in_dim3A = vector.shape_cast %get3A_4 : vector<256x128xf32> to vector<256x1x128xf32>
    %sub3A = vector.broadcast %broadcast_in_dim3A : vector<256x1x128xf32> to vector<256x20x128xf32>
    %sub3A_5 = arith.subf %reshape3A, %sub3A : vector<256x20x128xf32>
    %broadcast_in_dim3A_6 = vector.shape_cast %get3A_4 : vector<256x128xf32> to vector<256x1x128xf32>
    %broadcast_in_dim3A_7 = vector.shape_cast %broadcast_in_dim3A_6 : vector<256x1x128xf32> to vector<256x1x128xf32>
    %broadcast_in_dim3A_8 = vector.broadcast %broadcast_in_dim3A_7 : vector<256x1x128xf32> to vector<256x20x128xf32>
    %concatenate3A = tpu.concatenate %sub3A_5, %broadcast_in_dim3A_8 in 2 : vector<256x20x128xf32>, vector<256x20x128xf32> -> vector<256x20x256xf32>
    %reshape3A_9 = vector.shape_cast %concatenate3A : vector<256x20x256xf32> to vector<5120x256xf32>
    %convert_element_type3A = arith.truncf %reshape3A_9 : vector<5120x256xf32> to vector<5120x256xbf16>
    %get3A_10 = arith.constant 0 : index
    %get3A_11 = arith.constant 0 : index
    %get3A_12 = vector.load %arg3[%get3A_10, %get3A_11] : memref<256x128xf32, #tpu.memory_space<vmem>>, vector<256x128xf32>
    %convert_element_type3A_13 = arith.truncf %get3A_12 : vector<256x128xf32> to vector<256x128xbf16>
    %dot_general3A = arith.constant dense<0.000000e+00> : vector<5120x128xf32>
    %dot_general3A_14 = tpu.matmul %convert_element_type3A, %convert_element_type3A_13, %dot_general3A {dimension_numbers = #tpu.dot_dimension_numbers<[1], [0], [0], [1], [0, 0, 1, 1], [], []>, transpose_lhs_hint = false} : vector<5120x256xbf16>, vector<256x128xbf16>, vector<5120x128xf32> -> vector<5120x128xf32>
    %get3A_15 = arith.constant 0 : index
    %get3A_16 = arith.constant 0 : index
    %get3A_17 = vector.load %arg4[%get3A_15, %get3A_16] : memref<1x128xf32, #tpu.memory_space<vmem>>, vector<1x128xf32>
    %mul3A = vector.broadcast %get3A_17 : vector<1x128xf32> to vector<5120x128xf32>
    %mul3A_18 = arith.mulf %dot_general3A_14, %mul3A : vector<5120x128xf32>
    %get3A_19 = arith.constant 0 : index
    %get3A_20 = arith.constant 0 : index
    %get3A_21 = vector.load %arg5[%get3A_19, %get3A_20] : memref<1x128xf32, #tpu.memory_space<vmem>>, vector<1x128xf32>
    %add3A = vector.broadcast %get3A_21 : vector<1x128xf32> to vector<5120x128xf32>
    %add3A_22 = arith.addf %mul3A_18, %add3A : vector<5120x128xf32>
    %gt3A = arith.constant 0.000000e+00 : f32
    %gt3A_23 = vector.broadcast %gt3A : f32 to vector<5120x128xf32>
    %gt3A_24 = arith.cmpf ogt, %add3A_22, %gt3A_23 : vector<5120x128xf32>
    %mul3A_25 = arith.constant 2.000000e-01 : f32
    %mul3A_26 = vector.broadcast %mul3A_25 : f32 to vector<5120x128xf32>
    %mul3A_27 = arith.mulf %mul3A_26, %add3A_22 : vector<5120x128xf32>
    %select_n3A = arith.select %gt3A_24, %add3A_22, %mul3A_27 : vector<5120x128xi1>, vector<5120x128xf32>
    %reshape3A_28 = vector.shape_cast %select_n3A : vector<5120x128xf32> to vector<256x20x128xf32>
    %reduce_max3A = arith.constant dense<0xFF800000> : vector<256x128xf32>
    %reduce_max3A_29 = vector.multi_reduction <maximumf>, %reshape3A_28, %reduce_max3A [1] : vector<256x20x128xf32> to vector<256x128xf32>
    %swap3A = arith.constant 0 : index
    %swap3A_30 = arith.constant 0 : index
    %swap3A_31 = vector.load %arg6[%swap3A, %swap3A_30] : memref<256x128xf32, #tpu.memory_space<vmem>>, vector<256x128xf32>
    tpu.vector_store %arg6[%swap3A, %swap3A_30], %reduce_max3A_29 {strides = array<i32>} : memref<256x128xf32, #tpu.memory_space<vmem>>, vector<256x128xf32>,
    return
  }
  func.func @transform_0(%arg0: i32) -> (i32, i32) {
    %c0_i32 = arith.constant 0 : i32
    %c0_i32_0 = arith.constant 0 : i32
    return %arg0, %c0_i32 : i32, i32
  }
  func.func @transform_1(%arg0: i32) -> (i32, i32) {
    %add3A = arith.constant 0 : i32
    %add3A_0 = arith.addi %arg0, %add3A : i32
    %c0_i32 = arith.constant 0 : i32
    %c0_i32_1 = arith.constant 0 : i32
    return %add3A_0, %c0_i32 : i32, i32
  }
  func.func @transform_2(%arg0: i32) -> (i32, i32) {
    %c0_i32 = arith.constant 0 : i32
    %c0_i32_0 = arith.constant 0 : i32
    %c0_i32_1 = arith.constant 0 : i32
    return %c0_i32, %c0_i32_0 : i32, i32
  }
  func.func @transform_3(%arg0: i32) -> (i32, i32) {
    %c0_i32 = arith.constant 0 : i32
    %c0_i32_0 = arith.constant 0 : i32
    %c0_i32_1 = arith.constant 0 : i32
    return %c0_i32, %c0_i32_0 : i32, i32
  }
  func.func @transform_4(%arg0: i32) -> (i32, i32) {
    %c0_i32 = arith.constant 0 : i32
    %c0_i32_0 = arith.constant 0 : i32
    %c0_i32_1 = arith.constant 0 : i32
    return %c0_i32, %c0_i32_0 : i32, i32
  }
  func.func @transform_5(%arg0: i32) -> (i32, i32) {
    %c0_i32 = arith.constant 0 : i32
    %c0_i32_0 = arith.constant 0 : i32
    return %arg0, %c0_i32 : i32, i32
  }
}

module attributes {stable_mosaic.version = 14 : i64} {
  func.func @_conv_body(%arg0: i32, %arg1: memref<5120x128xf32, #tpu.memory_space<vmem>>, %arg2: memref<256x128xf32, #tpu.memory_space<vmem>>, %arg3: memref<256x128xf32, #tpu.memory_space<vmem>>, %arg4: memref<1x128xf32, #tpu.memory_space<vmem>>, %arg5: memref<1x128xf32, #tpu.memory_space<vmem>>, %arg6: memref<256x128xf32, #tpu.memory_space<vmem>>) attributes {dimension_semantics = [#tpu.dimension_semantics<arbitrary>], iteration_bounds = array<i64: 10>, scalar_prefetch = 0 : i64, scratch_operands = 0 : i64, tpu.core_type = #tpu.core_type<tc>, window_params = [{transform_indices = @transform_0, window_bounds = array<i64: 5120, 128>}, {transform_indices = @transform_1, window_bounds = array<i64: 256, 128>}, {pipeline_mode = #tpu.pipeline_mode<synchronous>, transform_indices = @transform_2, window_bounds = array<i64: 256, 128>}, {pipeline_mode = #tpu.pipeline_mode<synchronous>, transform_indices = @transform_3, window_bounds = array<i64: 1, 128>}, {pipeline_mode = #tpu.pipeline_mode<synchronous>, transform_indices = @transform_4, window_bounds = array<i64: 1, 128>}, {transform_indices = @transform_5, window_bounds = array<i64: 256, 128>}]} {
    %get3A = arith.constant 0 : index
    %get3A_0 = arith.constant 0 : index
    %get3A_1 = vector.load %arg1[%get3A, %get3A_0] : memref<5120x128xf32, #tpu.memory_space<vmem>>, vector<5120x128xf32>
    %get3A_2 = arith.constant 0 : index
    %get3A_3 = arith.constant 0 : index
    %get3A_4 = vector.load %arg2[%get3A_2, %get3A_3] : memref<256x128xf32, #tpu.memory_space<vmem>>, vector<256x128xf32>
    %reshape3A = vector.shape_cast %get3A_1 : vector<5120x128xf32> to vector<256x20x128xf32>
    %broadcast_in_dim3A = vector.shape_cast %get3A_4 : vector<256x128xf32> to vector<256x1x128xf32>
    %sub3A = vector.broadcast %broadcast_in_dim3A : vector<256x1x128xf32> to vector<256x20x128xf32>
    %sub3A_5 = arith.subf %reshape3A, %sub3A : vector<256x20x128xf32>
    %broadcast_in_dim3A_6 = vector.shape_cast %get3A_4 : vector<256x128xf32> to vector<256x1x128xf32>
    %broadcast_in_dim3A_7 = vector.shape_cast %broadcast_in_dim3A_6 : vector<256x1x128xf32> to vector<256x1x128xf32>
    %broadcast_in_dim3A_8 = vector.broadcast %broadcast_in_dim3A_7 : vector<256x1x128xf32> to vector<256x20x128xf32>
    %concatenate3A = tpu.concatenate %sub3A_5, %broadcast_in_dim3A_8 in 2 : vector<256x20x128xf32>, vector<256x20x128xf32> -> vector<256x20x256xf32>
    %reshape3A_9 = vector.shape_cast %concatenate3A : vector<256x20x256xf32> to vector<5120x256xf32>
    %convert_element_type3A = arith.truncf %reshape3A_9 : vector<5120x256xf32> to vector<5120x256xbf16>
    %get3A_10 = arith.constant 0 : index
    %get3A_11 = arith.constant 0 : index
    %get3A_12 = vector.load %arg3[%get3A_10, %get3A_11] : memref<256x128xf32, #tpu.memory_space<vmem>>, vector<256x128xf32>
    %convert_element_type3A_13 = arith.truncf %get3A_12 : vector<256x128xf32> to vector<256x128xbf16>
    %dot_general3A = arith.constant dense<0.000000e+00> : vector<5120x128xf32>
    %dot_general3A_14 = tpu.matmul %convert_element_type3A, %convert_element_type3A_13, %dot_general3A {dimension_numbers = #tpu.dot_dimension_numbers<[1], [0], [0], [1], [0, 0, 1, 1], [], []>, transpose_lhs_hint = false} : vector<5120x256xbf16>, vector<256x128xbf16>, vector<5120x128xf32> -> vector<5120x128xf32>
    %get3A_15 = arith.constant 0 : index
    %get3A_16 = arith.constant 0 : index
    %get3A_17 = vector.load %arg4[%get3A_15, %get3A_16] : memref<1x128xf32, #tpu.memory_space<vmem>>, vector<1x128xf32>
    %mul3A = vector.broadcast %get3A_17 : vector<1x128xf32> to vector<5120x128xf32>
    %mul3A_18 = arith.mulf %dot_general3A_14, %mul3A : vector<5120x128xf32>
    %get3A_19 = arith.constant 0 : index
    %get3A_20 = arith.constant 0 : index
    %get3A_21 = vector.load %arg5[%get3A_19, %get3A_20] : memref<1x128xf32, #tpu.memory_space<vmem>>, vector<1x128xf32>
    %add3A = vector.broadcast %get3A_21 : vector<1x128xf32> to vector<5120x128xf32>
    %add3A_22 = arith.addf %mul3A_18, %add3A : vector<5120x128xf32>
    %gt3A = arith.constant 0.000000e+00 : f32
    %gt3A_23 = vector.broadcast %gt3A : f32 to vector<5120x128xf32>
    %gt3A_24 = arith.cmpf ogt, %add3A_22, %gt3A_23 : vector<5120x128xf32>
    %mul3A_25 = arith.constant 2.000000e-01 : f32
    %mul3A_26 = vector.broadcast %mul3A_25 : f32 to vector<5120x128xf32>
    %mul3A_27 = arith.mulf %mul3A_26, %add3A_22 : vector<5120x128xf32>
    %select_n3A = arith.select %gt3A_24, %add3A_22, %mul3A_27 : vector<5120x128xi1>, vector<5120x128xf32>
    %reshape3A_28 = vector.shape_cast %select_n3A : vector<5120x128xf32> to vector<256x20x128xf32>
    %reduce_max3A = arith.constant dense<0xFF800000> : vector<256x128xf32>
    %reduce_max3A_29 = vector.multi_reduction <maximumf>, %reshape3A_28, %reduce_max3A [1] : vector<256x20x128xf32> to vector<256x128xf32>
    %swap3A = arith.constant 0 : index
    %swap3A_30 = arith.constant 0 : index
    %swap3A_31 = vector.load %arg6[%swap3A, %swap3A_30] : memref<256x128xf32, #tpu.memory_space<vmem>>, vector<256x128xf32>
    tpu.vector_store %arg6[%swap3A, %swap3A_30], %reduce_max3A_29 {strides = array<i32>} : memref<256x128xf32, #tpu.memory_space<vmem>>, vector<256x128xf32>,
    return
  }
  func.func @transform_0(%arg0: i32) -> (i32, i32) {
    %c0_i32 = arith.constant 0 : i32
    %c0_i32_0 = arith.constant 0 : i32
    return %arg0, %c0_i32 : i32, i32
  }
  func.func @transform_1(%arg0: i32) -> (i32, i32) {
    %add3A = arith.constant 10 : i32
    %add3A_0 = arith.addi %arg0, %add3A : i32
    %c0_i32 = arith.constant 0 : i32
    %c0_i32_1 = arith.constant 0 : i32
    return %add3A_0, %c0_i32 : i32, i32
  }
  func.func @transform_2(%arg0: i32) -> (i32, i32) {
    %c0_i32 = arith.constant 0 : i32
    %c0_i32_0 = arith.constant 0 : i32
    %c0_i32_1 = arith.constant 0 : i32
    return %c0_i32, %c0_i32_0 : i32, i32
  }
  func.func @transform_3(%arg0: i32) -> (i32, i32) {
    %c0_i32 = arith.constant 0 : i32
    %c0_i32_0 = arith.constant 0 : i32
    %c0_i32_1 = arith.constant 0 : i32
    return %c0_i32, %c0_i32_0 : i32, i32
  }
  func.func @transform_4(%arg0: i32) -> (i32, i32) {
    %c0_i32 = arith.constant 0 : i32
    %c0_i32_0 = arith.constant 0 : i32
    %c0_i32_1 = arith.constant 0 : i32
    return %c0_i32, %c0_i32_0 : i32, i32
  }
  func.func @transform_5(%arg0: i32) -> (i32, i32) {
    %c0_i32 = arith.constant 0 : i32
    %c0_i32_0 = arith.constant 0 : i32
    return %arg0, %c0_i32 : i32, i32
  }
}

module attributes {stable_mosaic.version = 14 : i64} {
  func.func @_conv_body(%arg0: i32, %arg1: memref<5120x128xf32, #tpu.memory_space<vmem>>, %arg2: memref<256x128xf32, #tpu.memory_space<vmem>>, %arg3: memref<256x256xf32, #tpu.memory_space<vmem>>, %arg4: memref<1x256xf32, #tpu.memory_space<vmem>>, %arg5: memref<1x256xf32, #tpu.memory_space<vmem>>, %arg6: memref<256x256xf32, #tpu.memory_space<vmem>>) attributes {dimension_semantics = [#tpu.dimension_semantics<arbitrary>], iteration_bounds = array<i64: 10>, scalar_prefetch = 0 : i64, scratch_operands = 0 : i64, tpu.core_type = #tpu.core_type<tc>, window_params = [{transform_indices = @transform_0, window_bounds = array<i64: 5120, 128>}, {transform_indices = @transform_1, window_bounds = array<i64: 256, 128>}, {pipeline_mode = #tpu.pipeline_mode<synchronous>, transform_indices = @transform_2, window_bounds = array<i64: 256, 256>}, {pipeline_mode = #tpu.pipeline_mode<synchronous>, transform_indices = @transform_3, window_bounds = array<i64: 1, 256>}, {pipeline_mode = #tpu.pipeline_mode<synchronous>, transform_indices = @transform_4, window_bounds = array<i64: 1, 256>}, {transform_indices = @transform_5, window_bounds = array<i64: 256, 256>}]} {
    %get3A = arith.constant 0 : index
    %get3A_0 = arith.constant 0 : index
    %get3A_1 = vector.load %arg1[%get3A, %get3A_0] : memref<5120x128xf32, #tpu.memory_space<vmem>>, vector<5120x128xf32>
    %get3A_2 = arith.constant 0 : index
    %get3A_3 = arith.constant 0 : index
    %get3A_4 = vector.load %arg2[%get3A_2, %get3A_3] : memref<256x128xf32, #tpu.memory_space<vmem>>, vector<256x128xf32>
    %reshape3A = vector.shape_cast %get3A_1 : vector<5120x128xf32> to vector<256x20x128xf32>
    %broadcast_in_dim3A = vector.shape_cast %get3A_4 : vector<256x128xf32> to vector<256x1x128xf32>
    %sub3A = vector.broadcast %broadcast_in_dim3A : vector<256x1x128xf32> to vector<256x20x128xf32>
    %sub3A_5 = arith.subf %reshape3A, %sub3A : vector<256x20x128xf32>
    %broadcast_in_dim3A_6 = vector.shape_cast %get3A_4 : vector<256x128xf32> to vector<256x1x128xf32>
    %broadcast_in_dim3A_7 = vector.shape_cast %broadcast_in_dim3A_6 : vector<256x1x128xf32> to vector<256x1x128xf32>
    %broadcast_in_dim3A_8 = vector.broadcast %broadcast_in_dim3A_7 : vector<256x1x128xf32> to vector<256x20x128xf32>
    %concatenate3A = tpu.concatenate %sub3A_5, %broadcast_in_dim3A_8 in 2 : vector<256x20x128xf32>, vector<256x20x128xf32> -> vector<256x20x256xf32>
    %reshape3A_9 = vector.shape_cast %concatenate3A : vector<256x20x256xf32> to vector<5120x256xf32>
    %convert_element_type3A = arith.truncf %reshape3A_9 : vector<5120x256xf32> to vector<5120x256xbf16>
    %get3A_10 = arith.constant 0 : index
    %get3A_11 = arith.constant 0 : index
    %get3A_12 = vector.load %arg3[%get3A_10, %get3A_11] : memref<256x256xf32, #tpu.memory_space<vmem>>, vector<256x256xf32>
    %convert_element_type3A_13 = arith.truncf %get3A_12 : vector<256x256xf32> to vector<256x256xbf16>
    %dot_general3A = arith.constant dense<0.000000e+00> : vector<5120x256xf32>
    %dot_general3A_14 = tpu.matmul %convert_element_type3A, %convert_element_type3A_13, %dot_general3A {dimension_numbers = #tpu.dot_dimension_numbers<[1], [0], [0], [1], [0, 0, 1, 1], [], []>, transpose_lhs_hint = false} : vector<5120x256xbf16>, vector<256x256xbf16>, vector<5120x256xf32> -> vector<5120x256xf32>
    %get3A_15 = arith.constant 0 : index
    %get3A_16 = arith.constant 0 : index
    %get3A_17 = vector.load %arg4[%get3A_15, %get3A_16] : memref<1x256xf32, #tpu.memory_space<vmem>>, vector<1x256xf32>
    %mul3A = vector.broadcast %get3A_17 : vector<1x256xf32> to vector<5120x256xf32>
    %mul3A_18 = arith.mulf %dot_general3A_14, %mul3A : vector<5120x256xf32>
    %get3A_19 = arith.constant 0 : index
    %get3A_20 = arith.constant 0 : index
    %get3A_21 = vector.load %arg5[%get3A_19, %get3A_20] : memref<1x256xf32, #tpu.memory_space<vmem>>, vector<1x256xf32>
    %add3A = vector.broadcast %get3A_21 : vector<1x256xf32> to vector<5120x256xf32>
    %add3A_22 = arith.addf %mul3A_18, %add3A : vector<5120x256xf32>
    %gt3A = arith.constant 0.000000e+00 : f32
    %gt3A_23 = vector.broadcast %gt3A : f32 to vector<5120x256xf32>
    %gt3A_24 = arith.cmpf ogt, %add3A_22, %gt3A_23 : vector<5120x256xf32>
    %mul3A_25 = arith.constant 2.000000e-01 : f32
    %mul3A_26 = vector.broadcast %mul3A_25 : f32 to vector<5120x256xf32>
    %mul3A_27 = arith.mulf %mul3A_26, %add3A_22 : vector<5120x256xf32>
    %select_n3A = arith.select %gt3A_24, %add3A_22, %mul3A_27 : vector<5120x256xi1>, vector<5120x256xf32>
    %reshape3A_28 = vector.shape_cast %select_n3A : vector<5120x256xf32> to vector<256x20x256xf32>
    %reduce_max3A = arith.constant dense<0xFF800000> : vector<256x256xf32>
    %reduce_max3A_29 = vector.multi_reduction <maximumf>, %reshape3A_28, %reduce_max3A [1] : vector<256x20x256xf32> to vector<256x256xf32>
    %swap3A = arith.constant 0 : index
    %swap3A_30 = arith.constant 0 : index
    %swap3A_31 = vector.load %arg6[%swap3A, %swap3A_30] : memref<256x256xf32, #tpu.memory_space<vmem>>, vector<256x256xf32>
    tpu.vector_store %arg6[%swap3A, %swap3A_30], %reduce_max3A_29 {strides = array<i32>} : memref<256x256xf32, #tpu.memory_space<vmem>>, vector<256x256xf32>,
    return
  }
  func.func @transform_0(%arg0: i32) -> (i32, i32) {
    %c0_i32 = arith.constant 0 : i32
    %c0_i32_0 = arith.constant 0 : i32
    return %arg0, %c0_i32 : i32, i32
  }
  func.func @transform_1(%arg0: i32) -> (i32, i32) {
    %add3A = arith.constant 0 : i32
    %add3A_0 = arith.addi %arg0, %add3A : i32
    %c0_i32 = arith.constant 0 : i32
    %c0_i32_1 = arith.constant 0 : i32
    return %add3A_0, %c0_i32 : i32, i32
  }
  func.func @transform_2(%arg0: i32) -> (i32, i32) {
    %c0_i32 = arith.constant 0 : i32
    %c0_i32_0 = arith.constant 0 : i32
    %c0_i32_1 = arith.constant 0 : i32
    return %c0_i32, %c0_i32_0 : i32, i32
  }
  func.func @transform_3(%arg0: i32) -> (i32, i32) {
    %c0_i32 = arith.constant 0 : i32
    %c0_i32_0 = arith.constant 0 : i32
    %c0_i32_1 = arith.constant 0 : i32
    return %c0_i32, %c0_i32_0 : i32, i32
  }
  func.func @transform_4(%arg0: i32) -> (i32, i32) {
    %c0_i32 = arith.constant 0 : i32
    %c0_i32_0 = arith.constant 0 : i32
    %c0_i32_1 = arith.constant 0 : i32
    return %c0_i32, %c0_i32_0 : i32, i32
  }
  func.func @transform_5(%arg0: i32) -> (i32, i32) {
    %c0_i32 = arith.constant 0 : i32
    %c0_i32_0 = arith.constant 0 : i32
    return %arg0, %c0_i32 : i32, i32
  }
}

module attributes {stable_mosaic.version = 14 : i64} {
  func.func @_conv_body(%arg0: i32, %arg1: memref<5120x128xf32, #tpu.memory_space<vmem>>, %arg2: memref<256x128xf32, #tpu.memory_space<vmem>>, %arg3: memref<256x256xf32, #tpu.memory_space<vmem>>, %arg4: memref<1x256xf32, #tpu.memory_space<vmem>>, %arg5: memref<1x256xf32, #tpu.memory_space<vmem>>, %arg6: memref<256x256xf32, #tpu.memory_space<vmem>>) attributes {dimension_semantics = [#tpu.dimension_semantics<arbitrary>], iteration_bounds = array<i64: 10>, scalar_prefetch = 0 : i64, scratch_operands = 0 : i64, tpu.core_type = #tpu.core_type<tc>, window_params = [{transform_indices = @transform_0, window_bounds = array<i64: 5120, 128>}, {transform_indices = @transform_1, window_bounds = array<i64: 256, 128>}, {pipeline_mode = #tpu.pipeline_mode<synchronous>, transform_indices = @transform_2, window_bounds = array<i64: 256, 256>}, {pipeline_mode = #tpu.pipeline_mode<synchronous>, transform_indices = @transform_3, window_bounds = array<i64: 1, 256>}, {pipeline_mode = #tpu.pipeline_mode<synchronous>, transform_indices = @transform_4, window_bounds = array<i64: 1, 256>}, {transform_indices = @transform_5, window_bounds = array<i64: 256, 256>}]} {
    %get3A = arith.constant 0 : index
    %get3A_0 = arith.constant 0 : index
    %get3A_1 = vector.load %arg1[%get3A, %get3A_0] : memref<5120x128xf32, #tpu.memory_space<vmem>>, vector<5120x128xf32>
    %get3A_2 = arith.constant 0 : index
    %get3A_3 = arith.constant 0 : index
    %get3A_4 = vector.load %arg2[%get3A_2, %get3A_3] : memref<256x128xf32, #tpu.memory_space<vmem>>, vector<256x128xf32>
    %reshape3A = vector.shape_cast %get3A_1 : vector<5120x128xf32> to vector<256x20x128xf32>
    %broadcast_in_dim3A = vector.shape_cast %get3A_4 : vector<256x128xf32> to vector<256x1x128xf32>
    %sub3A = vector.broadcast %broadcast_in_dim3A : vector<256x1x128xf32> to vector<256x20x128xf32>
    %sub3A_5 = arith.subf %reshape3A, %sub3A : vector<256x20x128xf32>
    %broadcast_in_dim3A_6 = vector.shape_cast %get3A_4 : vector<256x128xf32> to vector<256x1x128xf32>
    %broadcast_in_dim3A_7 = vector.shape_cast %broadcast_in_dim3A_6 : vector<256x1x128xf32> to vector<256x1x128xf32>
    %broadcast_in_dim3A_8 = vector.broadcast %broadcast_in_dim3A_7 : vector<256x1x128xf32> to vector<256x20x128xf32>
    %concatenate3A = tpu.concatenate %sub3A_5, %broadcast_in_dim3A_8 in 2 : vector<256x20x128xf32>, vector<256x20x128xf32> -> vector<256x20x256xf32>
    %reshape3A_9 = vector.shape_cast %concatenate3A : vector<256x20x256xf32> to vector<5120x256xf32>
    %convert_element_type3A = arith.truncf %reshape3A_9 : vector<5120x256xf32> to vector<5120x256xbf16>
    %get3A_10 = arith.constant 0 : index
    %get3A_11 = arith.constant 0 : index
    %get3A_12 = vector.load %arg3[%get3A_10, %get3A_11] : memref<256x256xf32, #tpu.memory_space<vmem>>, vector<256x256xf32>
    %convert_element_type3A_13 = arith.truncf %get3A_12 : vector<256x256xf32> to vector<256x256xbf16>
    %dot_general3A = arith.constant dense<0.000000e+00> : vector<5120x256xf32>
    %dot_general3A_14 = tpu.matmul %convert_element_type3A, %convert_element_type3A_13, %dot_general3A {dimension_numbers = #tpu.dot_dimension_numbers<[1], [0], [0], [1], [0, 0, 1, 1], [], []>, transpose_lhs_hint = false} : vector<5120x256xbf16>, vector<256x256xbf16>, vector<5120x256xf32> -> vector<5120x256xf32>
    %get3A_15 = arith.constant 0 : index
    %get3A_16 = arith.constant 0 : index
    %get3A_17 = vector.load %arg4[%get3A_15, %get3A_16] : memref<1x256xf32, #tpu.memory_space<vmem>>, vector<1x256xf32>
    %mul3A = vector.broadcast %get3A_17 : vector<1x256xf32> to vector<5120x256xf32>
    %mul3A_18 = arith.mulf %dot_general3A_14, %mul3A : vector<5120x256xf32>
    %get3A_19 = arith.constant 0 : index
    %get3A_20 = arith.constant 0 : index
    %get3A_21 = vector.load %arg5[%get3A_19, %get3A_20] : memref<1x256xf32, #tpu.memory_space<vmem>>, vector<1x256xf32>
    %add3A = vector.broadcast %get3A_21 : vector<1x256xf32> to vector<5120x256xf32>
    %add3A_22 = arith.addf %mul3A_18, %add3A : vector<5120x256xf32>
    %gt3A = arith.constant 0.000000e+00 : f32
    %gt3A_23 = vector.broadcast %gt3A : f32 to vector<5120x256xf32>
    %gt3A_24 = arith.cmpf ogt, %add3A_22, %gt3A_23 : vector<5120x256xf32>
    %mul3A_25 = arith.constant 2.000000e-01 : f32
    %mul3A_26 = vector.broadcast %mul3A_25 : f32 to vector<5120x256xf32>
    %mul3A_27 = arith.mulf %mul3A_26, %add3A_22 : vector<5120x256xf32>
    %select_n3A = arith.select %gt3A_24, %add3A_22, %mul3A_27 : vector<5120x256xi1>, vector<5120x256xf32>
    %reshape3A_28 = vector.shape_cast %select_n3A : vector<5120x256xf32> to vector<256x20x256xf32>
    %reduce_max3A = arith.constant dense<0xFF800000> : vector<256x256xf32>
    %reduce_max3A_29 = vector.multi_reduction <maximumf>, %reshape3A_28, %reduce_max3A [1] : vector<256x20x256xf32> to vector<256x256xf32>
    %swap3A = arith.constant 0 : index
    %swap3A_30 = arith.constant 0 : index
    %swap3A_31 = vector.load %arg6[%swap3A, %swap3A_30] : memref<256x256xf32, #tpu.memory_space<vmem>>, vector<256x256xf32>
    tpu.vector_store %arg6[%swap3A, %swap3A_30], %reduce_max3A_29 {strides = array<i32>} : memref<256x256xf32, #tpu.memory_space<vmem>>, vector<256x256xf32>,
    return
  }
  func.func @transform_0(%arg0: i32) -> (i32, i32) {
    %c0_i32 = arith.constant 0 : i32
    %c0_i32_0 = arith.constant 0 : i32
    return %arg0, %c0_i32 : i32, i32
  }
  func.func @transform_1(%arg0: i32) -> (i32, i32) {
    %add3A = arith.constant 10 : i32
    %add3A_0 = arith.addi %arg0, %add3A : i32
    %c0_i32 = arith.constant 0 : i32
    %c0_i32_1 = arith.constant 0 : i32
    return %add3A_0, %c0_i32 : i32, i32
  }
  func.func @transform_2(%arg0: i32) -> (i32, i32) {
    %c0_i32 = arith.constant 0 : i32
    %c0_i32_0 = arith.constant 0 : i32
    %c0_i32_1 = arith.constant 0 : i32
    return %c0_i32, %c0_i32_0 : i32, i32
  }
  func.func @transform_3(%arg0: i32) -> (i32, i32) {
    %c0_i32 = arith.constant 0 : i32
    %c0_i32_0 = arith.constant 0 : i32
    %c0_i32_1 = arith.constant 0 : i32
    return %c0_i32, %c0_i32_0 : i32, i32
  }
  func.func @transform_4(%arg0: i32) -> (i32, i32) {
    %c0_i32 = arith.constant 0 : i32
    %c0_i32_0 = arith.constant 0 : i32
    %c0_i32_1 = arith.constant 0 : i32
    return %c0_i32, %c0_i32_0 : i32, i32
  }
  func.func @transform_5(%arg0: i32) -> (i32, i32) {
    %c0_i32 = arith.constant 0 : i32
    %c0_i32_0 = arith.constant 0 : i32
    return %arg0, %c0_i32 : i32, i32
  }
}

module attributes {stable_mosaic.version = 14 : i64} {
  func.func @_head_body(%arg0: i32, %arg1: memref<1024x512xf32, #tpu.memory_space<vmem>>, %arg2: memref<512x1024xf32, #tpu.memory_space<vmem>>, %arg3: memref<1x1024xf32, #tpu.memory_space<vmem>>, %arg4: memref<1x1024xf32, #tpu.memory_space<vmem>>, %arg5: memref<1024x512xf32, #tpu.memory_space<vmem>>, %arg6: memref<1x512xf32, #tpu.memory_space<vmem>>, %arg7: memref<1x512xf32, #tpu.memory_space<vmem>>, %arg8: memref<512x20xf32, #tpu.memory_space<vmem>>, %arg9: memref<1x20xf32, #tpu.memory_space<vmem>>, %arg10: memref<1024x20xf32, #tpu.memory_space<vmem>>) attributes {dimension_semantics = [#tpu.dimension_semantics<arbitrary>], iteration_bounds = array<i64: 5>, scalar_prefetch = 0 : i64, scratch_operands = 0 : i64, tpu.core_type = #tpu.core_type<tc>, window_params = [{transform_indices = @transform_0, window_bounds = array<i64: 1024, 512>}, {pipeline_mode = #tpu.pipeline_mode<synchronous>, transform_indices = @transform_1, window_bounds = array<i64: 512, 1024>}, {pipeline_mode = #tpu.pipeline_mode<synchronous>, transform_indices = @transform_2, window_bounds = array<i64: 1, 1024>}, {pipeline_mode = #tpu.pipeline_mode<synchronous>, transform_indices = @transform_3, window_bounds = array<i64: 1, 1024>}, {pipeline_mode = #tpu.pipeline_mode<synchronous>, transform_indices = @transform_4, window_bounds = array<i64: 1024, 512>}, {pipeline_mode = #tpu.pipeline_mode<synchronous>, transform_indices = @transform_5, window_bounds = array<i64: 1, 512>}, {pipeline_mode = #tpu.pipeline_mode<synchronous>, transform_indices = @transform_6, window_bounds = array<i64: 1, 512>}, {pipeline_mode = #tpu.pipeline_mode<synchronous>, transform_indices = @transform_7, window_bounds = array<i64: 512, 20>}, {pipeline_mode = #tpu.pipeline_mode<synchronous>, transform_indices = @transform_8, window_bounds = array<i64: 1, 20>}, {transform_indices = @transform_9, window_bounds = array<i64: 1024, 20>}]} {
    %get3A = arith.constant 0 : index
    %get3A_0 = arith.constant 0 : index
    %get3A_1 = vector.load %arg1[%get3A, %get3A_0] : memref<1024x512xf32, #tpu.memory_space<vmem>>, vector<1024x512xf32>
    %convert_element_type3A = arith.truncf %get3A_1 : vector<1024x512xf32> to vector<1024x512xbf16>
    %get3A_2 = arith.constant 0 : index
    %get3A_3 = arith.constant 0 : index
    %get3A_4 = vector.load %arg2[%get3A_2, %get3A_3] : memref<512x1024xf32, #tpu.memory_space<vmem>>, vector<512x1024xf32>
    %convert_element_type3A_5 = arith.truncf %get3A_4 : vector<512x1024xf32> to vector<512x1024xbf16>
    %dot_general3A = arith.constant dense<0.000000e+00> : vector<1024x1024xf32>
    %dot_general3A_6 = tpu.matmul %convert_element_type3A, %convert_element_type3A_5, %dot_general3A {dimension_numbers = #tpu.dot_dimension_numbers<[1], [0], [0], [1], [0, 0, 1, 1], [], []>, transpose_lhs_hint = false} : vector<1024x512xbf16>, vector<512x1024xbf16>, vector<1024x1024xf32> -> vector<1024x1024xf32>
    %get3A_7 = arith.constant 0 : index
    %get3A_8 = arith.constant 0 : index
    %get3A_9 = vector.load %arg3[%get3A_7, %get3A_8] : memref<1x1024xf32, #tpu.memory_space<vmem>>, vector<1x1024xf32>
    %mul3A = vector.broadcast %get3A_9 : vector<1x1024xf32> to vector<1024x1024xf32>
    %mul3A_10 = arith.mulf %dot_general3A_6, %mul3A : vector<1024x1024xf32>
    %get3A_11 = arith.constant 0 : index
    %get3A_12 = arith.constant 0 : index
    %get3A_13 = vector.load %arg4[%get3A_11, %get3A_12] : memref<1x1024xf32, #tpu.memory_space<vmem>>, vector<1x1024xf32>
    %add3A = vector.broadcast %get3A_13 : vector<1x1024xf32> to vector<1024x1024xf32>
    %add3A_14 = arith.addf %mul3A_10, %add3A : vector<1024x1024xf32>
    %gt3A = arith.constant 0.000000e+00 : f32
    %gt3A_15 = vector.broadcast %gt3A : f32 to vector<1024x1024xf32>
    %gt3A_16 = arith.cmpf ogt, %add3A_14, %gt3A_15 : vector<1024x1024xf32>
    %mul3A_17 = arith.constant 2.000000e-01 : f32
    %mul3A_18 = vector.broadcast %mul3A_17 : f32 to vector<1024x1024xf32>
    %mul3A_19 = arith.mulf %mul3A_18, %add3A_14 : vector<1024x1024xf32>
    %select_n3A = arith.select %gt3A_16, %add3A_14, %mul3A_19 : vector<1024x1024xi1>, vector<1024x1024xf32>
    %convert_element_type3A_20 = arith.truncf %select_n3A : vector<1024x1024xf32> to vector<1024x1024xbf16>
    %get3A_21 = arith.constant 0 : index
    %get3A_22 = arith.constant 0 : index
    %get3A_23 = vector.load %arg5[%get3A_21, %get3A_22] : memref<1024x512xf32, #tpu.memory_space<vmem>>, vector<1024x512xf32>
    %convert_element_type3A_24 = arith.truncf %get3A_23 : vector<1024x512xf32> to vector<1024x512xbf16>
    %dot_general3A_25 = arith.constant dense<0.000000e+00> : vector<1024x512xf32>
    %dot_general3A_26 = tpu.matmul %convert_element_type3A_20, %convert_element_type3A_24, %dot_general3A_25 {dimension_numbers = #tpu.dot_dimension_numbers<[1], [0], [0], [1], [0, 0, 1, 1], [], []>, transpose_lhs_hint = false} : vector<1024x1024xbf16>, vector<1024x512xbf16>, vector<1024x512xf32> -> vector<1024x512xf32>
    %get3A_27 = arith.constant 0 : index
    %get3A_28 = arith.constant 0 : index
    %get3A_29 = vector.load %arg6[%get3A_27, %get3A_28] : memref<1x512xf32, #tpu.memory_space<vmem>>, vector<1x512xf32>
    %mul3A_30 = vector.broadcast %get3A_29 : vector<1x512xf32> to vector<1024x512xf32>
    %mul3A_31 = arith.mulf %dot_general3A_26, %mul3A_30 : vector<1024x512xf32>
    %get3A_32 = arith.constant 0 : index
    %get3A_33 = arith.constant 0 : index
    %get3A_34 = vector.load %arg7[%get3A_32, %get3A_33] : memref<1x512xf32, #tpu.memory_space<vmem>>, vector<1x512xf32>
    %add3A_35 = vector.broadcast %get3A_34 : vector<1x512xf32> to vector<1024x512xf32>
    %add3A_36 = arith.addf %mul3A_31, %add3A_35 : vector<1024x512xf32>
    %convert_element_type3A_37 = arith.truncf %add3A_36 : vector<1024x512xf32> to vector<1024x512xbf16>
    %get3A_38 = arith.constant 0 : index
    %get3A_39 = arith.constant 0 : index
    %get3A_40 = vector.load %arg8[%get3A_38, %get3A_39] : memref<512x20xf32, #tpu.memory_space<vmem>>, vector<512x20xf32>
    %convert_element_type3A_41 = arith.truncf %get3A_40 : vector<512x20xf32> to vector<512x20xbf16>
    %dot_general3A_42 = arith.constant dense<0.000000e+00> : vector<1024x20xf32>
    %dot_general3A_43 = tpu.matmul %convert_element_type3A_37, %convert_element_type3A_41, %dot_general3A_42 {dimension_numbers = #tpu.dot_dimension_numbers<[1], [0], [0], [1], [0, 0, 1, 1], [], []>, transpose_lhs_hint = false} : vector<1024x512xbf16>, vector<512x20xbf16>, vector<1024x20xf32> -> vector<1024x20xf32>
    %get3A_44 = arith.constant 0 : index
    %get3A_45 = arith.constant 0 : index
    %get3A_46 = vector.load %arg9[%get3A_44, %get3A_45] : memref<1x20xf32, #tpu.memory_space<vmem>>, vector<1x20xf32>
    %add3A_47 = vector.broadcast %get3A_46 : vector<1x20xf32> to vector<1024x20xf32>
    %add3A_48 = arith.addf %dot_general3A_43, %add3A_47 : vector<1024x20xf32>
    %swap3A = arith.constant 0 : index
    %swap3A_49 = arith.constant 0 : index
    %swap3A_50 = vector.load %arg10[%swap3A, %swap3A_49] : memref<1024x20xf32, #tpu.memory_space<vmem>>, vector<1024x20xf32>
    tpu.vector_store %arg10[%swap3A, %swap3A_49], %add3A_48 {strides = array<i32>} : memref<1024x20xf32, #tpu.memory_space<vmem>>, vector<1024x20xf32>,
    return
  }
  func.func @transform_0(%arg0: i32) -> (i32, i32) {
    %c0_i32 = arith.constant 0 : i32
    %c0_i32_0 = arith.constant 0 : i32
    return %arg0, %c0_i32 : i32, i32
  }
  func.func @transform_1(%arg0: i32) -> (i32, i32) {
    %c0_i32 = arith.constant 0 : i32
    %c0_i32_0 = arith.constant 0 : i32
    %c0_i32_1 = arith.constant 0 : i32
    return %c0_i32, %c0_i32_0 : i32, i32
  }
  func.func @transform_2(%arg0: i32) -> (i32, i32) {
    %c0_i32 = arith.constant 0 : i32
    %c0_i32_0 = arith.constant 0 : i32
    %c0_i32_1 = arith.constant 0 : i32
    return %c0_i32, %c0_i32_0 : i32, i32
  }
  func.func @transform_3(%arg0: i32) -> (i32, i32) {
    %c0_i32 = arith.constant 0 : i32
    %c0_i32_0 = arith.constant 0 : i32
    %c0_i32_1 = arith.constant 0 : i32
    return %c0_i32, %c0_i32_0 : i32, i32
  }
  func.func @transform_4(%arg0: i32) -> (i32, i32) {
    %c0_i32 = arith.constant 0 : i32
    %c0_i32_0 = arith.constant 0 : i32
    %c0_i32_1 = arith.constant 0 : i32
    return %c0_i32, %c0_i32_0 : i32, i32
  }
  func.func @transform_5(%arg0: i32) -> (i32, i32) {
    %c0_i32 = arith.constant 0 : i32
    %c0_i32_0 = arith.constant 0 : i32
    %c0_i32_1 = arith.constant 0 : i32
    return %c0_i32, %c0_i32_0 : i32, i32
  }
  func.func @transform_6(%arg0: i32) -> (i32, i32) {
    %c0_i32 = arith.constant 0 : i32
    %c0_i32_0 = arith.constant 0 : i32
    %c0_i32_1 = arith.constant 0 : i32
    return %c0_i32, %c0_i32_0 : i32, i32
  }
  func.func @transform_7(%arg0: i32) -> (i32, i32) {
    %c0_i32 = arith.constant 0 : i32
    %c0_i32_0 = arith.constant 0 : i32
    %c0_i32_1 = arith.constant 0 : i32
    return %c0_i32, %c0_i32_0 : i32, i32
  }
  func.func @transform_8(%arg0: i32) -> (i32, i32) {
    %c0_i32 = arith.constant 0 : i32
    %c0_i32_0 = arith.constant 0 : i32
    %c0_i32_1 = arith.constant 0 : i32
    return %c0_i32, %c0_i32_0 : i32, i32
  }
  func.func @transform_9(%arg0: i32) -> (i32, i32) {
    %c0_i32 = arith.constant 0 : i32
    %c0_i32_0 = arith.constant 0 : i32
    return %arg0, %c0_i32 : i32, i32
  }
}

</mosaic_0001>

<sc_bundles>
// kernel: kernel.27.cloned.1.call-start
scs
__scs_entry_jumppad:
0x0: {  	(pc) =	sbr.rel $0x88, $3  }
0x1: {  	(tag) =	ssettag $0x0;
	lr =	simm.s32 $0x1  }
0x2: {  	[smem:$0x3F8B] =	sst lr;
	_ =	strace $0xD0000000  }
0x3: {  	_ = 	snop  }
0x4: {  	_ = 	snop  }
0x5: {  	_ = 	snop  }
0x6: {  	_ = 	snop  }
0x7: {  	_ = 	snop  }
__scs_overlays_trampoline_lowered:
0x8: {  	[smem:$0x3F9A] =	sst s0  }
0x9: {  	[smem:$0x3F9B] =	sst s1  }
0xa: {  	[smem:$0x3F9C] =	sst s2  }
0xb: {  	[smem:$0x3F9D] =	sst s3  }
0xc: {  	[smem:$0x3F9E] =	sst s4  }
0xd: {  	[smem:$0x3F9F] =	sst s5  }
0xe: {  	[smem:$0x3FA0] =	sst s6  }
0xf: {  	[smem:$0x3FA1] =	sst s7  }
0x10: {  	[smem:$0x3FA2] =	sst s8  }
0x11: {  	[smem:$0x3FA3] =	sst s9;
	s0 =	simm.s32 @!p0 $0x0  }
0x12: {  	s1 =	sld [smem:$0x3F89];
	s0 =	simm.s32 @p0 $0x1  }
0x13: {  	[smem:$0x3FA4] =	sst s0;
	s0 =	simm.s32 @!p1 $0x0  }
0x14: {  	s2 =	sld [smem:$0x3F88];
	s0 =	simm.s32 @p1 $0x1  }
0x15: {  	[smem:$0x3FA5] =	sst s0;
	s0 =	simm.s32 @!p2 $0x0  }
0x16: {  	s3 =	sld [smem:$0x3FDB];
	s0 =	simm.s32 @p2 $0x1  }
0x17: {  	s4 =	simm.s32 $0x1BF5;
	[smem:$0x3FA7] =	sst s0  }
0x18: {  	s0 =	sld [smem:$0x3F8A];
	_ =	swait.ge [sflag:s4], $0x0  }
0x19: {  	s7 =	sld [smem:$0x3F8B]  }
0x1a: {  	s8 =	sadd.s32 $0xFFFFE003, lr  }
0x1b: {  	s9 =	sadd.s32 $0xFFFFFEF7, lr;
	s5 =	simm.s32 $0xFFFFFFFF;
	p2 =	slt.u32 s8, $0xFFFFF086  }
0x1c: {  	p1 =	slt.u32 s9, $0xF7A;
	s5 =	simm.s32 @!p2 $0x0  }
0x1d: {  	s5 =	simm.s32 @p1 $0x1;
	p0 =	seq.s32 s7, s2  }
0x1e: {  	s7 =	smul.u32 @!p0 $0xF7A, s2;
	p2 =	seq.s32 @!p0 s5, $0x0  }
0x1f: {  	s9 =	smul.u32 $0xF7A, s1;
	s8 =	simm.s32 @!p0 $0x1BF5;
	p2 =	por !p2, p0  }
0x20: {  	[sflag:s8] =	ssyncset.s32 @!p0 $0xFFFFF086;
	s6 =	sadd.s32 @!p0 s3, s7;
	s7 =	simm.s32 @!p0 $0x108  }
0x21: {  	s3 =	sadd.s32 s3, s9;
	s6 =	sadd.s32 @!p0 $0x88, s6;
	s7 =	simm.s32 @p2 $0x1082  }
0x22: {  	[simem:s7], [sflag:s8] =	dma.local @!p0 [hbm:s6], $0xF7A  }
0x23: {  	s9 =	sor.u32 $0xD0000000, s2;
	s6 =	simm.s32 $0x108;
	_ =	swait.ge @!p0 [sflag:s8], $0x0  }
0x24: {  	s3 =	sadd.s32 $0x88, s3;
	s6 =	simm.s32 @!p1 $0x1082;
	[sflag:s4] =	ssyncset.s32 $0xFFFFF086  }
0x25: {  	[simem:s6], [sflag:s4] =	dma.local [hbm:s3], $0xF7A  }
0x26: {  	[smem:$0x3F8B] =	sst s1;
	(tag) =	ssettag s2;
	_ =	strace s9  }
0x27: {  	s1 =	sld [smem:$0x3F9B]  }
0x28: {  	s2 =	sld [smem:$0x3F9C]  }
0x29: {  	s4 =	sld [smem:$0x3F9E]  }
0x2a: {  	p0 =	seq.s32 s5, $0x0;
	s5 =	sld [smem:$0x3F9F]  }
0x2b: {  	s6 =	sld [smem:$0x3FA0]  }
0x2c: {  	s7 =	sld [smem:$0x3FA1]  }
0x2d: {  	s3 =	simm.s32 $0x108;
	s8 =	sld [smem:$0x3FA2]  }
0x2e: {  	s3 =	simm.s32 @!p0 $0x1082;
	s9 =	sld [smem:$0x3FA3]  }
0x2f: {  	lr =	sadd.s32 s0, s3;
	s0 =	sld [smem:$0x3F9A]  }
0x30: {  	s3 =	sld [smem:$0x3F9D]  }
0x31: {  	[smem:$0x3FA6] =	sst s10  }
0x32: {  	s10 =	sld [smem:$0x3FA4];
	_ =	sdelay $0x3  }
0x33: {  	p0 =	seq.s32 s10, $0x1;
	s10 =	sld [smem:$0x3FA6];
	_ =	sdelay $0x3  }
0x34: {  	[smem:$0x3FA6] =	sst s10  }
0x35: {  	s10 =	sld [smem:$0x3FA5];
	_ =	sdelay $0x3  }
0x36: {  	p1 =	seq.s32 s10, $0x1;
	s10 =	sld [smem:$0x3FA6];
	_ =	sdelay $0x3  }
0x37: {  	[smem:$0x3FA6] =	sst s10  }
0x38: {  	s10 =	sld [smem:$0x3FA7]  }
0x39: {  	_ = 	snop;
	(pc) =	sbr.ind lr, $3  }
0x3a: {  	_ = 	snop  }
0x3b: {  	_ = 	snop  }
0x3c: {  	p2 =	seq.s32 s10, $0x1;
	s10 =	sld [smem:$0x3FA6]  }
0x3d: {  	_ =	shalt  }
0x3e: {  	_ =	shalt  }
0x3f: {  	_ =	shalt  }
0x40: {  	_ =	shalt  }
0x41: {  	_ =	shalt  }
0x42: {  	_ =	shalt  }
0x43: {  	_ =	shalt  }
0x44: {  	_ =	shalt  }
0x45: {  	_ =	shalt  }
0x46: {  	_ =	shalt  }
0x47: {  	_ =	shalt  }
0x48: {  	_ =	shalt  }
0x49: {  	_ =	shalt  }
0x4a: {  	_ =	shalt  }
0x4b: {  	_ =	shalt  }
0x4c: {  	_ =	shalt  }
0x4d: {  	_ =	shalt  }
0x4e: {  	_ =	shalt  }
0x4f: {  	_ =	shalt  }
0x50: {  	_ =	shalt  }
0x51: {  	_ =	shalt  }
0x52: {  	_ =	shalt  }
0x53: {  	_ =	shalt  }
0x54: {  	_ =	shalt  }
0x55: {  	_ =	shalt  }
0x56: {  	_ =	shalt  }
0x57: {  	_ =	shalt  }
0x58: {  	_ =	shalt  }
0x59: {  	_ =	shalt  }
0x5a: {  	_ =	shalt  }
0x5b: {  	_ =	shalt  }
0x5c: {  	_ =	shalt  }
0x5d: {  	_ =	shalt  }
0x5e: {  	_ =	shalt  }
0x5f: {  	_ =	shalt  }
0x60: {  	_ =	shalt  }
0x61: {  	_ =	shalt  }
0x62: {  	_ =	shalt  }
0x63: {  	_ =	shalt  }
0x64: {  	_ =	shalt  }
0x65: {  	_ =	shalt  }
0x66: {  	_ =	shalt  }
0x67: {  	_ =	shalt  }
0x68: {  	_ =	shalt  }
0x69: {  	_ =	shalt  }
0x6a: {  	_ =	shalt  }
0x6b: {  	_ =	shalt  }
0x6c: {  	_ =	shalt  }
0x6d: {  	_ =	shalt  }
0x6e: {  	_ =	shalt  }
0x6f: {  	_ =	shalt  }
0x70: {  	_ =	shalt  }
0x71: {  	_ =	shalt  }
0x72: {  	_ =	shalt  }
0x73: {  	_ =	shalt  }
0x74: {  	_ =	shalt  }
0x75: {  	_ =	shalt  }
0x76: {  	_ =	shalt  }
0x77: {  	_ =	shalt  }
0x78: {  	_ =	shalt  }
0x79: {  	_ =	shalt  }
0x7a: {  	_ =	shalt  }
0x7b: {  	_ =	shalt  }
0x7c: {  	_ =	shalt  }
0x7d: {  	_ =	shalt  }
0x7e: {  	_ =	shalt  }
0x7f: {  	_ =	shalt  }
0x80: {  	_ =	shalt  }
0x81: {  	_ =	shalt  }
0x82: {  	_ =	shalt  }
0x83: {  	_ =	shalt  }
0x84: {  	_ =	shalt  }
0x85: {  	_ =	shalt  }
0x86: {  	_ =	shalt  }
0x87: {  	_ =	shalt  }
.Lfunc_end0:
.L_simem_size_0:
called_computation_lowered:
.L_overlay_start_0:
0x88: {  	s2 =	sld [smem:$0x3FD9]  }
0x89: {  	s3 =	sld [smem:$0x3FFE];
	_ =	sdelay $0x1  }
0x8a: {  	s1 =	srdreg.scid  }
0x8b: {  	s0 =	sand.u32 $0x1, s1  }
0x8c: {  	s16 =	sshll.u32 s0, $0xA;
	s2 =	sadd.s32 s3, s2  }
0x8d: {  	s2 =	sadd.s32 s2, s16  }
0x8e: {  	[smem:$0x3FB2] =	sst s2  }
0x8f: {  	_ = 	snop  }
0x90: {  	(tm) =	ssettm $0x1  }
0x91: {  	s17 =	sld [smem:$0x3FFB];
	_ =	sdelay $0x3  }
0x92: {  	_ =	strace s17  }
0x93: {  	s2 =	sld [smem:$0x3FFC];
	_ =	sdelay $0x3  }
0x94: {  	_ =	strace s2  }
0x95: {  	s2 =	sld [smem:$0x3FFD];
	_ =	sdelay $0x3  }
0x96: {  	_ =	strace s2  }
0x97: {  	_ =	strace $0x8FFFFFFF  }
0x98: {  	s18 =	sld [smem:$0x3FDB];
	_ =	sdelay $0x1  }
0x99: {  	s19 =	simm.s32 $_scs_section_size  }
0x9a: {  	s4 =	simm.s32 $_size__tile_overlayer_lowered;
	s5 =	simm.s32 $_tile_overlayer_lowered  }
0x9b: {  	s22 =	simm.s32 $0x1BFF;
	s21 =	sshll.u32 s5, $0x1;
	s2 =	sadd.s32 s19, s18  }
0x9c: {  	s6 =	simm.s32 $0x0;
	s20 =	sshll.u32 s4, $0x1;
	s4 =	sadd.s32 s21, s2  }
0x9d: {  	[timem:s6], [sflag:s22] =	dma.local [hbm:s4], s20  }
0x9e: {  	_ =	swait.ge [sflag:s22], s20  }
0x9f: {  	s3 =	ssub.s32 $0x0, s20;
	[sflag:s22] =	ssyncset.done $0x0  }
0xa0: {  	[sflag:s22] =	ssyncadd.s32 s3;
	_ =	sdelay $0x1  }
0xa1: {  	s23 =	simm.s32 $0x1B8B  }
0xa2: {  	_ =	swait.ge [sflag:s23], $0x1  }
0xa3: {  	[sflag:s23] =	ssyncset.done $0x0  }
0xa4: {  	s25 =	simm.s32 $0x1B8E;
	s24 =	sld [smem:$0x3FFE];
	[sflag:s23] =	ssyncadd.s32 $0xFFFFFFFF  }
0xa5: {  	s26 =	simm.s32 $execute0_lowered;
	[smem:$0x3FD2] =	sst s25  }
0xa6: {  	s4 =	sshll.u32 s26, $0x1;
	_ =	strace $0x80000046;
	[dreg:$0x1] =	wrdreg $0xFFFFFFFF  }
0xa7: {  	s28 =	simm.s32 $_size_execute0_lowered;
	s2 =	sadd.s32 s2, s4;
	[dreg:$0x0] =	wrdreg $0x0  }
0xa8: {  	s4 =	sshll.u32 s28, $0x1;
	[dreg:$0x2] =	wrdreg s2  }
0xa9: {  	[dreg:$0x3] =	wrdreg s4  }
0xaa: {  	[dreg:$0x4] =	wrdreg $0xC0  }
0xab: {  	_ =	task [dreg:s6], $0x5FFFF  }
0xac: {  	[dreg:$0x1] =	wrdreg $0xFFFFFFFF  }
0xad: {  	[dreg:$0x0] =	wrdreg $0x60  }
0xae: {  	[dreg:$0x2] =	wrdreg s24  }
0xaf: {  	[dreg:$0x3] =	wrdreg $0x9  }
0xb0: {  	_ =	task.clear_ibuf [dreg:s6], $0x4FFFF;
	_ =	strace $0x90000046  }
0xb1: {  	s29 =	simm.s32 $0x9;
	_ =	strace $0x80000048  }
0xb2: {  	_ =	swait.ge [sflag:s29], $0x1  }
0xb3: {  	[sflag:s29] =	ssyncadd.s32 $0xFFFFFFFF  }
0xb4: {  	_ =	strace $0x90000048  }
0xb5: {  	_ =	sfence  }
0xb6: {  	s30 =	sld [smem:$0x0];
	_ =	sdelay $0x2  }
0xb7: {  	s31 =	sshll.u32 s1, $0xD;
	s1 =	sshrl.u32 s1, $0x2  }
0xb8: {  	s3 =	sand.u32 $0x4000, s31;
	s1 =	sadd.s32 s1, s30  }
0xb9: {  	s0 =	sor.u32 s3, s0;
	s1 =	sshll.u32 s1, $0x11  }
0xba: {  	s0 =	sor.u32 s1, s0  }
0xbb: {  	s0 =	sadd.s32 $0x8F2B, s0  }
0xbc: {  	[sflag:s0] =	ssyncadd.remote.s32 $0x1  }
0xbd: {  	_ =	sfence.sel $0xFFFF  }
0xbe: {  	[dreg:$0x0] =	wrdreg $0xFFFFFFFF;
	(pc) =	sbr.abs _section_cstart, $3  }
0xbf: {  	[dreg:$0x1] =	wrdreg $0xFFFFFFFF  }
0xc0: {  	_ =	task.clear_ibuf [dreg:s6], $0x2FFFF;
	_ =	strace $0x9FFFFFFF  }
0xc1: {  	(tm) =	ssettm $0x7FFFFFFF  }
tec
execute0_lowered:
.L_overlay_start_1:
0x0: {  	(tag) =	ssettag $0x1  }
0x1: {  	s1 =	srdreg.scid;
	s0 =	stileid.u32  }
0x2: {  	s17 =	sand.u32 $0x1, s1;
	s28 =	sshll.u32 s0, $0x1  }
0x3: {  	s9 =	rddreg [dreg:$0x0];
	s12 =	sor.u32 s17, s28  }
0x4: {  	s2 =	simm.s32 $0x0;
	s1 =	rddreg [dreg:$0x1];
	s3 =	smul.u32 $0xC8, s12  }
0x5: {  	[smem:$0x7FF] =	sst s2;
	s16 =	sadd.s32 $0x1B800, s9  }
0x6: {  	_ =	strace $0x80000047;
	s4 =	sadd.s32 s16, s3;
	s3 =	simm.s32 $0x2  }
0x7: {  	[tilespmem:s2], [sflag:$0x2] =	stream.linear.gather [hbm4b:s4+s2], $0x140, $0x38;
	[tilespmem:$0xA180] =	vst v63  }
0x8: {  	s6 =	simm.s32 $0x140;
	_ =	swait.ge [sflag:s3], $0x140  }
0x9: {  	s7 =	simm.s32 $0x180;
	s8 =	simm.s32 $0x1;
	[sflag:s3] =	ssyncset.done $0x0  }
0xa: {  	s5 =	sadd.s32 $0x7800, s9;
	s10 =	smul.u32 $0x50, s12;
	[sflag:s3] =	ssyncadd.s32 $0xFFFFFEC0  }
0xb: {  	[tilespmem:s7], [sflag:$0x1] =	stream.indirect.gather [hbm4b:s5+s6], $0x80, s2, s6, $0xb8;
	[tilespmem:$0xA180] =	vst v63  }
0xc: {  	s11 =	smul.u32 $0x6400, s12;
	_ =	swait.ge [sflag:s8], $0xA000  }
0xd: {  	s13 =	sadd.s32 $0x1D200, s9;
	s14 =	sadd.s32 $0x10, s10;
	[sflag:s8] =	ssyncset.done $0x0  }
0xe: {  	s9 =	sadd.s32 s13, s11;
	s10 =	smul.u32 $0x14, s14;
	[sflag:s8] =	ssyncadd.s32 $0xFFFF6000  }
0xf: {  	[hbm4b:s9+s2] =	stream.linear.scatter [tilespmem:s7], [sflag:$0x2], $0xA000, $0x38;
	[tilespmem:$0xA180] =	vst v63  }
0x10: {  	_ =	swait.ge [sflag:s3], $0xA000  }
0x11: {  	s10 =	sshrl.u32 s10, $0x3;
	[sflag:s3] =	ssyncset.done $0x0  }
0x12: {  	s10 =	sadd.s32 s16, s10;
	[sflag:s3] =	ssyncadd.s32 $0xFFFF6000  }
0x13: {  	[tilespmem:s2], [sflag:$0x2] =	stream.linear.gather [hbm4b:s10+s2], $0x140, $0x38;
	[tilespmem:$0xA180] =	vst v63  }
0x14: {  	_ =	swait.ge [sflag:s3], $0x140  }
0x15: {  	[sflag:s3] =	ssyncset.done $0x0  }
0x16: {  	[sflag:s3] =	ssyncadd.s32 $0xFFFFFEC0  }
0x17: {  	[tilespmem:s7], [sflag:$0x1] =	stream.indirect.gather [hbm4b:s5+s6], $0x80, s2, s6, $0xb8;
	[tilespmem:$0xA180] =	vst v63  }
0x18: {  	s29 =	smul.u32 $0x140, s14;
	_ =	swait.ge [sflag:s8], $0xA000  }
0x19: {  	[sflag:s8] =	ssyncset.done $0x0  }
0x1a: {  	s18 =	smul.u32 $0x640, s12;
	s11 =	sadd.s32 s13, s29;
	[sflag:s8] =	ssyncadd.s32 $0xFFFF6000  }
0x1b: {  	[hbm4b:s11+s2] =	stream.linear.scatter [tilespmem:s7], [sflag:$0x2], $0xA000, $0x38;
	[tilespmem:$0xA180] =	vst v63  }
0x1c: {  	s12 =	sadd.s32 $0x280, s18;
	_ =	swait.ge [sflag:s3], $0xA000  }
0x1d: {  	s12 =	sshrl.u32 s12, $0x3;
	[sflag:s3] =	ssyncset.done $0x0  }
0x1e: {  	s12 =	sadd.s32 s16, s12;
	[sflag:s3] =	ssyncadd.s32 $0xFFFF6000  }
0x1f: {  	[tilespmem:s2], [sflag:$0x2] =	stream.linear.gather [hbm4b:s12+s2], $0x140, $0x38;
	[tilespmem:$0xA180] =	vst v63  }
0x20: {  	_ =	swait.ge [sflag:s3], $0x140  }
0x21: {  	[sflag:s3] =	ssyncset.done $0x0  }
0x22: {  	[sflag:s3] =	ssyncadd.s32 $0xFFFFFEC0  }
0x23: {  	[tilespmem:s7], [sflag:$0x1] =	stream.indirect.gather [hbm4b:s5+s6], $0x80, s2, s6, $0xb8;
	[tilespmem:$0xA180] =	vst v63  }
0x24: {  	_ =	swait.ge [sflag:s8], $0xA000  }
0x25: {  	[sflag:s8] =	ssyncset.done $0x0  }
0x26: {  	s13 =	sadd.s32 $0x2800, s9;
	[sflag:s8] =	ssyncadd.s32 $0xFFFF6000  }
0x27: {  	[hbm4b:s13+s2] =	stream.linear.scatter [tilespmem:s7], [sflag:$0x2], $0xA000, $0x38;
	[tilespmem:$0xA180] =	vst v63  }
0x28: {  	s30 =	sadd.s32 $0x3C0, s18;
	_ =	swait.ge [sflag:s3], $0xA000  }
0x29: {  	s14 =	sshrl.u32 s30, $0x3;
	[sflag:s3] =	ssyncset.done $0x0  }
0x2a: {  	s14 =	sadd.s32 s16, s14;
	[sflag:s3] =	ssyncadd.s32 $0xFFFF6000  }
0x2b: {  	[tilespmem:s2], [sflag:$0x2] =	stream.linear.gather [hbm4b:s14+s2], $0x140, $0x38;
	[tilespmem:$0xA180] =	vst v63  }
0x2c: {  	_ =	swait.ge [sflag:s3], $0x140  }
0x2d: {  	[sflag:s3] =	ssyncset.done $0x0  }
0x2e: {  	[sflag:s3] =	ssyncadd.s32 $0xFFFFFEC0  }
0x2f: {  	[tilespmem:s7], [sflag:$0x1] =	stream.indirect.gather [hbm4b:s5+s6], $0x80, s2, s6, $0xb8;
	[tilespmem:$0xA180] =	vst v63  }
0x30: {  	_ =	swait.ge [sflag:s8], $0xA000  }
0x31: {  	[sflag:s8] =	ssyncset.done $0x0  }
0x32: {  	s15 =	sadd.s32 $0x3C00, s9;
	[sflag:s8] =	ssyncadd.s32 $0xFFFF6000  }
0x33: {  	[hbm4b:s15+s2] =	stream.linear.scatter [tilespmem:s7], [sflag:$0x2], $0xA000, $0x38;
	[tilespmem:$0xA180] =	vst v63  }
0x34: {  	s18 =	sadd.s32 $0x500, s18;
	_ =	swait.ge [sflag:s3], $0xA000  }
0x35: {  	s18 =	sshrl.u32 s18, $0x3;
	[sflag:s3] =	ssyncset.done $0x0  }
0x36: {  	s17 =	ssub.s32 $0x2, s17;
	s16 =	sadd.s32 s16, s18;
	[sflag:s3] =	ssyncadd.s32 $0xFFFF6000  }
0x37: {  	[tilespmem:s2], [sflag:$0x2] =	stream.linear.gather [hbm4b:s16+s2], $0x140, $0x38;
	[tilespmem:$0xA180] =	vst v63  }
0x38: {  	s31 =	sshrl.u32 s17, $0x1;
	_ =	swait.ge [sflag:s3], $0x140  }
0x39: {  	s17 =	ssub.s32 s17, s31;
	[sflag:s3] =	ssyncset.done $0x0  }
0x3a: {  	s18 =	smax.u32 s17, $0x1;
	[sflag:s3] =	ssyncadd.s32 $0xFFFFFEC0  }
0x3b: {  	[tilespmem:s7], [sflag:$0x1] =	stream.indirect.gather [hbm4b:s5+s6], $0x80, s2, s6, $0xb8;
	[tilespmem:$0xA180] =	vst v63  }
0x3c: {  	p0 =	sne.s32 s18, $0x1;
	_ =	swait.ge [sflag:s8], $0xA000  }
.Ltmp0:
0x3d: {  	[sflag:s8] =	ssyncset.done $0x0;
	(pc) =	sbr.rel @!p0 .LBB2_2-.Ltmp0, $4  }
0x3e: {  	s17 =	sadd.s32 $0x5000, s9;
	[sflag:s8] =	ssyncadd.s32 $0xFFFF6000  }
0x3f: {  	[hbm4b:s17+s2] =	stream.linear.scatter [tilespmem:s7], [sflag:$0x2], $0xA000, $0x38;
	[tilespmem:$0xA180] =	vst v63  }
0x40: {  	_ =	swait.ge [sflag:s3], $0xA000  }
0x41: {  	s18 =	sadd.s32 $0xFFFFFFFF, s18;
	[sflag:s3] =	ssyncset.done $0x0  }
.LBB2_1:
0x42: {  	p0 =	sne.s32 s18, $0x1;
	s18 =	sadd.s32 $0xFFFFFFFF, s18;
	[sflag:s3] =	ssyncadd.s32 $0xFFFF6000  }
0x43: {  	[tilespmem:s2], [sflag:$0x2] =	stream.linear.gather [hbm4b:s4+s2], $0x140, $0x38;
	[tilespmem:$0xA180] =	vst v63  }
0x44: {  	_ =	swait.ge [sflag:s3], $0x140  }
0x45: {  	[sflag:s3] =	ssyncset.done $0x0  }
0x46: {  	[sflag:s3] =	ssyncadd.s32 $0xFFFFFEC0  }
0x47: {  	[tilespmem:s7], [sflag:$0x1] =	stream.indirect.gather [hbm4b:s5+s6], $0x80, s2, s6, $0xb8;
	[tilespmem:$0xA180] =	vst v63  }
0x48: {  	_ =	swait.ge [sflag:s8], $0xA000  }
0x49: {  	[sflag:s8] =	ssyncset.done $0x0  }
0x4a: {  	[sflag:s8] =	ssyncadd.s32 $0xFFFF6000  }
0x4b: {  	[hbm4b:s9+s2] =	stream.linear.scatter [tilespmem:s7], [sflag:$0x2], $0xA000, $0x38;
	[tilespmem:$0xA180] =	vst v63  }
0x4c: {  	_ =	swait.ge [sflag:s3], $0xA000  }
0x4d: {  	[sflag:s3] =	ssyncset.done $0x0  }
0x4e: {  	[sflag:s3] =	ssyncadd.s32 $0xFFFF6000  }
0x4f: {  	[tilespmem:s2], [sflag:$0x2] =	stream.linear.gather [hbm4b:s10+s2], $0x140, $0x38;
	[tilespmem:$0xA180] =	vst v63  }
0x50: {  	_ =	swait.ge [sflag:s3], $0x140  }
0x51: {  	[sflag:s3] =	ssyncset.done $0x0  }
0x52: {  	[sflag:s3] =	ssyncadd.s32 $0xFFFFFEC0  }
0x53: {  	[tilespmem:s7], [sflag:$0x1] =	stream.indirect.gather [hbm4b:s5+s6], $0x80, s2, s6, $0xb8;
	[tilespmem:$0xA180] =	vst v63  }
0x54: {  	_ =	swait.ge [sflag:s8], $0xA000  }
0x55: {  	[sflag:s8] =	ssyncset.done $0x0  }
0x56: {  	[sflag:s8] =	ssyncadd.s32 $0xFFFF6000  }
0x57: {  	[hbm4b:s11+s2] =	stream.linear.scatter [tilespmem:s7], [sflag:$0x2], $0xA000, $0x38;
	[tilespmem:$0xA180] =	vst v63  }
0x58: {  	_ =	swait.ge [sflag:s3], $0xA000  }
0x59: {  	[sflag:s3] =	ssyncset.done $0x0  }
0x5a: {  	[sflag:s3] =	ssyncadd.s32 $0xFFFF6000  }
0x5b: {  	[tilespmem:s2], [sflag:$0x2] =	stream.linear.gather [hbm4b:s12+s2], $0x140, $0x38;
	[tilespmem:$0xA180] =	vst v63  }
0x5c: {  	_ =	swait.ge [sflag:s3], $0x140  }
0x5d: {  	[sflag:s3] =	ssyncset.done $0x0  }
0x5e: {  	[sflag:s3] =	ssyncadd.s32 $0xFFFFFEC0  }
0x5f: {  	[tilespmem:s7], [sflag:$0x1] =	stream.indirect.gather [hbm4b:s5+s6], $0x80, s2, s6, $0xb8;
	[tilespmem:$0xA180] =	vst v63  }
0x60: {  	_ =	swait.ge [sflag:s8], $0xA000  }
0x61: {  	[sflag:s8] =	ssyncset.done $0x0  }
0x62: {  	[sflag:s8] =	ssyncadd.s32 $0xFFFF6000  }
0x63: {  	[hbm4b:s13+s2] =	stream.linear.scatter [tilespmem:s7], [sflag:$0x2], $0xA000, $0x38;
	[tilespmem:$0xA180] =	vst v63  }
0x64: {  	_ =	swait.ge [sflag:s3], $0xA000  }
0x65: {  	[sflag:s3] =	ssyncset.done $0x0  }
0x66: {  	[sflag:s3] =	ssyncadd.s32 $0xFFFF6000  }
0x67: {  	[tilespmem:s2], [sflag:$0x2] =	stream.linear.gather [hbm4b:s14+s2], $0x140, $0x38;
	[tilespmem:$0xA180] =	vst v63  }
0x68: {  	_ =	swait.ge [sflag:s3], $0x140  }
0x69: {  	[sflag:s3] =	ssyncset.done $0x0  }
0x6a: {  	[sflag:s3] =	ssyncadd.s32 $0xFFFFFEC0  }
0x6b: {  	[tilespmem:s7], [sflag:$0x1] =	stream.indirect.gather [hbm4b:s5+s6], $0x80, s2, s6, $0xb8;
	[tilespmem:$0xA180] =	vst v63  }
0x6c: {  	_ =	swait.ge [sflag:s8], $0xA000  }
0x6d: {  	[sflag:s8] =	ssyncset.done $0x0  }
0x6e: {  	[sflag:s8] =	ssyncadd.s32 $0xFFFF6000  }
0x6f: {  	[hbm4b:s15+s2] =	stream.linear.scatter [tilespmem:s7], [sflag:$0x2], $0xA000, $0x38;
	[tilespmem:$0xA180] =	vst v63  }
0x70: {  	_ =	swait.ge [sflag:s3], $0xA000  }
0x71: {  	[sflag:s3] =	ssyncset.done $0x0  }
0x72: {  	[sflag:s3] =	ssyncadd.s32 $0xFFFF6000  }
0x73: {  	[tilespmem:s2], [sflag:$0x2] =	stream.linear.gather [hbm4b:s16+s2], $0x140, $0x38;
	[tilespmem:$0xA180] =	vst v63  }
0x74: {  	_ =	swait.ge [sflag:s3], $0x140  }
0x75: {  	[sflag:s3] =	ssyncset.done $0x0  }
0x76: {  	[sflag:s3] =	ssyncadd.s32 $0xFFFFFEC0  }
0x77: {  	[tilespmem:s7], [sflag:$0x1] =	stream.indirect.gather [hbm4b:s5+s6], $0x80, s2, s6, $0xb8;
	[tilespmem:$0xA180] =	vst v63  }
0x78: {  	_ =	swait.ge [sflag:s8], $0xA000  }
.Ltmp1:
0x79: {  	[sflag:s8] =	ssyncset.done $0x0;
	(pc) =	sbr.rel @p0 .LBB2_1-.Ltmp1, $4  }
0x7a: {  	[sflag:s8] =	ssyncadd.s32 $0xFFFF6000  }
0x7b: {  	[hbm4b:s17+s2] =	stream.linear.scatter [tilespmem:s7], [sflag:$0x2], $0xA000, $0x38;
	[tilespmem:$0xA180] =	vst v63  }
0x7c: {  	_ =	swait.ge [sflag:s3], $0xA000  }
0x7d: {  	[sflag:s3] =	ssyncset.done $0x0  }
.LBB2_2:
0x7e: {  	[sflag:s3] =	ssyncadd.s32 $0xFFFF6000  }
0x7f: {  	_ =	sfence.sel $0x180000  }
0x80: {  	[bflag:$0x0] =	sbarrier.arrive $0xFFFF  }
0x81: {  	p0 =	sne.s32 s0, $0x0;
	_ =	strace $0x90000047  }
0x82: {  	s0 =	sadd.s32 @!p0 $0x100000, s1;
	[bflag:$0x2] =	sbarrier.arrive $0xFFFF  }
0x83: {  	[sflag:s0] =	ssyncadd.tile.s32 @!p0 $0x1;
	_ =	shalt  }
.Lfunc_end2:
_tile_overlayer_lowered:
.L_overlay_start_2:
0x84: {  	(tag) =	ssettag $0x2  }
0x85: {  	s0 =	rddreg [dreg:$0x0];
	s2 =	stileid.u32  }
0x86: {  	s1 =	rddreg [dreg:$0x1];
	p0 =	sne.s32 s2, $0x0  }
0x87: {  	s3 =	rddreg [dreg:$0x2];
	[bflag:$0x3] =	sbarrier.arrive $0xFFFF;
	s2 =	simm.s32 @!p0 $0x1C02  }
0x88: {  	[timem:s3], [sflag:s2] =	dma.local @!p0 [hbm:s0], s1  }
0x89: {  	s0 =	simm.s32 @!p0 $0x2  }
0x8a: {  	_ =	swait.ge @!p0 [sflag:s0], s1  }
0x8b: {  	s1 =	ssub.s32 @!p0 $0x0, s1;
	[sflag:s0] =	ssyncset.done @!p0 $0x0  }
0x8c: {  	[sflag:s0] =	ssyncadd.s32 @!p0 s1  }
0x8d: {  	[bflag:$0x3] =	sbarrier.arrive $0xFFFF  }
0x8e: {  	_ =	shalt  }

// kernel: kernel.30.cloned.1.call-start
scs
__scs_entry_jumppad:
0x0: {  	(pc) =	sbr.rel $0x88, $3  }
0x1: {  	(tag) =	ssettag $0x0;
	lr =	simm.s32 $0x1  }
0x2: {  	[smem:$0x3F8B] =	sst lr;
	_ =	strace $0xD0000000  }
0x3: {  	_ = 	snop  }
0x4: {  	_ = 	snop  }
0x5: {  	_ = 	snop  }
0x6: {  	_ = 	snop  }
0x7: {  	_ = 	snop  }
__scs_overlays_trampoline_lowered:
0x8: {  	[smem:$0x3F9A] =	sst s0  }
0x9: {  	[smem:$0x3F9B] =	sst s1  }
0xa: {  	[smem:$0x3F9C] =	sst s2  }
0xb: {  	[smem:$0x3F9D] =	sst s3  }
0xc: {  	[smem:$0x3F9E] =	sst s4  }
0xd: {  	[smem:$0x3F9F] =	sst s5  }
0xe: {  	[smem:$0x3FA0] =	sst s6  }
0xf: {  	[smem:$0x3FA1] =	sst s7  }
0x10: {  	[smem:$0x3FA2] =	sst s8  }
0x11: {  	[smem:$0x3FA3] =	sst s9;
	s0 =	simm.s32 @!p0 $0x0  }
0x12: {  	s1 =	sld [smem:$0x3F89];
	s0 =	simm.s32 @p0 $0x1  }
0x13: {  	[smem:$0x3FA4] =	sst s0;
	s0 =	simm.s32 @!p1 $0x0  }
0x14: {  	s2 =	sld [smem:$0x3F88];
	s0 =	simm.s32 @p1 $0x1  }
0x15: {  	[smem:$0x3FA5] =	sst s0;
	s0 =	simm.s32 @!p2 $0x0  }
0x16: {  	s3 =	sld [smem:$0x3FDB];
	s0 =	simm.s32 @p2 $0x1  }
0x17: {  	s4 =	simm.s32 $0x1BF5;
	[smem:$0x3FA7] =	sst s0  }
0x18: {  	s0 =	sld [smem:$0x3F8A];
	_ =	swait.ge [sflag:s4], $0x0  }
0x19: {  	s7 =	sld [smem:$0x3F8B]  }
0x1a: {  	s8 =	sadd.s32 $0xFFFFE003, lr  }
0x1b: {  	s9 =	sadd.s32 $0xFFFFFEF7, lr;
	s5 =	simm.s32 $0xFFFFFFFF;
	p2 =	slt.u32 s8, $0xFFFFF086  }
0x1c: {  	p1 =	slt.u32 s9, $0xF7A;
	s5 =	simm.s32 @!p2 $0x0  }
0x1d: {  	s5 =	simm.s32 @p1 $0x1;
	p0 =	seq.s32 s7, s2  }
0x1e: {  	s7 =	smul.u32 @!p0 $0xF7A, s2;
	p2 =	seq.s32 @!p0 s5, $0x0  }
0x1f: {  	s9 =	smul.u32 $0xF7A, s1;
	s8 =	simm.s32 @!p0 $0x1BF5;
	p2 =	por !p2, p0  }
0x20: {  	[sflag:s8] =	ssyncset.s32 @!p0 $0xFFFFF086;
	s6 =	sadd.s32 @!p0 s3, s7;
	s7 =	simm.s32 @!p0 $0x108  }
0x21: {  	s3 =	sadd.s32 s3, s9;
	s6 =	sadd.s32 @!p0 $0x88, s6;
	s7 =	simm.s32 @p2 $0x1082  }
0x22: {  	[simem:s7], [sflag:s8] =	dma.local @!p0 [hbm:s6], $0xF7A  }
0x23: {  	s9 =	sor.u32 $0xD0000000, s2;
	s6 =	simm.s32 $0x108;
	_ =	swait.ge @!p0 [sflag:s8], $0x0  }
0x24: {  	s3 =	sadd.s32 $0x88, s3;
	s6 =	simm.s32 @!p1 $0x1082;
	[sflag:s4] =	ssyncset.s32 $0xFFFFF086  }
0x25: {  	[simem:s6], [sflag:s4] =	dma.local [hbm:s3], $0xF7A  }
0x26: {  	[smem:$0x3F8B] =	sst s1;
	(tag) =	ssettag s2;
	_ =	strace s9  }
0x27: {  	s1 =	sld [smem:$0x3F9B]  }
0x28: {  	s2 =	sld [smem:$0x3F9C]  }
0x29: {  	s4 =	sld [smem:$0x3F9E]  }
0x2a: {  	p0 =	seq.s32 s5, $0x0;
	s5 =	sld [smem:$0x3F9F]  }
0x2b: {  	s6 =	sld [smem:$0x3FA0]  }
0x2c: {  	s7 =	sld [smem:$0x3FA1]  }
0x2d: {  	s3 =	simm.s32 $0x108;
	s8 =	sld [smem:$0x3FA2]  }
0x2e: {  	s3 =	simm.s32 @!p0 $0x1082;
	s9 =	sld [smem:$0x3FA3]  }
0x2f: {  	lr =	sadd.s32 s0, s3;
	s0 =	sld [smem:$0x3F9A]  }
0x30: {  	s3 =	sld [smem:$0x3F9D]  }
0x31: {  	[smem:$0x3FA6] =	sst s10  }
0x32: {  	s10 =	sld [smem:$0x3FA4];
	_ =	sdelay $0x3  }
0x33: {  	p0 =	seq.s32 s10, $0x1;
	s10 =	sld [smem:$0x3FA6];
	_ =	sdelay $0x3  }
0x34: {  	[smem:$0x3FA6] =	sst s10  }
0x35: {  	s10 =	sld [smem:$0x3FA5];
	_ =	sdelay $0x3  }
0x36: {  	p1 =	seq.s32 s10, $0x1;
	s10 =	sld [smem:$0x3FA6];
	_ =	sdelay $0x3  }
0x37: {  	[smem:$0x3FA6] =	sst s10  }
0x38: {  	s10 =	sld [smem:$0x3FA7]  }
0x39: {  	_ = 	snop;
	(pc) =	sbr.ind lr, $3  }
0x3a: {  	_ = 	snop  }
0x3b: {  	_ = 	snop  }
0x3c: {  	p2 =	seq.s32 s10, $0x1;
	s10 =	sld [smem:$0x3FA6]  }
0x3d: {  	_ =	shalt  }
0x3e: {  	_ =	shalt  }
0x3f: {  	_ =	shalt  }
0x40: {  	_ =	shalt  }
0x41: {  	_ =	shalt  }
0x42: {  	_ =	shalt  }
0x43: {  	_ =	shalt  }
0x44: {  	_ =	shalt  }
0x45: {  	_ =	shalt  }
0x46: {  	_ =	shalt  }
0x47: {  	_ =	shalt  }
0x48: {  	_ =	shalt  }
0x49: {  	_ =	shalt  }
0x4a: {  	_ =	shalt  }
0x4b: {  	_ =	shalt  }
0x4c: {  	_ =	shalt  }
0x4d: {  	_ =	shalt  }
0x4e: {  	_ =	shalt  }
0x4f: {  	_ =	shalt  }
0x50: {  	_ =	shalt  }
0x51: {  	_ =	shalt  }
0x52: {  	_ =	shalt  }
0x53: {  	_ =	shalt  }
0x54: {  	_ =	shalt  }
0x55: {  	_ =	shalt  }
0x56: {  	_ =	shalt  }
0x57: {  	_ =	shalt  }
0x58: {  	_ =	shalt  }
0x59: {  	_ =	shalt  }
0x5a: {  	_ =	shalt  }
0x5b: {  	_ =	shalt  }
0x5c: {  	_ =	shalt  }
0x5d: {  	_ =	shalt  }
0x5e: {  	_ =	shalt  }
0x5f: {  	_ =	shalt  }
0x60: {  	_ =	shalt  }
0x61: {  	_ =	shalt  }
0x62: {  	_ =	shalt  }
0x63: {  	_ =	shalt  }
0x64: {  	_ =	shalt  }
0x65: {  	_ =	shalt  }
0x66: {  	_ =	shalt  }
0x67: {  	_ =	shalt  }
0x68: {  	_ =	shalt  }
0x69: {  	_ =	shalt  }
0x6a: {  	_ =	shalt  }
0x6b: {  	_ =	shalt  }
0x6c: {  	_ =	shalt  }
0x6d: {  	_ =	shalt  }
0x6e: {  	_ =	shalt  }
0x6f: {  	_ =	shalt  }
0x70: {  	_ =	shalt  }
0x71: {  	_ =	shalt  }
0x72: {  	_ =	shalt  }
0x73: {  	_ =	shalt  }
0x74: {  	_ =	shalt  }
0x75: {  	_ =	shalt  }
0x76: {  	_ =	shalt  }
0x77: {  	_ =	shalt  }
0x78: {  	_ =	shalt  }
0x79: {  	_ =	shalt  }
0x7a: {  	_ =	shalt  }
0x7b: {  	_ =	shalt  }
0x7c: {  	_ =	shalt  }
0x7d: {  	_ =	shalt  }
0x7e: {  	_ =	shalt  }
0x7f: {  	_ =	shalt  }
0x80: {  	_ =	shalt  }
0x81: {  	_ =	shalt  }
0x82: {  	_ =	shalt  }
0x83: {  	_ =	shalt  }
0x84: {  	_ =	shalt  }
0x85: {  	_ =	shalt  }
0x86: {  	_ =	shalt  }
0x87: {  	_ =	shalt  }
.Lfunc_end0:
.L_simem_size_0:
called_computation.1_lowered:
.L_overlay_start_0:
0x88: {  	s2 =	sld [smem:$0x3FD9]  }
0x89: {  	s3 =	sld [smem:$0x3FFE];
	_ =	sdelay $0x1  }
0x8a: {  	s1 =	srdreg.scid  }
0x8b: {  	s0 =	sand.u32 $0x1, s1  }
0x8c: {  	s17 =	sshll.u32 s0, $0xA;
	s2 =	sadd.s32 s3, s2  }
0x8d: {  	s2 =	sadd.s32 s2, s17  }
0x8e: {  	[smem:$0x3FB2] =	sst s2  }
0x8f: {  	_ = 	snop  }
0x90: {  	s18 =	sld [smem:$0x3FD0];
	(tm) =	ssettm $0x1  }
0x91: {  	s19 =	sld [smem:$0x3FFB];
	_ =	sdelay $0x3  }
0x92: {  	_ =	strace s19  }
0x93: {  	s2 =	sld [smem:$0x3FFC];
	_ =	sdelay $0x3  }
0x94: {  	_ =	strace s2  }
0x95: {  	s2 =	sld [smem:$0x3FFD];
	_ =	sdelay $0x3  }
0x96: {  	_ =	strace s2  }
0x97: {  	_ =	strace $0x8FFFFFFF  }
0x98: {  	s20 =	sld [smem:$0x3FDB];
	_ =	sdelay $0x1  }
0x99: {  	s4 =	simm.s32 $_scs_section_size  }
0x9a: {  	s5 =	simm.s32 $_size__tile_overlayer_lowered;
	s6 =	simm.s32 $_tile_overlayer_lowered  }
0x9b: {  	s7 =	simm.s32 $0x1BFF;
	s21 =	sshll.u32 s6, $0x1;
	s4 =	sadd.s32 s4, s20  }
0x9c: {  	s22 =	simm.s32 $0x0;
	s5 =	sshll.u32 s5, $0x1;
	s6 =	sadd.s32 s21, s4  }
0x9d: {  	[timem:s22], [sflag:s7] =	dma.local [hbm:s6], s5  }
0x9e: {  	_ =	swait.ge [sflag:s7], s5  }
0x9f: {  	s5 =	ssub.s32 $0x0, s5;
	[sflag:s7] =	ssyncset.done $0x0  }
0xa0: {  	[sflag:s7] =	ssyncadd.s32 s5;
	_ =	sdelay $0x1  }
0xa1: {  	s23 =	simm.s32 $0x1B8B  }
0xa2: {  	_ =	swait.ge [sflag:s23], $0x1  }
0xa3: {  	[sflag:s23] =	ssyncset.done $0x0  }
0xa4: {  	[sflag:s23] =	ssyncadd.s32 $0xFFFFFFFF  }
0xa5: {  	s5 =	sld [smem:$0x0]  }
0xa6: {  	s6 =	sand.u32 $0xFFFFFFFE, s1  }
0xa7: {  	p0 =	sne.s32 s1, s6  }
0xa8: {  	s6 =	sshll.u32 @p0 s6, $0xE  }
0xa9: {  	s6 =	sadd.s32 @p0 $0x11B8D, s6;
	s7 =	sshll.u32 @p0 s5, $0x11  }
0xaa: {  	s6 =	sor.u32 @p0 s7, s6  }
0xab: {  	[sflag:s6] =	ssyncadd.remote.s32 @p0 $0x1;
	_ =	sdelay $0x1  }
0xac: {  	s6 =	simm.s32 @p0 $0x1B8D  }
0xad: {  	_ =	swait.eq @p0 [sflag:s6], $0x1  }
0xae: {  	[sflag:s6] =	ssyncadd.s32 @p0 $0xFFFFFFFF  }
0xaf: {  	s7 =	sshll.u32 @!p0 s1, $0xE  }
0xb0: {  	s7 =	sor.u32 @!p0 $0x4000, s7;
	s6 =	simm.s32 @!p0 $0x1B8D  }
0xb1: {  	s5 =	sshll.u32 @!p0 s5, $0x11;
	s7 =	sadd.s32 @!p0 $0x11B8D, s7;
	_ =	swait.eq @!p0 [sflag:s6], $0x1  }
0xb2: {  	s5 =	sor.u32 @!p0 s5, s7;
	[sflag:s6] =	ssyncadd.s32 @!p0 $0xFFFFFFFF  }
0xb3: {  	s25 =	simm.s32 $0x1B8E;
	s24 =	sld [smem:$0x3FFE];
	[sflag:s5] =	ssyncadd.remote.s32 @!p0 $0x1  }
0xb4: {  	s26 =	simm.s32 $execute0_lowered;
	[smem:$0x3FD2] =	sst s25  }
0xb5: {  	s6 =	sshll.u32 s26, $0x1;
	_ =	strace $0x80000049;
	[dreg:$0x1] =	wrdreg $0xFFFFFFFF  }
0xb6: {  	s28 =	simm.s32 $_size_execute0_lowered;
	s4 =	sadd.s32 s4, s6;
	[dreg:$0x0] =	wrdreg $0x0  }
0xb7: {  	s6 =	sshll.u32 s28, $0x1;
	[dreg:$0x2] =	wrdreg s4  }
0xb8: {  	[dreg:$0x3] =	wrdreg s6  }
0xb9: {  	[dreg:$0x4] =	wrdreg $0xC0  }
0xba: {  	_ =	task [dreg:s22], $0x5FFFF  }
0xbb: {  	[dreg:$0x1] =	wrdreg $0xFFFFFFFF  }
0xbc: {  	[dreg:$0x0] =	wrdreg $0x60  }
0xbd: {  	[dreg:$0x2] =	wrdreg s24  }
0xbe: {  	[dreg:$0x3] =	wrdreg s18  }
0xbf: {  	[dreg:$0x4] =	wrdreg $0xA  }
0xc0: {  	_ =	task.clear_ibuf [dreg:s22], $0x5FFFF;
	_ =	strace $0x90000049  }
0xc1: {  	s29 =	simm.s32 $0xA;
	_ =	strace $0x8000004B  }
0xc2: {  	_ =	swait.ge [sflag:s29], $0x1  }
0xc3: {  	[sflag:s29] =	ssyncadd.s32 $0xFFFFFFFF  }
0xc4: {  	_ =	strace $0x9000004B  }
0xc5: {  	_ =	sfence  }
0xc6: {  	s30 =	sld [smem:$0x0];
	_ =	sdelay $0x2  }
0xc7: {  	s31 =	sshll.u32 s1, $0xD;
	s1 =	sshrl.u32 s1, $0x2  }
0xc8: {  	s4 =	sand.u32 $0x4000, s31;
	s1 =	sadd.s32 s1, s30  }
0xc9: {  	s0 =	sor.u32 s4, s0;
	s1 =	sshll.u32 s1, $0x11  }
0xca: {  	s0 =	sor.u32 s1, s0  }
0xcb: {  	s0 =	sadd.s32 $0x8F2B, s0  }
0xcc: {  	[sflag:s0] =	ssyncadd.remote.s32 $0x1  }
0xcd: {  	_ =	sfence.sel $0xFFFF  }
0xce: {  	[dreg:$0x0] =	wrdreg $0xFFFFFFFF;
	(pc) =	sbr.abs _section_cstart, $3  }
0xcf: {  	[dreg:$0x1] =	wrdreg $0xFFFFFFFF  }
0xd0: {  	_ =	task.clear_ibuf [dreg:s22], $0x2FFFF;
	_ =	strace $0x9FFFFFFF  }
0xd1: {  	(tm) =	ssettm $0x7FFFFFFF  }
tec
execute0_lowered:
.L_overlay_start_1:
0x0: {  	(tag) =	ssettag $0x1  }
0x1: {  	s1 =	srdreg.scid;
	s0 =	stileid.u32  }
0x2: {  	s9 =	rddreg [dreg:$0x0];
	s17 =	sand.u32 $0x1, s1;
	s28 =	sshll.u32 s0, $0x1  }
0x3: {  	s16 =	rddreg [dreg:$0x1];
	s12 =	sor.u32 s17, s28  }
0x4: {  	s2 =	simm.s32 $0x0;
	s1 =	rddreg [dreg:$0x2];
	s3 =	smul.u32 $0xC8, s12  }
0x5: {  	[smem:$0x7FF] =	sst s2  }
0x6: {  	_ =	strace $0x8000004A;
	s4 =	sadd.s32 s16, s3;
	s3 =	simm.s32 $0x2  }
0x7: {  	[tilespmem:s2], [sflag:$0x2] =	stream.linear.gather [hbm4b:s4+s2], $0x140, $0x38;
	[tilespmem:$0xA180] =	vst v63  }
0x8: {  	s6 =	simm.s32 $0x140;
	_ =	swait.ge [sflag:s3], $0x140  }
0x9: {  	s7 =	simm.s32 $0x180;
	s8 =	simm.s32 $0x1;
	[sflag:s3] =	ssyncset.done $0x0  }
0xa: {  	s5 =	sadd.s32 $0x7800, s9;
	s10 =	smul.u32 $0x50, s12;
	[sflag:s3] =	ssyncadd.s32 $0xFFFFFEC0  }
0xb: {  	[tilespmem:s7], [sflag:$0x1] =	stream.indirect.gather [hbm4b:s5+s6], $0x80, s2, s6, $0xb8;
	[tilespmem:$0xA180] =	vst v63  }
0xc: {  	s11 =	smul.u32 $0x6400, s12;
	_ =	swait.ge [sflag:s8], $0xA000  }
0xd: {  	s13 =	sadd.s32 $0xE5200, s9;
	s14 =	sadd.s32 $0x10, s10;
	[sflag:s8] =	ssyncset.done $0x0  }
0xe: {  	s9 =	sadd.s32 s13, s11;
	s10 =	smul.u32 $0x14, s14;
	[sflag:s8] =	ssyncadd.s32 $0xFFFF6000  }
0xf: {  	[hbm4b:s9+s2] =	stream.linear.scatter [tilespmem:s7], [sflag:$0x2], $0xA000, $0x38;
	[tilespmem:$0xA180] =	vst v63  }
0x10: {  	_ =	swait.ge [sflag:s3], $0xA000  }
0x11: {  	s10 =	sshrl.u32 s10, $0x3;
	[sflag:s3] =	ssyncset.done $0x0  }
0x12: {  	s10 =	sadd.s32 s16, s10;
	[sflag:s3] =	ssyncadd.s32 $0xFFFF6000  }
0x13: {  	[tilespmem:s2], [sflag:$0x2] =	stream.linear.gather [hbm4b:s10+s2], $0x140, $0x38;
	[tilespmem:$0xA180] =	vst v63  }
0x14: {  	_ =	swait.ge [sflag:s3], $0x140  }
0x15: {  	[sflag:s3] =	ssyncset.done $0x0  }
0x16: {  	[sflag:s3] =	ssyncadd.s32 $0xFFFFFEC0  }
0x17: {  	[tilespmem:s7], [sflag:$0x1] =	stream.indirect.gather [hbm4b:s5+s6], $0x80, s2, s6, $0xb8;
	[tilespmem:$0xA180] =	vst v63  }
0x18: {  	s29 =	smul.u32 $0x140, s14;
	_ =	swait.ge [sflag:s8], $0xA000  }
0x19: {  	[sflag:s8] =	ssyncset.done $0x0  }
0x1a: {  	s18 =	smul.u32 $0x640, s12;
	s11 =	sadd.s32 s13, s29;
	[sflag:s8] =	ssyncadd.s32 $0xFFFF6000  }
0x1b: {  	[hbm4b:s11+s2] =	stream.linear.scatter [tilespmem:s7], [sflag:$0x2], $0xA000, $0x38;
	[tilespmem:$0xA180] =	vst v63  }
0x1c: {  	s12 =	sadd.s32 $0x280, s18;
	_ =	swait.ge [sflag:s3], $0xA000  }
0x1d: {  	s12 =	sshrl.u32 s12, $0x3;
	[sflag:s3] =	ssyncset.done $0x0  }
0x1e: {  	s12 =	sadd.s32 s16, s12;
	[sflag:s3] =	ssyncadd.s32 $0xFFFF6000  }
0x1f: {  	[tilespmem:s2], [sflag:$0x2] =	stream.linear.gather [hbm4b:s12+s2], $0x140, $0x38;
	[tilespmem:$0xA180] =	vst v63  }
0x20: {  	_ =	swait.ge [sflag:s3], $0x140  }
0x21: {  	[sflag:s3] =	ssyncset.done $0x0  }
0x22: {  	[sflag:s3] =	ssyncadd.s32 $0xFFFFFEC0  }
0x23: {  	[tilespmem:s7], [sflag:$0x1] =	stream.indirect.gather [hbm4b:s5+s6], $0x80, s2, s6, $0xb8;
	[tilespmem:$0xA180] =	vst v63  }
0x24: {  	_ =	swait.ge [sflag:s8], $0xA000  }
0x25: {  	[sflag:s8] =	ssyncset.done $0x0  }
0x26: {  	s13 =	sadd.s32 $0x2800, s9;
	[sflag:s8] =	ssyncadd.s32 $0xFFFF6000  }
0x27: {  	[hbm4b:s13+s2] =	stream.linear.scatter [tilespmem:s7], [sflag:$0x2], $0xA000, $0x38;
	[tilespmem:$0xA180] =	vst v63  }
0x28: {  	s30 =	sadd.s32 $0x3C0, s18;
	_ =	swait.ge [sflag:s3], $0xA000  }
0x29: {  	s14 =	sshrl.u32 s30, $0x3;
	[sflag:s3] =	ssyncset.done $0x0  }
0x2a: {  	s14 =	sadd.s32 s16, s14;
	[sflag:s3] =	ssyncadd.s32 $0xFFFF6000  }
0x2b: {  	[tilespmem:s2], [sflag:$0x2] =	stream.linear.gather [hbm4b:s14+s2], $0x140, $0x38;
	[tilespmem:$0xA180] =	vst v63  }
0x2c: {  	_ =	swait.ge [sflag:s3], $0x140  }
0x2d: {  	[sflag:s3] =	ssyncset.done $0x0  }
0x2e: {  	[sflag:s3] =	ssyncadd.s32 $0xFFFFFEC0  }
0x2f: {  	[tilespmem:s7], [sflag:$0x1] =	stream.indirect.gather [hbm4b:s5+s6], $0x80, s2, s6, $0xb8;
	[tilespmem:$0xA180] =	vst v63  }
0x30: {  	_ =	swait.ge [sflag:s8], $0xA000  }
0x31: {  	[sflag:s8] =	ssyncset.done $0x0  }
0x32: {  	s15 =	sadd.s32 $0x3C00, s9;
	[sflag:s8] =	ssyncadd.s32 $0xFFFF6000  }
0x33: {  	[hbm4b:s15+s2] =	stream.linear.scatter [tilespmem:s7], [sflag:$0x2], $0xA000, $0x38;
	[tilespmem:$0xA180] =	vst v63  }
0x34: {  	s18 =	sadd.s32 $0x500, s18;
	_ =	swait.ge [sflag:s3], $0xA000  }
0x35: {  	s18 =	sshrl.u32 s18, $0x3;
	[sflag:s3] =	ssyncset.done $0x0  }
0x36: {  	s17 =	ssub.s32 $0x2, s17;
	s16 =	sadd.s32 s16, s18;
	[sflag:s3] =	ssyncadd.s32 $0xFFFF6000  }
0x37: {  	[tilespmem:s2], [sflag:$0x2] =	stream.linear.gather [hbm4b:s16+s2], $0x140, $0x38;
	[tilespmem:$0xA180] =	vst v63  }
0x38: {  	s31 =	sshrl.u32 s17, $0x1;
	_ =	swait.ge [sflag:s3], $0x140  }
0x39: {  	s17 =	ssub.s32 s17, s31;
	[sflag:s3] =	ssyncset.done $0x0  }
0x3a: {  	s18 =	smax.u32 s17, $0x1;
	[sflag:s3] =	ssyncadd.s32 $0xFFFFFEC0  }
0x3b: {  	[tilespmem:s7], [sflag:$0x1] =	stream.indirect.gather [hbm4b:s5+s6], $0x80, s2, s6, $0xb8;
	[tilespmem:$0xA180] =	vst v63  }
0x3c: {  	p0 =	sne.s32 s18, $0x1;
	_ =	swait.ge [sflag:s8], $0xA000  }
.Ltmp0:
0x3d: {  	[sflag:s8] =	ssyncset.done $0x0;
	(pc) =	sbr.rel @!p0 .LBB2_2-.Ltmp0, $4  }
0x3e: {  	s17 =	sadd.s32 $0x5000, s9;
	[sflag:s8] =	ssyncadd.s32 $0xFFFF6000  }
0x3f: {  	[hbm4b:s17+s2] =	stream.linear.scatter [tilespmem:s7], [sflag:$0x2], $0xA000, $0x38;
	[tilespmem:$0xA180] =	vst v63  }
0x40: {  	_ =	swait.ge [sflag:s3], $0xA000  }
0x41: {  	s18 =	sadd.s32 $0xFFFFFFFF, s18;
	[sflag:s3] =	ssyncset.done $0x0  }
.LBB2_1:
0x42: {  	p0 =	sne.s32 s18, $0x1;
	s18 =	sadd.s32 $0xFFFFFFFF, s18;
	[sflag:s3] =	ssyncadd.s32 $0xFFFF6000  }
0x43: {  	[tilespmem:s2], [sflag:$0x2] =	stream.linear.gather [hbm4b:s4+s2], $0x140, $0x38;
	[tilespmem:$0xA180] =	vst v63  }
0x44: {  	_ =	swait.ge [sflag:s3], $0x140  }
0x45: {  	[sflag:s3] =	ssyncset.done $0x0  }
0x46: {  	[sflag:s3] =	ssyncadd.s32 $0xFFFFFEC0  }
0x47: {  	[tilespmem:s7], [sflag:$0x1] =	stream.indirect.gather [hbm4b:s5+s6], $0x80, s2, s6, $0xb8;
	[tilespmem:$0xA180] =	vst v63  }
0x48: {  	_ =	swait.ge [sflag:s8], $0xA000  }
0x49: {  	[sflag:s8] =	ssyncset.done $0x0  }
0x4a: {  	[sflag:s8] =	ssyncadd.s32 $0xFFFF6000  }
0x4b: {  	[hbm4b:s9+s2] =	stream.linear.scatter [tilespmem:s7], [sflag:$0x2], $0xA000, $0x38;
	[tilespmem:$0xA180] =	vst v63  }
0x4c: {  	_ =	swait.ge [sflag:s3], $0xA000  }
0x4d: {  	[sflag:s3] =	ssyncset.done $0x0  }
0x4e: {  	[sflag:s3] =	ssyncadd.s32 $0xFFFF6000  }
0x4f: {  	[tilespmem:s2], [sflag:$0x2] =	stream.linear.gather [hbm4b:s10+s2], $0x140, $0x38;
	[tilespmem:$0xA180] =	vst v63  }
0x50: {  	_ =	swait.ge [sflag:s3], $0x140  }
0x51: {  	[sflag:s3] =	ssyncset.done $0x0  }
0x52: {  	[sflag:s3] =	ssyncadd.s32 $0xFFFFFEC0  }
0x53: {  	[tilespmem:s7], [sflag:$0x1] =	stream.indirect.gather [hbm4b:s5+s6], $0x80, s2, s6, $0xb8;
	[tilespmem:$0xA180] =	vst v63  }
0x54: {  	_ =	swait.ge [sflag:s8], $0xA000  }
0x55: {  	[sflag:s8] =	ssyncset.done $0x0  }
0x56: {  	[sflag:s8] =	ssyncadd.s32 $0xFFFF6000  }
0x57: {  	[hbm4b:s11+s2] =	stream.linear.scatter [tilespmem:s7], [sflag:$0x2], $0xA000, $0x38;
	[tilespmem:$0xA180] =	vst v63  }
0x58: {  	_ =	swait.ge [sflag:s3], $0xA000  }
0x59: {  	[sflag:s3] =	ssyncset.done $0x0  }
0x5a: {  	[sflag:s3] =	ssyncadd.s32 $0xFFFF6000  }
0x5b: {  	[tilespmem:s2], [sflag:$0x2] =	stream.linear.gather [hbm4b:s12+s2], $0x140, $0x38;
	[tilespmem:$0xA180] =	vst v63  }
0x5c: {  	_ =	swait.ge [sflag:s3], $0x140  }
0x5d: {  	[sflag:s3] =	ssyncset.done $0x0  }
0x5e: {  	[sflag:s3] =	ssyncadd.s32 $0xFFFFFEC0  }
0x5f: {  	[tilespmem:s7], [sflag:$0x1] =	stream.indirect.gather [hbm4b:s5+s6], $0x80, s2, s6, $0xb8;
	[tilespmem:$0xA180] =	vst v63  }
0x60: {  	_ =	swait.ge [sflag:s8], $0xA000  }
0x61: {  	[sflag:s8] =	ssyncset.done $0x0  }
0x62: {  	[sflag:s8] =	ssyncadd.s32 $0xFFFF6000  }
0x63: {  	[hbm4b:s13+s2] =	stream.linear.scatter [tilespmem:s7], [sflag:$0x2], $0xA000, $0x38;
	[tilespmem:$0xA180] =	vst v63  }
0x64: {  	_ =	swait.ge [sflag:s3], $0xA000  }
0x65: {  	[sflag:s3] =	ssyncset.done $0x0  }
0x66: {  	[sflag:s3] =	ssyncadd.s32 $0xFFFF6000  }
0x67: {  	[tilespmem:s2], [sflag:$0x2] =	stream.linear.gather [hbm4b:s14+s2], $0x140, $0x38;
	[tilespmem:$0xA180] =	vst v63  }
0x68: {  	_ =	swait.ge [sflag:s3], $0x140  }
0x69: {  	[sflag:s3] =	ssyncset.done $0x0  }
0x6a: {  	[sflag:s3] =	ssyncadd.s32 $0xFFFFFEC0  }
0x6b: {  	[tilespmem:s7], [sflag:$0x1] =	stream.indirect.gather [hbm4b:s5+s6], $0x80, s2, s6, $0xb8;
	[tilespmem:$0xA180] =	vst v63  }
0x6c: {  	_ =	swait.ge [sflag:s8], $0xA000  }
0x6d: {  	[sflag:s8] =	ssyncset.done $0x0  }
0x6e: {  	[sflag:s8] =	ssyncadd.s32 $0xFFFF6000  }
0x6f: {  	[hbm4b:s15+s2] =	stream.linear.scatter [tilespmem:s7], [sflag:$0x2], $0xA000, $0x38;
	[tilespmem:$0xA180] =	vst v63  }
0x70: {  	_ =	swait.ge [sflag:s3], $0xA000  }
0x71: {  	[sflag:s3] =	ssyncset.done $0x0  }
0x72: {  	[sflag:s3] =	ssyncadd.s32 $0xFFFF6000  }
0x73: {  	[tilespmem:s2], [sflag:$0x2] =	stream.linear.gather [hbm4b:s16+s2], $0x140, $0x38;
	[tilespmem:$0xA180] =	vst v63  }
0x74: {  	_ =	swait.ge [sflag:s3], $0x140  }
0x75: {  	[sflag:s3] =	ssyncset.done $0x0  }
0x76: {  	[sflag:s3] =	ssyncadd.s32 $0xFFFFFEC0  }
0x77: {  	[tilespmem:s7], [sflag:$0x1] =	stream.indirect.gather [hbm4b:s5+s6], $0x80, s2, s6, $0xb8;
	[tilespmem:$0xA180] =	vst v63  }
0x78: {  	_ =	swait.ge [sflag:s8], $0xA000  }
.Ltmp1:
0x79: {  	[sflag:s8] =	ssyncset.done $0x0;
	(pc) =	sbr.rel @p0 .LBB2_1-.Ltmp1, $4  }
0x7a: {  	[sflag:s8] =	ssyncadd.s32 $0xFFFF6000  }
0x7b: {  	[hbm4b:s17+s2] =	stream.linear.scatter [tilespmem:s7], [sflag:$0x2], $0xA000, $0x38;
	[tilespmem:$0xA180] =	vst v63  }
0x7c: {  	_ =	swait.ge [sflag:s3], $0xA000  }
0x7d: {  	[sflag:s3] =	ssyncset.done $0x0  }
.LBB2_2:
0x7e: {  	[sflag:s3] =	ssyncadd.s32 $0xFFFF6000  }
0x7f: {  	_ =	sfence.sel $0x180000  }
0x80: {  	[bflag:$0x0] =	sbarrier.arrive $0xFFFF  }
0x81: {  	p0 =	sne.s32 s0, $0x0;
	_ =	strace $0x9000004A  }
0x82: {  	s0 =	sadd.s32 @!p0 $0x100000, s1;
	[bflag:$0x2] =	sbarrier.arrive $0xFFFF  }
0x83: {  	[sflag:s0] =	ssyncadd.tile.s32 @!p0 $0x1;
	_ =	shalt  }
.Lfunc_end2:
_tile_overlayer_lowered:
.L_overlay_start_2:
0x84: {  	(tag) =	ssettag $0x2  }
0x85: {  	s0 =	rddreg [dreg:$0x0];
	s2 =	stileid.u32  }
0x86: {  	s1 =	rddreg [dreg:$0x1];
	p0 =	sne.s32 s2, $0x0  }
0x87: {  	s3 =	rddreg [dreg:$0x2];
	[bflag:$0x3] =	sbarrier.arrive $0xFFFF;
	s2 =	simm.s32 @!p0 $0x1C02  }
0x88: {  	[timem:s3], [sflag:s2] =	dma.local @!p0 [hbm:s0], s1  }
0x89: {  	s0 =	simm.s32 @!p0 $0x2  }
0x8a: {  	_ =	swait.ge @!p0 [sflag:s0], s1  }
0x8b: {  	s1 =	ssub.s32 @!p0 $0x0, s1;
	[sflag:s0] =	ssyncset.done @!p0 $0x0  }
0x8c: {  	[sflag:s0] =	ssyncadd.s32 @!p0 s1  }
0x8d: {  	[bflag:$0x3] =	sbarrier.arrive $0xFFFF  }
0x8e: {  	_ =	shalt  }

// kernel: kernel.33.cloned.1.call-start
scs
__scs_entry_jumppad:
0x0: {  	(pc) =	sbr.rel $0x88, $3  }
0x1: {  	(tag) =	ssettag $0x0;
	lr =	simm.s32 $0x1  }
0x2: {  	[smem:$0x3F8B] =	sst lr;
	_ =	strace $0xD0000000  }
0x3: {  	_ = 	snop  }
0x4: {  	_ = 	snop  }
0x5: {  	_ = 	snop  }
0x6: {  	_ = 	snop  }
0x7: {  	_ = 	snop  }
__scs_overlays_trampoline_lowered:
0x8: {  	[smem:$0x3F9A] =	sst s0  }
0x9: {  	[smem:$0x3F9B] =	sst s1  }
0xa: {  	[smem:$0x3F9C] =	sst s2  }
0xb: {  	[smem:$0x3F9D] =	sst s3  }
0xc: {  	[smem:$0x3F9E] =	sst s4  }
0xd: {  	[smem:$0x3F9F] =	sst s5  }
0xe: {  	[smem:$0x3FA0] =	sst s6  }
0xf: {  	[smem:$0x3FA1] =	sst s7  }
0x10: {  	[smem:$0x3FA2] =	sst s8  }
0x11: {  	[smem:$0x3FA3] =	sst s9;
	s0 =	simm.s32 @!p0 $0x0  }
0x12: {  	s1 =	sld [smem:$0x3F89];
	s0 =	simm.s32 @p0 $0x1  }
0x13: {  	[smem:$0x3FA4] =	sst s0;
	s0 =	simm.s32 @!p1 $0x0  }
0x14: {  	s2 =	sld [smem:$0x3F88];
	s0 =	simm.s32 @p1 $0x1  }
0x15: {  	[smem:$0x3FA5] =	sst s0;
	s0 =	simm.s32 @!p2 $0x0  }
0x16: {  	s3 =	sld [smem:$0x3FDB];
	s0 =	simm.s32 @p2 $0x1  }
0x17: {  	s4 =	simm.s32 $0x1BF5;
	[smem:$0x3FA7] =	sst s0  }
0x18: {  	s0 =	sld [smem:$0x3F8A];
	_ =	swait.ge [sflag:s4], $0x0  }
0x19: {  	s7 =	sld [smem:$0x3F8B]  }
0x1a: {  	s8 =	sadd.s32 $0xFFFFE003, lr  }
0x1b: {  	s9 =	sadd.s32 $0xFFFFFEF7, lr;
	s5 =	simm.s32 $0xFFFFFFFF;
	p2 =	slt.u32 s8, $0xFFFFF086  }
0x1c: {  	p1 =	slt.u32 s9, $0xF7A;
	s5 =	simm.s32 @!p2 $0x0  }
0x1d: {  	s5 =	simm.s32 @p1 $0x1;
	p0 =	seq.s32 s7, s2  }
0x1e: {  	s7 =	smul.u32 @!p0 $0xF7A, s2;
	p2 =	seq.s32 @!p0 s5, $0x0  }
0x1f: {  	s9 =	smul.u32 $0xF7A, s1;
	s8 =	simm.s32 @!p0 $0x1BF5;
	p2 =	por !p2, p0  }
0x20: {  	[sflag:s8] =	ssyncset.s32 @!p0 $0xFFFFF086;
	s6 =	sadd.s32 @!p0 s3, s7;
	s7 =	simm.s32 @!p0 $0x108  }
0x21: {  	s3 =	sadd.s32 s3, s9;
	s6 =	sadd.s32 @!p0 $0x88, s6;
	s7 =	simm.s32 @p2 $0x1082  }
0x22: {  	[simem:s7], [sflag:s8] =	dma.local @!p0 [hbm:s6], $0xF7A  }
0x23: {  	s9 =	sor.u32 $0xD0000000, s2;
	s6 =	simm.s32 $0x108;
	_ =	swait.ge @!p0 [sflag:s8], $0x0  }
0x24: {  	s3 =	sadd.s32 $0x88, s3;
	s6 =	simm.s32 @!p1 $0x1082;
	[sflag:s4] =	ssyncset.s32 $0xFFFFF086  }
0x25: {  	[simem:s6], [sflag:s4] =	dma.local [hbm:s3], $0xF7A  }
0x26: {  	[smem:$0x3F8B] =	sst s1;
	(tag) =	ssettag s2;
	_ =	strace s9  }
0x27: {  	s1 =	sld [smem:$0x3F9B]  }
0x28: {  	s2 =	sld [smem:$0x3F9C]  }
0x29: {  	s4 =	sld [smem:$0x3F9E]  }
0x2a: {  	p0 =	seq.s32 s5, $0x0;
	s5 =	sld [smem:$0x3F9F]  }
0x2b: {  	s6 =	sld [smem:$0x3FA0]  }
0x2c: {  	s7 =	sld [smem:$0x3FA1]  }
0x2d: {  	s3 =	simm.s32 $0x108;
	s8 =	sld [smem:$0x3FA2]  }
0x2e: {  	s3 =	simm.s32 @!p0 $0x1082;
	s9 =	sld [smem:$0x3FA3]  }
0x2f: {  	lr =	sadd.s32 s0, s3;
	s0 =	sld [smem:$0x3F9A]  }
0x30: {  	s3 =	sld [smem:$0x3F9D]  }
0x31: {  	[smem:$0x3FA6] =	sst s10  }
0x32: {  	s10 =	sld [smem:$0x3FA4];
	_ =	sdelay $0x3  }
0x33: {  	p0 =	seq.s32 s10, $0x1;
	s10 =	sld [smem:$0x3FA6];
	_ =	sdelay $0x3  }
0x34: {  	[smem:$0x3FA6] =	sst s10  }
0x35: {  	s10 =	sld [smem:$0x3FA5];
	_ =	sdelay $0x3  }
0x36: {  	p1 =	seq.s32 s10, $0x1;
	s10 =	sld [smem:$0x3FA6];
	_ =	sdelay $0x3  }
0x37: {  	[smem:$0x3FA6] =	sst s10  }
0x38: {  	s10 =	sld [smem:$0x3FA7]  }
0x39: {  	_ = 	snop;
	(pc) =	sbr.ind lr, $3  }
0x3a: {  	_ = 	snop  }
0x3b: {  	_ = 	snop  }
0x3c: {  	p2 =	seq.s32 s10, $0x1;
	s10 =	sld [smem:$0x3FA6]  }
0x3d: {  	_ =	shalt  }
0x3e: {  	_ =	shalt  }
0x3f: {  	_ =	shalt  }
0x40: {  	_ =	shalt  }
0x41: {  	_ =	shalt  }
0x42: {  	_ =	shalt  }
0x43: {  	_ =	shalt  }
0x44: {  	_ =	shalt  }
0x45: {  	_ =	shalt  }
0x46: {  	_ =	shalt  }
0x47: {  	_ =	shalt  }
0x48: {  	_ =	shalt  }
0x49: {  	_ =	shalt  }
0x4a: {  	_ =	shalt  }
0x4b: {  	_ =	shalt  }
0x4c: {  	_ =	shalt  }
0x4d: {  	_ =	shalt  }
0x4e: {  	_ =	shalt  }
0x4f: {  	_ =	shalt  }
0x50: {  	_ =	shalt  }
0x51: {  	_ =	shalt  }
0x52: {  	_ =	shalt  }
0x53: {  	_ =	shalt  }
0x54: {  	_ =	shalt  }
0x55: {  	_ =	shalt  }
0x56: {  	_ =	shalt  }
0x57: {  	_ =	shalt  }
0x58: {  	_ =	shalt  }
0x59: {  	_ =	shalt  }
0x5a: {  	_ =	shalt  }
0x5b: {  	_ =	shalt  }
0x5c: {  	_ =	shalt  }
0x5d: {  	_ =	shalt  }
0x5e: {  	_ =	shalt  }
0x5f: {  	_ =	shalt  }
0x60: {  	_ =	shalt  }
0x61: {  	_ =	shalt  }
0x62: {  	_ =	shalt  }
0x63: {  	_ =	shalt  }
0x64: {  	_ =	shalt  }
0x65: {  	_ =	shalt  }
0x66: {  	_ =	shalt  }
0x67: {  	_ =	shalt  }
0x68: {  	_ =	shalt  }
0x69: {  	_ =	shalt  }
0x6a: {  	_ =	shalt  }
0x6b: {  	_ =	shalt  }
0x6c: {  	_ =	shalt  }
0x6d: {  	_ =	shalt  }
0x6e: {  	_ =	shalt  }
0x6f: {  	_ =	shalt  }
0x70: {  	_ =	shalt  }
0x71: {  	_ =	shalt  }
0x72: {  	_ =	shalt  }
0x73: {  	_ =	shalt  }
0x74: {  	_ =	shalt  }
0x75: {  	_ =	shalt  }
0x76: {  	_ =	shalt  }
0x77: {  	_ =	shalt  }
0x78: {  	_ =	shalt  }
0x79: {  	_ =	shalt  }
0x7a: {  	_ =	shalt  }
0x7b: {  	_ =	shalt  }
0x7c: {  	_ =	shalt  }
0x7d: {  	_ =	shalt  }
0x7e: {  	_ =	shalt  }
0x7f: {  	_ =	shalt  }
0x80: {  	_ =	shalt  }
0x81: {  	_ =	shalt  }
0x82: {  	_ =	shalt  }
0x83: {  	_ =	shalt  }
0x84: {  	_ =	shalt  }
0x85: {  	_ =	shalt  }
0x86: {  	_ =	shalt  }
0x87: {  	_ =	shalt  }
.Lfunc_end0:
.L_simem_size_0:
called_computation.2_lowered:
.L_overlay_start_0:
0x88: {  	s2 =	sld [smem:$0x3FD9]  }
0x89: {  	s3 =	sld [smem:$0x3FFE];
	_ =	sdelay $0x1  }
0x8a: {  	s1 =	srdreg.scid  }
0x8b: {  	s0 =	sand.u32 $0x1, s1  }
0x8c: {  	s16 =	sshll.u32 s0, $0xA;
	s2 =	sadd.s32 s3, s2  }
0x8d: {  	s2 =	sadd.s32 s2, s16  }
0x8e: {  	[smem:$0x3FB2] =	sst s2  }
0x8f: {  	_ = 	snop  }
0x90: {  	(tm) =	ssettm $0x1  }
0x91: {  	s17 =	sld [smem:$0x3FFB];
	_ =	sdelay $0x3  }
0x92: {  	_ =	strace s17  }
0x93: {  	s2 =	sld [smem:$0x3FFC];
	_ =	sdelay $0x3  }
0x94: {  	_ =	strace s2  }
0x95: {  	s2 =	sld [smem:$0x3FFD];
	_ =	sdelay $0x3  }
0x96: {  	_ =	strace s2  }
0x97: {  	_ =	strace $0x8FFFFFFF  }
0x98: {  	s18 =	sld [smem:$0x3FDB];
	_ =	sdelay $0x1  }
0x99: {  	s19 =	simm.s32 $_scs_section_size  }
0x9a: {  	s4 =	simm.s32 $_size__tile_overlayer_lowered;
	s5 =	simm.s32 $_tile_overlayer_lowered  }
0x9b: {  	s22 =	simm.s32 $0x1BFF;
	s21 =	sshll.u32 s5, $0x1;
	s2 =	sadd.s32 s19, s18  }
0x9c: {  	s6 =	simm.s32 $0x0;
	s20 =	sshll.u32 s4, $0x1;
	s4 =	sadd.s32 s21, s2  }
0x9d: {  	[timem:s6], [sflag:s22] =	dma.local [hbm:s4], s20  }
0x9e: {  	_ =	swait.ge [sflag:s22], s20  }
0x9f: {  	s3 =	ssub.s32 $0x0, s20;
	[sflag:s22] =	ssyncset.done $0x0  }
0xa0: {  	[sflag:s22] =	ssyncadd.s32 s3;
	_ =	sdelay $0x1  }
0xa1: {  	s23 =	simm.s32 $0x1B8B  }
0xa2: {  	_ =	swait.ge [sflag:s23], $0x1  }
0xa3: {  	[sflag:s23] =	ssyncset.done $0x0  }
0xa4: {  	s25 =	simm.s32 $0x1B8E;
	s24 =	sld [smem:$0x3FFE];
	[sflag:s23] =	ssyncadd.s32 $0xFFFFFFFF  }
0xa5: {  	s26 =	simm.s32 $execute0_lowered;
	[smem:$0x3FD2] =	sst s25  }
0xa6: {  	s4 =	sshll.u32 s26, $0x1;
	_ =	strace $0x8000004C;
	[dreg:$0x1] =	wrdreg $0xFFFFFFFF  }
0xa7: {  	s28 =	simm.s32 $_size_execute0_lowered;
	s2 =	sadd.s32 s2, s4;
	[dreg:$0x0] =	wrdreg $0x0  }
0xa8: {  	s4 =	sshll.u32 s28, $0x1;
	[dreg:$0x2] =	wrdreg s2  }
0xa9: {  	[dreg:$0x3] =	wrdreg s4  }
0xaa: {  	[dreg:$0x4] =	wrdreg $0xC0  }
0xab: {  	_ =	task [dreg:s6], $0x5FFFF  }
0xac: {  	[dreg:$0x1] =	wrdreg $0xFFFFFFFF  }
0xad: {  	[dreg:$0x0] =	wrdreg $0x60  }
0xae: {  	[dreg:$0x2] =	wrdreg s24  }
0xaf: {  	[dreg:$0x3] =	wrdreg $0x9  }
0xb0: {  	_ =	task.clear_ibuf [dreg:s6], $0x4FFFF;
	_ =	strace $0x9000004C  }
0xb1: {  	s29 =	simm.s32 $0x9;
	_ =	strace $0x8000004E  }
0xb2: {  	_ =	swait.ge [sflag:s29], $0x1  }
0xb3: {  	[sflag:s29] =	ssyncadd.s32 $0xFFFFFFFF  }
0xb4: {  	_ =	strace $0x9000004E  }
0xb5: {  	_ =	sfence  }
0xb6: {  	s30 =	sld [smem:$0x0];
	_ =	sdelay $0x2  }
0xb7: {  	s31 =	sshll.u32 s1, $0xD;
	s1 =	sshrl.u32 s1, $0x2  }
0xb8: {  	s3 =	sand.u32 $0x4000, s31;
	s1 =	sadd.s32 s1, s30  }
0xb9: {  	s0 =	sor.u32 s3, s0;
	s1 =	sshll.u32 s1, $0x11  }
0xba: {  	s0 =	sor.u32 s1, s0  }
0xbb: {  	s0 =	sadd.s32 $0x8F2B, s0  }
0xbc: {  	[sflag:s0] =	ssyncadd.remote.s32 $0x1  }
0xbd: {  	_ =	sfence.sel $0xFFFF  }
0xbe: {  	[dreg:$0x0] =	wrdreg $0xFFFFFFFF;
	(pc) =	sbr.abs _section_cstart, $3  }
0xbf: {  	[dreg:$0x1] =	wrdreg $0xFFFFFFFF  }
0xc0: {  	_ =	task.clear_ibuf [dreg:s6], $0x2FFFF;
	_ =	strace $0x9FFFFFFF  }
0xc1: {  	(tm) =	ssettm $0x7FFFFFFF  }
tec
execute0_lowered:
.L_overlay_start_1:
0x0: {  	(tag) =	ssettag $0x1  }
0x1: {  	s1 =	srdreg.scid;
	s0 =	stileid.u32  }
0x2: {  	s17 =	sand.u32 $0x1, s1;
	s28 =	sshll.u32 s0, $0x1  }
0x3: {  	s9 =	rddreg [dreg:$0x0];
	s12 =	sor.u32 s17, s28  }
0x4: {  	s2 =	simm.s32 $0x0;
	s1 =	rddreg [dreg:$0x1];
	s3 =	smul.u32 $0xC8, s12  }
0x5: {  	[smem:$0x7FF] =	sst s2;
	s16 =	sadd.s32 $0x11800, s9  }
0x6: {  	_ =	strace $0x8000004D;
	s4 =	sadd.s32 s16, s3;
	s3 =	simm.s32 $0x2  }
0x7: {  	[tilespmem:s2], [sflag:$0x2] =	stream.linear.gather [hbm4b:s4+s2], $0x140, $0x38;
	[tilespmem:$0xA180] =	vst v63  }
0x8: {  	s6 =	simm.s32 $0x140;
	_ =	swait.ge [sflag:s3], $0x140  }
0x9: {  	s7 =	simm.s32 $0x180;
	s8 =	simm.s32 $0x1;
	[sflag:s3] =	ssyncset.done $0x0  }
0xa: {  	s5 =	sadd.s32 $0x25800, s9;
	s10 =	smul.u32 $0x50, s12;
	[sflag:s3] =	ssyncadd.s32 $0xFFFFFEC0  }
0xb: {  	[tilespmem:s7], [sflag:$0x1] =	stream.indirect.gather [hbm4b:s5+s6], $0x80, s2, s6, $0xb8;
	[tilespmem:$0xA180] =	vst v63  }
0xc: {  	s11 =	smul.u32 $0x6400, s12;
	_ =	swait.ge [sflag:s8], $0xA000  }
0xd: {  	s13 =	sadd.s32 $0x39800, s9;
	s14 =	sadd.s32 $0x10, s10;
	[sflag:s8] =	ssyncset.done $0x0  }
0xe: {  	s9 =	sadd.s32 s13, s11;
	s10 =	smul.u32 $0x14, s14;
	[sflag:s8] =	ssyncadd.s32 $0xFFFF6000  }
0xf: {  	[hbm4b:s9+s2] =	stream.linear.scatter [tilespmem:s7], [sflag:$0x2], $0xA000, $0x38;
	[tilespmem:$0xA180] =	vst v63  }
0x10: {  	_ =	swait.ge [sflag:s3], $0xA000  }
0x11: {  	s10 =	sshrl.u32 s10, $0x3;
	[sflag:s3] =	ssyncset.done $0x0  }
0x12: {  	s10 =	sadd.s32 s16, s10;
	[sflag:s3] =	ssyncadd.s32 $0xFFFF6000  }
0x13: {  	[tilespmem:s2], [sflag:$0x2] =	stream.linear.gather [hbm4b:s10+s2], $0x140, $0x38;
	[tilespmem:$0xA180] =	vst v63  }
0x14: {  	_ =	swait.ge [sflag:s3], $0x140  }
0x15: {  	[sflag:s3] =	ssyncset.done $0x0  }
0x16: {  	[sflag:s3] =	ssyncadd.s32 $0xFFFFFEC0  }
0x17: {  	[tilespmem:s7], [sflag:$0x1] =	stream.indirect.gather [hbm4b:s5+s6], $0x80, s2, s6, $0xb8;
	[tilespmem:$0xA180] =	vst v63  }
0x18: {  	s29 =	smul.u32 $0x140, s14;
	_ =	swait.ge [sflag:s8], $0xA000  }
0x19: {  	[sflag:s8] =	ssyncset.done $0x0  }
0x1a: {  	s18 =	smul.u32 $0x640, s12;
	s11 =	sadd.s32 s13, s29;
	[sflag:s8] =	ssyncadd.s32 $0xFFFF6000  }
0x1b: {  	[hbm4b:s11+s2] =	stream.linear.scatter [tilespmem:s7], [sflag:$0x2], $0xA000, $0x38;
	[tilespmem:$0xA180] =	vst v63  }
0x1c: {  	s12 =	sadd.s32 $0x280, s18;
	_ =	swait.ge [sflag:s3], $0xA000  }
0x1d: {  	s12 =	sshrl.u32 s12, $0x3;
	[sflag:s3] =	ssyncset.done $0x0  }
0x1e: {  	s12 =	sadd.s32 s16, s12;
	[sflag:s3] =	ssyncadd.s32 $0xFFFF6000  }
0x1f: {  	[tilespmem:s2], [sflag:$0x2] =	stream.linear.gather [hbm4b:s12+s2], $0x140, $0x38;
	[tilespmem:$0xA180] =	vst v63  }
0x20: {  	_ =	swait.ge [sflag:s3], $0x140  }
0x21: {  	[sflag:s3] =	ssyncset.done $0x0  }
0x22: {  	[sflag:s3] =	ssyncadd.s32 $0xFFFFFEC0  }
0x23: {  	[tilespmem:s7], [sflag:$0x1] =	stream.indirect.gather [hbm4b:s5+s6], $0x80, s2, s6, $0xb8;
	[tilespmem:$0xA180] =	vst v63  }
0x24: {  	_ =	swait.ge [sflag:s8], $0xA000  }
0x25: {  	[sflag:s8] =	ssyncset.done $0x0  }
0x26: {  	s13 =	sadd.s32 $0x2800, s9;
	[sflag:s8] =	ssyncadd.s32 $0xFFFF6000  }
0x27: {  	[hbm4b:s13+s2] =	stream.linear.scatter [tilespmem:s7], [sflag:$0x2], $0xA000, $0x38;
	[tilespmem:$0xA180] =	vst v63  }
0x28: {  	s30 =	sadd.s32 $0x3C0, s18;
	_ =	swait.ge [sflag:s3], $0xA000  }
0x29: {  	s14 =	sshrl.u32 s30, $0x3;
	[sflag:s3] =	ssyncset.done $0x0  }
0x2a: {  	s14 =	sadd.s32 s16, s14;
	[sflag:s3] =	ssyncadd.s32 $0xFFFF6000  }
0x2b: {  	[tilespmem:s2], [sflag:$0x2] =	stream.linear.gather [hbm4b:s14+s2], $0x140, $0x38;
	[tilespmem:$0xA180] =	vst v63  }
0x2c: {  	_ =	swait.ge [sflag:s3], $0x140  }
0x2d: {  	[sflag:s3] =	ssyncset.done $0x0  }
0x2e: {  	[sflag:s3] =	ssyncadd.s32 $0xFFFFFEC0  }
0x2f: {  	[tilespmem:s7], [sflag:$0x1] =	stream.indirect.gather [hbm4b:s5+s6], $0x80, s2, s6, $0xb8;
	[tilespmem:$0xA180] =	vst v63  }
0x30: {  	_ =	swait.ge [sflag:s8], $0xA000  }
0x31: {  	[sflag:s8] =	ssyncset.done $0x0  }
0x32: {  	s15 =	sadd.s32 $0x3C00, s9;
	[sflag:s8] =	ssyncadd.s32 $0xFFFF6000  }
0x33: {  	[hbm4b:s15+s2] =	stream.linear.scatter [tilespmem:s7], [sflag:$0x2], $0xA000, $0x38;
	[tilespmem:$0xA180] =	vst v63  }
0x34: {  	s18 =	sadd.s32 $0x500, s18;
	_ =	swait.ge [sflag:s3], $0xA000  }
0x35: {  	s18 =	sshrl.u32 s18, $0x3;
	[sflag:s3] =	ssyncset.done $0x0  }
0x36: {  	s17 =	ssub.s32 $0x2, s17;
	s16 =	sadd.s32 s16, s18;
	[sflag:s3] =	ssyncadd.s32 $0xFFFF6000  }
0x37: {  	[tilespmem:s2], [sflag:$0x2] =	stream.linear.gather [hbm4b:s16+s2], $0x140, $0x38;
	[tilespmem:$0xA180] =	vst v63  }
0x38: {  	s31 =	sshrl.u32 s17, $0x1;
	_ =	swait.ge [sflag:s3], $0x140  }
0x39: {  	s17 =	ssub.s32 s17, s31;
	[sflag:s3] =	ssyncset.done $0x0  }
0x3a: {  	s18 =	smax.u32 s17, $0x1;
	[sflag:s3] =	ssyncadd.s32 $0xFFFFFEC0  }
0x3b: {  	[tilespmem:s7], [sflag:$0x1] =	stream.indirect.gather [hbm4b:s5+s6], $0x80, s2, s6, $0xb8;
	[tilespmem:$0xA180] =	vst v63  }
0x3c: {  	p0 =	sne.s32 s18, $0x1;
	_ =	swait.ge [sflag:s8], $0xA000  }
.Ltmp0:
0x3d: {  	[sflag:s8] =	ssyncset.done $0x0;
	(pc) =	sbr.rel @!p0 .LBB2_2-.Ltmp0, $4  }
0x3e: {  	s17 =	sadd.s32 $0x5000, s9;
	[sflag:s8] =	ssyncadd.s32 $0xFFFF6000  }
0x3f: {  	[hbm4b:s17+s2] =	stream.linear.scatter [tilespmem:s7], [sflag:$0x2], $0xA000, $0x38;
	[tilespmem:$0xA180] =	vst v63  }
0x40: {  	_ =	swait.ge [sflag:s3], $0xA000  }
0x41: {  	s18 =	sadd.s32 $0xFFFFFFFF, s18;
	[sflag:s3] =	ssyncset.done $0x0  }
.LBB2_1:
0x42: {  	p0 =	sne.s32 s18, $0x1;
	s18 =	sadd.s32 $0xFFFFFFFF, s18;
	[sflag:s3] =	ssyncadd.s32 $0xFFFF6000  }
0x43: {  	[tilespmem:s2], [sflag:$0x2] =	stream.linear.gather [hbm4b:s4+s2], $0x140, $0x38;
	[tilespmem:$0xA180] =	vst v63  }
0x44: {  	_ =	swait.ge [sflag:s3], $0x140  }
0x45: {  	[sflag:s3] =	ssyncset.done $0x0  }
0x46: {  	[sflag:s3] =	ssyncadd.s32 $0xFFFFFEC0  }
0x47: {  	[tilespmem:s7], [sflag:$0x1] =	stream.indirect.gather [hbm4b:s5+s6], $0x80, s2, s6, $0xb8;
	[tilespmem:$0xA180] =	vst v63  }
0x48: {  	_ =	swait.ge [sflag:s8], $0xA000  }
0x49: {  	[sflag:s8] =	ssyncset.done $0x0  }
0x4a: {  	[sflag:s8] =	ssyncadd.s32 $0xFFFF6000  }
0x4b: {  	[hbm4b:s9+s2] =	stream.linear.scatter [tilespmem:s7], [sflag:$0x2], $0xA000, $0x38;
	[tilespmem:$0xA180] =	vst v63  }
0x4c: {  	_ =	swait.ge [sflag:s3], $0xA000  }
0x4d: {  	[sflag:s3] =	ssyncset.done $0x0  }
0x4e: {  	[sflag:s3] =	ssyncadd.s32 $0xFFFF6000  }
0x4f: {  	[tilespmem:s2], [sflag:$0x2] =	stream.linear.gather [hbm4b:s10+s2], $0x140, $0x38;
	[tilespmem:$0xA180] =	vst v63  }
0x50: {  	_ =	swait.ge [sflag:s3], $0x140  }
0x51: {  	[sflag:s3] =	ssyncset.done $0x0  }
0x52: {  	[sflag:s3] =	ssyncadd.s32 $0xFFFFFEC0  }
0x53: {  	[tilespmem:s7], [sflag:$0x1] =	stream.indirect.gather [hbm4b:s5+s6], $0x80, s2, s6, $0xb8;
	[tilespmem:$0xA180] =	vst v63  }
0x54: {  	_ =	swait.ge [sflag:s8], $0xA000  }
0x55: {  	[sflag:s8] =	ssyncset.done $0x0  }
0x56: {  	[sflag:s8] =	ssyncadd.s32 $0xFFFF6000  }
0x57: {  	[hbm4b:s11+s2] =	stream.linear.scatter [tilespmem:s7], [sflag:$0x2], $0xA000, $0x38;
	[tilespmem:$0xA180] =	vst v63  }
0x58: {  	_ =	swait.ge [sflag:s3], $0xA000  }
0x59: {  	[sflag:s3] =	ssyncset.done $0x0  }
0x5a: {  	[sflag:s3] =	ssyncadd.s32 $0xFFFF6000  }
0x5b: {  	[tilespmem:s2], [sflag:$0x2] =	stream.linear.gather [hbm4b:s12+s2], $0x140, $0x38;
	[tilespmem:$0xA180] =	vst v63  }
0x5c: {  	_ =	swait.ge [sflag:s3], $0x140  }
0x5d: {  	[sflag:s3] =	ssyncset.done $0x0  }
0x5e: {  	[sflag:s3] =	ssyncadd.s32 $0xFFFFFEC0  }
0x5f: {  	[tilespmem:s7], [sflag:$0x1] =	stream.indirect.gather [hbm4b:s5+s6], $0x80, s2, s6, $0xb8;
	[tilespmem:$0xA180] =	vst v63  }
0x60: {  	_ =	swait.ge [sflag:s8], $0xA000  }
0x61: {  	[sflag:s8] =	ssyncset.done $0x0  }
0x62: {  	[sflag:s8] =	ssyncadd.s32 $0xFFFF6000  }
0x63: {  	[hbm4b:s13+s2] =	stream.linear.scatter [tilespmem:s7], [sflag:$0x2], $0xA000, $0x38;
	[tilespmem:$0xA180] =	vst v63  }
0x64: {  	_ =	swait.ge [sflag:s3], $0xA000  }
0x65: {  	[sflag:s3] =	ssyncset.done $0x0  }
0x66: {  	[sflag:s3] =	ssyncadd.s32 $0xFFFF6000  }
0x67: {  	[tilespmem:s2], [sflag:$0x2] =	stream.linear.gather [hbm4b:s14+s2], $0x140, $0x38;
	[tilespmem:$0xA180] =	vst v63  }
0x68: {  	_ =	swait.ge [sflag:s3], $0x140  }
0x69: {  	[sflag:s3] =	ssyncset.done $0x0  }
0x6a: {  	[sflag:s3] =	ssyncadd.s32 $0xFFFFFEC0  }
0x6b: {  	[tilespmem:s7], [sflag:$0x1] =	stream.indirect.gather [hbm4b:s5+s6], $0x80, s2, s6, $0xb8;
	[tilespmem:$0xA180] =	vst v63  }
0x6c: {  	_ =	swait.ge [sflag:s8], $0xA000  }
0x6d: {  	[sflag:s8] =	ssyncset.done $0x0  }
0x6e: {  	[sflag:s8] =	ssyncadd.s32 $0xFFFF6000  }
0x6f: {  	[hbm4b:s15+s2] =	stream.linear.scatter [tilespmem:s7], [sflag:$0x2], $0xA000, $0x38;
	[tilespmem:$0xA180] =	vst v63  }
0x70: {  	_ =	swait.ge [sflag:s3], $0xA000  }
0x71: {  	[sflag:s3] =	ssyncset.done $0x0  }
0x72: {  	[sflag:s3] =	ssyncadd.s32 $0xFFFF6000  }
0x73: {  	[tilespmem:s2], [sflag:$0x2] =	stream.linear.gather [hbm4b:s16+s2], $0x140, $0x38;
	[tilespmem:$0xA180] =	vst v63  }
0x74: {  	_ =	swait.ge [sflag:s3], $0x140  }
0x75: {  	[sflag:s3] =	ssyncset.done $0x0  }
0x76: {  	[sflag:s3] =	ssyncadd.s32 $0xFFFFFEC0  }
0x77: {  	[tilespmem:s7], [sflag:$0x1] =	stream.indirect.gather [hbm4b:s5+s6], $0x80, s2, s6, $0xb8;
	[tilespmem:$0xA180] =	vst v63  }
0x78: {  	_ =	swait.ge [sflag:s8], $0xA000  }
.Ltmp1:
0x79: {  	[sflag:s8] =	ssyncset.done $0x0;
	(pc) =	sbr.rel @p0 .LBB2_1-.Ltmp1, $4  }
0x7a: {  	[sflag:s8] =	ssyncadd.s32 $0xFFFF6000  }
0x7b: {  	[hbm4b:s17+s2] =	stream.linear.scatter [tilespmem:s7], [sflag:$0x2], $0xA000, $0x38;
	[tilespmem:$0xA180] =	vst v63  }
0x7c: {  	_ =	swait.ge [sflag:s3], $0xA000  }
0x7d: {  	[sflag:s3] =	ssyncset.done $0x0  }
.LBB2_2:
0x7e: {  	[sflag:s3] =	ssyncadd.s32 $0xFFFF6000  }
0x7f: {  	_ =	sfence.sel $0x180000  }
0x80: {  	[bflag:$0x0] =	sbarrier.arrive $0xFFFF  }
0x81: {  	p0 =	sne.s32 s0, $0x0;
	_ =	strace $0x9000004D  }
0x82: {  	s0 =	sadd.s32 @!p0 $0x100000, s1;
	[bflag:$0x2] =	sbarrier.arrive $0xFFFF  }
0x83: {  	[sflag:s0] =	ssyncadd.tile.s32 @!p0 $0x1;
	_ =	shalt  }
.Lfunc_end2:
_tile_overlayer_lowered:
.L_overlay_start_2:
0x84: {  	(tag) =	ssettag $0x2  }
0x85: {  	s0 =	rddreg [dreg:$0x0];
	s2 =	stileid.u32  }
0x86: {  	s1 =	rddreg [dreg:$0x1];
	p0 =	sne.s32 s2, $0x0  }
0x87: {  	s3 =	rddreg [dreg:$0x2];
	[bflag:$0x3] =	sbarrier.arrive $0xFFFF;
	s2 =	simm.s32 @!p0 $0x1C02  }
0x88: {  	[timem:s3], [sflag:s2] =	dma.local @!p0 [hbm:s0], s1  }
0x89: {  	s0 =	simm.s32 @!p0 $0x2  }
0x8a: {  	_ =	swait.ge @!p0 [sflag:s0], s1  }
0x8b: {  	s1 =	ssub.s32 @!p0 $0x0, s1;
	[sflag:s0] =	ssyncset.done @!p0 $0x0  }
0x8c: {  	[sflag:s0] =	ssyncadd.s32 @!p0 s1  }
0x8d: {  	[bflag:$0x3] =	sbarrier.arrive $0xFFFF  }
0x8e: {  	_ =	shalt  }

// kernel: kernel.36.cloned.1.call-start
scs
__scs_entry_jumppad:
0x0: {  	(pc) =	sbr.rel $0x88, $3  }
0x1: {  	(tag) =	ssettag $0x0;
	lr =	simm.s32 $0x1  }
0x2: {  	[smem:$0x3F8B] =	sst lr;
	_ =	strace $0xD0000000  }
0x3: {  	_ = 	snop  }
0x4: {  	_ = 	snop  }
0x5: {  	_ = 	snop  }
0x6: {  	_ = 	snop  }
0x7: {  	_ = 	snop  }
__scs_overlays_trampoline_lowered:
0x8: {  	[smem:$0x3F9A] =	sst s0  }
0x9: {  	[smem:$0x3F9B] =	sst s1  }
0xa: {  	[smem:$0x3F9C] =	sst s2  }
0xb: {  	[smem:$0x3F9D] =	sst s3  }
0xc: {  	[smem:$0x3F9E] =	sst s4  }
0xd: {  	[smem:$0x3F9F] =	sst s5  }
0xe: {  	[smem:$0x3FA0] =	sst s6  }
0xf: {  	[smem:$0x3FA1] =	sst s7  }
0x10: {  	[smem:$0x3FA2] =	sst s8  }
0x11: {  	[smem:$0x3FA3] =	sst s9;
	s0 =	simm.s32 @!p0 $0x0  }
0x12: {  	s1 =	sld [smem:$0x3F89];
	s0 =	simm.s32 @p0 $0x1  }
0x13: {  	[smem:$0x3FA4] =	sst s0;
	s0 =	simm.s32 @!p1 $0x0  }
0x14: {  	s2 =	sld [smem:$0x3F88];
	s0 =	simm.s32 @p1 $0x1  }
0x15: {  	[smem:$0x3FA5] =	sst s0;
	s0 =	simm.s32 @!p2 $0x0  }
0x16: {  	s3 =	sld [smem:$0x3FDB];
	s0 =	simm.s32 @p2 $0x1  }
0x17: {  	s4 =	simm.s32 $0x1BF5;
	[smem:$0x3FA7] =	sst s0  }
0x18: {  	s0 =	sld [smem:$0x3F8A];
	_ =	swait.ge [sflag:s4], $0x0  }
0x19: {  	s7 =	sld [smem:$0x3F8B]  }
0x1a: {  	s8 =	sadd.s32 $0xFFFFE003, lr  }
0x1b: {  	s9 =	sadd.s32 $0xFFFFFEF7, lr;
	s5 =	simm.s32 $0xFFFFFFFF;
	p2 =	slt.u32 s8, $0xFFFFF086  }
0x1c: {  	p1 =	slt.u32 s9, $0xF7A;
	s5 =	simm.s32 @!p2 $0x0  }
0x1d: {  	s5 =	simm.s32 @p1 $0x1;
	p0 =	seq.s32 s7, s2  }
0x1e: {  	s7 =	smul.u32 @!p0 $0xF7A, s2;
	p2 =	seq.s32 @!p0 s5, $0x0  }
0x1f: {  	s9 =	smul.u32 $0xF7A, s1;
	s8 =	simm.s32 @!p0 $0x1BF5;
	p2 =	por !p2, p0  }
0x20: {  	[sflag:s8] =	ssyncset.s32 @!p0 $0xFFFFF086;
	s6 =	sadd.s32 @!p0 s3, s7;
	s7 =	simm.s32 @!p0 $0x108  }
0x21: {  	s3 =	sadd.s32 s3, s9;
	s6 =	sadd.s32 @!p0 $0x88, s6;
	s7 =	simm.s32 @p2 $0x1082  }
0x22: {  	[simem:s7], [sflag:s8] =	dma.local @!p0 [hbm:s6], $0xF7A  }
0x23: {  	s9 =	sor.u32 $0xD0000000, s2;
	s6 =	simm.s32 $0x108;
	_ =	swait.ge @!p0 [sflag:s8], $0x0  }
0x24: {  	s3 =	sadd.s32 $0x88, s3;
	s6 =	simm.s32 @!p1 $0x1082;
	[sflag:s4] =	ssyncset.s32 $0xFFFFF086  }
0x25: {  	[simem:s6], [sflag:s4] =	dma.local [hbm:s3], $0xF7A  }
0x26: {  	[smem:$0x3F8B] =	sst s1;
	(tag) =	ssettag s2;
	_ =	strace s9  }
0x27: {  	s1 =	sld [smem:$0x3F9B]  }
0x28: {  	s2 =	sld [smem:$0x3F9C]  }
0x29: {  	s4 =	sld [smem:$0x3F9E]  }
0x2a: {  	p0 =	seq.s32 s5, $0x0;
	s5 =	sld [smem:$0x3F9F]  }
0x2b: {  	s6 =	sld [smem:$0x3FA0]  }
0x2c: {  	s7 =	sld [smem:$0x3FA1]  }
0x2d: {  	s3 =	simm.s32 $0x108;
	s8 =	sld [smem:$0x3FA2]  }
0x2e: {  	s3 =	simm.s32 @!p0 $0x1082;
	s9 =	sld [smem:$0x3FA3]  }
0x2f: {  	lr =	sadd.s32 s0, s3;
	s0 =	sld [smem:$0x3F9A]  }
0x30: {  	s3 =	sld [smem:$0x3F9D]  }
0x31: {  	[smem:$0x3FA6] =	sst s10  }
0x32: {  	s10 =	sld [smem:$0x3FA4];
	_ =	sdelay $0x3  }
0x33: {  	p0 =	seq.s32 s10, $0x1;
	s10 =	sld [smem:$0x3FA6];
	_ =	sdelay $0x3  }
0x34: {  	[smem:$0x3FA6] =	sst s10  }
0x35: {  	s10 =	sld [smem:$0x3FA5];
	_ =	sdelay $0x3  }
0x36: {  	p1 =	seq.s32 s10, $0x1;
	s10 =	sld [smem:$0x3FA6];
	_ =	sdelay $0x3  }
0x37: {  	[smem:$0x3FA6] =	sst s10  }
0x38: {  	s10 =	sld [smem:$0x3FA7]  }
0x39: {  	_ = 	snop;
	(pc) =	sbr.ind lr, $3  }
0x3a: {  	_ = 	snop  }
0x3b: {  	_ = 	snop  }
0x3c: {  	p2 =	seq.s32 s10, $0x1;
	s10 =	sld [smem:$0x3FA6]  }
0x3d: {  	_ =	shalt  }
0x3e: {  	_ =	shalt  }
0x3f: {  	_ =	shalt  }
0x40: {  	_ =	shalt  }
0x41: {  	_ =	shalt  }
0x42: {  	_ =	shalt  }
0x43: {  	_ =	shalt  }
0x44: {  	_ =	shalt  }
0x45: {  	_ =	shalt  }
0x46: {  	_ =	shalt  }
0x47: {  	_ =	shalt  }
0x48: {  	_ =	shalt  }
0x49: {  	_ =	shalt  }
0x4a: {  	_ =	shalt  }
0x4b: {  	_ =	shalt  }
0x4c: {  	_ =	shalt  }
0x4d: {  	_ =	shalt  }
0x4e: {  	_ =	shalt  }
0x4f: {  	_ =	shalt  }
0x50: {  	_ =	shalt  }
0x51: {  	_ =	shalt  }
0x52: {  	_ =	shalt  }
0x53: {  	_ =	shalt  }
0x54: {  	_ =	shalt  }
0x55: {  	_ =	shalt  }
0x56: {  	_ =	shalt  }
0x57: {  	_ =	shalt  }
0x58: {  	_ =	shalt  }
0x59: {  	_ =	shalt  }
0x5a: {  	_ =	shalt  }
0x5b: {  	_ =	shalt  }
0x5c: {  	_ =	shalt  }
0x5d: {  	_ =	shalt  }
0x5e: {  	_ =	shalt  }
0x5f: {  	_ =	shalt  }
0x60: {  	_ =	shalt  }
0x61: {  	_ =	shalt  }
0x62: {  	_ =	shalt  }
0x63: {  	_ =	shalt  }
0x64: {  	_ =	shalt  }
0x65: {  	_ =	shalt  }
0x66: {  	_ =	shalt  }
0x67: {  	_ =	shalt  }
0x68: {  	_ =	shalt  }
0x69: {  	_ =	shalt  }
0x6a: {  	_ =	shalt  }
0x6b: {  	_ =	shalt  }
0x6c: {  	_ =	shalt  }
0x6d: {  	_ =	shalt  }
0x6e: {  	_ =	shalt  }
0x6f: {  	_ =	shalt  }
0x70: {  	_ =	shalt  }
0x71: {  	_ =	shalt  }
0x72: {  	_ =	shalt  }
0x73: {  	_ =	shalt  }
0x74: {  	_ =	shalt  }
0x75: {  	_ =	shalt  }
0x76: {  	_ =	shalt  }
0x77: {  	_ =	shalt  }
0x78: {  	_ =	shalt  }
0x79: {  	_ =	shalt  }
0x7a: {  	_ =	shalt  }
0x7b: {  	_ =	shalt  }
0x7c: {  	_ =	shalt  }
0x7d: {  	_ =	shalt  }
0x7e: {  	_ =	shalt  }
0x7f: {  	_ =	shalt  }
0x80: {  	_ =	shalt  }
0x81: {  	_ =	shalt  }
0x82: {  	_ =	shalt  }
0x83: {  	_ =	shalt  }
0x84: {  	_ =	shalt  }
0x85: {  	_ =	shalt  }
0x86: {  	_ =	shalt  }
0x87: {  	_ =	shalt  }
.Lfunc_end0:
.L_simem_size_0:
called_computation.3_lowered:
.L_overlay_start_0:
0x88: {  	s2 =	sld [smem:$0x3FD9]  }
0x89: {  	s3 =	sld [smem:$0x3FFE];
	_ =	sdelay $0x1  }
0x8a: {  	s1 =	srdreg.scid  }
0x8b: {  	s0 =	sand.u32 $0x1, s1  }
0x8c: {  	s17 =	sshll.u32 s0, $0xA;
	s2 =	sadd.s32 s3, s2  }
0x8d: {  	s2 =	sadd.s32 s2, s17  }
0x8e: {  	[smem:$0x3FB2] =	sst s2  }
0x8f: {  	_ = 	snop  }
0x90: {  	s18 =	sld [smem:$0x3FD0];
	(tm) =	ssettm $0x1  }
0x91: {  	s19 =	sld [smem:$0x3FFB];
	_ =	sdelay $0x3  }
0x92: {  	_ =	strace s19  }
0x93: {  	s2 =	sld [smem:$0x3FFC];
	_ =	sdelay $0x3  }
0x94: {  	_ =	strace s2  }
0x95: {  	s2 =	sld [smem:$0x3FFD];
	_ =	sdelay $0x3  }
0x96: {  	_ =	strace s2  }
0x97: {  	_ =	strace $0x8FFFFFFF  }
0x98: {  	s20 =	sld [smem:$0x3FDB];
	_ =	sdelay $0x1  }
0x99: {  	s4 =	simm.s32 $_scs_section_size  }
0x9a: {  	s5 =	simm.s32 $_size__tile_overlayer_lowered;
	s6 =	simm.s32 $_tile_overlayer_lowered  }
0x9b: {  	s7 =	simm.s32 $0x1BFF;
	s21 =	sshll.u32 s6, $0x1;
	s4 =	sadd.s32 s4, s20  }
0x9c: {  	s22 =	simm.s32 $0x0;
	s5 =	sshll.u32 s5, $0x1;
	s6 =	sadd.s32 s21, s4  }
0x9d: {  	[timem:s22], [sflag:s7] =	dma.local [hbm:s6], s5  }
0x9e: {  	_ =	swait.ge [sflag:s7], s5  }
0x9f: {  	s5 =	ssub.s32 $0x0, s5;
	[sflag:s7] =	ssyncset.done $0x0  }
0xa0: {  	[sflag:s7] =	ssyncadd.s32 s5;
	_ =	sdelay $0x1  }
0xa1: {  	s23 =	simm.s32 $0x1B8B  }
0xa2: {  	_ =	swait.ge [sflag:s23], $0x1  }
0xa3: {  	[sflag:s23] =	ssyncset.done $0x0  }
0xa4: {  	[sflag:s23] =	ssyncadd.s32 $0xFFFFFFFF  }
0xa5: {  	s5 =	sld [smem:$0x0]  }
0xa6: {  	s6 =	sand.u32 $0xFFFFFFFE, s1  }
0xa7: {  	p0 =	sne.s32 s1, s6  }
0xa8: {  	s6 =	sshll.u32 @p0 s6, $0xE  }
0xa9: {  	s6 =	sadd.s32 @p0 $0x11B8D, s6;
	s7 =	sshll.u32 @p0 s5, $0x11  }
0xaa: {  	s6 =	sor.u32 @p0 s7, s6  }
0xab: {  	[sflag:s6] =	ssyncadd.remote.s32 @p0 $0x1;
	_ =	sdelay $0x1  }
0xac: {  	s6 =	simm.s32 @p0 $0x1B8D  }
0xad: {  	_ =	swait.eq @p0 [sflag:s6], $0x1  }
0xae: {  	[sflag:s6] =	ssyncadd.s32 @p0 $0xFFFFFFFF  }
0xaf: {  	s7 =	sshll.u32 @!p0 s1, $0xE  }
0xb0: {  	s7 =	sor.u32 @!p0 $0x4000, s7;
	s6 =	simm.s32 @!p0 $0x1B8D  }
0xb1: {  	s5 =	sshll.u32 @!p0 s5, $0x11;
	s7 =	sadd.s32 @!p0 $0x11B8D, s7;
	_ =	swait.eq @!p0 [sflag:s6], $0x1  }
0xb2: {  	s5 =	sor.u32 @!p0 s5, s7;
	[sflag:s6] =	ssyncadd.s32 @!p0 $0xFFFFFFFF  }
0xb3: {  	s25 =	simm.s32 $0x1B8E;
	s24 =	sld [smem:$0x3FFE];
	[sflag:s5] =	ssyncadd.remote.s32 @!p0 $0x1  }
0xb4: {  	s26 =	simm.s32 $execute0_lowered;
	[smem:$0x3FD2] =	sst s25  }
0xb5: {  	s6 =	sshll.u32 s26, $0x1;
	_ =	strace $0x8000004F;
	[dreg:$0x1] =	wrdreg $0xFFFFFFFF  }
0xb6: {  	s28 =	simm.s32 $_size_execute0_lowered;
	s4 =	sadd.s32 s4, s6;
	[dreg:$0x0] =	wrdreg $0x0  }
0xb7: {  	s6 =	sshll.u32 s28, $0x1;
	[dreg:$0x2] =	wrdreg s4  }
0xb8: {  	[dreg:$0x3] =	wrdreg s6  }
0xb9: {  	[dreg:$0x4] =	wrdreg $0xC0  }
0xba: {  	_ =	task [dreg:s22], $0x5FFFF  }
0xbb: {  	[dreg:$0x1] =	wrdreg $0xFFFFFFFF  }
0xbc: {  	[dreg:$0x0] =	wrdreg $0x60  }
0xbd: {  	[dreg:$0x2] =	wrdreg s24  }
0xbe: {  	[dreg:$0x3] =	wrdreg s18  }
0xbf: {  	[dreg:$0x4] =	wrdreg $0xA  }
0xc0: {  	_ =	task.clear_ibuf [dreg:s22], $0x5FFFF;
	_ =	strace $0x9000004F  }
0xc1: {  	s29 =	simm.s32 $0xA;
	_ =	strace $0x80000051  }
0xc2: {  	_ =	swait.ge [sflag:s29], $0x1  }
0xc3: {  	[sflag:s29] =	ssyncadd.s32 $0xFFFFFFFF  }
0xc4: {  	_ =	strace $0x90000051  }
0xc5: {  	_ =	sfence  }
0xc6: {  	s30 =	sld [smem:$0x0];
	_ =	sdelay $0x2  }
0xc7: {  	s31 =	sshll.u32 s1, $0xD;
	s1 =	sshrl.u32 s1, $0x2  }
0xc8: {  	s4 =	sand.u32 $0x4000, s31;
	s1 =	sadd.s32 s1, s30  }
0xc9: {  	s0 =	sor.u32 s4, s0;
	s1 =	sshll.u32 s1, $0x11  }
0xca: {  	s0 =	sor.u32 s1, s0  }
0xcb: {  	s0 =	sadd.s32 $0x8F2B, s0  }
0xcc: {  	[sflag:s0] =	ssyncadd.remote.s32 $0x1  }
0xcd: {  	_ =	sfence.sel $0xFFFF  }
0xce: {  	[dreg:$0x0] =	wrdreg $0xFFFFFFFF;
	(pc) =	sbr.abs _section_cstart, $3  }
0xcf: {  	[dreg:$0x1] =	wrdreg $0xFFFFFFFF  }
0xd0: {  	_ =	task.clear_ibuf [dreg:s22], $0x2FFFF;
	_ =	strace $0x9FFFFFFF  }
0xd1: {  	(tm) =	ssettm $0x7FFFFFFF  }
tec
execute0_lowered:
.L_overlay_start_1:
0x0: {  	(tag) =	ssettag $0x1  }
0x1: {  	s1 =	srdreg.scid;
	s0 =	stileid.u32  }
0x2: {  	s9 =	rddreg [dreg:$0x0];
	s17 =	sand.u32 $0x1, s1;
	s28 =	sshll.u32 s0, $0x1  }
0x3: {  	s16 =	rddreg [dreg:$0x1];
	s12 =	sor.u32 s17, s28  }
0x4: {  	s2 =	simm.s32 $0x0;
	s1 =	rddreg [dreg:$0x2];
	s3 =	smul.u32 $0xC8, s12  }
0x5: {  	[smem:$0x7FF] =	sst s2  }
0x6: {  	_ =	strace $0x80000050;
	s4 =	sadd.s32 s16, s3;
	s3 =	simm.s32 $0x2  }
0x7: {  	[tilespmem:s2], [sflag:$0x2] =	stream.linear.gather [hbm4b:s4+s2], $0x140, $0x38;
	[tilespmem:$0xA180] =	vst v63  }
0x8: {  	s6 =	simm.s32 $0x140;
	_ =	swait.ge [sflag:s3], $0x140  }
0x9: {  	s7 =	simm.s32 $0x180;
	s8 =	simm.s32 $0x1;
	[sflag:s3] =	ssyncset.done $0x0  }
0xa: {  	s5 =	sadd.s32 $0x25800, s9;
	s10 =	smul.u32 $0x50, s12;
	[sflag:s3] =	ssyncadd.s32 $0xFFFFFEC0  }
0xb: {  	[tilespmem:s7], [sflag:$0x1] =	stream.indirect.gather [hbm4b:s5+s6], $0x80, s2, s6, $0xb8;
	[tilespmem:$0xA180] =	vst v63  }
0xc: {  	s11 =	smul.u32 $0x6400, s12;
	_ =	swait.ge [sflag:s8], $0xA000  }
0xd: {  	s13 =	sadd.s32 $0x1AD400, s9;
	s14 =	sadd.s32 $0x10, s10;
	[sflag:s8] =	ssyncset.done $0x0  }
0xe: {  	s9 =	sadd.s32 s13, s11;
	s10 =	smul.u32 $0x14, s14;
	[sflag:s8] =	ssyncadd.s32 $0xFFFF6000  }
0xf: {  	[hbm4b:s9+s2] =	stream.linear.scatter [tilespmem:s7], [sflag:$0x2], $0xA000, $0x38;
	[tilespmem:$0xA180] =	vst v63  }
0x10: {  	_ =	swait.ge [sflag:s3], $0xA000  }
0x11: {  	s10 =	sshrl.u32 s10, $0x3;
	[sflag:s3] =	ssyncset.done $0x0  }
0x12: {  	s10 =	sadd.s32 s16, s10;
	[sflag:s3] =	ssyncadd.s32 $0xFFFF6000  }
0x13: {  	[tilespmem:s2], [sflag:$0x2] =	stream.linear.gather [hbm4b:s10+s2], $0x140, $0x38;
	[tilespmem:$0xA180] =	vst v63  }
0x14: {  	_ =	swait.ge [sflag:s3], $0x140  }
0x15: {  	[sflag:s3] =	ssyncset.done $0x0  }
0x16: {  	[sflag:s3] =	ssyncadd.s32 $0xFFFFFEC0  }
0x17: {  	[tilespmem:s7], [sflag:$0x1] =	stream.indirect.gather [hbm4b:s5+s6], $0x80, s2, s6, $0xb8;
	[tilespmem:$0xA180] =	vst v63  }
0x18: {  	s29 =	smul.u32 $0x140, s14;
	_ =	swait.ge [sflag:s8], $0xA000  }
0x19: {  	[sflag:s8] =	ssyncset.done $0x0  }
0x1a: {  	s18 =	smul.u32 $0x640, s12;
	s11 =	sadd.s32 s13, s29;
	[sflag:s8] =	ssyncadd.s32 $0xFFFF6000  }
0x1b: {  	[hbm4b:s11+s2] =	stream.linear.scatter [tilespmem:s7], [sflag:$0x2], $0xA000, $0x38;
	[tilespmem:$0xA180] =	vst v63  }
0x1c: {  	s12 =	sadd.s32 $0x280, s18;
	_ =	swait.ge [sflag:s3], $0xA000  }
0x1d: {  	s12 =	sshrl.u32 s12, $0x3;
	[sflag:s3] =	ssyncset.done $0x0  }
0x1e: {  	s12 =	sadd.s32 s16, s12;
	[sflag:s3] =	ssyncadd.s32 $0xFFFF6000  }
0x1f: {  	[tilespmem:s2], [sflag:$0x2] =	stream.linear.gather [hbm4b:s12+s2], $0x140, $0x38;
	[tilespmem:$0xA180] =	vst v63  }
0x20: {  	_ =	swait.ge [sflag:s3], $0x140  }
0x21: {  	[sflag:s3] =	ssyncset.done $0x0  }
0x22: {  	[sflag:s3] =	ssyncadd.s32 $0xFFFFFEC0  }
0x23: {  	[tilespmem:s7], [sflag:$0x1] =	stream.indirect.gather [hbm4b:s5+s6], $0x80, s2, s6, $0xb8;
	[tilespmem:$0xA180] =	vst v63  }
0x24: {  	_ =	swait.ge [sflag:s8], $0xA000  }
0x25: {  	[sflag:s8] =	ssyncset.done $0x0  }
0x26: {  	s13 =	sadd.s32 $0x2800, s9;
	[sflag:s8] =	ssyncadd.s32 $0xFFFF6000  }
0x27: {  	[hbm4b:s13+s2] =	stream.linear.scatter [tilespmem:s7], [sflag:$0x2], $0xA000, $0x38;
	[tilespmem:$0xA180] =	vst v63  }
0x28: {  	s30 =	sadd.s32 $0x3C0, s18;
	_ =	swait.ge [sflag:s3], $0xA000  }
0x29: {  	s14 =	sshrl.u32 s30, $0x3;
	[sflag:s3] =	ssyncset.done $0x0  }
0x2a: {  	s14 =	sadd.s32 s16, s14;
	[sflag:s3] =	ssyncadd.s32 $0xFFFF6000  }
0x2b: {  	[tilespmem:s2], [sflag:$0x2] =	stream.linear.gather [hbm4b:s14+s2], $0x140, $0x38;
	[tilespmem:$0xA180] =	vst v63  }
0x2c: {  	_ =	swait.ge [sflag:s3], $0x140  }
0x2d: {  	[sflag:s3] =	ssyncset.done $0x0  }
0x2e: {  	[sflag:s3] =	ssyncadd.s32 $0xFFFFFEC0  }
0x2f: {  	[tilespmem:s7], [sflag:$0x1] =	stream.indirect.gather [hbm4b:s5+s6], $0x80, s2, s6, $0xb8;
	[tilespmem:$0xA180] =	vst v63  }
0x30: {  	_ =	swait.ge [sflag:s8], $0xA000  }
0x31: {  	[sflag:s8] =	ssyncset.done $0x0  }
0x32: {  	s15 =	sadd.s32 $0x3C00, s9;
	[sflag:s8] =	ssyncadd.s32 $0xFFFF6000  }
0x33: {  	[hbm4b:s15+s2] =	stream.linear.scatter [tilespmem:s7], [sflag:$0x2], $0xA000, $0x38;
	[tilespmem:$0xA180] =	vst v63  }
0x34: {  	s18 =	sadd.s32 $0x500, s18;
	_ =	swait.ge [sflag:s3], $0xA000  }
0x35: {  	s18 =	sshrl.u32 s18, $0x3;
	[sflag:s3] =	ssyncset.done $0x0  }
0x36: {  	s17 =	ssub.s32 $0x2, s17;
	s16 =	sadd.s32 s16, s18;
	[sflag:s3] =	ssyncadd.s32 $0xFFFF6000  }
0x37: {  	[tilespmem:s2], [sflag:$0x2] =	stream.linear.gather [hbm4b:s16+s2], $0x140, $0x38;
	[tilespmem:$0xA180] =	vst v63  }
0x38: {  	s31 =	sshrl.u32 s17, $0x1;
	_ =	swait.ge [sflag:s3], $0x140  }
0x39: {  	s17 =	ssub.s32 s17, s31;
	[sflag:s3] =	ssyncset.done $0x0  }
0x3a: {  	s18 =	smax.u32 s17, $0x1;
	[sflag:s3] =	ssyncadd.s32 $0xFFFFFEC0  }
0x3b: {  	[tilespmem:s7], [sflag:$0x1] =	stream.indirect.gather [hbm4b:s5+s6], $0x80, s2, s6, $0xb8;
	[tilespmem:$0xA180] =	vst v63  }
0x3c: {  	p0 =	sne.s32 s18, $0x1;
	_ =	swait.ge [sflag:s8], $0xA000  }
.Ltmp0:
0x3d: {  	[sflag:s8] =	ssyncset.done $0x0;
	(pc) =	sbr.rel @!p0 .LBB2_2-.Ltmp0, $4  }
0x3e: {  	s17 =	sadd.s32 $0x5000, s9;
	[sflag:s8] =	ssyncadd.s32 $0xFFFF6000  }
0x3f: {  	[hbm4b:s17+s2] =	stream.linear.scatter [tilespmem:s7], [sflag:$0x2], $0xA000, $0x38;
	[tilespmem:$0xA180] =	vst v63  }
0x40: {  	_ =	swait.ge [sflag:s3], $0xA000  }
0x41: {  	s18 =	sadd.s32 $0xFFFFFFFF, s18;
	[sflag:s3] =	ssyncset.done $0x0  }
.LBB2_1:
0x42: {  	p0 =	sne.s32 s18, $0x1;
	s18 =	sadd.s32 $0xFFFFFFFF, s18;
	[sflag:s3] =	ssyncadd.s32 $0xFFFF6000  }
0x43: {  	[tilespmem:s2], [sflag:$0x2] =	stream.linear.gather [hbm4b:s4+s2], $0x140, $0x38;
	[tilespmem:$0xA180] =	vst v63  }
0x44: {  	_ =	swait.ge [sflag:s3], $0x140  }
0x45: {  	[sflag:s3] =	ssyncset.done $0x0  }
0x46: {  	[sflag:s3] =	ssyncadd.s32 $0xFFFFFEC0  }
0x47: {  	[tilespmem:s7], [sflag:$0x1] =	stream.indirect.gather [hbm4b:s5+s6], $0x80, s2, s6, $0xb8;
	[tilespmem:$0xA180] =	vst v63  }
0x48: {  	_ =	swait.ge [sflag:s8], $0xA000  }
0x49: {  	[sflag:s8] =	ssyncset.done $0x0  }
0x4a: {  	[sflag:s8] =	ssyncadd.s32 $0xFFFF6000  }
0x4b: {  	[hbm4b:s9+s2] =	stream.linear.scatter [tilespmem:s7], [sflag:$0x2], $0xA000, $0x38;
	[tilespmem:$0xA180] =	vst v63  }
0x4c: {  	_ =	swait.ge [sflag:s3], $0xA000  }
0x4d: {  	[sflag:s3] =	ssyncset.done $0x0  }
0x4e: {  	[sflag:s3] =	ssyncadd.s32 $0xFFFF6000  }
0x4f: {  	[tilespmem:s2], [sflag:$0x2] =	stream.linear.gather [hbm4b:s10+s2], $0x140, $0x38;
	[tilespmem:$0xA180] =	vst v63  }
0x50: {  	_ =	swait.ge [sflag:s3], $0x140  }
0x51: {  	[sflag:s3] =	ssyncset.done $0x0  }
0x52: {  	[sflag:s3] =	ssyncadd.s32 $0xFFFFFEC0  }
0x53: {  	[tilespmem:s7], [sflag:$0x1] =	stream.indirect.gather [hbm4b:s5+s6], $0x80, s2, s6, $0xb8;
	[tilespmem:$0xA180] =	vst v63  }
0x54: {  	_ =	swait.ge [sflag:s8], $0xA000  }
0x55: {  	[sflag:s8] =	ssyncset.done $0x0  }
0x56: {  	[sflag:s8] =	ssyncadd.s32 $0xFFFF6000  }
0x57: {  	[hbm4b:s11+s2] =	stream.linear.scatter [tilespmem:s7], [sflag:$0x2], $0xA000, $0x38;
	[tilespmem:$0xA180] =	vst v63  }
0x58: {  	_ =	swait.ge [sflag:s3], $0xA000  }
0x59: {  	[sflag:s3] =	ssyncset.done $0x0  }
0x5a: {  	[sflag:s3] =	ssyncadd.s32 $0xFFFF6000  }
0x5b: {  	[tilespmem:s2], [sflag:$0x2] =	stream.linear.gather [hbm4b:s12+s2], $0x140, $0x38;
	[tilespmem:$0xA180] =	vst v63  }
0x5c: {  	_ =	swait.ge [sflag:s3], $0x140  }
0x5d: {  	[sflag:s3] =	ssyncset.done $0x0  }
0x5e: {  	[sflag:s3] =	ssyncadd.s32 $0xFFFFFEC0  }
0x5f: {  	[tilespmem:s7], [sflag:$0x1] =	stream.indirect.gather [hbm4b:s5+s6], $0x80, s2, s6, $0xb8;
	[tilespmem:$0xA180] =	vst v63  }
0x60: {  	_ =	swait.ge [sflag:s8], $0xA000  }
0x61: {  	[sflag:s8] =	ssyncset.done $0x0  }
0x62: {  	[sflag:s8] =	ssyncadd.s32 $0xFFFF6000  }
0x63: {  	[hbm4b:s13+s2] =	stream.linear.scatter [tilespmem:s7], [sflag:$0x2], $0xA000, $0x38;
	[tilespmem:$0xA180] =	vst v63  }
0x64: {  	_ =	swait.ge [sflag:s3], $0xA000  }
0x65: {  	[sflag:s3] =	ssyncset.done $0x0  }
0x66: {  	[sflag:s3] =	ssyncadd.s32 $0xFFFF6000  }
0x67: {  	[tilespmem:s2], [sflag:$0x2] =	stream.linear.gather [hbm4b:s14+s2], $0x140, $0x38;
	[tilespmem:$0xA180] =	vst v63  }
0x68: {  	_ =	swait.ge [sflag:s3], $0x140  }
0x69: {  	[sflag:s3] =	ssyncset.done $0x0  }
0x6a: {  	[sflag:s3] =	ssyncadd.s32 $0xFFFFFEC0  }
0x6b: {  	[tilespmem:s7], [sflag:$0x1] =	stream.indirect.gather [hbm4b:s5+s6], $0x80, s2, s6, $0xb8;
	[tilespmem:$0xA180] =	vst v63  }
0x6c: {  	_ =	swait.ge [sflag:s8], $0xA000  }
0x6d: {  	[sflag:s8] =	ssyncset.done $0x0  }
0x6e: {  	[sflag:s8] =	ssyncadd.s32 $0xFFFF6000  }
0x6f: {  	[hbm4b:s15+s2] =	stream.linear.scatter [tilespmem:s7], [sflag:$0x2], $0xA000, $0x38;
	[tilespmem:$0xA180] =	vst v63  }
0x70: {  	_ =	swait.ge [sflag:s3], $0xA000  }
0x71: {  	[sflag:s3] =	ssyncset.done $0x0  }
0x72: {  	[sflag:s3] =	ssyncadd.s32 $0xFFFF6000  }
0x73: {  	[tilespmem:s2], [sflag:$0x2] =	stream.linear.gather [hbm4b:s16+s2], $0x140, $0x38;
	[tilespmem:$0xA180] =	vst v63  }
0x74: {  	_ =	swait.ge [sflag:s3], $0x140  }
0x75: {  	[sflag:s3] =	ssyncset.done $0x0  }
0x76: {  	[sflag:s3] =	ssyncadd.s32 $0xFFFFFEC0  }
0x77: {  	[tilespmem:s7], [sflag:$0x1] =	stream.indirect.gather [hbm4b:s5+s6], $0x80, s2, s6, $0xb8;
	[tilespmem:$0xA180] =	vst v63  }
0x78: {  	_ =	swait.ge [sflag:s8], $0xA000  }
.Ltmp1:
0x79: {  	[sflag:s8] =	ssyncset.done $0x0;
	(pc) =	sbr.rel @p0 .LBB2_1-.Ltmp1, $4  }
0x7a: {  	[sflag:s8] =	ssyncadd.s32 $0xFFFF6000  }
0x7b: {  	[hbm4b:s17+s2] =	stream.linear.scatter [tilespmem:s7], [sflag:$0x2], $0xA000, $0x38;
	[tilespmem:$0xA180] =	vst v63  }
0x7c: {  	_ =	swait.ge [sflag:s3], $0xA000  }
0x7d: {  	[sflag:s3] =	ssyncset.done $0x0  }
.LBB2_2:
0x7e: {  	[sflag:s3] =	ssyncadd.s32 $0xFFFF6000  }
0x7f: {  	_ =	sfence.sel $0x180000  }
0x80: {  	[bflag:$0x0] =	sbarrier.arrive $0xFFFF  }
0x81: {  	p0 =	sne.s32 s0, $0x0;
	_ =	strace $0x90000050  }
0x82: {  	s0 =	sadd.s32 @!p0 $0x100000, s1;
	[bflag:$0x2] =	sbarrier.arrive $0xFFFF  }
0x83: {  	[sflag:s0] =	ssyncadd.tile.s32 @!p0 $0x1;
	_ =	shalt  }
.Lfunc_end2:
_tile_overlayer_lowered:
.L_overlay_start_2:
0x84: {  	(tag) =	ssettag $0x2  }
0x85: {  	s0 =	rddreg [dreg:$0x0];
	s2 =	stileid.u32  }
0x86: {  	s1 =	rddreg [dreg:$0x1];
	p0 =	sne.s32 s2, $0x0  }
0x87: {  	s3 =	rddreg [dreg:$0x2];
	[bflag:$0x3] =	sbarrier.arrive $0xFFFF;
	s2 =	simm.s32 @!p0 $0x1C02  }
0x88: {  	[timem:s3], [sflag:s2] =	dma.local @!p0 [hbm:s0], s1  }
0x89: {  	s0 =	simm.s32 @!p0 $0x2  }
0x8a: {  	_ =	swait.ge @!p0 [sflag:s0], s1  }
0x8b: {  	s1 =	ssub.s32 @!p0 $0x0, s1;
	[sflag:s0] =	ssyncset.done @!p0 $0x0  }
0x8c: {  	[sflag:s0] =	ssyncadd.s32 @!p0 s1  }
0x8d: {  	[bflag:$0x3] =	sbarrier.arrive $0xFFFF  }
0x8e: {  	_ =	shalt  }

// kernel: kernel.39.cloned.1.call-start
scs
__scs_entry_jumppad:
0x0: {  	(pc) =	sbr.rel $0x88, $3  }
0x1: {  	(tag) =	ssettag $0x0;
	lr =	simm.s32 $0x1  }
0x2: {  	[smem:$0x3F8B] =	sst lr;
	_ =	strace $0xD0000000  }
0x3: {  	_ = 	snop  }
0x4: {  	_ = 	snop  }
0x5: {  	_ = 	snop  }
0x6: {  	_ = 	snop  }
0x7: {  	_ = 	snop  }
__scs_overlays_trampoline_lowered:
0x8: {  	[smem:$0x3F9A] =	sst s0  }
0x9: {  	[smem:$0x3F9B] =	sst s1  }
0xa: {  	[smem:$0x3F9C] =	sst s2  }
0xb: {  	[smem:$0x3F9D] =	sst s3  }
0xc: {  	[smem:$0x3F9E] =	sst s4  }
0xd: {  	[smem:$0x3F9F] =	sst s5  }
0xe: {  	[smem:$0x3FA0] =	sst s6  }
0xf: {  	[smem:$0x3FA1] =	sst s7  }
0x10: {  	[smem:$0x3FA2] =	sst s8  }
0x11: {  	[smem:$0x3FA3] =	sst s9;
	s0 =	simm.s32 @!p0 $0x0  }
0x12: {  	s1 =	sld [smem:$0x3F89];
	s0 =	simm.s32 @p0 $0x1  }
0x13: {  	[smem:$0x3FA4] =	sst s0;
	s0 =	simm.s32 @!p1 $0x0  }
0x14: {  	s2 =	sld [smem:$0x3F88];
	s0 =	simm.s32 @p1 $0x1  }
0x15: {  	[smem:$0x3FA5] =	sst s0;
	s0 =	simm.s32 @!p2 $0x0  }
0x16: {  	s3 =	sld [smem:$0x3FDB];
	s0 =	simm.s32 @p2 $0x1  }
0x17: {  	s4 =	simm.s32 $0x1BF5;
	[smem:$0x3FA7] =	sst s0  }
0x18: {  	s0 =	sld [smem:$0x3F8A];
	_ =	swait.ge [sflag:s4], $0x0  }
0x19: {  	s7 =	sld [smem:$0x3F8B]  }
0x1a: {  	s8 =	sadd.s32 $0xFFFFE003, lr  }
0x1b: {  	s9 =	sadd.s32 $0xFFFFFEF7, lr;
	s5 =	simm.s32 $0xFFFFFFFF;
	p2 =	slt.u32 s8, $0xFFFFF086  }
0x1c: {  	p1 =	slt.u32 s9, $0xF7A;
	s5 =	simm.s32 @!p2 $0x0  }
0x1d: {  	s5 =	simm.s32 @p1 $0x1;
	p0 =	seq.s32 s7, s2  }
0x1e: {  	s7 =	smul.u32 @!p0 $0xF7A, s2;
	p2 =	seq.s32 @!p0 s5, $0x0  }
0x1f: {  	s9 =	smul.u32 $0xF7A, s1;
	s8 =	simm.s32 @!p0 $0x1BF5;
	p2 =	por !p2, p0  }
0x20: {  	[sflag:s8] =	ssyncset.s32 @!p0 $0xFFFFF086;
	s6 =	sadd.s32 @!p0 s3, s7;
	s7 =	simm.s32 @!p0 $0x108  }
0x21: {  	s3 =	sadd.s32 s3, s9;
	s6 =	sadd.s32 @!p0 $0x88, s6;
	s7 =	simm.s32 @p2 $0x1082  }
0x22: {  	[simem:s7], [sflag:s8] =	dma.local @!p0 [hbm:s6], $0xF7A  }
0x23: {  	s9 =	sor.u32 $0xD0000000, s2;
	s6 =	simm.s32 $0x108;
	_ =	swait.ge @!p0 [sflag:s8], $0x0  }
0x24: {  	s3 =	sadd.s32 $0x88, s3;
	s6 =	simm.s32 @!p1 $0x1082;
	[sflag:s4] =	ssyncset.s32 $0xFFFFF086  }
0x25: {  	[simem:s6], [sflag:s4] =	dma.local [hbm:s3], $0xF7A  }
0x26: {  	[smem:$0x3F8B] =	sst s1;
	(tag) =	ssettag s2;
	_ =	strace s9  }
0x27: {  	s1 =	sld [smem:$0x3F9B]  }
0x28: {  	s2 =	sld [smem:$0x3F9C]  }
0x29: {  	s4 =	sld [smem:$0x3F9E]  }
0x2a: {  	p0 =	seq.s32 s5, $0x0;
	s5 =	sld [smem:$0x3F9F]  }
0x2b: {  	s6 =	sld [smem:$0x3FA0]  }
0x2c: {  	s7 =	sld [smem:$0x3FA1]  }
0x2d: {  	s3 =	simm.s32 $0x108;
	s8 =	sld [smem:$0x3FA2]  }
0x2e: {  	s3 =	simm.s32 @!p0 $0x1082;
	s9 =	sld [smem:$0x3FA3]  }
0x2f: {  	lr =	sadd.s32 s0, s3;
	s0 =	sld [smem:$0x3F9A]  }
0x30: {  	s3 =	sld [smem:$0x3F9D]  }
0x31: {  	[smem:$0x3FA6] =	sst s10  }
0x32: {  	s10 =	sld [smem:$0x3FA4];
	_ =	sdelay $0x3  }
0x33: {  	p0 =	seq.s32 s10, $0x1;
	s10 =	sld [smem:$0x3FA6];
	_ =	sdelay $0x3  }
0x34: {  	[smem:$0x3FA6] =	sst s10  }
0x35: {  	s10 =	sld [smem:$0x3FA5];
	_ =	sdelay $0x3  }
0x36: {  	p1 =	seq.s32 s10, $0x1;
	s10 =	sld [smem:$0x3FA6];
	_ =	sdelay $0x3  }
0x37: {  	[smem:$0x3FA6] =	sst s10  }
0x38: {  	s10 =	sld [smem:$0x3FA7]  }
0x39: {  	_ = 	snop;
	(pc) =	sbr.ind lr, $3  }
0x3a: {  	_ = 	snop  }
0x3b: {  	_ = 	snop  }
0x3c: {  	p2 =	seq.s32 s10, $0x1;
	s10 =	sld [smem:$0x3FA6]  }
0x3d: {  	_ =	shalt  }
0x3e: {  	_ =	shalt  }
0x3f: {  	_ =	shalt  }
0x40: {  	_ =	shalt  }
0x41: {  	_ =	shalt  }
0x42: {  	_ =	shalt  }
0x43: {  	_ =	shalt  }
0x44: {  	_ =	shalt  }
0x45: {  	_ =	shalt  }
0x46: {  	_ =	shalt  }
0x47: {  	_ =	shalt  }
0x48: {  	_ =	shalt  }
0x49: {  	_ =	shalt  }
0x4a: {  	_ =	shalt  }
0x4b: {  	_ =	shalt  }
0x4c: {  	_ =	shalt  }
0x4d: {  	_ =	shalt  }
0x4e: {  	_ =	shalt  }
0x4f: {  	_ =	shalt  }
0x50: {  	_ =	shalt  }
0x51: {  	_ =	shalt  }
0x52: {  	_ =	shalt  }
0x53: {  	_ =	shalt  }
0x54: {  	_ =	shalt  }
0x55: {  	_ =	shalt  }
0x56: {  	_ =	shalt  }
0x57: {  	_ =	shalt  }
0x58: {  	_ =	shalt  }
0x59: {  	_ =	shalt  }
0x5a: {  	_ =	shalt  }
0x5b: {  	_ =	shalt  }
0x5c: {  	_ =	shalt  }
0x5d: {  	_ =	shalt  }
0x5e: {  	_ =	shalt  }
0x5f: {  	_ =	shalt  }
0x60: {  	_ =	shalt  }
0x61: {  	_ =	shalt  }
0x62: {  	_ =	shalt  }
0x63: {  	_ =	shalt  }
0x64: {  	_ =	shalt  }
0x65: {  	_ =	shalt  }
0x66: {  	_ =	shalt  }
0x67: {  	_ =	shalt  }
0x68: {  	_ =	shalt  }
0x69: {  	_ =	shalt  }
0x6a: {  	_ =	shalt  }
0x6b: {  	_ =	shalt  }
0x6c: {  	_ =	shalt  }
0x6d: {  	_ =	shalt  }
0x6e: {  	_ =	shalt  }
0x6f: {  	_ =	shalt  }
0x70: {  	_ =	shalt  }
0x71: {  	_ =	shalt  }
0x72: {  	_ =	shalt  }
0x73: {  	_ =	shalt  }
0x74: {  	_ =	shalt  }
0x75: {  	_ =	shalt  }
0x76: {  	_ =	shalt  }
0x77: {  	_ =	shalt  }
0x78: {  	_ =	shalt  }
0x79: {  	_ =	shalt  }
0x7a: {  	_ =	shalt  }
0x7b: {  	_ =	shalt  }
0x7c: {  	_ =	shalt  }
0x7d: {  	_ =	shalt  }
0x7e: {  	_ =	shalt  }
0x7f: {  	_ =	shalt  }
0x80: {  	_ =	shalt  }
0x81: {  	_ =	shalt  }
0x82: {  	_ =	shalt  }
0x83: {  	_ =	shalt  }
0x84: {  	_ =	shalt  }
0x85: {  	_ =	shalt  }
0x86: {  	_ =	shalt  }
0x87: {  	_ =	shalt  }
.Lfunc_end0:
.L_simem_size_0:
called_computation.4_lowered:
.L_overlay_start_0:
0x88: {  	s2 =	sld [smem:$0x3FD9]  }
0x89: {  	s3 =	sld [smem:$0x3FFE];
	_ =	sdelay $0x1  }
0x8a: {  	s1 =	srdreg.scid  }
0x8b: {  	s0 =	sand.u32 $0x1, s1  }
0x8c: {  	s16 =	sshll.u32 s0, $0xA;
	s2 =	sadd.s32 s3, s2  }
0x8d: {  	s2 =	sadd.s32 s2, s16  }
0x8e: {  	[smem:$0x3FB2] =	sst s2  }
0x8f: {  	_ = 	snop  }
0x90: {  	(tm) =	ssettm $0x1  }
0x91: {  	s17 =	sld [smem:$0x3FFB];
	_ =	sdelay $0x3  }
0x92: {  	_ =	strace s17  }
0x93: {  	s2 =	sld [smem:$0x3FFC];
	_ =	sdelay $0x3  }
0x94: {  	_ =	strace s2  }
0x95: {  	s2 =	sld [smem:$0x3FFD];
	_ =	sdelay $0x3  }
0x96: {  	_ =	strace s2  }
0x97: {  	_ =	strace $0x8FFFFFFF  }
0x98: {  	s18 =	sld [smem:$0x3FDB];
	_ =	sdelay $0x1  }
0x99: {  	s19 =	simm.s32 $_scs_section_size  }
0x9a: {  	s4 =	simm.s32 $_size__tile_overlayer_lowered;
	s5 =	simm.s32 $_tile_overlayer_lowered  }
0x9b: {  	s22 =	simm.s32 $0x1BFF;
	s21 =	sshll.u32 s5, $0x1;
	s2 =	sadd.s32 s19, s18  }
0x9c: {  	s6 =	simm.s32 $0x0;
	s20 =	sshll.u32 s4, $0x1;
	s4 =	sadd.s32 s21, s2  }
0x9d: {  	[timem:s6], [sflag:s22] =	dma.local [hbm:s4], s20  }
0x9e: {  	_ =	swait.ge [sflag:s22], s20  }
0x9f: {  	s3 =	ssub.s32 $0x0, s20;
	[sflag:s22] =	ssyncset.done $0x0  }
0xa0: {  	[sflag:s22] =	ssyncadd.s32 s3;
	_ =	sdelay $0x1  }
0xa1: {  	s23 =	simm.s32 $0x1B8B  }
0xa2: {  	_ =	swait.ge [sflag:s23], $0x1  }
0xa3: {  	[sflag:s23] =	ssyncset.done $0x0  }
0xa4: {  	s25 =	simm.s32 $0x1B8E;
	s24 =	sld [smem:$0x3FFE];
	[sflag:s23] =	ssyncadd.s32 $0xFFFFFFFF  }
0xa5: {  	s26 =	simm.s32 $execute0_lowered;
	[smem:$0x3FD2] =	sst s25  }
0xa6: {  	s4 =	sshll.u32 s26, $0x1;
	_ =	strace $0x80000052;
	[dreg:$0x1] =	wrdreg $0xFFFFFFFF  }
0xa7: {  	s28 =	simm.s32 $_size_execute0_lowered;
	s2 =	sadd.s32 s2, s4;
	[dreg:$0x0] =	wrdreg $0x0  }
0xa8: {  	s4 =	sshll.u32 s28, $0x1;
	[dreg:$0x2] =	wrdreg s2  }
0xa9: {  	[dreg:$0x3] =	wrdreg s4  }
0xaa: {  	[dreg:$0x4] =	wrdreg $0xC0  }
0xab: {  	_ =	task [dreg:s6], $0x5FFFF  }
0xac: {  	[dreg:$0x1] =	wrdreg $0xFFFFFFFF  }
0xad: {  	[dreg:$0x0] =	wrdreg $0x60  }
0xae: {  	[dreg:$0x2] =	wrdreg s24  }
0xaf: {  	[dreg:$0x3] =	wrdreg $0x9  }
0xb0: {  	_ =	task.clear_ibuf [dreg:s6], $0x4FFFF;
	_ =	strace $0x90000052  }
0xb1: {  	s29 =	simm.s32 $0x9;
	_ =	strace $0x80000054  }
0xb2: {  	_ =	swait.ge [sflag:s29], $0x1  }
0xb3: {  	[sflag:s29] =	ssyncadd.s32 $0xFFFFFFFF  }
0xb4: {  	_ =	strace $0x90000054  }
0xb5: {  	_ =	sfence  }
0xb6: {  	s30 =	sld [smem:$0x0];
	_ =	sdelay $0x2  }
0xb7: {  	s31 =	sshll.u32 s1, $0xD;
	s1 =	sshrl.u32 s1, $0x2  }
0xb8: {  	s3 =	sand.u32 $0x4000, s31;
	s1 =	sadd.s32 s1, s30  }
0xb9: {  	s0 =	sor.u32 s3, s0;
	s1 =	sshll.u32 s1, $0x11  }
0xba: {  	s0 =	sor.u32 s1, s0  }
0xbb: {  	s0 =	sadd.s32 $0x8F2B, s0  }
0xbc: {  	[sflag:s0] =	ssyncadd.remote.s32 $0x1  }
0xbd: {  	_ =	sfence.sel $0xFFFF  }
0xbe: {  	[dreg:$0x0] =	wrdreg $0xFFFFFFFF;
	(pc) =	sbr.abs _section_cstart, $3  }
0xbf: {  	[dreg:$0x1] =	wrdreg $0xFFFFFFFF  }
0xc0: {  	_ =	task.clear_ibuf [dreg:s6], $0x2FFFF;
	_ =	strace $0x9FFFFFFF  }
0xc1: {  	(tm) =	ssettm $0x7FFFFFFF  }
tec
execute0_lowered:
.L_overlay_start_1:
0x0: {  	(tag) =	ssettag $0x1  }
0x1: {  	s1 =	srdreg.scid;
	s0 =	stileid.u32  }
0x2: {  	s17 =	sand.u32 $0x1, s1;
	s28 =	sshll.u32 s0, $0x1  }
0x3: {  	s9 =	rddreg [dreg:$0x0];
	s12 =	sor.u32 s17, s28  }
0x4: {  	s2 =	simm.s32 $0x0;
	s1 =	rddreg [dreg:$0x1];
	s3 =	smul.u32 $0xC8, s12  }
0x5: {  	[smem:$0x7FF] =	sst s2;
	s16 =	sadd.s32 $0x43800, s9  }
0x6: {  	_ =	strace $0x80000053;
	s4 =	sadd.s32 s16, s3;
	s3 =	simm.s32 $0x2  }
0x7: {  	[tilespmem:s2], [sflag:$0x2] =	stream.linear.gather [hbm4b:s4+s2], $0x140, $0x38;
	[tilespmem:$0xA180] =	vst v63  }
0x8: {  	s6 =	simm.s32 $0x140;
	_ =	swait.ge [sflag:s3], $0x140  }
0x9: {  	s7 =	simm.s32 $0x180;
	s8 =	simm.s32 $0x1;
	[sflag:s3] =	ssyncset.done $0x0  }
0xa: {  	s5 =	sadd.s32 $0x2F800, s9;
	s10 =	smul.u32 $0x50, s12;
	[sflag:s3] =	ssyncadd.s32 $0xFFFFFEC0  }
0xb: {  	[tilespmem:s7], [sflag:$0x1] =	stream.indirect.gather [hbm4b:s5+s6], $0x80, s2, s6, $0xb8;
	[tilespmem:$0xA180] =	vst v63  }
0xc: {  	s11 =	smul.u32 $0x6400, s12;
	_ =	swait.ge [sflag:s8], $0xA000  }
0xd: {  	s13 =	sadd.s32 $0x45200, s9;
	s14 =	sadd.s32 $0x10, s10;
	[sflag:s8] =	ssyncset.done $0x0  }
0xe: {  	s9 =	sadd.s32 s13, s11;
	s10 =	smul.u32 $0x14, s14;
	[sflag:s8] =	ssyncadd.s32 $0xFFFF6000  }
0xf: {  	[hbm4b:s9+s2] =	stream.linear.scatter [tilespmem:s7], [sflag:$0x2], $0xA000, $0x38;
	[tilespmem:$0xA180] =	vst v63  }
0x10: {  	_ =	swait.ge [sflag:s3], $0xA000  }
0x11: {  	s10 =	sshrl.u32 s10, $0x3;
	[sflag:s3] =	ssyncset.done $0x0  }
0x12: {  	s10 =	sadd.s32 s16, s10;
	[sflag:s3] =	ssyncadd.s32 $0xFFFF6000  }
0x13: {  	[tilespmem:s2], [sflag:$0x2] =	stream.linear.gather [hbm4b:s10+s2], $0x140, $0x38;
	[tilespmem:$0xA180] =	vst v63  }
0x14: {  	_ =	swait.ge [sflag:s3], $0x140  }
0x15: {  	[sflag:s3] =	ssyncset.done $0x0  }
0x16: {  	[sflag:s3] =	ssyncadd.s32 $0xFFFFFEC0  }
0x17: {  	[tilespmem:s7], [sflag:$0x1] =	stream.indirect.gather [hbm4b:s5+s6], $0x80, s2, s6, $0xb8;
	[tilespmem:$0xA180] =	vst v63  }
0x18: {  	s29 =	smul.u32 $0x140, s14;
	_ =	swait.ge [sflag:s8], $0xA000  }
0x19: {  	[sflag:s8] =	ssyncset.done $0x0  }
0x1a: {  	s18 =	smul.u32 $0x640, s12;
	s11 =	sadd.s32 s13, s29;
	[sflag:s8] =	ssyncadd.s32 $0xFFFF6000  }
0x1b: {  	[hbm4b:s11+s2] =	stream.linear.scatter [tilespmem:s7], [sflag:$0x2], $0xA000, $0x38;
	[tilespmem:$0xA180] =	vst v63  }
0x1c: {  	s12 =	sadd.s32 $0x280, s18;
	_ =	swait.ge [sflag:s3], $0xA000  }
0x1d: {  	s12 =	sshrl.u32 s12, $0x3;
	[sflag:s3] =	ssyncset.done $0x0  }
0x1e: {  	s12 =	sadd.s32 s16, s12;
	[sflag:s3] =	ssyncadd.s32 $0xFFFF6000  }
0x1f: {  	[tilespmem:s2], [sflag:$0x2] =	stream.linear.gather [hbm4b:s12+s2], $0x140, $0x38;
	[tilespmem:$0xA180] =	vst v63  }
0x20: {  	_ =	swait.ge [sflag:s3], $0x140  }
0x21: {  	[sflag:s3] =	ssyncset.done $0x0  }
0x22: {  	[sflag:s3] =	ssyncadd.s32 $0xFFFFFEC0  }
0x23: {  	[tilespmem:s7], [sflag:$0x1] =	stream.indirect.gather [hbm4b:s5+s6], $0x80, s2, s6, $0xb8;
	[tilespmem:$0xA180] =	vst v63  }
0x24: {  	_ =	swait.ge [sflag:s8], $0xA000  }
0x25: {  	[sflag:s8] =	ssyncset.done $0x0  }
0x26: {  	s13 =	sadd.s32 $0x2800, s9;
	[sflag:s8] =	ssyncadd.s32 $0xFFFF6000  }
0x27: {  	[hbm4b:s13+s2] =	stream.linear.scatter [tilespmem:s7], [sflag:$0x2], $0xA000, $0x38;
	[tilespmem:$0xA180] =	vst v63  }
0x28: {  	s30 =	sadd.s32 $0x3C0, s18;
	_ =	swait.ge [sflag:s3], $0xA000  }
0x29: {  	s14 =	sshrl.u32 s30, $0x3;
	[sflag:s3] =	ssyncset.done $0x0  }
0x2a: {  	s14 =	sadd.s32 s16, s14;
	[sflag:s3] =	ssyncadd.s32 $0xFFFF6000  }
0x2b: {  	[tilespmem:s2], [sflag:$0x2] =	stream.linear.gather [hbm4b:s14+s2], $0x140, $0x38;
	[tilespmem:$0xA180] =	vst v63  }
0x2c: {  	_ =	swait.ge [sflag:s3], $0x140  }
0x2d: {  	[sflag:s3] =	ssyncset.done $0x0  }
0x2e: {  	[sflag:s3] =	ssyncadd.s32 $0xFFFFFEC0  }
0x2f: {  	[tilespmem:s7], [sflag:$0x1] =	stream.indirect.gather [hbm4b:s5+s6], $0x80, s2, s6, $0xb8;
	[tilespmem:$0xA180] =	vst v63  }
0x30: {  	_ =	swait.ge [sflag:s8], $0xA000  }
0x31: {  	[sflag:s8] =	ssyncset.done $0x0  }
0x32: {  	s15 =	sadd.s32 $0x3C00, s9;
	[sflag:s8] =	ssyncadd.s32 $0xFFFF6000  }
0x33: {  	[hbm4b:s15+s2] =	stream.linear.scatter [tilespmem:s7], [sflag:$0x2], $0xA000, $0x38;
	[tilespmem:$0xA180] =	vst v63  }
0x34: {  	s18 =	sadd.s32 $0x500, s18;
	_ =	swait.ge [sflag:s3], $0xA000  }
0x35: {  	s18 =	sshrl.u32 s18, $0x3;
	[sflag:s3] =	ssyncset.done $0x0  }
0x36: {  	s17 =	ssub.s32 $0x2, s17;
	s16 =	sadd.s32 s16, s18;
	[sflag:s3] =	ssyncadd.s32 $0xFFFF6000  }
0x37: {  	[tilespmem:s2], [sflag:$0x2] =	stream.linear.gather [hbm4b:s16+s2], $0x140, $0x38;
	[tilespmem:$0xA180] =	vst v63  }
0x38: {  	s31 =	sshrl.u32 s17, $0x1;
	_ =	swait.ge [sflag:s3], $0x140  }
0x39: {  	s17 =	ssub.s32 s17, s31;
	[sflag:s3] =	ssyncset.done $0x0  }
0x3a: {  	s18 =	smax.u32 s17, $0x1;
	[sflag:s3] =	ssyncadd.s32 $0xFFFFFEC0  }
0x3b: {  	[tilespmem:s7], [sflag:$0x1] =	stream.indirect.gather [hbm4b:s5+s6], $0x80, s2, s6, $0xb8;
	[tilespmem:$0xA180] =	vst v63  }
0x3c: {  	p0 =	sne.s32 s18, $0x1;
	_ =	swait.ge [sflag:s8], $0xA000  }
.Ltmp0:
0x3d: {  	[sflag:s8] =	ssyncset.done $0x0;
	(pc) =	sbr.rel @!p0 .LBB2_2-.Ltmp0, $4  }
0x3e: {  	s17 =	sadd.s32 $0x5000, s9;
	[sflag:s8] =	ssyncadd.s32 $0xFFFF6000  }
0x3f: {  	[hbm4b:s17+s2] =	stream.linear.scatter [tilespmem:s7], [sflag:$0x2], $0xA000, $0x38;
	[tilespmem:$0xA180] =	vst v63  }
0x40: {  	_ =	swait.ge [sflag:s3], $0xA000  }
0x41: {  	s18 =	sadd.s32 $0xFFFFFFFF, s18;
	[sflag:s3] =	ssyncset.done $0x0  }
.LBB2_1:
0x42: {  	p0 =	sne.s32 s18, $0x1;
	s18 =	sadd.s32 $0xFFFFFFFF, s18;
	[sflag:s3] =	ssyncadd.s32 $0xFFFF6000  }
0x43: {  	[tilespmem:s2], [sflag:$0x2] =	stream.linear.gather [hbm4b:s4+s2], $0x140, $0x38;
	[tilespmem:$0xA180] =	vst v63  }
0x44: {  	_ =	swait.ge [sflag:s3], $0x140  }
0x45: {  	[sflag:s3] =	ssyncset.done $0x0  }
0x46: {  	[sflag:s3] =	ssyncadd.s32 $0xFFFFFEC0  }
0x47: {  	[tilespmem:s7], [sflag:$0x1] =	stream.indirect.gather [hbm4b:s5+s6], $0x80, s2, s6, $0xb8;
	[tilespmem:$0xA180] =	vst v63  }
0x48: {  	_ =	swait.ge [sflag:s8], $0xA000  }
0x49: {  	[sflag:s8] =	ssyncset.done $0x0  }
0x4a: {  	[sflag:s8] =	ssyncadd.s32 $0xFFFF6000  }
0x4b: {  	[hbm4b:s9+s2] =	stream.linear.scatter [tilespmem:s7], [sflag:$0x2], $0xA000, $0x38;
	[tilespmem:$0xA180] =	vst v63  }
0x4c: {  	_ =	swait.ge [sflag:s3], $0xA000  }
0x4d: {  	[sflag:s3] =	ssyncset.done $0x0  }
0x4e: {  	[sflag:s3] =	ssyncadd.s32 $0xFFFF6000  }
0x4f: {  	[tilespmem:s2], [sflag:$0x2] =	stream.linear.gather [hbm4b:s10+s2], $0x140, $0x38;
	[tilespmem:$0xA180] =	vst v63  }
0x50: {  	_ =	swait.ge [sflag:s3], $0x140  }
0x51: {  	[sflag:s3] =	ssyncset.done $0x0  }
0x52: {  	[sflag:s3] =	ssyncadd.s32 $0xFFFFFEC0  }
0x53: {  	[tilespmem:s7], [sflag:$0x1] =	stream.indirect.gather [hbm4b:s5+s6], $0x80, s2, s6, $0xb8;
	[tilespmem:$0xA180] =	vst v63  }
0x54: {  	_ =	swait.ge [sflag:s8], $0xA000  }
0x55: {  	[sflag:s8] =	ssyncset.done $0x0  }
0x56: {  	[sflag:s8] =	ssyncadd.s32 $0xFFFF6000  }
0x57: {  	[hbm4b:s11+s2] =	stream.linear.scatter [tilespmem:s7], [sflag:$0x2], $0xA000, $0x38;
	[tilespmem:$0xA180] =	vst v63  }
0x58: {  	_ =	swait.ge [sflag:s3], $0xA000  }
0x59: {  	[sflag:s3] =	ssyncset.done $0x0  }
0x5a: {  	[sflag:s3] =	ssyncadd.s32 $0xFFFF6000  }
0x5b: {  	[tilespmem:s2], [sflag:$0x2] =	stream.linear.gather [hbm4b:s12+s2], $0x140, $0x38;
	[tilespmem:$0xA180] =	vst v63  }
0x5c: {  	_ =	swait.ge [sflag:s3], $0x140  }
0x5d: {  	[sflag:s3] =	ssyncset.done $0x0  }
0x5e: {  	[sflag:s3] =	ssyncadd.s32 $0xFFFFFEC0  }
0x5f: {  	[tilespmem:s7], [sflag:$0x1] =	stream.indirect.gather [hbm4b:s5+s6], $0x80, s2, s6, $0xb8;
	[tilespmem:$0xA180] =	vst v63  }
0x60: {  	_ =	swait.ge [sflag:s8], $0xA000  }
0x61: {  	[sflag:s8] =	ssyncset.done $0x0  }
0x62: {  	[sflag:s8] =	ssyncadd.s32 $0xFFFF6000  }
0x63: {  	[hbm4b:s13+s2] =	stream.linear.scatter [tilespmem:s7], [sflag:$0x2], $0xA000, $0x38;
	[tilespmem:$0xA180] =	vst v63  }
0x64: {  	_ =	swait.ge [sflag:s3], $0xA000  }
0x65: {  	[sflag:s3] =	ssyncset.done $0x0  }
0x66: {  	[sflag:s3] =	ssyncadd.s32 $0xFFFF6000  }
0x67: {  	[tilespmem:s2], [sflag:$0x2] =	stream.linear.gather [hbm4b:s14+s2], $0x140, $0x38;
	[tilespmem:$0xA180] =	vst v63  }
0x68: {  	_ =	swait.ge [sflag:s3], $0x140  }
0x69: {  	[sflag:s3] =	ssyncset.done $0x0  }
0x6a: {  	[sflag:s3] =	ssyncadd.s32 $0xFFFFFEC0  }
0x6b: {  	[tilespmem:s7], [sflag:$0x1] =	stream.indirect.gather [hbm4b:s5+s6], $0x80, s2, s6, $0xb8;
	[tilespmem:$0xA180] =	vst v63  }
0x6c: {  	_ =	swait.ge [sflag:s8], $0xA000  }
0x6d: {  	[sflag:s8] =	ssyncset.done $0x0  }
0x6e: {  	[sflag:s8] =	ssyncadd.s32 $0xFFFF6000  }
0x6f: {  	[hbm4b:s15+s2] =	stream.linear.scatter [tilespmem:s7], [sflag:$0x2], $0xA000, $0x38;
	[tilespmem:$0xA180] =	vst v63  }
0x70: {  	_ =	swait.ge [sflag:s3], $0xA000  }
0x71: {  	[sflag:s3] =	ssyncset.done $0x0  }
0x72: {  	[sflag:s3] =	ssyncadd.s32 $0xFFFF6000  }
0x73: {  	[tilespmem:s2], [sflag:$0x2] =	stream.linear.gather [hbm4b:s16+s2], $0x140, $0x38;
	[tilespmem:$0xA180] =	vst v63  }
0x74: {  	_ =	swait.ge [sflag:s3], $0x140  }
0x75: {  	[sflag:s3] =	ssyncset.done $0x0  }
0x76: {  	[sflag:s3] =	ssyncadd.s32 $0xFFFFFEC0  }
0x77: {  	[tilespmem:s7], [sflag:$0x1] =	stream.indirect.gather [hbm4b:s5+s6], $0x80, s2, s6, $0xb8;
	[tilespmem:$0xA180] =	vst v63  }
0x78: {  	_ =	swait.ge [sflag:s8], $0xA000  }
.Ltmp1:
0x79: {  	[sflag:s8] =	ssyncset.done $0x0;
	(pc) =	sbr.rel @p0 .LBB2_1-.Ltmp1, $4  }
0x7a: {  	[sflag:s8] =	ssyncadd.s32 $0xFFFF6000  }
0x7b: {  	[hbm4b:s17+s2] =	stream.linear.scatter [tilespmem:s7], [sflag:$0x2], $0xA000, $0x38;
	[tilespmem:$0xA180] =	vst v63  }
0x7c: {  	_ =	swait.ge [sflag:s3], $0xA000  }
0x7d: {  	[sflag:s3] =	ssyncset.done $0x0  }
.LBB2_2:
0x7e: {  	[sflag:s3] =	ssyncadd.s32 $0xFFFF6000  }
0x7f: {  	_ =	sfence.sel $0x180000  }
0x80: {  	[bflag:$0x0] =	sbarrier.arrive $0xFFFF  }
0x81: {  	p0 =	sne.s32 s0, $0x0;
	_ =	strace $0x90000053  }
0x82: {  	s0 =	sadd.s32 @!p0 $0x100000, s1;
	[bflag:$0x2] =	sbarrier.arrive $0xFFFF  }
0x83: {  	[sflag:s0] =	ssyncadd.tile.s32 @!p0 $0x1;
	_ =	shalt  }
.Lfunc_end2:
_tile_overlayer_lowered:
.L_overlay_start_2:
0x84: {  	(tag) =	ssettag $0x2  }
0x85: {  	s0 =	rddreg [dreg:$0x0];
	s2 =	stileid.u32  }
0x86: {  	s1 =	rddreg [dreg:$0x1];
	p0 =	sne.s32 s2, $0x0  }
0x87: {  	s3 =	rddreg [dreg:$0x2];
	[bflag:$0x3] =	sbarrier.arrive $0xFFFF;
	s2 =	simm.s32 @!p0 $0x1C02  }
0x88: {  	[timem:s3], [sflag:s2] =	dma.local @!p0 [hbm:s0], s1  }
0x89: {  	s0 =	simm.s32 @!p0 $0x2  }
0x8a: {  	_ =	swait.ge @!p0 [sflag:s0], s1  }
0x8b: {  	s1 =	ssub.s32 @!p0 $0x0, s1;
	[sflag:s0] =	ssyncset.done @!p0 $0x0  }
0x8c: {  	[sflag:s0] =	ssyncadd.s32 @!p0 s1  }
0x8d: {  	[bflag:$0x3] =	sbarrier.arrive $0xFFFF  }
0x8e: {  	_ =	shalt  }

// kernel: kernel.42.cloned.1.call-start
scs
__scs_entry_jumppad:
0x0: {  	(pc) =	sbr.rel $0x88, $3  }
0x1: {  	(tag) =	ssettag $0x0;
	lr =	simm.s32 $0x1  }
0x2: {  	[smem:$0x3F8B] =	sst lr;
	_ =	strace $0xD0000000  }
0x3: {  	_ = 	snop  }
0x4: {  	_ = 	snop  }
0x5: {  	_ = 	snop  }
0x6: {  	_ = 	snop  }
0x7: {  	_ = 	snop  }
__scs_overlays_trampoline_lowered:
0x8: {  	[smem:$0x3F9A] =	sst s0  }
0x9: {  	[smem:$0x3F9B] =	sst s1  }
0xa: {  	[smem:$0x3F9C] =	sst s2  }
0xb: {  	[smem:$0x3F9D] =	sst s3  }
0xc: {  	[smem:$0x3F9E] =	sst s4  }
0xd: {  	[smem:$0x3F9F] =	sst s5  }
0xe: {  	[smem:$0x3FA0] =	sst s6  }
0xf: {  	[smem:$0x3FA1] =	sst s7  }
0x10: {  	[smem:$0x3FA2] =	sst s8  }
0x11: {  	[smem:$0x3FA3] =	sst s9;
	s0 =	simm.s32 @!p0 $0x0  }
0x12: {  	s1 =	sld [smem:$0x3F89];
	s0 =	simm.s32 @p0 $0x1  }
0x13: {  	[smem:$0x3FA4] =	sst s0;
	s0 =	simm.s32 @!p1 $0x0  }
0x14: {  	s2 =	sld [smem:$0x3F88];
	s0 =	simm.s32 @p1 $0x1  }
0x15: {  	[smem:$0x3FA5] =	sst s0;
	s0 =	simm.s32 @!p2 $0x0  }
0x16: {  	s3 =	sld [smem:$0x3FDB];
	s0 =	simm.s32 @p2 $0x1  }
0x17: {  	s4 =	simm.s32 $0x1BF5;
	[smem:$0x3FA7] =	sst s0  }
0x18: {  	s0 =	sld [smem:$0x3F8A];
	_ =	swait.ge [sflag:s4], $0x0  }
0x19: {  	s7 =	sld [smem:$0x3F8B]  }
0x1a: {  	s8 =	sadd.s32 $0xFFFFE003, lr  }
0x1b: {  	s9 =	sadd.s32 $0xFFFFFEF7, lr;
	s5 =	simm.s32 $0xFFFFFFFF;
	p2 =	slt.u32 s8, $0xFFFFF086  }
0x1c: {  	p1 =	slt.u32 s9, $0xF7A;
	s5 =	simm.s32 @!p2 $0x0  }
0x1d: {  	s5 =	simm.s32 @p1 $0x1;
	p0 =	seq.s32 s7, s2  }
0x1e: {  	s7 =	smul.u32 @!p0 $0xF7A, s2;
	p2 =	seq.s32 @!p0 s5, $0x0  }
0x1f: {  	s9 =	smul.u32 $0xF7A, s1;
	s8 =	simm.s32 @!p0 $0x1BF5;
	p2 =	por !p2, p0  }
0x20: {  	[sflag:s8] =	ssyncset.s32 @!p0 $0xFFFFF086;
	s6 =	sadd.s32 @!p0 s3, s7;
	s7 =	simm.s32 @!p0 $0x108  }
0x21: {  	s3 =	sadd.s32 s3, s9;
	s6 =	sadd.s32 @!p0 $0x88, s6;
	s7 =	simm.s32 @p2 $0x1082  }
0x22: {  	[simem:s7], [sflag:s8] =	dma.local @!p0 [hbm:s6], $0xF7A  }
0x23: {  	s9 =	sor.u32 $0xD0000000, s2;
	s6 =	simm.s32 $0x108;
	_ =	swait.ge @!p0 [sflag:s8], $0x0  }
0x24: {  	s3 =	sadd.s32 $0x88, s3;
	s6 =	simm.s32 @!p1 $0x1082;
	[sflag:s4] =	ssyncset.s32 $0xFFFFF086  }
0x25: {  	[simem:s6], [sflag:s4] =	dma.local [hbm:s3], $0xF7A  }
0x26: {  	[smem:$0x3F8B] =	sst s1;
	(tag) =	ssettag s2;
	_ =	strace s9  }
0x27: {  	s1 =	sld [smem:$0x3F9B]  }
0x28: {  	s2 =	sld [smem:$0x3F9C]  }
0x29: {  	s4 =	sld [smem:$0x3F9E]  }
0x2a: {  	p0 =	seq.s32 s5, $0x0;
	s5 =	sld [smem:$0x3F9F]  }
0x2b: {  	s6 =	sld [smem:$0x3FA0]  }
0x2c: {  	s7 =	sld [smem:$0x3FA1]  }
0x2d: {  	s3 =	simm.s32 $0x108;
	s8 =	sld [smem:$0x3FA2]  }
0x2e: {  	s3 =	simm.s32 @!p0 $0x1082;
	s9 =	sld [smem:$0x3FA3]  }
0x2f: {  	lr =	sadd.s32 s0, s3;
	s0 =	sld [smem:$0x3F9A]  }
0x30: {  	s3 =	sld [smem:$0x3F9D]  }
0x31: {  	[smem:$0x3FA6] =	sst s10  }
0x32: {  	s10 =	sld [smem:$0x3FA4];
	_ =	sdelay $0x3  }
0x33: {  	p0 =	seq.s32 s10, $0x1;
	s10 =	sld [smem:$0x3FA6];
	_ =	sdelay $0x3  }
0x34: {  	[smem:$0x3FA6] =	sst s10  }
0x35: {  	s10 =	sld [smem:$0x3FA5];
	_ =	sdelay $0x3  }
0x36: {  	p1 =	seq.s32 s10, $0x1;
	s10 =	sld [smem:$0x3FA6];
	_ =	sdelay $0x3  }
0x37: {  	[smem:$0x3FA6] =	sst s10  }
0x38: {  	s10 =	sld [smem:$0x3FA7]  }
0x39: {  	_ = 	snop;
	(pc) =	sbr.ind lr, $3  }
0x3a: {  	_ = 	snop  }
0x3b: {  	_ = 	snop  }
0x3c: {  	p2 =	seq.s32 s10, $0x1;
	s10 =	sld [smem:$0x3FA6]  }
0x3d: {  	_ =	shalt  }
0x3e: {  	_ =	shalt  }
0x3f: {  	_ =	shalt  }
0x40: {  	_ =	shalt  }
0x41: {  	_ =	shalt  }
0x42: {  	_ =	shalt  }
0x43: {  	_ =	shalt  }
0x44: {  	_ =	shalt  }
0x45: {  	_ =	shalt  }
0x46: {  	_ =	shalt  }
0x47: {  	_ =	shalt  }
0x48: {  	_ =	shalt  }
0x49: {  	_ =	shalt  }
0x4a: {  	_ =	shalt  }
0x4b: {  	_ =	shalt  }
0x4c: {  	_ =	shalt  }
0x4d: {  	_ =	shalt  }
0x4e: {  	_ =	shalt  }
0x4f: {  	_ =	shalt  }
0x50: {  	_ =	shalt  }
0x51: {  	_ =	shalt  }
0x52: {  	_ =	shalt  }
0x53: {  	_ =	shalt  }
0x54: {  	_ =	shalt  }
0x55: {  	_ =	shalt  }
0x56: {  	_ =	shalt  }
0x57: {  	_ =	shalt  }
0x58: {  	_ =	shalt  }
0x59: {  	_ =	shalt  }
0x5a: {  	_ =	shalt  }
0x5b: {  	_ =	shalt  }
0x5c: {  	_ =	shalt  }
0x5d: {  	_ =	shalt  }
0x5e: {  	_ =	shalt  }
0x5f: {  	_ =	shalt  }
0x60: {  	_ =	shalt  }
0x61: {  	_ =	shalt  }
0x62: {  	_ =	shalt  }
0x63: {  	_ =	shalt  }
0x64: {  	_ =	shalt  }
0x65: {  	_ =	shalt  }
0x66: {  	_ =	shalt  }
0x67: {  	_ =	shalt  }
0x68: {  	_ =	shalt  }
0x69: {  	_ =	shalt  }
0x6a: {  	_ =	shalt  }
0x6b: {  	_ =	shalt  }
0x6c: {  	_ =	shalt  }
0x6d: {  	_ =	shalt  }
0x6e: {  	_ =	shalt  }
0x6f: {  	_ =	shalt  }
0x70: {  	_ =	shalt  }
0x71: {  	_ =	shalt  }
0x72: {  	_ =	shalt  }
0x73: {  	_ =	shalt  }
0x74: {  	_ =	shalt  }
0x75: {  	_ =	shalt  }
0x76: {  	_ =	shalt  }
0x77: {  	_ =	shalt  }
0x78: {  	_ =	shalt  }
0x79: {  	_ =	shalt  }
0x7a: {  	_ =	shalt  }
0x7b: {  	_ =	shalt  }
0x7c: {  	_ =	shalt  }
0x7d: {  	_ =	shalt  }
0x7e: {  	_ =	shalt  }
0x7f: {  	_ =	shalt  }
0x80: {  	_ =	shalt  }
0x81: {  	_ =	shalt  }
0x82: {  	_ =	shalt  }
0x83: {  	_ =	shalt  }
0x84: {  	_ =	shalt  }
0x85: {  	_ =	shalt  }
0x86: {  	_ =	shalt  }
0x87: {  	_ =	shalt  }
.Lfunc_end0:
.L_simem_size_0:
called_computation.5_lowered:
.L_overlay_start_0:
0x88: {  	s2 =	sld [smem:$0x3FD9]  }
0x89: {  	s3 =	sld [smem:$0x3FFE];
	_ =	sdelay $0x1  }
0x8a: {  	s1 =	srdreg.scid  }
0x8b: {  	s0 =	sand.u32 $0x1, s1  }
0x8c: {  	s17 =	sshll.u32 s0, $0xA;
	s2 =	sadd.s32 s3, s2  }
0x8d: {  	s2 =	sadd.s32 s2, s17  }
0x8e: {  	[smem:$0x3FB2] =	sst s2  }
0x8f: {  	_ = 	snop  }
0x90: {  	s18 =	sld [smem:$0x3FD0];
	(tm) =	ssettm $0x1  }
0x91: {  	s19 =	sld [smem:$0x3FFB];
	_ =	sdelay $0x3  }
0x92: {  	_ =	strace s19  }
0x93: {  	s2 =	sld [smem:$0x3FFC];
	_ =	sdelay $0x3  }
0x94: {  	_ =	strace s2  }
0x95: {  	s2 =	sld [smem:$0x3FFD];
	_ =	sdelay $0x3  }
0x96: {  	_ =	strace s2  }
0x97: {  	_ =	strace $0x8FFFFFFF  }
0x98: {  	s20 =	sld [smem:$0x3FDB];
	_ =	sdelay $0x1  }
0x99: {  	s4 =	simm.s32 $_scs_section_size  }
0x9a: {  	s5 =	simm.s32 $_size__tile_overlayer_lowered;
	s6 =	simm.s32 $_tile_overlayer_lowered  }
0x9b: {  	s7 =	simm.s32 $0x1BFF;
	s21 =	sshll.u32 s6, $0x1;
	s4 =	sadd.s32 s4, s20  }
0x9c: {  	s22 =	simm.s32 $0x0;
	s5 =	sshll.u32 s5, $0x1;
	s6 =	sadd.s32 s21, s4  }
0x9d: {  	[timem:s22], [sflag:s7] =	dma.local [hbm:s6], s5  }
0x9e: {  	_ =	swait.ge [sflag:s7], s5  }
0x9f: {  	s5 =	ssub.s32 $0x0, s5;
	[sflag:s7] =	ssyncset.done $0x0  }
0xa0: {  	[sflag:s7] =	ssyncadd.s32 s5;
	_ =	sdelay $0x1  }
0xa1: {  	s23 =	simm.s32 $0x1B8B  }
0xa2: {  	_ =	swait.ge [sflag:s23], $0x1  }
0xa3: {  	[sflag:s23] =	ssyncset.done $0x0  }
0xa4: {  	[sflag:s23] =	ssyncadd.s32 $0xFFFFFFFF  }
0xa5: {  	s5 =	sld [smem:$0x0]  }
0xa6: {  	s6 =	sand.u32 $0xFFFFFFFE, s1  }
0xa7: {  	p0 =	sne.s32 s1, s6  }
0xa8: {  	s6 =	sshll.u32 @p0 s6, $0xE  }
0xa9: {  	s6 =	sadd.s32 @p0 $0x11B8D, s6;
	s7 =	sshll.u32 @p0 s5, $0x11  }
0xaa: {  	s6 =	sor.u32 @p0 s7, s6  }
0xab: {  	[sflag:s6] =	ssyncadd.remote.s32 @p0 $0x1;
	_ =	sdelay $0x1  }
0xac: {  	s6 =	simm.s32 @p0 $0x1B8D  }
0xad: {  	_ =	swait.eq @p0 [sflag:s6], $0x1  }
0xae: {  	[sflag:s6] =	ssyncadd.s32 @p0 $0xFFFFFFFF  }
0xaf: {  	s7 =	sshll.u32 @!p0 s1, $0xE  }
0xb0: {  	s7 =	sor.u32 @!p0 $0x4000, s7;
	s6 =	simm.s32 @!p0 $0x1B8D  }
0xb1: {  	s5 =	sshll.u32 @!p0 s5, $0x11;
	s7 =	sadd.s32 @!p0 $0x11B8D, s7;
	_ =	swait.eq @!p0 [sflag:s6], $0x1  }
0xb2: {  	s5 =	sor.u32 @!p0 s5, s7;
	[sflag:s6] =	ssyncadd.s32 @!p0 $0xFFFFFFFF  }
0xb3: {  	s25 =	simm.s32 $0x1B8E;
	s24 =	sld [smem:$0x3FFE];
	[sflag:s5] =	ssyncadd.remote.s32 @!p0 $0x1  }
0xb4: {  	s26 =	simm.s32 $execute0_lowered;
	[smem:$0x3FD2] =	sst s25  }
0xb5: {  	s6 =	sshll.u32 s26, $0x1;
	_ =	strace $0x80000055;
	[dreg:$0x1] =	wrdreg $0xFFFFFFFF  }
0xb6: {  	s28 =	simm.s32 $_size_execute0_lowered;
	s4 =	sadd.s32 s4, s6;
	[dreg:$0x0] =	wrdreg $0x0  }
0xb7: {  	s6 =	sshll.u32 s28, $0x1;
	[dreg:$0x2] =	wrdreg s4  }
0xb8: {  	[dreg:$0x3] =	wrdreg s6  }
0xb9: {  	[dreg:$0x4] =	wrdreg $0xC0  }
0xba: {  	_ =	task [dreg:s22], $0x5FFFF  }
0xbb: {  	[dreg:$0x1] =	wrdreg $0xFFFFFFFF  }
0xbc: {  	[dreg:$0x0] =	wrdreg $0x60  }
0xbd: {  	[dreg:$0x2] =	wrdreg s24  }
0xbe: {  	[dreg:$0x3] =	wrdreg s18  }
0xbf: {  	[dreg:$0x4] =	wrdreg $0xA  }
0xc0: {  	_ =	task.clear_ibuf [dreg:s22], $0x5FFFF;
	_ =	strace $0x90000055  }
0xc1: {  	s29 =	simm.s32 $0xA;
	_ =	strace $0x80000057  }
0xc2: {  	_ =	swait.ge [sflag:s29], $0x1  }
0xc3: {  	[sflag:s29] =	ssyncadd.s32 $0xFFFFFFFF  }
0xc4: {  	_ =	strace $0x90000057  }
0xc5: {  	_ =	sfence  }
0xc6: {  	s30 =	sld [smem:$0x0];
	_ =	sdelay $0x2  }
0xc7: {  	s31 =	sshll.u32 s1, $0xD;
	s1 =	sshrl.u32 s1, $0x2  }
0xc8: {  	s4 =	sand.u32 $0x4000, s31;
	s1 =	sadd.s32 s1, s30  }
0xc9: {  	s0 =	sor.u32 s4, s0;
	s1 =	sshll.u32 s1, $0x11  }
0xca: {  	s0 =	sor.u32 s1, s0  }
0xcb: {  	s0 =	sadd.s32 $0x8F2B, s0  }
0xcc: {  	[sflag:s0] =	ssyncadd.remote.s32 $0x1  }
0xcd: {  	_ =	sfence.sel $0xFFFF  }
0xce: {  	[dreg:$0x0] =	wrdreg $0xFFFFFFFF;
	(pc) =	sbr.abs _section_cstart, $3  }
0xcf: {  	[dreg:$0x1] =	wrdreg $0xFFFFFFFF  }
0xd0: {  	_ =	task.clear_ibuf [dreg:s22], $0x2FFFF;
	_ =	strace $0x9FFFFFFF  }
0xd1: {  	(tm) =	ssettm $0x7FFFFFFF  }
tec
execute0_lowered:
.L_overlay_start_1:
0x0: {  	(tag) =	ssettag $0x1  }
0x1: {  	s1 =	srdreg.scid;
	s0 =	stileid.u32  }
0x2: {  	s9 =	rddreg [dreg:$0x0];
	s17 =	sand.u32 $0x1, s1;
	s28 =	sshll.u32 s0, $0x1  }
0x3: {  	s16 =	rddreg [dreg:$0x1];
	s12 =	sor.u32 s17, s28  }
0x4: {  	s2 =	simm.s32 $0x0;
	s1 =	rddreg [dreg:$0x2];
	s3 =	smul.u32 $0xC8, s12  }
0x5: {  	[smem:$0x7FF] =	sst s2  }
0x6: {  	_ =	strace $0x80000056;
	s4 =	sadd.s32 s16, s3;
	s3 =	simm.s32 $0x2  }
0x7: {  	[tilespmem:s2], [sflag:$0x2] =	stream.linear.gather [hbm4b:s4+s2], $0x140, $0x38;
	[tilespmem:$0xA180] =	vst v63  }
0x8: {  	s6 =	simm.s32 $0x140;
	_ =	swait.ge [sflag:s3], $0x140  }
0x9: {  	s7 =	simm.s32 $0x180;
	s8 =	simm.s32 $0x1;
	[sflag:s3] =	ssyncset.done $0x0  }
0xa: {  	s5 =	sadd.s32 $0x2F800, s9;
	s10 =	smul.u32 $0x50, s12;
	[sflag:s3] =	ssyncadd.s32 $0xFFFFFEC0  }
0xb: {  	[tilespmem:s7], [sflag:$0x1] =	stream.indirect.gather [hbm4b:s5+s6], $0x80, s2, s6, $0xb8;
	[tilespmem:$0xA180] =	vst v63  }
0xc: {  	s11 =	smul.u32 $0x6400, s12;
	_ =	swait.ge [sflag:s8], $0xA000  }
0xd: {  	s13 =	sadd.s32 $0x10D200, s9;
	s14 =	sadd.s32 $0x10, s10;
	[sflag:s8] =	ssyncset.done $0x0  }
0xe: {  	s9 =	sadd.s32 s13, s11;
	s10 =	smul.u32 $0x14, s14;
	[sflag:s8] =	ssyncadd.s32 $0xFFFF6000  }
0xf: {  	[hbm4b:s9+s2] =	stream.linear.scatter [tilespmem:s7], [sflag:$0x2], $0xA000, $0x38;
	[tilespmem:$0xA180] =	vst v63  }
0x10: {  	_ =	swait.ge [sflag:s3], $0xA000  }
0x11: {  	s10 =	sshrl.u32 s10, $0x3;
	[sflag:s3] =	ssyncset.done $0x0  }
0x12: {  	s10 =	sadd.s32 s16, s10;
	[sflag:s3] =	ssyncadd.s32 $0xFFFF6000  }
0x13: {  	[tilespmem:s2], [sflag:$0x2] =	stream.linear.gather [hbm4b:s10+s2], $0x140, $0x38;
	[tilespmem:$0xA180] =	vst v63  }
0x14: {  	_ =	swait.ge [sflag:s3], $0x140  }
0x15: {  	[sflag:s3] =	ssyncset.done $0x0  }
0x16: {  	[sflag:s3] =	ssyncadd.s32 $0xFFFFFEC0  }
0x17: {  	[tilespmem:s7], [sflag:$0x1] =	stream.indirect.gather [hbm4b:s5+s6], $0x80, s2, s6, $0xb8;
	[tilespmem:$0xA180] =	vst v63  }
0x18: {  	s29 =	smul.u32 $0x140, s14;
	_ =	swait.ge [sflag:s8], $0xA000  }
0x19: {  	[sflag:s8] =	ssyncset.done $0x0  }
0x1a: {  	s18 =	smul.u32 $0x640, s12;
	s11 =	sadd.s32 s13, s29;
	[sflag:s8] =	ssyncadd.s32 $0xFFFF6000  }
0x1b: {  	[hbm4b:s11+s2] =	stream.linear.scatter [tilespmem:s7], [sflag:$0x2], $0xA000, $0x38;
	[tilespmem:$0xA180] =	vst v63  }
0x1c: {  	s12 =	sadd.s32 $0x280, s18;
	_ =	swait.ge [sflag:s3], $0xA000  }
0x1d: {  	s12 =	sshrl.u32 s12, $0x3;
	[sflag:s3] =	ssyncset.done $0x0  }
0x1e: {  	s12 =	sadd.s32 s16, s12;
	[sflag:s3] =	ssyncadd.s32 $0xFFFF6000  }
0x1f: {  	[tilespmem:s2], [sflag:$0x2] =	stream.linear.gather [hbm4b:s12+s2], $0x140, $0x38;
	[tilespmem:$0xA180] =	vst v63  }
0x20: {  	_ =	swait.ge [sflag:s3], $0x140  }
0x21: {  	[sflag:s3] =	ssyncset.done $0x0  }
0x22: {  	[sflag:s3] =	ssyncadd.s32 $0xFFFFFEC0  }
0x23: {  	[tilespmem:s7], [sflag:$0x1] =	stream.indirect.gather [hbm4b:s5+s6], $0x80, s2, s6, $0xb8;
	[tilespmem:$0xA180] =	vst v63  }
0x24: {  	_ =	swait.ge [sflag:s8], $0xA000  }
0x25: {  	[sflag:s8] =	ssyncset.done $0x0  }
0x26: {  	s13 =	sadd.s32 $0x2800, s9;
	[sflag:s8] =	ssyncadd.s32 $0xFFFF6000  }
0x27: {  	[hbm4b:s13+s2] =	stream.linear.scatter [tilespmem:s7], [sflag:$0x2], $0xA000, $0x38;
	[tilespmem:$0xA180] =	vst v63  }
0x28: {  	s30 =	sadd.s32 $0x3C0, s18;
	_ =	swait.ge [sflag:s3], $0xA000  }
0x29: {  	s14 =	sshrl.u32 s30, $0x3;
	[sflag:s3] =	ssyncset.done $0x0  }
0x2a: {  	s14 =	sadd.s32 s16, s14;
	[sflag:s3] =	ssyncadd.s32 $0xFFFF6000  }
0x2b: {  	[tilespmem:s2], [sflag:$0x2] =	stream.linear.gather [hbm4b:s14+s2], $0x140, $0x38;
	[tilespmem:$0xA180] =	vst v63  }
0x2c: {  	_ =	swait.ge [sflag:s3], $0x140  }
0x2d: {  	[sflag:s3] =	ssyncset.done $0x0  }
0x2e: {  	[sflag:s3] =	ssyncadd.s32 $0xFFFFFEC0  }
0x2f: {  	[tilespmem:s7], [sflag:$0x1] =	stream.indirect.gather [hbm4b:s5+s6], $0x80, s2, s6, $0xb8;
	[tilespmem:$0xA180] =	vst v63  }
0x30: {  	_ =	swait.ge [sflag:s8], $0xA000  }
0x31: {  	[sflag:s8] =	ssyncset.done $0x0  }
0x32: {  	s15 =	sadd.s32 $0x3C00, s9;
	[sflag:s8] =	ssyncadd.s32 $0xFFFF6000  }
0x33: {  	[hbm4b:s15+s2] =	stream.linear.scatter [tilespmem:s7], [sflag:$0x2], $0xA000, $0x38;
	[tilespmem:$0xA180] =	vst v63  }
0x34: {  	s18 =	sadd.s32 $0x500, s18;
	_ =	swait.ge [sflag:s3], $0xA000  }
0x35: {  	s18 =	sshrl.u32 s18, $0x3;
	[sflag:s3] =	ssyncset.done $0x0  }
0x36: {  	s17 =	ssub.s32 $0x2, s17;
	s16 =	sadd.s32 s16, s18;
	[sflag:s3] =	ssyncadd.s32 $0xFFFF6000  }
0x37: {  	[tilespmem:s2], [sflag:$0x2] =	stream.linear.gather [hbm4b:s16+s2], $0x140, $0x38;
	[tilespmem:$0xA180] =	vst v63  }
0x38: {  	s31 =	sshrl.u32 s17, $0x1;
	_ =	swait.ge [sflag:s3], $0x140  }
0x39: {  	s17 =	ssub.s32 s17, s31;
	[sflag:s3] =	ssyncset.done $0x0  }
0x3a: {  	s18 =	smax.u32 s17, $0x1;
	[sflag:s3] =	ssyncadd.s32 $0xFFFFFEC0  }
0x3b: {  	[tilespmem:s7], [sflag:$0x1] =	stream.indirect.gather [hbm4b:s5+s6], $0x80, s2, s6, $0xb8;
	[tilespmem:$0xA180] =	vst v63  }
0x3c: {  	p0 =	sne.s32 s18, $0x1;
	_ =	swait.ge [sflag:s8], $0xA000  }
.Ltmp0:
0x3d: {  	[sflag:s8] =	ssyncset.done $0x0;
	(pc) =	sbr.rel @!p0 .LBB2_2-.Ltmp0, $4  }
0x3e: {  	s17 =	sadd.s32 $0x5000, s9;
	[sflag:s8] =	ssyncadd.s32 $0xFFFF6000  }
0x3f: {  	[hbm4b:s17+s2] =	stream.linear.scatter [tilespmem:s7], [sflag:$0x2], $0xA000, $0x38;
	[tilespmem:$0xA180] =	vst v63  }
0x40: {  	_ =	swait.ge [sflag:s3], $0xA000  }
0x41: {  	s18 =	sadd.s32 $0xFFFFFFFF, s18;
	[sflag:s3] =	ssyncset.done $0x0  }
.LBB2_1:
0x42: {  	p0 =	sne.s32 s18, $0x1;
	s18 =	sadd.s32 $0xFFFFFFFF, s18;
	[sflag:s3] =	ssyncadd.s32 $0xFFFF6000  }
0x43: {  	[tilespmem:s2], [sflag:$0x2] =	stream.linear.gather [hbm4b:s4+s2], $0x140, $0x38;
	[tilespmem:$0xA180] =	vst v63  }
0x44: {  	_ =	swait.ge [sflag:s3], $0x140  }
0x45: {  	[sflag:s3] =	ssyncset.done $0x0  }
0x46: {  	[sflag:s3] =	ssyncadd.s32 $0xFFFFFEC0  }
0x47: {  	[tilespmem:s7], [sflag:$0x1] =	stream.indirect.gather [hbm4b:s5+s6], $0x80, s2, s6, $0xb8;
	[tilespmem:$0xA180] =	vst v63  }
0x48: {  	_ =	swait.ge [sflag:s8], $0xA000  }
0x49: {  	[sflag:s8] =	ssyncset.done $0x0  }
0x4a: {  	[sflag:s8] =	ssyncadd.s32 $0xFFFF6000  }
0x4b: {  	[hbm4b:s9+s2] =	stream.linear.scatter [tilespmem:s7], [sflag:$0x2], $0xA000, $0x38;
	[tilespmem:$0xA180] =	vst v63  }
0x4c: {  	_ =	swait.ge [sflag:s3], $0xA000  }
0x4d: {  	[sflag:s3] =	ssyncset.done $0x0  }
0x4e: {  	[sflag:s3] =	ssyncadd.s32 $0xFFFF6000  }
0x4f: {  	[tilespmem:s2], [sflag:$0x2] =	stream.linear.gather [hbm4b:s10+s2], $0x140, $0x38;
	[tilespmem:$0xA180] =	vst v63  }
0x50: {  	_ =	swait.ge [sflag:s3], $0x140  }
0x51: {  	[sflag:s3] =	ssyncset.done $0x0  }
0x52: {  	[sflag:s3] =	ssyncadd.s32 $0xFFFFFEC0  }
0x53: {  	[tilespmem:s7], [sflag:$0x1] =	stream.indirect.gather [hbm4b:s5+s6], $0x80, s2, s6, $0xb8;
	[tilespmem:$0xA180] =	vst v63  }
0x54: {  	_ =	swait.ge [sflag:s8], $0xA000  }
0x55: {  	[sflag:s8] =	ssyncset.done $0x0  }
0x56: {  	[sflag:s8] =	ssyncadd.s32 $0xFFFF6000  }
0x57: {  	[hbm4b:s11+s2] =	stream.linear.scatter [tilespmem:s7], [sflag:$0x2], $0xA000, $0x38;
	[tilespmem:$0xA180] =	vst v63  }
0x58: {  	_ =	swait.ge [sflag:s3], $0xA000  }
0x59: {  	[sflag:s3] =	ssyncset.done $0x0  }
0x5a: {  	[sflag:s3] =	ssyncadd.s32 $0xFFFF6000  }
0x5b: {  	[tilespmem:s2], [sflag:$0x2] =	stream.linear.gather [hbm4b:s12+s2], $0x140, $0x38;
	[tilespmem:$0xA180] =	vst v63  }
0x5c: {  	_ =	swait.ge [sflag:s3], $0x140  }
0x5d: {  	[sflag:s3] =	ssyncset.done $0x0  }
0x5e: {  	[sflag:s3] =	ssyncadd.s32 $0xFFFFFEC0  }
0x5f: {  	[tilespmem:s7], [sflag:$0x1] =	stream.indirect.gather [hbm4b:s5+s6], $0x80, s2, s6, $0xb8;
	[tilespmem:$0xA180] =	vst v63  }
0x60: {  	_ =	swait.ge [sflag:s8], $0xA000  }
0x61: {  	[sflag:s8] =	ssyncset.done $0x0  }
0x62: {  	[sflag:s8] =	ssyncadd.s32 $0xFFFF6000  }
0x63: {  	[hbm4b:s13+s2] =	stream.linear.scatter [tilespmem:s7], [sflag:$0x2], $0xA000, $0x38;
	[tilespmem:$0xA180] =	vst v63  }
0x64: {  	_ =	swait.ge [sflag:s3], $0xA000  }
0x65: {  	[sflag:s3] =	ssyncset.done $0x0  }
0x66: {  	[sflag:s3] =	ssyncadd.s32 $0xFFFF6000  }
0x67: {  	[tilespmem:s2], [sflag:$0x2] =	stream.linear.gather [hbm4b:s14+s2], $0x140, $0x38;
	[tilespmem:$0xA180] =	vst v63  }
0x68: {  	_ =	swait.ge [sflag:s3], $0x140  }
0x69: {  	[sflag:s3] =	ssyncset.done $0x0  }
0x6a: {  	[sflag:s3] =	ssyncadd.s32 $0xFFFFFEC0  }
0x6b: {  	[tilespmem:s7], [sflag:$0x1] =	stream.indirect.gather [hbm4b:s5+s6], $0x80, s2, s6, $0xb8;
	[tilespmem:$0xA180] =	vst v63  }
0x6c: {  	_ =	swait.ge [sflag:s8], $0xA000  }
0x6d: {  	[sflag:s8] =	ssyncset.done $0x0  }
0x6e: {  	[sflag:s8] =	ssyncadd.s32 $0xFFFF6000  }
0x6f: {  	[hbm4b:s15+s2] =	stream.linear.scatter [tilespmem:s7], [sflag:$0x2], $0xA000, $0x38;
	[tilespmem:$0xA180] =	vst v63  }
0x70: {  	_ =	swait.ge [sflag:s3], $0xA000  }
0x71: {  	[sflag:s3] =	ssyncset.done $0x0  }
0x72: {  	[sflag:s3] =	ssyncadd.s32 $0xFFFF6000  }
0x73: {  	[tilespmem:s2], [sflag:$0x2] =	stream.linear.gather [hbm4b:s16+s2], $0x140, $0x38;
	[tilespmem:$0xA180] =	vst v63  }
0x74: {  	_ =	swait.ge [sflag:s3], $0x140  }
0x75: {  	[sflag:s3] =	ssyncset.done $0x0  }
0x76: {  	[sflag:s3] =	ssyncadd.s32 $0xFFFFFEC0  }
0x77: {  	[tilespmem:s7], [sflag:$0x1] =	stream.indirect.gather [hbm4b:s5+s6], $0x80, s2, s6, $0xb8;
	[tilespmem:$0xA180] =	vst v63  }
0x78: {  	_ =	swait.ge [sflag:s8], $0xA000  }
.Ltmp1:
0x79: {  	[sflag:s8] =	ssyncset.done $0x0;
	(pc) =	sbr.rel @p0 .LBB2_1-.Ltmp1, $4  }
0x7a: {  	[sflag:s8] =	ssyncadd.s32 $0xFFFF6000  }
0x7b: {  	[hbm4b:s17+s2] =	stream.linear.scatter [tilespmem:s7], [sflag:$0x2], $0xA000, $0x38;
	[tilespmem:$0xA180] =	vst v63  }
0x7c: {  	_ =	swait.ge [sflag:s3], $0xA000  }
0x7d: {  	[sflag:s3] =	ssyncset.done $0x0  }
.LBB2_2:
0x7e: {  	[sflag:s3] =	ssyncadd.s32 $0xFFFF6000  }
0x7f: {  	_ =	sfence.sel $0x180000  }
0x80: {  	[bflag:$0x0] =	sbarrier.arrive $0xFFFF  }
0x81: {  	p0 =	sne.s32 s0, $0x0;
	_ =	strace $0x90000056  }
0x82: {  	s0 =	sadd.s32 @!p0 $0x100000, s1;
	[bflag:$0x2] =	sbarrier.arrive $0xFFFF  }
0x83: {  	[sflag:s0] =	ssyncadd.tile.s32 @!p0 $0x1;
	_ =	shalt  }
.Lfunc_end2:
_tile_overlayer_lowered:
.L_overlay_start_2:
0x84: {  	(tag) =	ssettag $0x2  }
0x85: {  	s0 =	rddreg [dreg:$0x0];
	s2 =	stileid.u32  }
0x86: {  	s1 =	rddreg [dreg:$0x1];
	p0 =	sne.s32 s2, $0x0  }
0x87: {  	s3 =	rddreg [dreg:$0x2];
	[bflag:$0x3] =	sbarrier.arrive $0xFFFF;
	s2 =	simm.s32 @!p0 $0x1C02  }
0x88: {  	[timem:s3], [sflag:s2] =	dma.local @!p0 [hbm:s0], s1  }
0x89: {  	s0 =	simm.s32 @!p0 $0x2  }
0x8a: {  	_ =	swait.ge @!p0 [sflag:s0], s1  }
0x8b: {  	s1 =	ssub.s32 @!p0 $0x0, s1;
	[sflag:s0] =	ssyncset.done @!p0 $0x0  }
0x8c: {  	[sflag:s0] =	ssyncadd.s32 @!p0 s1  }
0x8d: {  	[bflag:$0x3] =	sbarrier.arrive $0xFFFF  }
0x8e: {  	_ =	shalt  }

// kernel: kernel.45.cloned.1.call-start
scs
__scs_entry_jumppad:
0x0: {  	(pc) =	sbr.rel $0x88, $3  }
0x1: {  	(tag) =	ssettag $0x0;
	lr =	simm.s32 $0x1  }
0x2: {  	[smem:$0x3F8B] =	sst lr;
	_ =	strace $0xD0000000  }
0x3: {  	_ = 	snop  }
0x4: {  	_ = 	snop  }
0x5: {  	_ = 	snop  }
0x6: {  	_ = 	snop  }
0x7: {  	_ = 	snop  }
__scs_overlays_trampoline_lowered:
0x8: {  	[smem:$0x3F9A] =	sst s0  }
0x9: {  	[smem:$0x3F9B] =	sst s1  }
0xa: {  	[smem:$0x3F9C] =	sst s2  }
0xb: {  	[smem:$0x3F9D] =	sst s3  }
0xc: {  	[smem:$0x3F9E] =	sst s4  }
0xd: {  	[smem:$0x3F9F] =	sst s5  }
0xe: {  	[smem:$0x3FA0] =	sst s6  }
0xf: {  	[smem:$0x3FA1] =	sst s7  }
0x10: {  	[smem:$0x3FA2] =	sst s8  }
0x11: {  	[smem:$0x3FA3] =	sst s9;
	s0 =	simm.s32 @!p0 $0x0  }
0x12: {  	s1 =	sld [smem:$0x3F89];
	s0 =	simm.s32 @p0 $0x1  }
0x13: {  	[smem:$0x3FA4] =	sst s0;
	s0 =	simm.s32 @!p1 $0x0  }
0x14: {  	s2 =	sld [smem:$0x3F88];
	s0 =	simm.s32 @p1 $0x1  }
0x15: {  	[smem:$0x3FA5] =	sst s0;
	s0 =	simm.s32 @!p2 $0x0  }
0x16: {  	s3 =	sld [smem:$0x3FDB];
	s0 =	simm.s32 @p2 $0x1  }
0x17: {  	s4 =	simm.s32 $0x1BF5;
	[smem:$0x3FA7] =	sst s0  }
0x18: {  	s0 =	sld [smem:$0x3F8A];
	_ =	swait.ge [sflag:s4], $0x0  }
0x19: {  	s7 =	sld [smem:$0x3F8B]  }
0x1a: {  	s8 =	sadd.s32 $0xFFFFE003, lr  }
0x1b: {  	s9 =	sadd.s32 $0xFFFFFEF7, lr;
	s5 =	simm.s32 $0xFFFFFFFF;
	p2 =	slt.u32 s8, $0xFFFFF086  }
0x1c: {  	p1 =	slt.u32 s9, $0xF7A;
	s5 =	simm.s32 @!p2 $0x0  }
0x1d: {  	s5 =	simm.s32 @p1 $0x1;
	p0 =	seq.s32 s7, s2  }
0x1e: {  	s7 =	smul.u32 @!p0 $0xF7A, s2;
	p2 =	seq.s32 @!p0 s5, $0x0  }
0x1f: {  	s9 =	smul.u32 $0xF7A, s1;
	s8 =	simm.s32 @!p0 $0x1BF5;
	p2 =	por !p2, p0  }
0x20: {  	[sflag:s8] =	ssyncset.s32 @!p0 $0xFFFFF086;
	s6 =	sadd.s32 @!p0 s3, s7;
	s7 =	simm.s32 @!p0 $0x108  }
0x21: {  	s3 =	sadd.s32 s3, s9;
	s6 =	sadd.s32 @!p0 $0x88, s6;
	s7 =	simm.s32 @p2 $0x1082  }
0x22: {  	[simem:s7], [sflag:s8] =	dma.local @!p0 [hbm:s6], $0xF7A  }
0x23: {  	s9 =	sor.u32 $0xD0000000, s2;
	s6 =	simm.s32 $0x108;
	_ =	swait.ge @!p0 [sflag:s8], $0x0  }
0x24: {  	s3 =	sadd.s32 $0x88, s3;
	s6 =	simm.s32 @!p1 $0x1082;
	[sflag:s4] =	ssyncset.s32 $0xFFFFF086  }
0x25: {  	[simem:s6], [sflag:s4] =	dma.local [hbm:s3], $0xF7A  }
0x26: {  	[smem:$0x3F8B] =	sst s1;
	(tag) =	ssettag s2;
	_ =	strace s9  }
0x27: {  	s1 =	sld [smem:$0x3F9B]  }
0x28: {  	s2 =	sld [smem:$0x3F9C]  }
0x29: {  	s4 =	sld [smem:$0x3F9E]  }
0x2a: {  	p0 =	seq.s32 s5, $0x0;
	s5 =	sld [smem:$0x3F9F]  }
0x2b: {  	s6 =	sld [smem:$0x3FA0]  }
0x2c: {  	s7 =	sld [smem:$0x3FA1]  }
0x2d: {  	s3 =	simm.s32 $0x108;
	s8 =	sld [smem:$0x3FA2]  }
0x2e: {  	s3 =	simm.s32 @!p0 $0x1082;
	s9 =	sld [smem:$0x3FA3]  }
0x2f: {  	lr =	sadd.s32 s0, s3;
	s0 =	sld [smem:$0x3F9A]  }
0x30: {  	s3 =	sld [smem:$0x3F9D]  }
0x31: {  	[smem:$0x3FA6] =	sst s10  }
0x32: {  	s10 =	sld [smem:$0x3FA4];
	_ =	sdelay $0x3  }
0x33: {  	p0 =	seq.s32 s10, $0x1;
	s10 =	sld [smem:$0x3FA6];
	_ =	sdelay $0x3  }
0x34: {  	[smem:$0x3FA6] =	sst s10  }
0x35: {  	s10 =	sld [smem:$0x3FA5];
	_ =	sdelay $0x3  }
0x36: {  	p1 =	seq.s32 s10, $0x1;
	s10 =	sld [smem:$0x3FA6];
	_ =	sdelay $0x3  }
0x37: {  	[smem:$0x3FA6] =	sst s10  }
0x38: {  	s10 =	sld [smem:$0x3FA7]  }
0x39: {  	_ = 	snop;
	(pc) =	sbr.ind lr, $3  }
0x3a: {  	_ = 	snop  }
0x3b: {  	_ = 	snop  }
0x3c: {  	p2 =	seq.s32 s10, $0x1;
	s10 =	sld [smem:$0x3FA6]  }
0x3d: {  	_ =	shalt  }
0x3e: {  	_ =	shalt  }
0x3f: {  	_ =	shalt  }
0x40: {  	_ =	shalt  }
0x41: {  	_ =	shalt  }
0x42: {  	_ =	shalt  }
0x43: {  	_ =	shalt  }
0x44: {  	_ =	shalt  }
0x45: {  	_ =	shalt  }
0x46: {  	_ =	shalt  }
0x47: {  	_ =	shalt  }
0x48: {  	_ =	shalt  }
0x49: {  	_ =	shalt  }
0x4a: {  	_ =	shalt  }
0x4b: {  	_ =	shalt  }
0x4c: {  	_ =	shalt  }
0x4d: {  	_ =	shalt  }
0x4e: {  	_ =	shalt  }
0x4f: {  	_ =	shalt  }
0x50: {  	_ =	shalt  }
0x51: {  	_ =	shalt  }
0x52: {  	_ =	shalt  }
0x53: {  	_ =	shalt  }
0x54: {  	_ =	shalt  }
0x55: {  	_ =	shalt  }
0x56: {  	_ =	shalt  }
0x57: {  	_ =	shalt  }
0x58: {  	_ =	shalt  }
0x59: {  	_ =	shalt  }
0x5a: {  	_ =	shalt  }
0x5b: {  	_ =	shalt  }
0x5c: {  	_ =	shalt  }
0x5d: {  	_ =	shalt  }
0x5e: {  	_ =	shalt  }
0x5f: {  	_ =	shalt  }
0x60: {  	_ =	shalt  }
0x61: {  	_ =	shalt  }
0x62: {  	_ =	shalt  }
0x63: {  	_ =	shalt  }
0x64: {  	_ =	shalt  }
0x65: {  	_ =	shalt  }
0x66: {  	_ =	shalt  }
0x67: {  	_ =	shalt  }
0x68: {  	_ =	shalt  }
0x69: {  	_ =	shalt  }
0x6a: {  	_ =	shalt  }
0x6b: {  	_ =	shalt  }
0x6c: {  	_ =	shalt  }
0x6d: {  	_ =	shalt  }
0x6e: {  	_ =	shalt  }
0x6f: {  	_ =	shalt  }
0x70: {  	_ =	shalt  }
0x71: {  	_ =	shalt  }
0x72: {  	_ =	shalt  }
0x73: {  	_ =	shalt  }
0x74: {  	_ =	shalt  }
0x75: {  	_ =	shalt  }
0x76: {  	_ =	shalt  }
0x77: {  	_ =	shalt  }
0x78: {  	_ =	shalt  }
0x79: {  	_ =	shalt  }
0x7a: {  	_ =	shalt  }
0x7b: {  	_ =	shalt  }
0x7c: {  	_ =	shalt  }
0x7d: {  	_ =	shalt  }
0x7e: {  	_ =	shalt  }
0x7f: {  	_ =	shalt  }
0x80: {  	_ =	shalt  }
0x81: {  	_ =	shalt  }
0x82: {  	_ =	shalt  }
0x83: {  	_ =	shalt  }
0x84: {  	_ =	shalt  }
0x85: {  	_ =	shalt  }
0x86: {  	_ =	shalt  }
0x87: {  	_ =	shalt  }
.Lfunc_end0:
.L_simem_size_0:
called_computation.6_lowered:
.L_overlay_start_0:
0x88: {  	s2 =	sld [smem:$0x3FD9]  }
0x89: {  	s3 =	sld [smem:$0x3FFE];
	_ =	sdelay $0x1  }
0x8a: {  	s1 =	srdreg.scid  }
0x8b: {  	s0 =	sand.u32 $0x1, s1  }
0x8c: {  	s16 =	sshll.u32 s0, $0xA;
	s2 =	sadd.s32 s3, s2  }
0x8d: {  	s2 =	sadd.s32 s2, s16  }
0x8e: {  	[smem:$0x3FB2] =	sst s2  }
0x8f: {  	_ = 	snop  }
0x90: {  	(tm) =	ssettm $0x1  }
0x91: {  	s17 =	sld [smem:$0x3FFB];
	_ =	sdelay $0x3  }
0x92: {  	_ =	strace s17  }
0x93: {  	s2 =	sld [smem:$0x3FFC];
	_ =	sdelay $0x3  }
0x94: {  	_ =	strace s2  }
0x95: {  	s2 =	sld [smem:$0x3FFD];
	_ =	sdelay $0x3  }
0x96: {  	_ =	strace s2  }
0x97: {  	_ =	strace $0x8FFFFFFF  }
0x98: {  	s18 =	sld [smem:$0x3FDB];
	_ =	sdelay $0x1  }
0x99: {  	s19 =	simm.s32 $_scs_section_size  }
0x9a: {  	s4 =	simm.s32 $_size__tile_overlayer_lowered;
	s5 =	simm.s32 $_tile_overlayer_lowered  }
0x9b: {  	s22 =	simm.s32 $0x1BFF;
	s21 =	sshll.u32 s5, $0x1;
	s2 =	sadd.s32 s19, s18  }
0x9c: {  	s6 =	simm.s32 $0x0;
	s20 =	sshll.u32 s4, $0x1;
	s4 =	sadd.s32 s21, s2  }
0x9d: {  	[timem:s6], [sflag:s22] =	dma.local [hbm:s4], s20  }
0x9e: {  	_ =	swait.ge [sflag:s22], s20  }
0x9f: {  	s3 =	ssub.s32 $0x0, s20;
	[sflag:s22] =	ssyncset.done $0x0  }
0xa0: {  	[sflag:s22] =	ssyncadd.s32 s3;
	_ =	sdelay $0x1  }
0xa1: {  	s23 =	simm.s32 $0x1B8B  }
0xa2: {  	_ =	swait.ge [sflag:s23], $0x1  }
0xa3: {  	[sflag:s23] =	ssyncset.done $0x0  }
0xa4: {  	s25 =	simm.s32 $0x1B8E;
	s24 =	sld [smem:$0x3FFE];
	[sflag:s23] =	ssyncadd.s32 $0xFFFFFFFF  }
0xa5: {  	s26 =	simm.s32 $execute0_lowered;
	[smem:$0x3FD2] =	sst s25  }
0xa6: {  	s4 =	sshll.u32 s26, $0x1;
	_ =	strace $0x80000058;
	[dreg:$0x1] =	wrdreg $0xFFFFFFFF  }
0xa7: {  	s28 =	simm.s32 $_size_execute0_lowered;
	s2 =	sadd.s32 s2, s4;
	[dreg:$0x0] =	wrdreg $0x0  }
0xa8: {  	s4 =	sshll.u32 s28, $0x1;
	[dreg:$0x2] =	wrdreg s2  }
0xa9: {  	[dreg:$0x3] =	wrdreg s4  }
0xaa: {  	[dreg:$0x4] =	wrdreg $0xC0  }
0xab: {  	_ =	task [dreg:s6], $0x5FFFF  }
0xac: {  	[dreg:$0x1] =	wrdreg $0xFFFFFFFF  }
0xad: {  	[dreg:$0x0] =	wrdreg $0x60  }
0xae: {  	[dreg:$0x2] =	wrdreg s24  }
0xaf: {  	[dreg:$0x3] =	wrdreg $0x9  }
0xb0: {  	_ =	task.clear_ibuf [dreg:s6], $0x4FFFF;
	_ =	strace $0x90000058  }
0xb1: {  	s29 =	simm.s32 $0x9;
	_ =	strace $0x8000005A  }
0xb2: {  	_ =	swait.ge [sflag:s29], $0x1  }
0xb3: {  	[sflag:s29] =	ssyncadd.s32 $0xFFFFFFFF  }
0xb4: {  	_ =	strace $0x9000005A  }
0xb5: {  	_ =	sfence  }
0xb6: {  	s30 =	sld [smem:$0x0];
	_ =	sdelay $0x2  }
0xb7: {  	s31 =	sshll.u32 s1, $0xD;
	s1 =	sshrl.u32 s1, $0x2  }
0xb8: {  	s3 =	sand.u32 $0x4000, s31;
	s1 =	sadd.s32 s1, s30  }
0xb9: {  	s0 =	sor.u32 s3, s0;
	s1 =	sshll.u32 s1, $0x11  }
0xba: {  	s0 =	sor.u32 s1, s0  }
0xbb: {  	s0 =	sadd.s32 $0x8F2B, s0  }
0xbc: {  	[sflag:s0] =	ssyncadd.remote.s32 $0x1  }
0xbd: {  	_ =	sfence.sel $0xFFFF  }
0xbe: {  	[dreg:$0x0] =	wrdreg $0xFFFFFFFF;
	(pc) =	sbr.abs _section_cstart, $3  }
0xbf: {  	[dreg:$0x1] =	wrdreg $0xFFFFFFFF  }
0xc0: {  	_ =	task.clear_ibuf [dreg:s6], $0x2FFFF;
	_ =	strace $0x9FFFFFFF  }
0xc1: {  	(tm) =	ssettm $0x7FFFFFFF  }
tec
execute0_lowered:
.L_overlay_start_1:
0x0: {  	(tag) =	ssettag $0x1  }
0x1: {  	s1 =	srdreg.scid;
	s0 =	stileid.u32  }
0x2: {  	s17 =	sand.u32 $0x1, s1;
	s28 =	sshll.u32 s0, $0x1  }
0x3: {  	s9 =	rddreg [dreg:$0x0];
	s12 =	sor.u32 s17, s28  }
0x4: {  	s2 =	simm.s32 $0x0;
	s1 =	rddreg [dreg:$0x1];
	s3 =	smul.u32 $0xC8, s12  }
0x5: {  	[smem:$0x7FF] =	sst s2;
	s16 =	sadd.s32 $0x43800, s9  }
0x6: {  	_ =	strace $0x80000059;
	s4 =	sadd.s32 s16, s3;
	s3 =	simm.s32 $0x2  }
0x7: {  	[tilespmem:s2], [sflag:$0x2] =	stream.linear.gather [hbm4b:s4+s2], $0x140, $0x38;
	[tilespmem:$0xA180] =	vst v63  }
0x8: {  	s6 =	simm.s32 $0x140;
	_ =	swait.ge [sflag:s3], $0x140  }
0x9: {  	s7 =	simm.s32 $0x180;
	s8 =	simm.s32 $0x1;
	[sflag:s3] =	ssyncset.done $0x0  }
0xa: {  	s5 =	sadd.s32 $0x2F800, s9;
	s10 =	smul.u32 $0x50, s12;
	[sflag:s3] =	ssyncadd.s32 $0xFFFFFEC0  }
0xb: {  	[tilespmem:s7], [sflag:$0x1] =	stream.indirect.gather [hbm4b:s5+s6], $0x80, s2, s6, $0xb8;
	[tilespmem:$0xA180] =	vst v63  }
0xc: {  	s11 =	smul.u32 $0x6400, s12;
	_ =	swait.ge [sflag:s8], $0xA000  }
0xd: {  	s13 =	sadd.s32 $0x45200, s9;
	s14 =	sadd.s32 $0x10, s10;
	[sflag:s8] =	ssyncset.done $0x0  }
0xe: {  	s9 =	sadd.s32 s13, s11;
	s10 =	smul.u32 $0x14, s14;
	[sflag:s8] =	ssyncadd.s32 $0xFFFF6000  }
0xf: {  	[hbm4b:s9+s2] =	stream.linear.scatter [tilespmem:s7], [sflag:$0x2], $0xA000, $0x38;
	[tilespmem:$0xA180] =	vst v63  }
0x10: {  	_ =	swait.ge [sflag:s3], $0xA000  }
0x11: {  	s10 =	sshrl.u32 s10, $0x3;
	[sflag:s3] =	ssyncset.done $0x0  }
0x12: {  	s10 =	sadd.s32 s16, s10;
	[sflag:s3] =	ssyncadd.s32 $0xFFFF6000  }
0x13: {  	[tilespmem:s2], [sflag:$0x2] =	stream.linear.gather [hbm4b:s10+s2], $0x140, $0x38;
	[tilespmem:$0xA180] =	vst v63  }
0x14: {  	_ =	swait.ge [sflag:s3], $0x140  }
0x15: {  	[sflag:s3] =	ssyncset.done $0x0  }
0x16: {  	[sflag:s3] =	ssyncadd.s32 $0xFFFFFEC0  }
0x17: {  	[tilespmem:s7], [sflag:$0x1] =	stream.indirect.gather [hbm4b:s5+s6], $0x80, s2, s6, $0xb8;
	[tilespmem:$0xA180] =	vst v63  }
0x18: {  	s29 =	smul.u32 $0x140, s14;
	_ =	swait.ge [sflag:s8], $0xA000  }
0x19: {  	[sflag:s8] =	ssyncset.done $0x0  }
0x1a: {  	s18 =	smul.u32 $0x640, s12;
	s11 =	sadd.s32 s13, s29;
	[sflag:s8] =	ssyncadd.s32 $0xFFFF6000  }
0x1b: {  	[hbm4b:s11+s2] =	stream.linear.scatter [tilespmem:s7], [sflag:$0x2], $0xA000, $0x38;
	[tilespmem:$0xA180] =	vst v63  }
0x1c: {  	s12 =	sadd.s32 $0x280, s18;
	_ =	swait.ge [sflag:s3], $0xA000  }
0x1d: {  	s12 =	sshrl.u32 s12, $0x3;
	[sflag:s3] =	ssyncset.done $0x0  }
0x1e: {  	s12 =	sadd.s32 s16, s12;
	[sflag:s3] =	ssyncadd.s32 $0xFFFF6000  }
0x1f: {  	[tilespmem:s2], [sflag:$0x2] =	stream.linear.gather [hbm4b:s12+s2], $0x140, $0x38;
	[tilespmem:$0xA180] =	vst v63  }
0x20: {  	_ =	swait.ge [sflag:s3], $0x140  }
0x21: {  	[sflag:s3] =	ssyncset.done $0x0  }
0x22: {  	[sflag:s3] =	ssyncadd.s32 $0xFFFFFEC0  }
0x23: {  	[tilespmem:s7], [sflag:$0x1] =	stream.indirect.gather [hbm4b:s5+s6], $0x80, s2, s6, $0xb8;
	[tilespmem:$0xA180] =	vst v63  }
0x24: {  	_ =	swait.ge [sflag:s8], $0xA000  }
0x25: {  	[sflag:s8] =	ssyncset.done $0x0  }
0x26: {  	s13 =	sadd.s32 $0x2800, s9;
	[sflag:s8] =	ssyncadd.s32 $0xFFFF6000  }
0x27: {  	[hbm4b:s13+s2] =	stream.linear.scatter [tilespmem:s7], [sflag:$0x2], $0xA000, $0x38;
	[tilespmem:$0xA180] =	vst v63  }
0x28: {  	s30 =	sadd.s32 $0x3C0, s18;
	_ =	swait.ge [sflag:s3], $0xA000  }
0x29: {  	s14 =	sshrl.u32 s30, $0x3;
	[sflag:s3] =	ssyncset.done $0x0  }
0x2a: {  	s14 =	sadd.s32 s16, s14;
	[sflag:s3] =	ssyncadd.s32 $0xFFFF6000  }
0x2b: {  	[tilespmem:s2], [sflag:$0x2] =	stream.linear.gather [hbm4b:s14+s2], $0x140, $0x38;
	[tilespmem:$0xA180] =	vst v63  }
0x2c: {  	_ =	swait.ge [sflag:s3], $0x140  }
0x2d: {  	[sflag:s3] =	ssyncset.done $0x0  }
0x2e: {  	[sflag:s3] =	ssyncadd.s32 $0xFFFFFEC0  }
0x2f: {  	[tilespmem:s7], [sflag:$0x1] =	stream.indirect.gather [hbm4b:s5+s6], $0x80, s2, s6, $0xb8;
	[tilespmem:$0xA180] =	vst v63  }
0x30: {  	_ =	swait.ge [sflag:s8], $0xA000  }
0x31: {  	[sflag:s8] =	ssyncset.done $0x0  }
0x32: {  	s15 =	sadd.s32 $0x3C00, s9;
	[sflag:s8] =	ssyncadd.s32 $0xFFFF6000  }
0x33: {  	[hbm4b:s15+s2] =	stream.linear.scatter [tilespmem:s7], [sflag:$0x2], $0xA000, $0x38;
	[tilespmem:$0xA180] =	vst v63  }
0x34: {  	s18 =	sadd.s32 $0x500, s18;
	_ =	swait.ge [sflag:s3], $0xA000  }
0x35: {  	s18 =	sshrl.u32 s18, $0x3;
	[sflag:s3] =	ssyncset.done $0x0  }
0x36: {  	s17 =	ssub.s32 $0x2, s17;
	s16 =	sadd.s32 s16, s18;
	[sflag:s3] =	ssyncadd.s32 $0xFFFF6000  }
0x37: {  	[tilespmem:s2], [sflag:$0x2] =	stream.linear.gather [hbm4b:s16+s2], $0x140, $0x38;
	[tilespmem:$0xA180] =	vst v63  }
0x38: {  	s31 =	sshrl.u32 s17, $0x1;
	_ =	swait.ge [sflag:s3], $0x140  }
0x39: {  	s17 =	ssub.s32 s17, s31;
	[sflag:s3] =	ssyncset.done $0x0  }
0x3a: {  	s18 =	smax.u32 s17, $0x1;
	[sflag:s3] =	ssyncadd.s32 $0xFFFFFEC0  }
0x3b: {  	[tilespmem:s7], [sflag:$0x1] =	stream.indirect.gather [hbm4b:s5+s6], $0x80, s2, s6, $0xb8;
	[tilespmem:$0xA180] =	vst v63  }
0x3c: {  	p0 =	sne.s32 s18, $0x1;
	_ =	swait.ge [sflag:s8], $0xA000  }
.Ltmp0:
0x3d: {  	[sflag:s8] =	ssyncset.done $0x0;
	(pc) =	sbr.rel @!p0 .LBB2_2-.Ltmp0, $4  }
0x3e: {  	s17 =	sadd.s32 $0x5000, s9;
	[sflag:s8] =	ssyncadd.s32 $0xFFFF6000  }
0x3f: {  	[hbm4b:s17+s2] =	stream.linear.scatter [tilespmem:s7], [sflag:$0x2], $0xA000, $0x38;
	[tilespmem:$0xA180] =	vst v63  }
0x40: {  	_ =	swait.ge [sflag:s3], $0xA000  }
0x41: {  	s18 =	sadd.s32 $0xFFFFFFFF, s18;
	[sflag:s3] =	ssyncset.done $0x0  }
.LBB2_1:
0x42: {  	p0 =	sne.s32 s18, $0x1;
	s18 =	sadd.s32 $0xFFFFFFFF, s18;
	[sflag:s3] =	ssyncadd.s32 $0xFFFF6000  }
0x43: {  	[tilespmem:s2], [sflag:$0x2] =	stream.linear.gather [hbm4b:s4+s2], $0x140, $0x38;
	[tilespmem:$0xA180] =	vst v63  }
0x44: {  	_ =	swait.ge [sflag:s3], $0x140  }
0x45: {  	[sflag:s3] =	ssyncset.done $0x0  }
0x46: {  	[sflag:s3] =	ssyncadd.s32 $0xFFFFFEC0  }
0x47: {  	[tilespmem:s7], [sflag:$0x1] =	stream.indirect.gather [hbm4b:s5+s6], $0x80, s2, s6, $0xb8;
	[tilespmem:$0xA180] =	vst v63  }
0x48: {  	_ =	swait.ge [sflag:s8], $0xA000  }
0x49: {  	[sflag:s8] =	ssyncset.done $0x0  }
0x4a: {  	[sflag:s8] =	ssyncadd.s32 $0xFFFF6000  }
0x4b: {  	[hbm4b:s9+s2] =	stream.linear.scatter [tilespmem:s7], [sflag:$0x2], $0xA000, $0x38;
	[tilespmem:$0xA180] =	vst v63  }
0x4c: {  	_ =	swait.ge [sflag:s3], $0xA000  }
0x4d: {  	[sflag:s3] =	ssyncset.done $0x0  }
0x4e: {  	[sflag:s3] =	ssyncadd.s32 $0xFFFF6000  }
0x4f: {  	[tilespmem:s2], [sflag:$0x2] =	stream.linear.gather [hbm4b:s10+s2], $0x140, $0x38;
	[tilespmem:$0xA180] =	vst v63  }
0x50: {  	_ =	swait.ge [sflag:s3], $0x140  }
0x51: {  	[sflag:s3] =	ssyncset.done $0x0  }
0x52: {  	[sflag:s3] =	ssyncadd.s32 $0xFFFFFEC0  }
0x53: {  	[tilespmem:s7], [sflag:$0x1] =	stream.indirect.gather [hbm4b:s5+s6], $0x80, s2, s6, $0xb8;
	[tilespmem:$0xA180] =	vst v63  }
0x54: {  	_ =	swait.ge [sflag:s8], $0xA000  }
0x55: {  	[sflag:s8] =	ssyncset.done $0x0  }
0x56: {  	[sflag:s8] =	ssyncadd.s32 $0xFFFF6000  }
0x57: {  	[hbm4b:s11+s2] =	stream.linear.scatter [tilespmem:s7], [sflag:$0x2], $0xA000, $0x38;
	[tilespmem:$0xA180] =	vst v63  }
0x58: {  	_ =	swait.ge [sflag:s3], $0xA000  }
0x59: {  	[sflag:s3] =	ssyncset.done $0x0  }
0x5a: {  	[sflag:s3] =	ssyncadd.s32 $0xFFFF6000  }
0x5b: {  	[tilespmem:s2], [sflag:$0x2] =	stream.linear.gather [hbm4b:s12+s2], $0x140, $0x38;
	[tilespmem:$0xA180] =	vst v63  }
0x5c: {  	_ =	swait.ge [sflag:s3], $0x140  }
0x5d: {  	[sflag:s3] =	ssyncset.done $0x0  }
0x5e: {  	[sflag:s3] =	ssyncadd.s32 $0xFFFFFEC0  }
0x5f: {  	[tilespmem:s7], [sflag:$0x1] =	stream.indirect.gather [hbm4b:s5+s6], $0x80, s2, s6, $0xb8;
	[tilespmem:$0xA180] =	vst v63  }
0x60: {  	_ =	swait.ge [sflag:s8], $0xA000  }
0x61: {  	[sflag:s8] =	ssyncset.done $0x0  }
0x62: {  	[sflag:s8] =	ssyncadd.s32 $0xFFFF6000  }
0x63: {  	[hbm4b:s13+s2] =	stream.linear.scatter [tilespmem:s7], [sflag:$0x2], $0xA000, $0x38;
	[tilespmem:$0xA180] =	vst v63  }
0x64: {  	_ =	swait.ge [sflag:s3], $0xA000  }
0x65: {  	[sflag:s3] =	ssyncset.done $0x0  }
0x66: {  	[sflag:s3] =	ssyncadd.s32 $0xFFFF6000  }
0x67: {  	[tilespmem:s2], [sflag:$0x2] =	stream.linear.gather [hbm4b:s14+s2], $0x140, $0x38;
	[tilespmem:$0xA180] =	vst v63  }
0x68: {  	_ =	swait.ge [sflag:s3], $0x140  }
0x69: {  	[sflag:s3] =	ssyncset.done $0x0  }
0x6a: {  	[sflag:s3] =	ssyncadd.s32 $0xFFFFFEC0  }
0x6b: {  	[tilespmem:s7], [sflag:$0x1] =	stream.indirect.gather [hbm4b:s5+s6], $0x80, s2, s6, $0xb8;
	[tilespmem:$0xA180] =	vst v63  }
0x6c: {  	_ =	swait.ge [sflag:s8], $0xA000  }
0x6d: {  	[sflag:s8] =	ssyncset.done $0x0  }
0x6e: {  	[sflag:s8] =	ssyncadd.s32 $0xFFFF6000  }
0x6f: {  	[hbm4b:s15+s2] =	stream.linear.scatter [tilespmem:s7], [sflag:$0x2], $0xA000, $0x38;
	[tilespmem:$0xA180] =	vst v63  }
0x70: {  	_ =	swait.ge [sflag:s3], $0xA000  }
0x71: {  	[sflag:s3] =	ssyncset.done $0x0  }
0x72: {  	[sflag:s3] =	ssyncadd.s32 $0xFFFF6000  }
0x73: {  	[tilespmem:s2], [sflag:$0x2] =	stream.linear.gather [hbm4b:s16+s2], $0x140, $0x38;
	[tilespmem:$0xA180] =	vst v63  }
0x74: {  	_ =	swait.ge [sflag:s3], $0x140  }
0x75: {  	[sflag:s3] =	ssyncset.done $0x0  }
0x76: {  	[sflag:s3] =	ssyncadd.s32 $0xFFFFFEC0  }
0x77: {  	[tilespmem:s7], [sflag:$0x1] =	stream.indirect.gather [hbm4b:s5+s6], $0x80, s2, s6, $0xb8;
	[tilespmem:$0xA180] =	vst v63  }
0x78: {  	_ =	swait.ge [sflag:s8], $0xA000  }
.Ltmp1:
0x79: {  	[sflag:s8] =	ssyncset.done $0x0;
	(pc) =	sbr.rel @p0 .LBB2_1-.Ltmp1, $4  }
0x7a: {  	[sflag:s8] =	ssyncadd.s32 $0xFFFF6000  }
0x7b: {  	[hbm4b:s17+s2] =	stream.linear.scatter [tilespmem:s7], [sflag:$0x2], $0xA000, $0x38;
	[tilespmem:$0xA180] =	vst v63  }
0x7c: {  	_ =	swait.ge [sflag:s3], $0xA000  }
0x7d: {  	[sflag:s3] =	ssyncset.done $0x0  }
.LBB2_2:
0x7e: {  	[sflag:s3] =	ssyncadd.s32 $0xFFFF6000  }
0x7f: {  	_ =	sfence.sel $0x180000  }
0x80: {  	[bflag:$0x0] =	sbarrier.arrive $0xFFFF  }
0x81: {  	p0 =	sne.s32 s0, $0x0;
	_ =	strace $0x90000059  }
0x82: {  	s0 =	sadd.s32 @!p0 $0x100000, s1;
	[bflag:$0x2] =	sbarrier.arrive $0xFFFF  }
0x83: {  	[sflag:s0] =	ssyncadd.tile.s32 @!p0 $0x1;
	_ =	shalt  }
.Lfunc_end2:
_tile_overlayer_lowered:
.L_overlay_start_2:
0x84: {  	(tag) =	ssettag $0x2  }
0x85: {  	s0 =	rddreg [dreg:$0x0];
	s2 =	stileid.u32  }
0x86: {  	s1 =	rddreg [dreg:$0x1];
	p0 =	sne.s32 s2, $0x0  }
0x87: {  	s3 =	rddreg [dreg:$0x2];
	[bflag:$0x3] =	sbarrier.arrive $0xFFFF;
	s2 =	simm.s32 @!p0 $0x1C02  }
0x88: {  	[timem:s3], [sflag:s2] =	dma.local @!p0 [hbm:s0], s1  }
0x89: {  	s0 =	simm.s32 @!p0 $0x2  }
0x8a: {  	_ =	swait.ge @!p0 [sflag:s0], s1  }
0x8b: {  	s1 =	ssub.s32 @!p0 $0x0, s1;
	[sflag:s0] =	ssyncset.done @!p0 $0x0  }
0x8c: {  	[sflag:s0] =	ssyncadd.s32 @!p0 s1  }
0x8d: {  	[bflag:$0x3] =	sbarrier.arrive $0xFFFF  }
0x8e: {  	_ =	shalt  }

// kernel: kernel.48.cloned.1.call-start
scs
__scs_entry_jumppad:
0x0: {  	(pc) =	sbr.rel $0x88, $3  }
0x1: {  	(tag) =	ssettag $0x0;
	lr =	simm.s32 $0x1  }
0x2: {  	[smem:$0x3F8B] =	sst lr;
	_ =	strace $0xD0000000  }
0x3: {  	_ = 	snop  }
0x4: {  	_ = 	snop  }
0x5: {  	_ = 	snop  }
0x6: {  	_ = 	snop  }
0x7: {  	_ = 	snop  }
__scs_overlays_trampoline_lowered:
0x8: {  	[smem:$0x3F9A] =	sst s0  }
0x9: {  	[smem:$0x3F9B] =	sst s1  }
0xa: {  	[smem:$0x3F9C] =	sst s2  }
0xb: {  	[smem:$0x3F9D] =	sst s3  }
0xc: {  	[smem:$0x3F9E] =	sst s4  }
0xd: {  	[smem:$0x3F9F] =	sst s5  }
0xe: {  	[smem:$0x3FA0] =	sst s6  }
0xf: {  	[smem:$0x3FA1] =	sst s7  }
0x10: {  	[smem:$0x3FA2] =	sst s8  }
0x11: {  	[smem:$0x3FA3] =	sst s9;
	s0 =	simm.s32 @!p0 $0x0  }
0x12: {  	s1 =	sld [smem:$0x3F89];
	s0 =	simm.s32 @p0 $0x1  }
0x13: {  	[smem:$0x3FA4] =	sst s0;
	s0 =	simm.s32 @!p1 $0x0  }
0x14: {  	s2 =	sld [smem:$0x3F88];
	s0 =	simm.s32 @p1 $0x1  }
0x15: {  	[smem:$0x3FA5] =	sst s0;
	s0 =	simm.s32 @!p2 $0x0  }
0x16: {  	s3 =	sld [smem:$0x3FDB];
	s0 =	simm.s32 @p2 $0x1  }
0x17: {  	s4 =	simm.s32 $0x1BF5;
	[smem:$0x3FA7] =	sst s0  }
0x18: {  	s0 =	sld [smem:$0x3F8A];
	_ =	swait.ge [sflag:s4], $0x0  }
0x19: {  	s7 =	sld [smem:$0x3F8B]  }
0x1a: {  	s8 =	sadd.s32 $0xFFFFE003, lr  }
0x1b: {  	s9 =	sadd.s32 $0xFFFFFEF7, lr;
	s5 =	simm.s32 $0xFFFFFFFF;
	p2 =	slt.u32 s8, $0xFFFFF086  }
0x1c: {  	p1 =	slt.u32 s9, $0xF7A;
	s5 =	simm.s32 @!p2 $0x0  }
0x1d: {  	s5 =	simm.s32 @p1 $0x1;
	p0 =	seq.s32 s7, s2  }
0x1e: {  	s7 =	smul.u32 @!p0 $0xF7A, s2;
	p2 =	seq.s32 @!p0 s5, $0x0  }
0x1f: {  	s9 =	smul.u32 $0xF7A, s1;
	s8 =	simm.s32 @!p0 $0x1BF5;
	p2 =	por !p2, p0  }
0x20: {  	[sflag:s8] =	ssyncset.s32 @!p0 $0xFFFFF086;
	s6 =	sadd.s32 @!p0 s3, s7;
	s7 =	simm.s32 @!p0 $0x108  }
0x21: {  	s3 =	sadd.s32 s3, s9;
	s6 =	sadd.s32 @!p0 $0x88, s6;
	s7 =	simm.s32 @p2 $0x1082  }
0x22: {  	[simem:s7], [sflag:s8] =	dma.local @!p0 [hbm:s6], $0xF7A  }
0x23: {  	s9 =	sor.u32 $0xD0000000, s2;
	s6 =	simm.s32 $0x108;
	_ =	swait.ge @!p0 [sflag:s8], $0x0  }
0x24: {  	s3 =	sadd.s32 $0x88, s3;
	s6 =	simm.s32 @!p1 $0x1082;
	[sflag:s4] =	ssyncset.s32 $0xFFFFF086  }
0x25: {  	[simem:s6], [sflag:s4] =	dma.local [hbm:s3], $0xF7A  }
0x26: {  	[smem:$0x3F8B] =	sst s1;
	(tag) =	ssettag s2;
	_ =	strace s9  }
0x27: {  	s1 =	sld [smem:$0x3F9B]  }
0x28: {  	s2 =	sld [smem:$0x3F9C]  }
0x29: {  	s4 =	sld [smem:$0x3F9E]  }
0x2a: {  	p0 =	seq.s32 s5, $0x0;
	s5 =	sld [smem:$0x3F9F]  }
0x2b: {  	s6 =	sld [smem:$0x3FA0]  }
0x2c: {  	s7 =	sld [smem:$0x3FA1]  }
0x2d: {  	s3 =	simm.s32 $0x108;
	s8 =	sld [smem:$0x3FA2]  }
0x2e: {  	s3 =	simm.s32 @!p0 $0x1082;
	s9 =	sld [smem:$0x3FA3]  }
0x2f: {  	lr =	sadd.s32 s0, s3;
	s0 =	sld [smem:$0x3F9A]  }
0x30: {  	s3 =	sld [smem:$0x3F9D]  }
0x31: {  	[smem:$0x3FA6] =	sst s10  }
0x32: {  	s10 =	sld [smem:$0x3FA4];
	_ =	sdelay $0x3  }
0x33: {  	p0 =	seq.s32 s10, $0x1;
	s10 =	sld [smem:$0x3FA6];
	_ =	sdelay $0x3  }
0x34: {  	[smem:$0x3FA6] =	sst s10  }
0x35: {  	s10 =	sld [smem:$0x3FA5];
	_ =	sdelay $0x3  }
0x36: {  	p1 =	seq.s32 s10, $0x1;
	s10 =	sld [smem:$0x3FA6];
	_ =	sdelay $0x3  }
0x37: {  	[smem:$0x3FA6] =	sst s10  }
0x38: {  	s10 =	sld [smem:$0x3FA7]  }
0x39: {  	_ = 	snop;
	(pc) =	sbr.ind lr, $3  }
0x3a: {  	_ = 	snop  }
0x3b: {  	_ = 	snop  }
0x3c: {  	p2 =	seq.s32 s10, $0x1;
	s10 =	sld [smem:$0x3FA6]  }
0x3d: {  	_ =	shalt  }
0x3e: {  	_ =	shalt  }
0x3f: {  	_ =	shalt  }
0x40: {  	_ =	shalt  }
0x41: {  	_ =	shalt  }
0x42: {  	_ =	shalt  }
0x43: {  	_ =	shalt  }
0x44: {  	_ =	shalt  }
0x45: {  	_ =	shalt  }
0x46: {  	_ =	shalt  }
0x47: {  	_ =	shalt  }
0x48: {  	_ =	shalt  }
0x49: {  	_ =	shalt  }
0x4a: {  	_ =	shalt  }
0x4b: {  	_ =	shalt  }
0x4c: {  	_ =	shalt  }
0x4d: {  	_ =	shalt  }
0x4e: {  	_ =	shalt  }
0x4f: {  	_ =	shalt  }
0x50: {  	_ =	shalt  }
0x51: {  	_ =	shalt  }
0x52: {  	_ =	shalt  }
0x53: {  	_ =	shalt  }
0x54: {  	_ =	shalt  }
0x55: {  	_ =	shalt  }
0x56: {  	_ =	shalt  }
0x57: {  	_ =	shalt  }
0x58: {  	_ =	shalt  }
0x59: {  	_ =	shalt  }
0x5a: {  	_ =	shalt  }
0x5b: {  	_ =	shalt  }
0x5c: {  	_ =	shalt  }
0x5d: {  	_ =	shalt  }
0x5e: {  	_ =	shalt  }
0x5f: {  	_ =	shalt  }
0x60: {  	_ =	shalt  }
0x61: {  	_ =	shalt  }
0x62: {  	_ =	shalt  }
0x63: {  	_ =	shalt  }
0x64: {  	_ =	shalt  }
0x65: {  	_ =	shalt  }
0x66: {  	_ =	shalt  }
0x67: {  	_ =	shalt  }
0x68: {  	_ =	shalt  }
0x69: {  	_ =	shalt  }
0x6a: {  	_ =	shalt  }
0x6b: {  	_ =	shalt  }
0x6c: {  	_ =	shalt  }
0x6d: {  	_ =	shalt  }
0x6e: {  	_ =	shalt  }
0x6f: {  	_ =	shalt  }
0x70: {  	_ =	shalt  }
0x71: {  	_ =	shalt  }
0x72: {  	_ =	shalt  }
0x73: {  	_ =	shalt  }
0x74: {  	_ =	shalt  }
0x75: {  	_ =	shalt  }
0x76: {  	_ =	shalt  }
0x77: {  	_ =	shalt  }
0x78: {  	_ =	shalt  }
0x79: {  	_ =	shalt  }
0x7a: {  	_ =	shalt  }
0x7b: {  	_ =	shalt  }
0x7c: {  	_ =	shalt  }
0x7d: {  	_ =	shalt  }
0x7e: {  	_ =	shalt  }
0x7f: {  	_ =	shalt  }
0x80: {  	_ =	shalt  }
0x81: {  	_ =	shalt  }
0x82: {  	_ =	shalt  }
0x83: {  	_ =	shalt  }
0x84: {  	_ =	shalt  }
0x85: {  	_ =	shalt  }
0x86: {  	_ =	shalt  }
0x87: {  	_ =	shalt  }
.Lfunc_end0:
.L_simem_size_0:
called_computation.7_lowered:
.L_overlay_start_0:
0x88: {  	s2 =	sld [smem:$0x3FD9]  }
0x89: {  	s3 =	sld [smem:$0x3FFE];
	_ =	sdelay $0x1  }
0x8a: {  	s1 =	srdreg.scid  }
0x8b: {  	s0 =	sand.u32 $0x1, s1  }
0x8c: {  	s17 =	sshll.u32 s0, $0xA;
	s2 =	sadd.s32 s3, s2  }
0x8d: {  	s2 =	sadd.s32 s2, s17  }
0x8e: {  	[smem:$0x3FB2] =	sst s2  }
0x8f: {  	_ = 	snop  }
0x90: {  	s18 =	sld [smem:$0x3FD0];
	(tm) =	ssettm $0x1  }
0x91: {  	s19 =	sld [smem:$0x3FFB];
	_ =	sdelay $0x3  }
0x92: {  	_ =	strace s19  }
0x93: {  	s2 =	sld [smem:$0x3FFC];
	_ =	sdelay $0x3  }
0x94: {  	_ =	strace s2  }
0x95: {  	s2 =	sld [smem:$0x3FFD];
	_ =	sdelay $0x3  }
0x96: {  	_ =	strace s2  }
0x97: {  	_ =	strace $0x8FFFFFFF  }
0x98: {  	s20 =	sld [smem:$0x3FDB];
	_ =	sdelay $0x1  }
0x99: {  	s4 =	simm.s32 $_scs_section_size  }
0x9a: {  	s5 =	simm.s32 $_size__tile_overlayer_lowered;
	s6 =	simm.s32 $_tile_overlayer_lowered  }
0x9b: {  	s7 =	simm.s32 $0x1BFF;
	s21 =	sshll.u32 s6, $0x1;
	s4 =	sadd.s32 s4, s20  }
0x9c: {  	s22 =	simm.s32 $0x0;
	s5 =	sshll.u32 s5, $0x1;
	s6 =	sadd.s32 s21, s4  }
0x9d: {  	[timem:s22], [sflag:s7] =	dma.local [hbm:s6], s5  }
0x9e: {  	_ =	swait.ge [sflag:s7], s5  }
0x9f: {  	s5 =	ssub.s32 $0x0, s5;
	[sflag:s7] =	ssyncset.done $0x0  }
0xa0: {  	[sflag:s7] =	ssyncadd.s32 s5;
	_ =	sdelay $0x1  }
0xa1: {  	s23 =	simm.s32 $0x1B8B  }
0xa2: {  	_ =	swait.ge [sflag:s23], $0x1  }
0xa3: {  	[sflag:s23] =	ssyncset.done $0x0  }
0xa4: {  	[sflag:s23] =	ssyncadd.s32 $0xFFFFFFFF  }
0xa5: {  	s5 =	sld [smem:$0x0]  }
0xa6: {  	s6 =	sand.u32 $0xFFFFFFFE, s1  }
0xa7: {  	p0 =	sne.s32 s1, s6  }
0xa8: {  	s6 =	sshll.u32 @p0 s6, $0xE  }
0xa9: {  	s6 =	sadd.s32 @p0 $0x11B8D, s6;
	s7 =	sshll.u32 @p0 s5, $0x11  }
0xaa: {  	s6 =	sor.u32 @p0 s7, s6  }
0xab: {  	[sflag:s6] =	ssyncadd.remote.s32 @p0 $0x1;
	_ =	sdelay $0x1  }
0xac: {  	s6 =	simm.s32 @p0 $0x1B8D  }
0xad: {  	_ =	swait.eq @p0 [sflag:s6], $0x1  }
0xae: {  	[sflag:s6] =	ssyncadd.s32 @p0 $0xFFFFFFFF  }
0xaf: {  	s7 =	sshll.u32 @!p0 s1, $0xE  }
0xb0: {  	s7 =	sor.u32 @!p0 $0x4000, s7;
	s6 =	simm.s32 @!p0 $0x1B8D  }
0xb1: {  	s5 =	sshll.u32 @!p0 s5, $0x11;
	s7 =	sadd.s32 @!p0 $0x11B8D, s7;
	_ =	swait.eq @!p0 [sflag:s6], $0x1  }
0xb2: {  	s5 =	sor.u32 @!p0 s5, s7;
	[sflag:s6] =	ssyncadd.s32 @!p0 $0xFFFFFFFF  }
0xb3: {  	s25 =	simm.s32 $0x1B8E;
	s24 =	sld [smem:$0x3FFE];
	[sflag:s5] =	ssyncadd.remote.s32 @!p0 $0x1  }
0xb4: {  	s26 =	simm.s32 $execute0_lowered;
	[smem:$0x3FD2] =	sst s25  }
0xb5: {  	s6 =	sshll.u32 s26, $0x1;
	_ =	strace $0x8000005B;
	[dreg:$0x1] =	wrdreg $0xFFFFFFFF  }
0xb6: {  	s28 =	simm.s32 $_size_execute0_lowered;
	s4 =	sadd.s32 s4, s6;
	[dreg:$0x0] =	wrdreg $0x0  }
0xb7: {  	s6 =	sshll.u32 s28, $0x1;
	[dreg:$0x2] =	wrdreg s4  }
0xb8: {  	[dreg:$0x3] =	wrdreg s6  }
0xb9: {  	[dreg:$0x4] =	wrdreg $0xC0  }
0xba: {  	_ =	task [dreg:s22], $0x5FFFF  }
0xbb: {  	[dreg:$0x1] =	wrdreg $0xFFFFFFFF  }
0xbc: {  	[dreg:$0x0] =	wrdreg $0x60  }
0xbd: {  	[dreg:$0x2] =	wrdreg s24  }
0xbe: {  	[dreg:$0x3] =	wrdreg s18  }
0xbf: {  	[dreg:$0x4] =	wrdreg $0xA  }
0xc0: {  	_ =	task.clear_ibuf [dreg:s22], $0x5FFFF;
	_ =	strace $0x9000005B  }
0xc1: {  	s29 =	simm.s32 $0xA;
	_ =	strace $0x8000005D  }
0xc2: {  	_ =	swait.ge [sflag:s29], $0x1  }
0xc3: {  	[sflag:s29] =	ssyncadd.s32 $0xFFFFFFFF  }
0xc4: {  	_ =	strace $0x9000005D  }
0xc5: {  	_ =	sfence  }
0xc6: {  	s30 =	sld [smem:$0x0];
	_ =	sdelay $0x2  }
0xc7: {  	s31 =	sshll.u32 s1, $0xD;
	s1 =	sshrl.u32 s1, $0x2  }
0xc8: {  	s4 =	sand.u32 $0x4000, s31;
	s1 =	sadd.s32 s1, s30  }
0xc9: {  	s0 =	sor.u32 s4, s0;
	s1 =	sshll.u32 s1, $0x11  }
0xca: {  	s0 =	sor.u32 s1, s0  }
0xcb: {  	s0 =	sadd.s32 $0x8F2B, s0  }
0xcc: {  	[sflag:s0] =	ssyncadd.remote.s32 $0x1  }
0xcd: {  	_ =	sfence.sel $0xFFFF  }
0xce: {  	[dreg:$0x0] =	wrdreg $0xFFFFFFFF;
	(pc) =	sbr.abs _section_cstart, $3  }
0xcf: {  	[dreg:$0x1] =	wrdreg $0xFFFFFFFF  }
0xd0: {  	_ =	task.clear_ibuf [dreg:s22], $0x2FFFF;
	_ =	strace $0x9FFFFFFF  }
0xd1: {  	(tm) =	ssettm $0x7FFFFFFF  }
tec
execute0_lowered:
.L_overlay_start_1:
0x0: {  	(tag) =	ssettag $0x1  }
0x1: {  	s1 =	srdreg.scid;
	s0 =	stileid.u32  }
0x2: {  	s9 =	rddreg [dreg:$0x0];
	s17 =	sand.u32 $0x1, s1;
	s28 =	sshll.u32 s0, $0x1  }
0x3: {  	s16 =	rddreg [dreg:$0x1];
	s12 =	sor.u32 s17, s28  }
0x4: {  	s2 =	simm.s32 $0x0;
	s1 =	rddreg [dreg:$0x2];
	s3 =	smul.u32 $0xC8, s12  }
0x5: {  	[smem:$0x7FF] =	sst s2  }
0x6: {  	_ =	strace $0x8000005C;
	s4 =	sadd.s32 s16, s3;
	s3 =	simm.s32 $0x2  }
0x7: {  	[tilespmem:s2], [sflag:$0x2] =	stream.linear.gather [hbm4b:s4+s2], $0x140, $0x38;
	[tilespmem:$0xA180] =	vst v63  }
0x8: {  	s6 =	simm.s32 $0x140;
	_ =	swait.ge [sflag:s3], $0x140  }
0x9: {  	s7 =	simm.s32 $0x180;
	s8 =	simm.s32 $0x1;
	[sflag:s3] =	ssyncset.done $0x0  }
0xa: {  	s5 =	sadd.s32 $0x2F800, s9;
	s10 =	smul.u32 $0x50, s12;
	[sflag:s3] =	ssyncadd.s32 $0xFFFFFEC0  }
0xb: {  	[tilespmem:s7], [sflag:$0x1] =	stream.indirect.gather [hbm4b:s5+s6], $0x80, s2, s6, $0xb8;
	[tilespmem:$0xA180] =	vst v63  }
0xc: {  	s11 =	smul.u32 $0x6400, s12;
	_ =	swait.ge [sflag:s8], $0xA000  }
0xd: {  	s13 =	sadd.s32 $0x10D200, s9;
	s14 =	sadd.s32 $0x10, s10;
	[sflag:s8] =	ssyncset.done $0x0  }
0xe: {  	s9 =	sadd.s32 s13, s11;
	s10 =	smul.u32 $0x14, s14;
	[sflag:s8] =	ssyncadd.s32 $0xFFFF6000  }
0xf: {  	[hbm4b:s9+s2] =	stream.linear.scatter [tilespmem:s7], [sflag:$0x2], $0xA000, $0x38;
	[tilespmem:$0xA180] =	vst v63  }
0x10: {  	_ =	swait.ge [sflag:s3], $0xA000  }
0x11: {  	s10 =	sshrl.u32 s10, $0x3;
	[sflag:s3] =	ssyncset.done $0x0  }
0x12: {  	s10 =	sadd.s32 s16, s10;
	[sflag:s3] =	ssyncadd.s32 $0xFFFF6000  }
0x13: {  	[tilespmem:s2], [sflag:$0x2] =	stream.linear.gather [hbm4b:s10+s2], $0x140, $0x38;
	[tilespmem:$0xA180] =	vst v63  }
0x14: {  	_ =	swait.ge [sflag:s3], $0x140  }
0x15: {  	[sflag:s3] =	ssyncset.done $0x0  }
0x16: {  	[sflag:s3] =	ssyncadd.s32 $0xFFFFFEC0  }
0x17: {  	[tilespmem:s7], [sflag:$0x1] =	stream.indirect.gather [hbm4b:s5+s6], $0x80, s2, s6, $0xb8;
	[tilespmem:$0xA180] =	vst v63  }
0x18: {  	s29 =	smul.u32 $0x140, s14;
	_ =	swait.ge [sflag:s8], $0xA000  }
0x19: {  	[sflag:s8] =	ssyncset.done $0x0  }
0x1a: {  	s18 =	smul.u32 $0x640, s12;
	s11 =	sadd.s32 s13, s29;
	[sflag:s8] =	ssyncadd.s32 $0xFFFF6000  }
0x1b: {  	[hbm4b:s11+s2] =	stream.linear.scatter [tilespmem:s7], [sflag:$0x2], $0xA000, $0x38;
	[tilespmem:$0xA180] =	vst v63  }
0x1c: {  	s12 =	sadd.s32 $0x280, s18;
	_ =	swait.ge [sflag:s3], $0xA000  }
0x1d: {  	s12 =	sshrl.u32 s12, $0x3;
	[sflag:s3] =	ssyncset.done $0x0  }
0x1e: {  	s12 =	sadd.s32 s16, s12;
	[sflag:s3] =	ssyncadd.s32 $0xFFFF6000  }
0x1f: {  	[tilespmem:s2], [sflag:$0x2] =	stream.linear.gather [hbm4b:s12+s2], $0x140, $0x38;
	[tilespmem:$0xA180] =	vst v63  }
0x20: {  	_ =	swait.ge [sflag:s3], $0x140  }
0x21: {  	[sflag:s3] =	ssyncset.done $0x0  }
0x22: {  	[sflag:s3] =	ssyncadd.s32 $0xFFFFFEC0  }
0x23: {  	[tilespmem:s7], [sflag:$0x1] =	stream.indirect.gather [hbm4b:s5+s6], $0x80, s2, s6, $0xb8;
	[tilespmem:$0xA180] =	vst v63  }
0x24: {  	_ =	swait.ge [sflag:s8], $0xA000  }
0x25: {  	[sflag:s8] =	ssyncset.done $0x0  }
0x26: {  	s13 =	sadd.s32 $0x2800, s9;
	[sflag:s8] =	ssyncadd.s32 $0xFFFF6000  }
0x27: {  	[hbm4b:s13+s2] =	stream.linear.scatter [tilespmem:s7], [sflag:$0x2], $0xA000, $0x38;
	[tilespmem:$0xA180] =	vst v63  }
0x28: {  	s30 =	sadd.s32 $0x3C0, s18;
	_ =	swait.ge [sflag:s3], $0xA000  }
0x29: {  	s14 =	sshrl.u32 s30, $0x3;
	[sflag:s3] =	ssyncset.done $0x0  }
0x2a: {  	s14 =	sadd.s32 s16, s14;
	[sflag:s3] =	ssyncadd.s32 $0xFFFF6000  }
0x2b: {  	[tilespmem:s2], [sflag:$0x2] =	stream.linear.gather [hbm4b:s14+s2], $0x140, $0x38;
	[tilespmem:$0xA180] =	vst v63  }
0x2c: {  	_ =	swait.ge [sflag:s3], $0x140  }
0x2d: {  	[sflag:s3] =	ssyncset.done $0x0  }
0x2e: {  	[sflag:s3] =	ssyncadd.s32 $0xFFFFFEC0  }
0x2f: {  	[tilespmem:s7], [sflag:$0x1] =	stream.indirect.gather [hbm4b:s5+s6], $0x80, s2, s6, $0xb8;
	[tilespmem:$0xA180] =	vst v63  }
0x30: {  	_ =	swait.ge [sflag:s8], $0xA000  }
0x31: {  	[sflag:s8] =	ssyncset.done $0x0  }
0x32: {  	s15 =	sadd.s32 $0x3C00, s9;
	[sflag:s8] =	ssyncadd.s32 $0xFFFF6000  }
0x33: {  	[hbm4b:s15+s2] =	stream.linear.scatter [tilespmem:s7], [sflag:$0x2], $0xA000, $0x38;
	[tilespmem:$0xA180] =	vst v63  }
0x34: {  	s18 =	sadd.s32 $0x500, s18;
	_ =	swait.ge [sflag:s3], $0xA000  }
0x35: {  	s18 =	sshrl.u32 s18, $0x3;
	[sflag:s3] =	ssyncset.done $0x0  }
0x36: {  	s17 =	ssub.s32 $0x2, s17;
	s16 =	sadd.s32 s16, s18;
	[sflag:s3] =	ssyncadd.s32 $0xFFFF6000  }
0x37: {  	[tilespmem:s2], [sflag:$0x2] =	stream.linear.gather [hbm4b:s16+s2], $0x140, $0x38;
	[tilespmem:$0xA180] =	vst v63  }
0x38: {  	s31 =	sshrl.u32 s17, $0x1;
	_ =	swait.ge [sflag:s3], $0x140  }
0x39: {  	s17 =	ssub.s32 s17, s31;
	[sflag:s3] =	ssyncset.done $0x0  }
0x3a: {  	s18 =	smax.u32 s17, $0x1;
	[sflag:s3] =	ssyncadd.s32 $0xFFFFFEC0  }
0x3b: {  	[tilespmem:s7], [sflag:$0x1] =	stream.indirect.gather [hbm4b:s5+s6], $0x80, s2, s6, $0xb8;
	[tilespmem:$0xA180] =	vst v63  }
0x3c: {  	p0 =	sne.s32 s18, $0x1;
	_ =	swait.ge [sflag:s8], $0xA000  }
.Ltmp0:
0x3d: {  	[sflag:s8] =	ssyncset.done $0x0;
	(pc) =	sbr.rel @!p0 .LBB2_2-.Ltmp0, $4  }
0x3e: {  	s17 =	sadd.s32 $0x5000, s9;
	[sflag:s8] =	ssyncadd.s32 $0xFFFF6000  }
0x3f: {  	[hbm4b:s17+s2] =	stream.linear.scatter [tilespmem:s7], [sflag:$0x2], $0xA000, $0x38;
	[tilespmem:$0xA180] =	vst v63  }
0x40: {  	_ =	swait.ge [sflag:s3], $0xA000  }
0x41: {  	s18 =	sadd.s32 $0xFFFFFFFF, s18;
	[sflag:s3] =	ssyncset.done $0x0  }
.LBB2_1:
0x42: {  	p0 =	sne.s32 s18, $0x1;
	s18 =	sadd.s32 $0xFFFFFFFF, s18;
	[sflag:s3] =	ssyncadd.s32 $0xFFFF6000  }
0x43: {  	[tilespmem:s2], [sflag:$0x2] =	stream.linear.gather [hbm4b:s4+s2], $0x140, $0x38;
	[tilespmem:$0xA180] =	vst v63  }
0x44: {  	_ =	swait.ge [sflag:s3], $0x140  }
0x45: {  	[sflag:s3] =	ssyncset.done $0x0  }
0x46: {  	[sflag:s3] =	ssyncadd.s32 $0xFFFFFEC0  }
0x47: {  	[tilespmem:s7], [sflag:$0x1] =	stream.indirect.gather [hbm4b:s5+s6], $0x80, s2, s6, $0xb8;
	[tilespmem:$0xA180] =	vst v63  }
0x48: {  	_ =	swait.ge [sflag:s8], $0xA000  }
0x49: {  	[sflag:s8] =	ssyncset.done $0x0  }
0x4a: {  	[sflag:s8] =	ssyncadd.s32 $0xFFFF6000  }
0x4b: {  	[hbm4b:s9+s2] =	stream.linear.scatter [tilespmem:s7], [sflag:$0x2], $0xA000, $0x38;
	[tilespmem:$0xA180] =	vst v63  }
0x4c: {  	_ =	swait.ge [sflag:s3], $0xA000  }
0x4d: {  	[sflag:s3] =	ssyncset.done $0x0  }
0x4e: {  	[sflag:s3] =	ssyncadd.s32 $0xFFFF6000  }
0x4f: {  	[tilespmem:s2], [sflag:$0x2] =	stream.linear.gather [hbm4b:s10+s2], $0x140, $0x38;
	[tilespmem:$0xA180] =	vst v63  }
0x50: {  	_ =	swait.ge [sflag:s3], $0x140  }
0x51: {  	[sflag:s3] =	ssyncset.done $0x0  }
0x52: {  	[sflag:s3] =	ssyncadd.s32 $0xFFFFFEC0  }
0x53: {  	[tilespmem:s7], [sflag:$0x1] =	stream.indirect.gather [hbm4b:s5+s6], $0x80, s2, s6, $0xb8;
	[tilespmem:$0xA180] =	vst v63  }
0x54: {  	_ =	swait.ge [sflag:s8], $0xA000  }
0x55: {  	[sflag:s8] =	ssyncset.done $0x0  }
0x56: {  	[sflag:s8] =	ssyncadd.s32 $0xFFFF6000  }
0x57: {  	[hbm4b:s11+s2] =	stream.linear.scatter [tilespmem:s7], [sflag:$0x2], $0xA000, $0x38;
	[tilespmem:$0xA180] =	vst v63  }
0x58: {  	_ =	swait.ge [sflag:s3], $0xA000  }
0x59: {  	[sflag:s3] =	ssyncset.done $0x0  }
0x5a: {  	[sflag:s3] =	ssyncadd.s32 $0xFFFF6000  }
0x5b: {  	[tilespmem:s2], [sflag:$0x2] =	stream.linear.gather [hbm4b:s12+s2], $0x140, $0x38;
	[tilespmem:$0xA180] =	vst v63  }
0x5c: {  	_ =	swait.ge [sflag:s3], $0x140  }
0x5d: {  	[sflag:s3] =	ssyncset.done $0x0  }
0x5e: {  	[sflag:s3] =	ssyncadd.s32 $0xFFFFFEC0  }
0x5f: {  	[tilespmem:s7], [sflag:$0x1] =	stream.indirect.gather [hbm4b:s5+s6], $0x80, s2, s6, $0xb8;
	[tilespmem:$0xA180] =	vst v63  }
0x60: {  	_ =	swait.ge [sflag:s8], $0xA000  }
0x61: {  	[sflag:s8] =	ssyncset.done $0x0  }
0x62: {  	[sflag:s8] =	ssyncadd.s32 $0xFFFF6000  }
0x63: {  	[hbm4b:s13+s2] =	stream.linear.scatter [tilespmem:s7], [sflag:$0x2], $0xA000, $0x38;
	[tilespmem:$0xA180] =	vst v63  }
0x64: {  	_ =	swait.ge [sflag:s3], $0xA000  }
0x65: {  	[sflag:s3] =	ssyncset.done $0x0  }
0x66: {  	[sflag:s3] =	ssyncadd.s32 $0xFFFF6000  }
0x67: {  	[tilespmem:s2], [sflag:$0x2] =	stream.linear.gather [hbm4b:s14+s2], $0x140, $0x38;
	[tilespmem:$0xA180] =	vst v63  }
0x68: {  	_ =	swait.ge [sflag:s3], $0x140  }
0x69: {  	[sflag:s3] =	ssyncset.done $0x0  }
0x6a: {  	[sflag:s3] =	ssyncadd.s32 $0xFFFFFEC0  }
0x6b: {  	[tilespmem:s7], [sflag:$0x1] =	stream.indirect.gather [hbm4b:s5+s6], $0x80, s2, s6, $0xb8;
	[tilespmem:$0xA180] =	vst v63  }
0x6c: {  	_ =	swait.ge [sflag:s8], $0xA000  }
0x6d: {  	[sflag:s8] =	ssyncset.done $0x0  }
0x6e: {  	[sflag:s8] =	ssyncadd.s32 $0xFFFF6000  }
0x6f: {  	[hbm4b:s15+s2] =	stream.linear.scatter [tilespmem:s7], [sflag:$0x2], $0xA000, $0x38;
	[tilespmem:$0xA180] =	vst v63  }
0x70: {  	_ =	swait.ge [sflag:s3], $0xA000  }
0x71: {  	[sflag:s3] =	ssyncset.done $0x0  }
0x72: {  	[sflag:s3] =	ssyncadd.s32 $0xFFFF6000  }
0x73: {  	[tilespmem:s2], [sflag:$0x2] =	stream.linear.gather [hbm4b:s16+s2], $0x140, $0x38;
	[tilespmem:$0xA180] =	vst v63  }
0x74: {  	_ =	swait.ge [sflag:s3], $0x140  }
0x75: {  	[sflag:s3] =	ssyncset.done $0x0  }
0x76: {  	[sflag:s3] =	ssyncadd.s32 $0xFFFFFEC0  }
0x77: {  	[tilespmem:s7], [sflag:$0x1] =	stream.indirect.gather [hbm4b:s5+s6], $0x80, s2, s6, $0xb8;
	[tilespmem:$0xA180] =	vst v63  }
0x78: {  	_ =	swait.ge [sflag:s8], $0xA000  }
.Ltmp1:
0x79: {  	[sflag:s8] =	ssyncset.done $0x0;
	(pc) =	sbr.rel @p0 .LBB2_1-.Ltmp1, $4  }
0x7a: {  	[sflag:s8] =	ssyncadd.s32 $0xFFFF6000  }
0x7b: {  	[hbm4b:s17+s2] =	stream.linear.scatter [tilespmem:s7], [sflag:$0x2], $0xA000, $0x38;
	[tilespmem:$0xA180] =	vst v63  }
0x7c: {  	_ =	swait.ge [sflag:s3], $0xA000  }
0x7d: {  	[sflag:s3] =	ssyncset.done $0x0  }
.LBB2_2:
0x7e: {  	[sflag:s3] =	ssyncadd.s32 $0xFFFF6000  }
0x7f: {  	_ =	sfence.sel $0x180000  }
0x80: {  	[bflag:$0x0] =	sbarrier.arrive $0xFFFF  }
0x81: {  	p0 =	sne.s32 s0, $0x0;
	_ =	strace $0x9000005C  }
0x82: {  	s0 =	sadd.s32 @!p0 $0x100000, s1;
	[bflag:$0x2] =	sbarrier.arrive $0xFFFF  }
0x83: {  	[sflag:s0] =	ssyncadd.tile.s32 @!p0 $0x1;
	_ =	shalt  }
.Lfunc_end2:
_tile_overlayer_lowered:
.L_overlay_start_2:
0x84: {  	(tag) =	ssettag $0x2  }
0x85: {  	s0 =	rddreg [dreg:$0x0];
	s2 =	stileid.u32  }
0x86: {  	s1 =	rddreg [dreg:$0x1];
	p0 =	sne.s32 s2, $0x0  }
0x87: {  	s3 =	rddreg [dreg:$0x2];
	[bflag:$0x3] =	sbarrier.arrive $0xFFFF;
	s2 =	simm.s32 @!p0 $0x1C02  }
0x88: {  	[timem:s3], [sflag:s2] =	dma.local @!p0 [hbm:s0], s1  }
0x89: {  	s0 =	simm.s32 @!p0 $0x2  }
0x8a: {  	_ =	swait.ge @!p0 [sflag:s0], s1  }
0x8b: {  	s1 =	ssub.s32 @!p0 $0x0, s1;
	[sflag:s0] =	ssyncset.done @!p0 $0x0  }
0x8c: {  	[sflag:s0] =	ssyncadd.s32 @!p0 s1  }
0x8d: {  	[bflag:$0x3] =	sbarrier.arrive $0xFFFF  }
0x8e: {  	_ =	shalt  }

</sc_bundles>
